<compile_context>
chip_gen: v7x
topology: tpu7x:2x2x1
jax: 0.10.2.dev20260603
libtpu: 0.0.44.dev20260713+nightly
codegen_flags: <defaults>
</compile_context>

<pallas_src>
import functools

import jax
import jax.numpy as jnp
from jax import lax
from jax.experimental import pallas as pl
from jax.experimental.pallas import tpu as pltpu
from jax.experimental.pallas import tpu_sc as plsc

NC = 2
NS = 16
C = 128
K = 4

F32 = jnp.float32


def _ceil_to(x, m):
    return ((x + m - 1) // m) * m


@functools.lru_cache(maxsize=None)
def _sc_segsum(nblk, acc_n, e_pad, with_count, cb, depth):
    nblk_tot = nblk + (1 if with_count else 0)
    npass = -(-nblk_tot // NC)
    e_tile = e_pad // NS
    nch = e_tile // cb
    rows_t = acc_n // NS

    mesh = plsc.VectorSubcoreMesh(
        core_axis_name="c", subcore_axis_name="s",
        num_cores=NC, num_subcores=NS)

    scratch = [
        [pltpu.VMEM((cb,), jnp.int32) for _ in range(depth)],
        [pltpu.VMEM((cb,), jnp.int32) for _ in range(depth)],
        [pltpu.VMEM((cb, 128), F32) for _ in range(depth)],
        pltpu.VMEM_SHARED((acc_n, 128), F32),
        [pltpu.SemaphoreType.DMA for _ in range(depth)],
        pltpu.SemaphoreType.DMA,
    ]

    def body(table, srcb, dstp, zacc, ones_h, acc_out,
             sidx, didx, msgs, acc_sh, sems, semi):
        c = lax.axis_index("c")
        s = lax.axis_index("s")
        r0 = s * rows_t

        for p in range(npass):
            blk = p * NC + c
            ok = blk < nblk_tot

            @pl.when(ok)
            def _zero():
                pltpu.sync_copy(zacc.at[pl.ds(r0, rows_t)],
                                acc_sh.at[pl.ds(r0, rows_t)])

            plsc.subcore_barrier()

            @pl.when(blk < nblk)
            def _feature_panel():
                db = s * e_tile
                sb = blk * e_pad + db

                def idx_fetch(b, off):
                    pltpu.async_copy(srcb.at[pl.ds(sb + off, cb)],
                                     sidx[b], semi)
                    pltpu.async_copy(dstp.at[pl.ds(db + off, cb)],
                                     didx[b], semi)

                def idx_drain(b):
                    pltpu.make_async_copy(srcb.at[pl.ds(sb, cb)],
                                          sidx[b], semi).wait()
                    pltpu.make_async_copy(dstp.at[pl.ds(db, cb)],
                                          didx[b], semi).wait()

                def msg_drain(b):
                    pltpu.make_async_copy(table.at[pl.ds(0, cb)],
                                          msgs[b], sems[b]).wait()

                for b in range(depth - 1):
                    pltpu.sync_copy(srcb.at[pl.ds(sb + b * cb, cb)], sidx[b])
                    pltpu.sync_copy(dstp.at[pl.ds(db + b * cb, cb)], didx[b])
                    pltpu.async_copy(table.at[sidx[b]], msgs[b], sems[b])
                idx_fetch(depth - 1, (depth - 1) * cb)

                @pl.loop(0, nch // depth)
                def _ring(i):
                    for u in range(depth):
                        bg = (u + depth - 1) % depth
                        idx_drain(bg)
                        pltpu.async_copy(table.at[sidx[bg]], msgs[bg],
                                         sems[bg])
                        msg_drain(u)
                        pltpu.sync_copy(msgs[u], acc_sh.at[didx[u]],
                                        add=True)
                        idx_fetch(u, (i * depth + u + depth) * cb)

                idx_drain(depth - 1)
                for b in range(depth - 1):
                    msg_drain(b)

            if with_count:
                @pl.when(blk == nblk)
                def _count_panel():
                    db = s * e_tile
                    pltpu.sync_copy(ones_h, msgs[0])
                    pltpu.sync_copy(dstp.at[pl.ds(db, cb)], didx[0])

                    @pl.loop(0, nch // 2)
                    def _cpair(i):
                        pltpu.async_copy(
                            dstp.at[pl.ds(db + (2 * i + 1) * cb, cb)],
                            didx[1], semi)
                        pltpu.sync_copy(msgs[0], acc_sh.at[didx[0]], add=True)
                        pltpu.make_async_copy(dstp.at[pl.ds(db, cb)],
                                              didx[1], semi).wait()
                        pltpu.async_copy(
                            dstp.at[pl.ds(db + (2 * i + 2) * cb, cb)],
                            didx[0], semi)
                        pltpu.sync_copy(msgs[0], acc_sh.at[didx[1]], add=True)
                        pltpu.make_async_copy(dstp.at[pl.ds(db, cb)],
                                              didx[0], semi).wait()

            plsc.subcore_barrier()

            @pl.when(ok)
            def _writeback():
                pltpu.sync_copy(acc_sh.at[pl.ds(r0, rows_t)],
                                acc_out.at[blk, pl.ds(r0, rows_t)])

    return pl.kernel(
        body,
        out_type=jax.ShapeDtypeStruct((nblk_tot, acc_n, 128), F32),
        mesh=mesh, scratch_types=scratch)


def _block_table(x, nblk):
    n = x.shape[0]
    return x.reshape(n, nblk, 128).transpose(1, 0, 2).reshape(nblk * n, 128)


def _segmean_parts(x_src, ei, n_dst, with_count, cnt=None):
    n_src, d = x_src.shape
    nblk = d // 128
    e = ei.shape[1]
    acc_n = _ceil_to(n_dst + 1, NS * 8)

    cb = 128
    depth = 2
    e_pad = _ceil_to(e, NS * cb * depth)

    src = ei[0].astype(jnp.int32)
    dst = ei[1].astype(jnp.int32)
    pad = e_pad - e
    src_p = jnp.concatenate([src, jnp.zeros((pad,), jnp.int32)])
    dst_p = jnp.concatenate([dst, jnp.full((pad + depth * cb,), n_dst,
                                           jnp.int32)])
    offs = (jnp.arange(nblk, dtype=jnp.int32) * n_src)[:, None]
    srcb = jnp.concatenate([(src_p[None, :] + offs).reshape(-1),
                            jnp.zeros((depth * cb,), jnp.int32)])

    tbl = _block_table(x_src, nblk)
    zacc = jnp.zeros((acc_n, 128), F32)
    ones = jnp.ones((cb, 128), F32)

    k = _sc_segsum(nblk, acc_n, e_pad, with_count, cb, depth)
    acc = k(tbl, srcb, dst_p, zacc, ones)
    if with_count:
        return acc[:nblk, :n_dst, :], acc[nblk, :n_dst, :]
    return acc[:, :n_dst, :], cnt


def _sage_block_kernel(acc_ref, cnt_ref, x_ref, wl_ref, wr_ref, bl_ref, o_ref,
                       *, nblk):
    rcp = 1.0 / jnp.maximum(cnt_ref[...][:, 0:1], 1.0)
    y = jnp.dot(x_ref[...], wr_ref[...], preferred_element_type=F32)
    for b in range(nblk):
        y += jnp.dot(acc_ref[b] * rcp, wl_ref[b], preferred_element_type=F32)
    y += bl_ref[...]
    o_ref[...] = jnp.maximum(y, 0.0)


def _sage_relu(acc, cnt, x_dst, wlT, wrT, bl, rows_blk):
    nblk = acc.shape[0]
    n, d_dst = x_dst.shape
    h = wrT.shape[1]
    return pl.pallas_call(
        functools.partial(_sage_block_kernel, nblk=nblk),
        grid=(n // rows_blk,),
        in_specs=[
            pl.BlockSpec((nblk, rows_blk, 128), lambda i: (0, i, 0)),
            pl.BlockSpec((rows_blk, 128), lambda i: (i, 0)),
            pl.BlockSpec((rows_blk, d_dst), lambda i: (i, 0)),
            pl.BlockSpec((nblk, 128, h), lambda i: (0, 0, 0)),
            pl.BlockSpec((d_dst, h), lambda i: (0, 0)),
            pl.BlockSpec((1, h), lambda i: (0, 0)),
        ],
        out_specs=pl.BlockSpec((rows_blk, h), lambda i: (i, 0)),
        out_shape=jax.ShapeDtypeStruct((n, h), F32),
    )(acc, cnt, x_dst, wlT, wrT, bl)


def _dom_kernel(acc_ud_ref, cnt_ud_ref, acc_td_ref, cnt_td_ref, x_ref,
                wl_ud_ref, wl_td_ref, wr_ref, b_ref, o_ref):
    rcp_ud = 1.0 / jnp.maximum(cnt_ud_ref[...][:, 0:1], 1.0)
    rcp_td = 1.0 / jnp.maximum(cnt_td_ref[...][:, 0:1], 1.0)
    y = jnp.dot(x_ref[...], wr_ref[...], preferred_element_type=F32)
    for b in range(4):
        y += jnp.dot(acc_ud_ref[b] * rcp_ud, wl_ud_ref[b],
                     preferred_element_type=F32)
    y += jnp.dot(acc_td_ref[0] * rcp_td, wl_td_ref[0],
                 preferred_element_type=F32)
    y += b_ref[...]
    o_ref[...] = jnp.maximum(y * 0.5, 0.0)


def _head_kernel(acc_ref, cnt_ref, hu_ref, wl_ref, wr_ref, bl_ref,
                 l1_ref, b1_ref, l2_ref, b2_ref, o_ref):
    rcp = 1.0 / jnp.maximum(cnt_ref[...][:, 0:1], 1.0)
    z = jnp.dot(hu_ref[...], wr_ref[...], preferred_element_type=F32)
    for b in range(4):
        z += jnp.dot(acc_ref[b] * rcp, wl_ref[b], preferred_element_type=F32)
    z = jnp.maximum(z + bl_ref[...], 0.0)
    x = jnp.maximum(jnp.dot(z, l1_ref[...], preferred_element_type=F32)
                    + b1_ref[...], 0.0)
    logits = jnp.dot(x, l2_ref[...], preferred_element_type=F32) + b2_ref[...]
    m = jnp.max(logits, axis=1, keepdims=True)
    e = jnp.exp(logits - m)
    o_ref[...] = e / jnp.sum(e, axis=1, keepdims=True)


def kernel(x_url, x_domain, x_tld, ei_ud, ei_du, ei_dt, ei_td, params):
    p = params
    n_url, d_url = x_url.shape
    n_dom, d_dom = x_domain.shape
    h = p["lin1_W"].shape[1]

    acc_du, cnt_du = _segmean_parts(x_domain, ei_du, n_url, True)
    acc_ud, cnt_ud = _segmean_parts(x_url, ei_ud, n_dom, True)
    acc_td, cnt_td = _segmean_parts(x_tld, ei_td, n_dom, True)

    h_url = _sage_relu(
        acc_du, cnt_du, x_url,
        p["c1_du_Wl"].T.reshape(d_dom // 128, 128, h),
        p["c1_du_Wr"].T, p["c1_du_bl"].reshape(1, h), 1000)

    wr_sum = p["c1_ud_Wr"].T + p["c1_td_Wr"].T
    b_sum = (p["c1_ud_bl"] + p["c1_td_bl"]).reshape(1, h)
    h_dom = pl.pallas_call(
        _dom_kernel,
        out_shape=jax.ShapeDtypeStruct((n_dom, h), F32),
    )(acc_ud, cnt_ud, acc_td, cnt_td, x_domain,
      p["c1_ud_Wl"].T.reshape(4, 128, h),
      p["c1_td_Wl"].T.reshape(1, 128, h),
      wr_sum, b_sum)

    acc2, _ = _segmean_parts(h_dom, ei_du, n_url, False, cnt_du)

    out = pl.pallas_call(
        _head_kernel,
        grid=(n_url // 1000,),
        in_specs=[
            pl.BlockSpec((4, 1000, 128), lambda i: (0, i, 0)),
            pl.BlockSpec((1000, 128), lambda i: (i, 0)),
            pl.BlockSpec((1000, h), lambda i: (i, 0)),
            pl.BlockSpec((4, 128, h), lambda i: (0, 0, 0)),
            pl.BlockSpec((h, h), lambda i: (0, 0)),
            pl.BlockSpec((1, h), lambda i: (0, 0)),
            pl.BlockSpec((h, h), lambda i: (0, 0)),
            pl.BlockSpec((1, h), lambda i: (0, 0)),
            pl.BlockSpec((h, 16), lambda i: (0, 0)),
            pl.BlockSpec((1, 16), lambda i: (0, 0)),
        ],
        out_specs=pl.BlockSpec((1000, 16), lambda i: (i, 0)),
        out_shape=jax.ShapeDtypeStruct((n_url, 16), F32),
    )(acc2, cnt_du, h_url,
      p["c2_du_Wl"].T.reshape(4, 128, h), p["c2_du_Wr"].T,
      p["c2_du_bl"].reshape(1, h),
      p["lin1_W"].T, p["lin1_b"].reshape(1, h),
      p["lin2_W"].T, p["lin2_b"].reshape(1, 16))
    return out

# --- scband reference (transcript-rebuilt; emitter-appended) ---
"""Pipeline reference for scband-hetero-graph-sage-17952963298034 (READ-ONLY COPY).

The authoritative reference and input builder live on the scoring server;
editing this copy changes nothing except your own understanding.
"""

import jax, jax.numpy as jnp
import numpy as np

N_URL, N_DOM, N_TLD = 10000, 2000, 500
D_URL, D_DOM, D_TLD = 512, 256, 128
H, OUT = 512, 16
E_UD, E_DU, E_DT, E_TD = 150000, 150000, 32000, 32000


def _edge(k, n_src, n_dst, e):
    k1, k2 = jax.random.split(k)
    src = jax.random.randint(k1, (e,), 0, n_src, dtype=jnp.int32)
    dst = jax.random.randint(k2, (e,), 0, n_dst, dtype=jnp.int32)
    return jnp.stack([src, dst])


def _w(k, shape):
    return jax.random.normal(k, shape, dtype=jnp.float32) * 0.02


def setup_inputs(seed: int = 0):
    key = jax.random.key(seed)
    ks = jax.random.split(key, 64)
    inp = {}
    inp['x_url'] = jax.random.normal(ks[0], (N_URL, D_URL), dtype=jnp.float32)
    inp['x_domain'] = jax.random.normal(ks[1], (N_DOM, D_DOM), dtype=jnp.float32)
    inp['x_tld'] = jax.random.normal(ks[2], (N_TLD, D_TLD), dtype=jnp.float32)
    inp['ei_ud'] = _edge(ks[3], N_URL, N_DOM, E_UD)
    inp['ei_du'] = _edge(ks[4], N_DOM, N_URL, E_DU)
    inp['ei_dt'] = _edge(ks[5], N_DOM, N_TLD, E_DT)
    inp['ei_td'] = _edge(ks[6], N_TLD, N_DOM, E_TD)
    dims = {'ud': (D_URL, D_DOM), 'du': (D_DOM, D_URL), 'dt': (D_DOM, D_TLD), 'td': (D_TLD, D_DOM)}
    params = {}
    i = 7
    for et, (ds, dd) in dims.items():
        params['c1_' + et + '_Wl'] = _w(ks[i], (H, ds)); i += 1
        params['c1_' + et + '_bl'] = jnp.zeros((H,), jnp.float32)
        params['c1_' + et + '_Wr'] = _w(ks[i], (H, dd)); i += 1
        params['c2_' + et + '_Wl'] = _w(ks[i], (H, H)); i += 1
        params['c2_' + et + '_bl'] = jnp.zeros((H,), jnp.float32)
        params['c2_' + et + '_Wr'] = _w(ks[i], (H, H)); i += 1
    params['lin1_W'] = _w(ks[i], (H, H)); i += 1
    params['lin1_b'] = jnp.zeros((H,), jnp.float32)
    params['lin2_W'] = _w(ks[i], (OUT, H)); i += 1
    params['lin2_b'] = jnp.zeros((OUT,), jnp.float32)
    inp['params'] = params
    return inp


def _sage(x_src, x_dst, ei, Wl, bl, Wr):
    # PyG SAGEConv (bipartite, aggr='mean'): lin_l(mean_j x_src[j]) + lin_r(x_dst)
    msg = jnp.take(x_src, ei[0], axis=0)
    s = jax.ops.segment_sum(msg, ei[1], num_segments=x_dst.shape[0])
    cnt = jax.ops.segment_sum(jnp.ones((ei.shape[1],), jnp.float32), ei[1], num_segments=x_dst.shape[0])
    mean = s / jnp.clip(cnt, 1.0)[:, None]
    return mean @ Wl.T + bl + x_dst @ Wr.T


def _forward(x_url, x_domain, x_tld, ei_ud, ei_du, ei_dt, ei_td, p):
    # layer 1 (to_hetero, aggr='mean' across edge types sharing a dst type), then relu
    h_url = jax.nn.relu(_sage(x_domain, x_url, ei_du, p['c1_du_Wl'], p['c1_du_bl'], p['c1_du_Wr']))
    h_dom = jax.nn.relu((_sage(x_url, x_domain, ei_ud, p['c1_ud_Wl'], p['c1_ud_bl'], p['c1_ud_Wr'])
                         + _sage(x_tld, x_domain, ei_td, p['c1_td_Wl'], p['c1_td_bl'], p['c1_td_Wr'])) / 2.0)
    # dropout p=0.5 is identity in eval mode
    # layer 2: only the 'url' branch feeds the classifier head
    z_url = jax.nn.relu(_sage(h_dom, h_url, ei_du, p['c2_du_Wl'], p['c2_du_bl'], p['c2_du_Wr']))
    x = jax.nn.relu(z_url @ p['lin1_W'].T + p['lin1_b'])
    logits = x @ p['lin2_W'].T + p['lin2_b']
    return jax.nn.softmax(logits, axis=1)


def reference(x_url, x_domain, x_tld, ei_ud, ei_du, ei_dt, ei_td, params):
    return _forward(x_url, x_domain, x_tld, ei_ud, ei_du, ei_dt, ei_td, params)

if __name__ == "__main__":
    import jax
    _d = setup_inputs()
    print(jax.jit(kernel)(*tuple(_d.values())))

</pallas_src>

<mosaic_0001>
#map = affine_map<(d0, d1) -> (0, 0)>
#map1 = affine_map<(d0, d1) -> (0)>
#map2 = affine_map<(d0, d1) -> (0, 0, 0)>
module attributes {stable_mosaic.version = 14 : i64} {
  func.func @body(%arg0: i32, %arg1: i32, %arg2: memref<40000x128xf32, #tpu.memory_space<hbm>>, %arg3: memref<606464xi32, #tpu.memory_space<hbm>>, %arg4: memref<151808xi32, #tpu.memory_space<hbm>>, %arg5: memref<2048x128xf32, #tpu.memory_space<hbm>>, %arg6: memref<128x128xf32, #tpu.memory_space<hbm>>, %arg7: memref<5x2048x128xf32, #tpu.memory_space<hbm>>, %arg8: memref<128xi32, #tpu.memory_space<vmem>>, %arg9: memref<128xi32, #tpu.memory_space<vmem>>, %arg10: memref<128xi32, #tpu.memory_space<vmem>>, %arg11: memref<128xi32, #tpu.memory_space<vmem>>, %arg12: memref<128x128xf32, #tpu.memory_space<vmem>>, %arg13: memref<128x128xf32, #tpu.memory_space<vmem>>, %arg14: memref<2048x128xf32, #tpu.memory_space<vmem_shared>>, %arg15: memref<!tpu.dma_semaphore, #tpu.memory_space<semaphore_mem>>, %arg16: memref<!tpu.dma_semaphore, #tpu.memory_space<semaphore_mem>>, %arg17: memref<!tpu.dma_semaphore, #tpu.memory_space<semaphore_mem>>) attributes {dimension_semantics = [#tpu.dimension_semantics<core_parallel>, #tpu.dimension_semantics<subcore_parallel>], iteration_bounds = array<i64: 2, 16>, scalar_prefetch = 0 : i64, scratch_operands = 10 : i64, tpu.core_type = #tpu.core_type<sc_vector_subcore>, window_params = [{transform_indices = #map}, {transform_indices = #map1}, {transform_indices = #map1}, {transform_indices = #map}, {transform_indices = #map}, {transform_indices = #map2}]} {
    %mul3A = arith.constant 128 : i32
    %mul3A_0 = arith.muli %arg1, %mul3A : i32
    %add3A = arith.constant 0 : i32
    %add3A_1 = arith.addi %add3A, %arg0 : i32
    %lt3A = arith.constant 5 : i32
    %lt3A_2 = arith.cmpi slt, %add3A_1, %lt3A : i32
    %convert_element_type3A = arith.extui %lt3A_2 : i1 to i32
    %cond3A = arith.constant 0 : i32
    %cond3A_3 = arith.cmpi ne, %convert_element_type3A, %cond3A : i32
    scf.if %cond3A_3 {
      "tpu.region"() ({
        %run_scoped3A = tpu.sem_alloc : memref<!tpu.dma_semaphore, #tpu.memory_space<semaphore_mem>>
        %dma_start3A = arith.constant 0 : i32
        %dma_start3A_61 = tpu.memref_slice %arg14[%mul3A_0, %dma_start3A] : memref<2048x128xf32, #tpu.memory_space<vmem_shared>> -> memref<128x128xf32, #tpu.memory_space<vmem_shared>>
        %dma_start3A_62 = arith.constant 0 : i32
        %dma_start3A_63 = tpu.memref_slice %arg5[%mul3A_0, %dma_start3A_62] : memref<2048x128xf32, #tpu.memory_space<hbm>> -> memref<128x128xf32, #tpu.memory_space<hbm>>
        tpu.enqueue_dma source(%dma_start3A_63 : memref<128x128xf32, #tpu.memory_space<hbm>>) target(%dma_start3A_61 : memref<128x128xf32, #tpu.memory_space<vmem_shared>>) target_semaphore(%run_scoped3A : memref<!tpu.dma_semaphore, #tpu.memory_space<semaphore_mem>>)
        %dma_wait3A = arith.constant 0 : i32
        %dma_wait3A_64 = tpu.memref_slice %arg14[%mul3A_0, %dma_wait3A] : memref<2048x128xf32, #tpu.memory_space<vmem_shared>> -> memref<128x128xf32, #tpu.memory_space<vmem_shared>>
        %dma_wait3A_65 = arith.constant 0 : i32
        %dma_wait3A_66 = tpu.memref_slice %arg5[%mul3A_0, %dma_wait3A_65] : memref<2048x128xf32, #tpu.memory_space<hbm>> -> memref<128x128xf32, #tpu.memory_space<hbm>>
        tpu.wait_dma2 semaphore(%run_scoped3A : memref<!tpu.dma_semaphore, #tpu.memory_space<semaphore_mem>>) src(%dma_wait3A_66 : memref<128x128xf32, #tpu.memory_space<hbm>>) dst(%dma_wait3A_64 : memref<128x128xf32, #tpu.memory_space<vmem_shared>>)
        tpu.yield
      }) : () -> ()
    } else {
    }
    %barrier3A = arith.constant 0 : index
    tpu.barrier barrier_id(%barrier3A)
    %lt3A_4 = arith.constant 4 : i32
    %lt3A_5 = arith.cmpi slt, %add3A_1, %lt3A_4 : i32
    %convert_element_type3A_6 = arith.extui %lt3A_5 : i1 to i32
    %cond3A_7 = arith.constant 0 : i32
    %cond3A_8 = arith.cmpi ne, %convert_element_type3A_6, %cond3A_7 : i32
    scf.if %cond3A_8 {
      %mul3A_61 = arith.constant 9472 : i32
      %mul3A_62 = arith.muli %arg1, %mul3A_61 : i32
      %mul3A_63 = arith.constant 151552 : i32
      %mul3A_64 = arith.muli %add3A_1, %mul3A_63 : i32
      %add3A_65 = arith.addi %mul3A_64, %mul3A_62 : i32
      %add3A_66 = arith.constant 0 : i32
      %add3A_67 = arith.addi %add3A_65, %add3A_66 : i32
      "tpu.region"() ({
        %run_scoped3A = tpu.sem_alloc : memref<!tpu.dma_semaphore, #tpu.memory_space<semaphore_mem>>
        %dma_start3A_93 = tpu.memref_slice %arg3[%add3A_67] : memref<606464xi32, #tpu.memory_space<hbm>> -> memref<128xi32, #tpu.memory_space<hbm>>
        %dma_start3A_94 = tpu.memref_slice %arg3[%add3A_67] : memref<606464xi32, #tpu.memory_space<hbm>> -> memref<128xi32, #tpu.memory_space<hbm>>
        tpu.enqueue_dma source(%dma_start3A_94 : memref<128xi32, #tpu.memory_space<hbm>>) target(%arg8 : memref<128xi32, #tpu.memory_space<vmem>>) target_semaphore(%run_scoped3A : memref<!tpu.dma_semaphore, #tpu.memory_space<semaphore_mem>>)
        %dma_wait3A_95 = tpu.memref_slice %arg3[%add3A_67] : memref<606464xi32, #tpu.memory_space<hbm>> -> memref<128xi32, #tpu.memory_space<hbm>>
        %dma_wait3A_96 = tpu.memref_slice %arg3[%add3A_67] : memref<606464xi32, #tpu.memory_space<hbm>> -> memref<128xi32, #tpu.memory_space<hbm>>
        tpu.wait_dma2 semaphore(%run_scoped3A : memref<!tpu.dma_semaphore, #tpu.memory_space<semaphore_mem>>) src(%dma_wait3A_96 : memref<128xi32, #tpu.memory_space<hbm>>) dst(%arg8 : memref<128xi32, #tpu.memory_space<vmem>>)
        tpu.yield
      }) : () -> ()
      %add3A_68 = arith.constant 0 : i32
      %add3A_69 = arith.addi %mul3A_62, %add3A_68 : i32
      "tpu.region"() ({
        %run_scoped3A = tpu.sem_alloc : memref<!tpu.dma_semaphore, #tpu.memory_space<semaphore_mem>>
        %dma_start3A_93 = tpu.memref_slice %arg4[%add3A_69] : memref<151808xi32, #tpu.memory_space<hbm>> -> memref<128xi32, #tpu.memory_space<hbm>>
        %dma_start3A_94 = tpu.memref_slice %arg4[%add3A_69] : memref<151808xi32, #tpu.memory_space<hbm>> -> memref<128xi32, #tpu.memory_space<hbm>>
        tpu.enqueue_dma source(%dma_start3A_94 : memref<128xi32, #tpu.memory_space<hbm>>) target(%arg10 : memref<128xi32, #tpu.memory_space<vmem>>) target_semaphore(%run_scoped3A : memref<!tpu.dma_semaphore, #tpu.memory_space<semaphore_mem>>)
        %dma_wait3A_95 = tpu.memref_slice %arg4[%add3A_69] : memref<151808xi32, #tpu.memory_space<hbm>> -> memref<128xi32, #tpu.memory_space<hbm>>
        %dma_wait3A_96 = tpu.memref_slice %arg4[%add3A_69] : memref<151808xi32, #tpu.memory_space<hbm>> -> memref<128xi32, #tpu.memory_space<hbm>>
        tpu.wait_dma2 semaphore(%run_scoped3A : memref<!tpu.dma_semaphore, #tpu.memory_space<semaphore_mem>>) src(%dma_wait3A_96 : memref<128xi32, #tpu.memory_space<hbm>>) dst(%arg10 : memref<128xi32, #tpu.memory_space<vmem>>)
        tpu.yield
      }) : () -> ()
      %dma_start3A = arith.constant 0 : i32
      %dma_start3A_70 = arith.constant 0 : i32
      %dma_start3A_71 = tpu.memref_slice %arg2[%dma_start3A, %dma_start3A_70] : memref<40000x128xf32, #tpu.memory_space<hbm>> -> memref<40000x128xf32, #tpu.memory_space<hbm>>
      tpu.enqueue_indirect_dma source(%dma_start3A_71 : memref<40000x128xf32, #tpu.memory_space<hbm>>) target(%arg12 : memref<128x128xf32, #tpu.memory_space<vmem>>) offsets(%arg8 : memref<128xi32, #tpu.memory_space<vmem>>) semaphore(%arg15 : memref<!tpu.dma_semaphore, #tpu.memory_space<semaphore_mem>>)
      %add3A_72 = arith.constant 128 : i32
      %add3A_73 = arith.addi %add3A_65, %add3A_72 : i32
      %dma_start3A_74 = tpu.memref_slice %arg3[%add3A_73] : memref<606464xi32, #tpu.memory_space<hbm>> -> memref<128xi32, #tpu.memory_space<hbm>>
      %dma_start3A_75 = tpu.memref_slice %arg3[%add3A_73] : memref<606464xi32, #tpu.memory_space<hbm>> -> memref<128xi32, #tpu.memory_space<hbm>>
      tpu.enqueue_dma source(%dma_start3A_75 : memref<128xi32, #tpu.memory_space<hbm>>) target(%arg9 : memref<128xi32, #tpu.memory_space<vmem>>) target_semaphore(%arg17 : memref<!tpu.dma_semaphore, #tpu.memory_space<semaphore_mem>>)
      %add3A_76 = arith.constant 128 : i32
      %add3A_77 = arith.addi %mul3A_62, %add3A_76 : i32
      %dma_start3A_78 = tpu.memref_slice %arg4[%add3A_77] : memref<151808xi32, #tpu.memory_space<hbm>> -> memref<128xi32, #tpu.memory_space<hbm>>
      %dma_start3A_79 = tpu.memref_slice %arg4[%add3A_77] : memref<151808xi32, #tpu.memory_space<hbm>> -> memref<128xi32, #tpu.memory_space<hbm>>
      tpu.enqueue_dma source(%dma_start3A_79 : memref<128xi32, #tpu.memory_space<hbm>>) target(%arg11 : memref<128xi32, #tpu.memory_space<vmem>>) target_semaphore(%arg17 : memref<!tpu.dma_semaphore, #tpu.memory_space<semaphore_mem>>)
      %scan3A = arith.constant 0 : i32
      %scan3A_80 = arith.constant 37 : i32
      %scan3A_81 = arith.addi %scan3A, %scan3A_80 : i32
      %scan3A_82 = arith.constant 1 : i32
      scf.for %scan3A_93 = %scan3A to %scan3A_81 step %scan3A_82  : i32 {
        %mul3A_94 = arith.constant 1 : i32
        %mul3A_95 = arith.muli %scan3A_93, %mul3A_94 : i32
        %add3A_96 = arith.constant 0 : i32
        %add3A_97 = arith.addi %add3A_96, %mul3A_95 : i32
        %dma_wait3A_98 = tpu.memref_slice %arg3[%add3A_65] : memref<606464xi32, #tpu.memory_space<hbm>> -> memref<128xi32, #tpu.memory_space<hbm>>
        %dma_wait3A_99 = tpu.memref_slice %arg3[%add3A_65] : memref<606464xi32, #tpu.memory_space<hbm>> -> memref<128xi32, #tpu.memory_space<hbm>>
        tpu.wait_dma2 semaphore(%arg17 : memref<!tpu.dma_semaphore, #tpu.memory_space<semaphore_mem>>) src(%dma_wait3A_99 : memref<128xi32, #tpu.memory_space<hbm>>) dst(%arg9 : memref<128xi32, #tpu.memory_space<vmem>>)
        %dma_wait3A_100 = tpu.memref_slice %arg4[%mul3A_62] : memref<151808xi32, #tpu.memory_space<hbm>> -> memref<128xi32, #tpu.memory_space<hbm>>
        %dma_wait3A_101 = tpu.memref_slice %arg4[%mul3A_62] : memref<151808xi32, #tpu.memory_space<hbm>> -> memref<128xi32, #tpu.memory_space<hbm>>
        tpu.wait_dma2 semaphore(%arg17 : memref<!tpu.dma_semaphore, #tpu.memory_space<semaphore_mem>>) src(%dma_wait3A_101 : memref<128xi32, #tpu.memory_space<hbm>>) dst(%arg11 : memref<128xi32, #tpu.memory_space<vmem>>)
        %dma_start3A_102 = arith.constant 0 : i32
        %dma_start3A_103 = arith.constant 0 : i32
        %dma_start3A_104 = tpu.memref_slice %arg2[%dma_start3A_102, %dma_start3A_103] : memref<40000x128xf32, #tpu.memory_space<hbm>> -> memref<40000x128xf32, #tpu.memory_space<hbm>>
        tpu.enqueue_indirect_dma source(%dma_start3A_104 : memref<40000x128xf32, #tpu.memory_space<hbm>>) target(%arg13 : memref<128x128xf32, #tpu.memory_space<vmem>>) offsets(%arg9 : memref<128xi32, #tpu.memory_space<vmem>>) semaphore(%arg16 : memref<!tpu.dma_semaphore, #tpu.memory_space<semaphore_mem>>)
        %dma_wait3A_105 = arith.constant 0 : i32
        %dma_wait3A_106 = arith.constant 0 : i32
        %dma_wait3A_107 = tpu.memref_slice %arg2[%dma_wait3A_105, %dma_wait3A_106] : memref<40000x128xf32, #tpu.memory_space<hbm>> -> memref<128x128xf32, #tpu.memory_space<hbm>>
        %dma_wait3A_108 = arith.constant 0 : i32
        %dma_wait3A_109 = arith.constant 0 : i32
        %dma_wait3A_110 = tpu.memref_slice %arg2[%dma_wait3A_108, %dma_wait3A_109] : memref<40000x128xf32, #tpu.memory_space<hbm>> -> memref<128x128xf32, #tpu.memory_space<hbm>>
        tpu.wait_dma2 semaphore(%arg15 : memref<!tpu.dma_semaphore, #tpu.memory_space<semaphore_mem>>) src(%dma_wait3A_110 : memref<128x128xf32, #tpu.memory_space<hbm>>) dst(%arg12 : memref<128x128xf32, #tpu.memory_space<vmem>>)
        "tpu.region"() ({
          %run_scoped3A = tpu.sem_alloc : memref<!tpu.dma_semaphore, #tpu.memory_space<semaphore_mem>>
          %dma_start3A_152 = arith.constant 0 : i32
          %dma_start3A_153 = arith.constant 0 : i32
          %dma_start3A_154 = tpu.memref_slice %arg14[%dma_start3A_152, %dma_start3A_153] : memref<2048x128xf32, #tpu.memory_space<vmem_shared>> -> memref<2048x128xf32, #tpu.memory_space<vmem_shared>>
          tpu.enqueue_indirect_dma source(%arg12 : memref<128x128xf32, #tpu.memory_space<vmem>>) target(%dma_start3A_154 : memref<2048x128xf32, #tpu.memory_space<vmem_shared>>) offsets(%arg10 : memref<128xi32, #tpu.memory_space<vmem>>) semaphore(%run_scoped3A : memref<!tpu.dma_semaphore, #tpu.memory_space<semaphore_mem>>) {add = true}
          %dma_wait3A_155 = arith.constant 0 : i32
          %dma_wait3A_156 = arith.constant 0 : i32
          %dma_wait3A_157 = tpu.memref_slice %arg14[%dma_wait3A_155, %dma_wait3A_156] : memref<2048x128xf32, #tpu.memory_space<vmem_shared>> -> memref<2048x128xf32, #tpu.memory_space<vmem_shared>>
          tpu.wait_indirect_dma semaphore(%run_scoped3A : memref<!tpu.dma_semaphore, #tpu.memory_space<semaphore_mem>>) src(%arg12 : memref<128x128xf32, #tpu.memory_space<vmem>>) dst(%dma_wait3A_157 : memref<2048x128xf32, #tpu.memory_space<vmem_shared>>)
          tpu.yield
        }) : () -> ()
        %mul3A_111 = arith.constant 2 : i32
        %mul3A_112 = arith.muli %add3A_97, %mul3A_111 : i32
        %add3A_113 = arith.constant 0 : i32
        %add3A_114 = arith.addi %mul3A_112, %add3A_113 : i32
        %add3A_115 = arith.constant 2 : i32
        %add3A_116 = arith.addi %add3A_114, %add3A_115 : i32
        %mul3A_117 = arith.constant 128 : i32
        %mul3A_118 = arith.muli %add3A_116, %mul3A_117 : i32
        %add3A_119 = arith.addi %add3A_65, %mul3A_118 : i32
        %dma_start3A_120 = tpu.memref_slice %arg3[%add3A_119] : memref<606464xi32, #tpu.memory_space<hbm>> -> memref<128xi32, #tpu.memory_space<hbm>>
        %dma_start3A_121 = tpu.memref_slice %arg3[%add3A_119] : memref<606464xi32, #tpu.memory_space<hbm>> -> memref<128xi32, #tpu.memory_space<hbm>>
        tpu.enqueue_dma source(%dma_start3A_121 : memref<128xi32, #tpu.memory_space<hbm>>) target(%arg8 : memref<128xi32, #tpu.memory_space<vmem>>) target_semaphore(%arg17 : memref<!tpu.dma_semaphore, #tpu.memory_space<semaphore_mem>>)
        %add3A_122 = arith.addi %mul3A_62, %mul3A_118 : i32
        %dma_start3A_123 = tpu.memref_slice %arg4[%add3A_122] : memref<151808xi32, #tpu.memory_space<hbm>> -> memref<128xi32, #tpu.memory_space<hbm>>
        %dma_start3A_124 = tpu.memref_slice %arg4[%add3A_122] : memref<151808xi32, #tpu.memory_space<hbm>> -> memref<128xi32, #tpu.memory_space<hbm>>
        tpu.enqueue_dma source(%dma_start3A_124 : memref<128xi32, #tpu.memory_space<hbm>>) target(%arg10 : memref<128xi32, #tpu.memory_space<vmem>>) target_semaphore(%arg17 : memref<!tpu.dma_semaphore, #tpu.memory_space<semaphore_mem>>)
        %dma_wait3A_125 = tpu.memref_slice %arg3[%add3A_65] : memref<606464xi32, #tpu.memory_space<hbm>> -> memref<128xi32, #tpu.memory_space<hbm>>
        %dma_wait3A_126 = tpu.memref_slice %arg3[%add3A_65] : memref<606464xi32, #tpu.memory_space<hbm>> -> memref<128xi32, #tpu.memory_space<hbm>>
        tpu.wait_dma2 semaphore(%arg17 : memref<!tpu.dma_semaphore, #tpu.memory_space<semaphore_mem>>) src(%dma_wait3A_126 : memref<128xi32, #tpu.memory_space<hbm>>) dst(%arg8 : memref<128xi32, #tpu.memory_space<vmem>>)
        %dma_wait3A_127 = tpu.memref_slice %arg4[%mul3A_62] : memref<151808xi32, #tpu.memory_space<hbm>> -> memref<128xi32, #tpu.memory_space<hbm>>
        %dma_wait3A_128 = tpu.memref_slice %arg4[%mul3A_62] : memref<151808xi32, #tpu.memory_space<hbm>> -> memref<128xi32, #tpu.memory_space<hbm>>
        tpu.wait_dma2 semaphore(%arg17 : memref<!tpu.dma_semaphore, #tpu.memory_space<semaphore_mem>>) src(%dma_wait3A_128 : memref<128xi32, #tpu.memory_space<hbm>>) dst(%arg10 : memref<128xi32, #tpu.memory_space<vmem>>)
        %dma_start3A_129 = arith.constant 0 : i32
        %dma_start3A_130 = arith.constant 0 : i32
        %dma_start3A_131 = tpu.memref_slice %arg2[%dma_start3A_129, %dma_start3A_130] : memref<40000x128xf32, #tpu.memory_space<hbm>> -> memref<40000x128xf32, #tpu.memory_space<hbm>>
        tpu.enqueue_indirect_dma source(%dma_start3A_131 : memref<40000x128xf32, #tpu.memory_space<hbm>>) target(%arg12 : memref<128x128xf32, #tpu.memory_space<vmem>>) offsets(%arg8 : memref<128xi32, #tpu.memory_space<vmem>>) semaphore(%arg15 : memref<!tpu.dma_semaphore, #tpu.memory_space<semaphore_mem>>)
        %dma_wait3A_132 = arith.constant 0 : i32
        %dma_wait3A_133 = arith.constant 0 : i32
        %dma_wait3A_134 = tpu.memref_slice %arg2[%dma_wait3A_132, %dma_wait3A_133] : memref<40000x128xf32, #tpu.memory_space<hbm>> -> memref<128x128xf32, #tpu.memory_space<hbm>>
        %dma_wait3A_135 = arith.constant 0 : i32
        %dma_wait3A_136 = arith.constant 0 : i32
        %dma_wait3A_137 = tpu.memref_slice %arg2[%dma_wait3A_135, %dma_wait3A_136] : memref<40000x128xf32, #tpu.memory_space<hbm>> -> memref<128x128xf32, #tpu.memory_space<hbm>>
        tpu.wait_dma2 semaphore(%arg16 : memref<!tpu.dma_semaphore, #tpu.memory_space<semaphore_mem>>) src(%dma_wait3A_137 : memref<128x128xf32, #tpu.memory_space<hbm>>) dst(%arg13 : memref<128x128xf32, #tpu.memory_space<vmem>>)
        "tpu.region"() ({
          %run_scoped3A = tpu.sem_alloc : memref<!tpu.dma_semaphore, #tpu.memory_space<semaphore_mem>>
          %dma_start3A_152 = arith.constant 0 : i32
          %dma_start3A_153 = arith.constant 0 : i32
          %dma_start3A_154 = tpu.memref_slice %arg14[%dma_start3A_152, %dma_start3A_153] : memref<2048x128xf32, #tpu.memory_space<vmem_shared>> -> memref<2048x128xf32, #tpu.memory_space<vmem_shared>>
          tpu.enqueue_indirect_dma source(%arg13 : memref<128x128xf32, #tpu.memory_space<vmem>>) target(%dma_start3A_154 : memref<2048x128xf32, #tpu.memory_space<vmem_shared>>) offsets(%arg11 : memref<128xi32, #tpu.memory_space<vmem>>) semaphore(%run_scoped3A : memref<!tpu.dma_semaphore, #tpu.memory_space<semaphore_mem>>) {add = true}
          %dma_wait3A_155 = arith.constant 0 : i32
          %dma_wait3A_156 = arith.constant 0 : i32
          %dma_wait3A_157 = tpu.memref_slice %arg14[%dma_wait3A_155, %dma_wait3A_156] : memref<2048x128xf32, #tpu.memory_space<vmem_shared>> -> memref<2048x128xf32, #tpu.memory_space<vmem_shared>>
          tpu.wait_indirect_dma semaphore(%run_scoped3A : memref<!tpu.dma_semaphore, #tpu.memory_space<semaphore_mem>>) src(%arg13 : memref<128x128xf32, #tpu.memory_space<vmem>>) dst(%dma_wait3A_157 : memref<2048x128xf32, #tpu.memory_space<vmem_shared>>)
          tpu.yield
        }) : () -> ()
        %mul3A_138 = arith.constant 2 : i32
        %mul3A_139 = arith.muli %add3A_97, %mul3A_138 : i32
        %add3A_140 = arith.constant 1 : i32
        %add3A_141 = arith.addi %mul3A_139, %add3A_140 : i32
        %add3A_142 = arith.constant 2 : i32
        %add3A_143 = arith.addi %add3A_141, %add3A_142 : i32
        %mul3A_144 = arith.constant 128 : i32
        %mul3A_145 = arith.muli %add3A_143, %mul3A_144 : i32
        %add3A_146 = arith.addi %add3A_65, %mul3A_145 : i32
        %dma_start3A_147 = tpu.memref_slice %arg3[%add3A_146] : memref<606464xi32, #tpu.memory_space<hbm>> -> memref<128xi32, #tpu.memory_space<hbm>>
        %dma_start3A_148 = tpu.memref_slice %arg3[%add3A_146] : memref<606464xi32, #tpu.memory_space<hbm>> -> memref<128xi32, #tpu.memory_space<hbm>>
        tpu.enqueue_dma source(%dma_start3A_148 : memref<128xi32, #tpu.memory_space<hbm>>) target(%arg9 : memref<128xi32, #tpu.memory_space<vmem>>) target_semaphore(%arg17 : memref<!tpu.dma_semaphore, #tpu.memory_space<semaphore_mem>>)
        %add3A_149 = arith.addi %mul3A_62, %mul3A_145 : i32
        %dma_start3A_150 = tpu.memref_slice %arg4[%add3A_149] : memref<151808xi32, #tpu.memory_space<hbm>> -> memref<128xi32, #tpu.memory_space<hbm>>
        %dma_start3A_151 = tpu.memref_slice %arg4[%add3A_149] : memref<151808xi32, #tpu.memory_space<hbm>> -> memref<128xi32, #tpu.memory_space<hbm>>
        tpu.enqueue_dma source(%dma_start3A_151 : memref<128xi32, #tpu.memory_space<hbm>>) target(%arg11 : memref<128xi32, #tpu.memory_space<vmem>>) target_semaphore(%arg17 : memref<!tpu.dma_semaphore, #tpu.memory_space<semaphore_mem>>)
      }
      %scan3A_83 = arith.constant 37 : i32
      %dma_wait3A = tpu.memref_slice %arg3[%add3A_65] : memref<606464xi32, #tpu.memory_space<hbm>> -> memref<128xi32, #tpu.memory_space<hbm>>
      %dma_wait3A_84 = tpu.memref_slice %arg3[%add3A_65] : memref<606464xi32, #tpu.memory_space<hbm>> -> memref<128xi32, #tpu.memory_space<hbm>>
      tpu.wait_dma2 semaphore(%arg17 : memref<!tpu.dma_semaphore, #tpu.memory_space<semaphore_mem>>) src(%dma_wait3A_84 : memref<128xi32, #tpu.memory_space<hbm>>) dst(%arg9 : memref<128xi32, #tpu.memory_space<vmem>>)
      %dma_wait3A_85 = tpu.memref_slice %arg4[%mul3A_62] : memref<151808xi32, #tpu.memory_space<hbm>> -> memref<128xi32, #tpu.memory_space<hbm>>
      %dma_wait3A_86 = tpu.memref_slice %arg4[%mul3A_62] : memref<151808xi32, #tpu.memory_space<hbm>> -> memref<128xi32, #tpu.memory_space<hbm>>
      tpu.wait_dma2 semaphore(%arg17 : memref<!tpu.dma_semaphore, #tpu.memory_space<semaphore_mem>>) src(%dma_wait3A_86 : memref<128xi32, #tpu.memory_space<hbm>>) dst(%arg11 : memref<128xi32, #tpu.memory_space<vmem>>)
      %dma_wait3A_87 = arith.constant 0 : i32
      %dma_wait3A_88 = arith.constant 0 : i32
      %dma_wait3A_89 = tpu.memref_slice %arg2[%dma_wait3A_87, %dma_wait3A_88] : memref<40000x128xf32, #tpu.memory_space<hbm>> -> memref<128x128xf32, #tpu.memory_space<hbm>>
      %dma_wait3A_90 = arith.constant 0 : i32
      %dma_wait3A_91 = arith.constant 0 : i32
      %dma_wait3A_92 = tpu.memref_slice %arg2[%dma_wait3A_90, %dma_wait3A_91] : memref<40000x128xf32, #tpu.memory_space<hbm>> -> memref<128x128xf32, #tpu.memory_space<hbm>>
      tpu.wait_dma2 semaphore(%arg15 : memref<!tpu.dma_semaphore, #tpu.memory_space<semaphore_mem>>) src(%dma_wait3A_92 : memref<128x128xf32, #tpu.memory_space<hbm>>) dst(%arg12 : memref<128x128xf32, #tpu.memory_space<vmem>>)
    } else {
    }
    %eq3A = arith.constant 4 : i32
    %eq3A_9 = arith.cmpi eq, %add3A_1, %eq3A : i32
    %convert_element_type3A_10 = arith.extui %eq3A_9 : i1 to i32
    %cond3A_11 = arith.constant 0 : i32
    %cond3A_12 = arith.cmpi ne, %convert_element_type3A_10, %cond3A_11 : i32
    scf.if %cond3A_12 {
      %mul3A_61 = arith.constant 9472 : i32
      %mul3A_62 = arith.muli %arg1, %mul3A_61 : i32
      "tpu.region"() ({
        %run_scoped3A = tpu.sem_alloc : memref<!tpu.dma_semaphore, #tpu.memory_space<semaphore_mem>>
        tpu.enqueue_dma source(%arg6 : memref<128x128xf32, #tpu.memory_space<hbm>>) target(%arg12 : memref<128x128xf32, #tpu.memory_space<vmem>>) target_semaphore(%run_scoped3A : memref<!tpu.dma_semaphore, #tpu.memory_space<semaphore_mem>>)
        tpu.wait_dma2 semaphore(%run_scoped3A : memref<!tpu.dma_semaphore, #tpu.memory_space<semaphore_mem>>) src(%arg6 : memref<128x128xf32, #tpu.memory_space<hbm>>) dst(%arg12 : memref<128x128xf32, #tpu.memory_space<vmem>>)
        tpu.yield
      }) : () -> ()
      "tpu.region"() ({
        %run_scoped3A = tpu.sem_alloc : memref<!tpu.dma_semaphore, #tpu.memory_space<semaphore_mem>>
        %dma_start3A = tpu.memref_slice %arg4[%mul3A_62] : memref<151808xi32, #tpu.memory_space<hbm>> -> memref<128xi32, #tpu.memory_space<hbm>>
        %dma_start3A_67 = tpu.memref_slice %arg4[%mul3A_62] : memref<151808xi32, #tpu.memory_space<hbm>> -> memref<128xi32, #tpu.memory_space<hbm>>
        tpu.enqueue_dma source(%dma_start3A_67 : memref<128xi32, #tpu.memory_space<hbm>>) target(%arg10 : memref<128xi32, #tpu.memory_space<vmem>>) target_semaphore(%run_scoped3A : memref<!tpu.dma_semaphore, #tpu.memory_space<semaphore_mem>>)
        %dma_wait3A = tpu.memref_slice %arg4[%mul3A_62] : memref<151808xi32, #tpu.memory_space<hbm>> -> memref<128xi32, #tpu.memory_space<hbm>>
        %dma_wait3A_68 = tpu.memref_slice %arg4[%mul3A_62] : memref<151808xi32, #tpu.memory_space<hbm>> -> memref<128xi32, #tpu.memory_space<hbm>>
        tpu.wait_dma2 semaphore(%run_scoped3A : memref<!tpu.dma_semaphore, #tpu.memory_space<semaphore_mem>>) src(%dma_wait3A_68 : memref<128xi32, #tpu.memory_space<hbm>>) dst(%arg10 : memref<128xi32, #tpu.memory_space<vmem>>)
        tpu.yield
      }) : () -> ()
      %scan3A = arith.constant 0 : i32
      %scan3A_63 = arith.constant 37 : i32
      %scan3A_64 = arith.addi %scan3A, %scan3A_63 : i32
      %scan3A_65 = arith.constant 1 : i32
      scf.for %scan3A_67 = %scan3A to %scan3A_64 step %scan3A_65  : i32 {
        %mul3A_68 = arith.constant 1 : i32
        %mul3A_69 = arith.muli %scan3A_67, %mul3A_68 : i32
        %add3A_70 = arith.constant 0 : i32
        %add3A_71 = arith.addi %add3A_70, %mul3A_69 : i32
        %mul3A_72 = arith.constant 2 : i32
        %mul3A_73 = arith.muli %mul3A_72, %add3A_71 : i32
        %add3A_74 = arith.constant 1 : i32
        %add3A_75 = arith.addi %mul3A_73, %add3A_74 : i32
        %mul3A_76 = arith.constant 128 : i32
        %mul3A_77 = arith.muli %add3A_75, %mul3A_76 : i32
        %add3A_78 = arith.addi %mul3A_62, %mul3A_77 : i32
        %dma_start3A = tpu.memref_slice %arg4[%add3A_78] : memref<151808xi32, #tpu.memory_space<hbm>> -> memref<128xi32, #tpu.memory_space<hbm>>
        %dma_start3A_79 = tpu.memref_slice %arg4[%add3A_78] : memref<151808xi32, #tpu.memory_space<hbm>> -> memref<128xi32, #tpu.memory_space<hbm>>
        tpu.enqueue_dma source(%dma_start3A_79 : memref<128xi32, #tpu.memory_space<hbm>>) target(%arg11 : memref<128xi32, #tpu.memory_space<vmem>>) target_semaphore(%arg17 : memref<!tpu.dma_semaphore, #tpu.memory_space<semaphore_mem>>)
        "tpu.region"() ({
          %run_scoped3A = tpu.sem_alloc : memref<!tpu.dma_semaphore, #tpu.memory_space<semaphore_mem>>
          %dma_start3A_92 = arith.constant 0 : i32
          %dma_start3A_93 = arith.constant 0 : i32
          %dma_start3A_94 = tpu.memref_slice %arg14[%dma_start3A_92, %dma_start3A_93] : memref<2048x128xf32, #tpu.memory_space<vmem_shared>> -> memref<2048x128xf32, #tpu.memory_space<vmem_shared>>
          tpu.enqueue_indirect_dma source(%arg12 : memref<128x128xf32, #tpu.memory_space<vmem>>) target(%dma_start3A_94 : memref<2048x128xf32, #tpu.memory_space<vmem_shared>>) offsets(%arg10 : memref<128xi32, #tpu.memory_space<vmem>>) semaphore(%run_scoped3A : memref<!tpu.dma_semaphore, #tpu.memory_space<semaphore_mem>>) {add = true}
          %dma_wait3A_95 = arith.constant 0 : i32
          %dma_wait3A_96 = arith.constant 0 : i32
          %dma_wait3A_97 = tpu.memref_slice %arg14[%dma_wait3A_95, %dma_wait3A_96] : memref<2048x128xf32, #tpu.memory_space<vmem_shared>> -> memref<2048x128xf32, #tpu.memory_space<vmem_shared>>
          tpu.wait_indirect_dma semaphore(%run_scoped3A : memref<!tpu.dma_semaphore, #tpu.memory_space<semaphore_mem>>) src(%arg12 : memref<128x128xf32, #tpu.memory_space<vmem>>) dst(%dma_wait3A_97 : memref<2048x128xf32, #tpu.memory_space<vmem_shared>>)
          tpu.yield
        }) : () -> ()
        %dma_wait3A = tpu.memref_slice %arg4[%mul3A_62] : memref<151808xi32, #tpu.memory_space<hbm>> -> memref<128xi32, #tpu.memory_space<hbm>>
        %dma_wait3A_80 = tpu.memref_slice %arg4[%mul3A_62] : memref<151808xi32, #tpu.memory_space<hbm>> -> memref<128xi32, #tpu.memory_space<hbm>>
        tpu.wait_dma2 semaphore(%arg17 : memref<!tpu.dma_semaphore, #tpu.memory_space<semaphore_mem>>) src(%dma_wait3A_80 : memref<128xi32, #tpu.memory_space<hbm>>) dst(%arg11 : memref<128xi32, #tpu.memory_space<vmem>>)
        %mul3A_81 = arith.constant 2 : i32
        %mul3A_82 = arith.muli %mul3A_81, %add3A_71 : i32
        %add3A_83 = arith.constant 2 : i32
        %add3A_84 = arith.addi %mul3A_82, %add3A_83 : i32
        %mul3A_85 = arith.constant 128 : i32
        %mul3A_86 = arith.muli %add3A_84, %mul3A_85 : i32
        %add3A_87 = arith.addi %mul3A_62, %mul3A_86 : i32
        %dma_start3A_88 = tpu.memref_slice %arg4[%add3A_87] : memref<151808xi32, #tpu.memory_space<hbm>> -> memref<128xi32, #tpu.memory_space<hbm>>
        %dma_start3A_89 = tpu.memref_slice %arg4[%add3A_87] : memref<151808xi32, #tpu.memory_space<hbm>> -> memref<128xi32, #tpu.memory_space<hbm>>
        tpu.enqueue_dma source(%dma_start3A_89 : memref<128xi32, #tpu.memory_space<hbm>>) target(%arg10 : memref<128xi32, #tpu.memory_space<vmem>>) target_semaphore(%arg17 : memref<!tpu.dma_semaphore, #tpu.memory_space<semaphore_mem>>)
        "tpu.region"() ({
          %run_scoped3A = tpu.sem_alloc : memref<!tpu.dma_semaphore, #tpu.memory_space<semaphore_mem>>
          %dma_start3A_92 = arith.constant 0 : i32
          %dma_start3A_93 = arith.constant 0 : i32
          %dma_start3A_94 = tpu.memref_slice %arg14[%dma_start3A_92, %dma_start3A_93] : memref<2048x128xf32, #tpu.memory_space<vmem_shared>> -> memref<2048x128xf32, #tpu.memory_space<vmem_shared>>
          tpu.enqueue_indirect_dma source(%arg12 : memref<128x128xf32, #tpu.memory_space<vmem>>) target(%dma_start3A_94 : memref<2048x128xf32, #tpu.memory_space<vmem_shared>>) offsets(%arg11 : memref<128xi32, #tpu.memory_space<vmem>>) semaphore(%run_scoped3A : memref<!tpu.dma_semaphore, #tpu.memory_space<semaphore_mem>>) {add = true}
          %dma_wait3A_95 = arith.constant 0 : i32
          %dma_wait3A_96 = arith.constant 0 : i32
          %dma_wait3A_97 = tpu.memref_slice %arg14[%dma_wait3A_95, %dma_wait3A_96] : memref<2048x128xf32, #tpu.memory_space<vmem_shared>> -> memref<2048x128xf32, #tpu.memory_space<vmem_shared>>
          tpu.wait_indirect_dma semaphore(%run_scoped3A : memref<!tpu.dma_semaphore, #tpu.memory_space<semaphore_mem>>) src(%arg12 : memref<128x128xf32, #tpu.memory_space<vmem>>) dst(%dma_wait3A_97 : memref<2048x128xf32, #tpu.memory_space<vmem_shared>>)
          tpu.yield
        }) : () -> ()
        %dma_wait3A_90 = tpu.memref_slice %arg4[%mul3A_62] : memref<151808xi32, #tpu.memory_space<hbm>> -> memref<128xi32, #tpu.memory_space<hbm>>
        %dma_wait3A_91 = tpu.memref_slice %arg4[%mul3A_62] : memref<151808xi32, #tpu.memory_space<hbm>> -> memref<128xi32, #tpu.memory_space<hbm>>
        tpu.wait_dma2 semaphore(%arg17 : memref<!tpu.dma_semaphore, #tpu.memory_space<semaphore_mem>>) src(%dma_wait3A_91 : memref<128xi32, #tpu.memory_space<hbm>>) dst(%arg10 : memref<128xi32, #tpu.memory_space<vmem>>)
      }
      %scan3A_66 = arith.constant 37 : i32
    } else {
    }
    %barrier3A_13 = arith.constant 0 : index
    tpu.barrier barrier_id(%barrier3A_13)
    %convert_element_type3A_14 = arith.extui %lt3A_2 : i1 to i32
    %cond3A_15 = arith.constant 0 : i32
    %cond3A_16 = arith.cmpi ne, %convert_element_type3A_14, %cond3A_15 : i32
    scf.if %cond3A_16 {
      "tpu.region"() ({
        %run_scoped3A = tpu.sem_alloc : memref<!tpu.dma_semaphore, #tpu.memory_space<semaphore_mem>>
        %dma_start3A = arith.constant 0 : i32
        %dma_start3A_61 = tpu.memref_slice %arg7[%add3A_1, %mul3A_0, %dma_start3A] : memref<5x2048x128xf32, #tpu.memory_space<hbm>> -> memref<1x128x128xf32, #tpu.memory_space<hbm>>
        %dma_start3A_62 = tpu.memref_squeeze %dma_start3A_61 : memref<1x128x128xf32, #tpu.memory_space<hbm>> -> memref<128x128xf32, #tpu.memory_space<hbm>>
        %dma_start3A_63 = arith.constant 0 : i32
        %dma_start3A_64 = tpu.memref_slice %arg14[%mul3A_0, %dma_start3A_63] : memref<2048x128xf32, #tpu.memory_space<vmem_shared>> -> memref<128x128xf32, #tpu.memory_space<vmem_shared>>
        tpu.enqueue_dma source(%dma_start3A_64 : memref<128x128xf32, #tpu.memory_space<vmem_shared>>) target(%dma_start3A_62 : memref<128x128xf32, #tpu.memory_space<hbm>>) target_semaphore(%run_scoped3A : memref<!tpu.dma_semaphore, #tpu.memory_space<semaphore_mem>>)
        %dma_wait3A = arith.constant 0 : i32
        %dma_wait3A_65 = tpu.memref_slice %arg7[%add3A_1, %mul3A_0, %dma_wait3A] : memref<5x2048x128xf32, #tpu.memory_space<hbm>> -> memref<1x128x128xf32, #tpu.memory_space<hbm>>
        %dma_wait3A_66 = tpu.memref_squeeze %dma_wait3A_65 : memref<1x128x128xf32, #tpu.memory_space<hbm>> -> memref<128x128xf32, #tpu.memory_space<hbm>>
        %dma_wait3A_67 = arith.constant 0 : i32
        %dma_wait3A_68 = tpu.memref_slice %arg14[%mul3A_0, %dma_wait3A_67] : memref<2048x128xf32, #tpu.memory_space<vmem_shared>> -> memref<128x128xf32, #tpu.memory_space<vmem_shared>>
        tpu.wait_dma2 semaphore(%run_scoped3A : memref<!tpu.dma_semaphore, #tpu.memory_space<semaphore_mem>>) src(%dma_wait3A_68 : memref<128x128xf32, #tpu.memory_space<vmem_shared>>) dst(%dma_wait3A_66 : memref<128x128xf32, #tpu.memory_space<hbm>>)
        tpu.yield
      }) : () -> ()
    } else {
    }
    %add3A_17 = arith.constant 2 : i32
    %add3A_18 = arith.addi %add3A_17, %arg0 : i32
    %lt3A_19 = arith.constant 5 : i32
    %lt3A_20 = arith.cmpi slt, %add3A_18, %lt3A_19 : i32
    %convert_element_type3A_21 = arith.extui %lt3A_20 : i1 to i32
    %cond3A_22 = arith.constant 0 : i32
    %cond3A_23 = arith.cmpi ne, %convert_element_type3A_21, %cond3A_22 : i32
    scf.if %cond3A_23 {
      "tpu.region"() ({
        %run_scoped3A = tpu.sem_alloc : memref<!tpu.dma_semaphore, #tpu.memory_space<semaphore_mem>>
        %dma_start3A = arith.constant 0 : i32
        %dma_start3A_61 = tpu.memref_slice %arg14[%mul3A_0, %dma_start3A] : memref<2048x128xf32, #tpu.memory_space<vmem_shared>> -> memref<128x128xf32, #tpu.memory_space<vmem_shared>>
        %dma_start3A_62 = arith.constant 0 : i32
        %dma_start3A_63 = tpu.memref_slice %arg5[%mul3A_0, %dma_start3A_62] : memref<2048x128xf32, #tpu.memory_space<hbm>> -> memref<128x128xf32, #tpu.memory_space<hbm>>
        tpu.enqueue_dma source(%dma_start3A_63 : memref<128x128xf32, #tpu.memory_space<hbm>>) target(%dma_start3A_61 : memref<128x128xf32, #tpu.memory_space<vmem_shared>>) target_semaphore(%run_scoped3A : memref<!tpu.dma_semaphore, #tpu.memory_space<semaphore_mem>>)
        %dma_wait3A = arith.constant 0 : i32
        %dma_wait3A_64 = tpu.memref_slice %arg14[%mul3A_0, %dma_wait3A] : memref<2048x128xf32, #tpu.memory_space<vmem_shared>> -> memref<128x128xf32, #tpu.memory_space<vmem_shared>>
        %dma_wait3A_65 = arith.constant 0 : i32
        %dma_wait3A_66 = tpu.memref_slice %arg5[%mul3A_0, %dma_wait3A_65] : memref<2048x128xf32, #tpu.memory_space<hbm>> -> memref<128x128xf32, #tpu.memory_space<hbm>>
        tpu.wait_dma2 semaphore(%run_scoped3A : memref<!tpu.dma_semaphore, #tpu.memory_space<semaphore_mem>>) src(%dma_wait3A_66 : memref<128x128xf32, #tpu.memory_space<hbm>>) dst(%dma_wait3A_64 : memref<128x128xf32, #tpu.memory_space<vmem_shared>>)
        tpu.yield
      }) : () -> ()
    } else {
    }
    %barrier3A_24 = arith.constant 0 : index
    tpu.barrier barrier_id(%barrier3A_24)
    %lt3A_25 = arith.constant 4 : i32
    %lt3A_26 = arith.cmpi slt, %add3A_18, %lt3A_25 : i32
    %convert_element_type3A_27 = arith.extui %lt3A_26 : i1 to i32
    %cond3A_28 = arith.constant 0 : i32
    %cond3A_29 = arith.cmpi ne, %convert_element_type3A_27, %cond3A_28 : i32
    scf.if %cond3A_29 {
      %mul3A_61 = arith.constant 9472 : i32
      %mul3A_62 = arith.muli %arg1, %mul3A_61 : i32
      %mul3A_63 = arith.constant 151552 : i32
      %mul3A_64 = arith.muli %add3A_18, %mul3A_63 : i32
      %add3A_65 = arith.addi %mul3A_64, %mul3A_62 : i32
      %add3A_66 = arith.constant 0 : i32
      %add3A_67 = arith.addi %add3A_65, %add3A_66 : i32
      "tpu.region"() ({
        %run_scoped3A = tpu.sem_alloc : memref<!tpu.dma_semaphore, #tpu.memory_space<semaphore_mem>>
        %dma_start3A_93 = tpu.memref_slice %arg3[%add3A_67] : memref<606464xi32, #tpu.memory_space<hbm>> -> memref<128xi32, #tpu.memory_space<hbm>>
        %dma_start3A_94 = tpu.memref_slice %arg3[%add3A_67] : memref<606464xi32, #tpu.memory_space<hbm>> -> memref<128xi32, #tpu.memory_space<hbm>>
        tpu.enqueue_dma source(%dma_start3A_94 : memref<128xi32, #tpu.memory_space<hbm>>) target(%arg8 : memref<128xi32, #tpu.memory_space<vmem>>) target_semaphore(%run_scoped3A : memref<!tpu.dma_semaphore, #tpu.memory_space<semaphore_mem>>)
        %dma_wait3A_95 = tpu.memref_slice %arg3[%add3A_67] : memref<606464xi32, #tpu.memory_space<hbm>> -> memref<128xi32, #tpu.memory_space<hbm>>
        %dma_wait3A_96 = tpu.memref_slice %arg3[%add3A_67] : memref<606464xi32, #tpu.memory_space<hbm>> -> memref<128xi32, #tpu.memory_space<hbm>>
        tpu.wait_dma2 semaphore(%run_scoped3A : memref<!tpu.dma_semaphore, #tpu.memory_space<semaphore_mem>>) src(%dma_wait3A_96 : memref<128xi32, #tpu.memory_space<hbm>>) dst(%arg8 : memref<128xi32, #tpu.memory_space<vmem>>)
        tpu.yield
      }) : () -> ()
      %add3A_68 = arith.constant 0 : i32
      %add3A_69 = arith.addi %mul3A_62, %add3A_68 : i32
      "tpu.region"() ({
        %run_scoped3A = tpu.sem_alloc : memref<!tpu.dma_semaphore, #tpu.memory_space<semaphore_mem>>
        %dma_start3A_93 = tpu.memref_slice %arg4[%add3A_69] : memref<151808xi32, #tpu.memory_space<hbm>> -> memref<128xi32, #tpu.memory_space<hbm>>
        %dma_start3A_94 = tpu.memref_slice %arg4[%add3A_69] : memref<151808xi32, #tpu.memory_space<hbm>> -> memref<128xi32, #tpu.memory_space<hbm>>
        tpu.enqueue_dma source(%dma_start3A_94 : memref<128xi32, #tpu.memory_space<hbm>>) target(%arg10 : memref<128xi32, #tpu.memory_space<vmem>>) target_semaphore(%run_scoped3A : memref<!tpu.dma_semaphore, #tpu.memory_space<semaphore_mem>>)
        %dma_wait3A_95 = tpu.memref_slice %arg4[%add3A_69] : memref<151808xi32, #tpu.memory_space<hbm>> -> memref<128xi32, #tpu.memory_space<hbm>>
        %dma_wait3A_96 = tpu.memref_slice %arg4[%add3A_69] : memref<151808xi32, #tpu.memory_space<hbm>> -> memref<128xi32, #tpu.memory_space<hbm>>
        tpu.wait_dma2 semaphore(%run_scoped3A : memref<!tpu.dma_semaphore, #tpu.memory_space<semaphore_mem>>) src(%dma_wait3A_96 : memref<128xi32, #tpu.memory_space<hbm>>) dst(%arg10 : memref<128xi32, #tpu.memory_space<vmem>>)
        tpu.yield
      }) : () -> ()
      %dma_start3A = arith.constant 0 : i32
      %dma_start3A_70 = arith.constant 0 : i32
      %dma_start3A_71 = tpu.memref_slice %arg2[%dma_start3A, %dma_start3A_70] : memref<40000x128xf32, #tpu.memory_space<hbm>> -> memref<40000x128xf32, #tpu.memory_space<hbm>>
      tpu.enqueue_indirect_dma source(%dma_start3A_71 : memref<40000x128xf32, #tpu.memory_space<hbm>>) target(%arg12 : memref<128x128xf32, #tpu.memory_space<vmem>>) offsets(%arg8 : memref<128xi32, #tpu.memory_space<vmem>>) semaphore(%arg15 : memref<!tpu.dma_semaphore, #tpu.memory_space<semaphore_mem>>)
      %add3A_72 = arith.constant 128 : i32
      %add3A_73 = arith.addi %add3A_65, %add3A_72 : i32
      %dma_start3A_74 = tpu.memref_slice %arg3[%add3A_73] : memref<606464xi32, #tpu.memory_space<hbm>> -> memref<128xi32, #tpu.memory_space<hbm>>
      %dma_start3A_75 = tpu.memref_slice %arg3[%add3A_73] : memref<606464xi32, #tpu.memory_space<hbm>> -> memref<128xi32, #tpu.memory_space<hbm>>
      tpu.enqueue_dma source(%dma_start3A_75 : memref<128xi32, #tpu.memory_space<hbm>>) target(%arg9 : memref<128xi32, #tpu.memory_space<vmem>>) target_semaphore(%arg17 : memref<!tpu.dma_semaphore, #tpu.memory_space<semaphore_mem>>)
      %add3A_76 = arith.constant 128 : i32
      %add3A_77 = arith.addi %mul3A_62, %add3A_76 : i32
      %dma_start3A_78 = tpu.memref_slice %arg4[%add3A_77] : memref<151808xi32, #tpu.memory_space<hbm>> -> memref<128xi32, #tpu.memory_space<hbm>>
      %dma_start3A_79 = tpu.memref_slice %arg4[%add3A_77] : memref<151808xi32, #tpu.memory_space<hbm>> -> memref<128xi32, #tpu.memory_space<hbm>>
      tpu.enqueue_dma source(%dma_start3A_79 : memref<128xi32, #tpu.memory_space<hbm>>) target(%arg11 : memref<128xi32, #tpu.memory_space<vmem>>) target_semaphore(%arg17 : memref<!tpu.dma_semaphore, #tpu.memory_space<semaphore_mem>>)
      %scan3A = arith.constant 0 : i32
      %scan3A_80 = arith.constant 37 : i32
      %scan3A_81 = arith.addi %scan3A, %scan3A_80 : i32
      %scan3A_82 = arith.constant 1 : i32
      scf.for %scan3A_93 = %scan3A to %scan3A_81 step %scan3A_82  : i32 {
        %mul3A_94 = arith.constant 1 : i32
        %mul3A_95 = arith.muli %scan3A_93, %mul3A_94 : i32
        %add3A_96 = arith.constant 0 : i32
        %add3A_97 = arith.addi %add3A_96, %mul3A_95 : i32
        %dma_wait3A_98 = tpu.memref_slice %arg3[%add3A_65] : memref<606464xi32, #tpu.memory_space<hbm>> -> memref<128xi32, #tpu.memory_space<hbm>>
        %dma_wait3A_99 = tpu.memref_slice %arg3[%add3A_65] : memref<606464xi32, #tpu.memory_space<hbm>> -> memref<128xi32, #tpu.memory_space<hbm>>
        tpu.wait_dma2 semaphore(%arg17 : memref<!tpu.dma_semaphore, #tpu.memory_space<semaphore_mem>>) src(%dma_wait3A_99 : memref<128xi32, #tpu.memory_space<hbm>>) dst(%arg9 : memref<128xi32, #tpu.memory_space<vmem>>)
        %dma_wait3A_100 = tpu.memref_slice %arg4[%mul3A_62] : memref<151808xi32, #tpu.memory_space<hbm>> -> memref<128xi32, #tpu.memory_space<hbm>>
        %dma_wait3A_101 = tpu.memref_slice %arg4[%mul3A_62] : memref<151808xi32, #tpu.memory_space<hbm>> -> memref<128xi32, #tpu.memory_space<hbm>>
        tpu.wait_dma2 semaphore(%arg17 : memref<!tpu.dma_semaphore, #tpu.memory_space<semaphore_mem>>) src(%dma_wait3A_101 : memref<128xi32, #tpu.memory_space<hbm>>) dst(%arg11 : memref<128xi32, #tpu.memory_space<vmem>>)
        %dma_start3A_102 = arith.constant 0 : i32
        %dma_start3A_103 = arith.constant 0 : i32
        %dma_start3A_104 = tpu.memref_slice %arg2[%dma_start3A_102, %dma_start3A_103] : memref<40000x128xf32, #tpu.memory_space<hbm>> -> memref<40000x128xf32, #tpu.memory_space<hbm>>
        tpu.enqueue_indirect_dma source(%dma_start3A_104 : memref<40000x128xf32, #tpu.memory_space<hbm>>) target(%arg13 : memref<128x128xf32, #tpu.memory_space<vmem>>) offsets(%arg9 : memref<128xi32, #tpu.memory_space<vmem>>) semaphore(%arg16 : memref<!tpu.dma_semaphore, #tpu.memory_space<semaphore_mem>>)
        %dma_wait3A_105 = arith.constant 0 : i32
        %dma_wait3A_106 = arith.constant 0 : i32
        %dma_wait3A_107 = tpu.memref_slice %arg2[%dma_wait3A_105, %dma_wait3A_106] : memref<40000x128xf32, #tpu.memory_space<hbm>> -> memref<128x128xf32, #tpu.memory_space<hbm>>
        %dma_wait3A_108 = arith.constant 0 : i32
        %dma_wait3A_109 = arith.constant 0 : i32
        %dma_wait3A_110 = tpu.memref_slice %arg2[%dma_wait3A_108, %dma_wait3A_109] : memref<40000x128xf32, #tpu.memory_space<hbm>> -> memref<128x128xf32, #tpu.memory_space<hbm>>
        tpu.wait_dma2 semaphore(%arg15 : memref<!tpu.dma_semaphore, #tpu.memory_space<semaphore_mem>>) src(%dma_wait3A_110 : memref<128x128xf32, #tpu.memory_space<hbm>>) dst(%arg12 : memref<128x128xf32, #tpu.memory_space<vmem>>)
        "tpu.region"() ({
          %run_scoped3A = tpu.sem_alloc : memref<!tpu.dma_semaphore, #tpu.memory_space<semaphore_mem>>
          %dma_start3A_152 = arith.constant 0 : i32
          %dma_start3A_153 = arith.constant 0 : i32
          %dma_start3A_154 = tpu.memref_slice %arg14[%dma_start3A_152, %dma_start3A_153] : memref<2048x128xf32, #tpu.memory_space<vmem_shared>> -> memref<2048x128xf32, #tpu.memory_space<vmem_shared>>
          tpu.enqueue_indirect_dma source(%arg12 : memref<128x128xf32, #tpu.memory_space<vmem>>) target(%dma_start3A_154 : memref<2048x128xf32, #tpu.memory_space<vmem_shared>>) offsets(%arg10 : memref<128xi32, #tpu.memory_space<vmem>>) semaphore(%run_scoped3A : memref<!tpu.dma_semaphore, #tpu.memory_space<semaphore_mem>>) {add = true}
          %dma_wait3A_155 = arith.constant 0 : i32
          %dma_wait3A_156 = arith.constant 0 : i32
          %dma_wait3A_157 = tpu.memref_slice %arg14[%dma_wait3A_155, %dma_wait3A_156] : memref<2048x128xf32, #tpu.memory_space<vmem_shared>> -> memref<2048x128xf32, #tpu.memory_space<vmem_shared>>
          tpu.wait_indirect_dma semaphore(%run_scoped3A : memref<!tpu.dma_semaphore, #tpu.memory_space<semaphore_mem>>) src(%arg12 : memref<128x128xf32, #tpu.memory_space<vmem>>) dst(%dma_wait3A_157 : memref<2048x128xf32, #tpu.memory_space<vmem_shared>>)
          tpu.yield
        }) : () -> ()
        %mul3A_111 = arith.constant 2 : i32
        %mul3A_112 = arith.muli %add3A_97, %mul3A_111 : i32
        %add3A_113 = arith.constant 0 : i32
        %add3A_114 = arith.addi %mul3A_112, %add3A_113 : i32
        %add3A_115 = arith.constant 2 : i32
        %add3A_116 = arith.addi %add3A_114, %add3A_115 : i32
        %mul3A_117 = arith.constant 128 : i32
        %mul3A_118 = arith.muli %add3A_116, %mul3A_117 : i32
        %add3A_119 = arith.addi %add3A_65, %mul3A_118 : i32
        %dma_start3A_120 = tpu.memref_slice %arg3[%add3A_119] : memref<606464xi32, #tpu.memory_space<hbm>> -> memref<128xi32, #tpu.memory_space<hbm>>
        %dma_start3A_121 = tpu.memref_slice %arg3[%add3A_119] : memref<606464xi32, #tpu.memory_space<hbm>> -> memref<128xi32, #tpu.memory_space<hbm>>
        tpu.enqueue_dma source(%dma_start3A_121 : memref<128xi32, #tpu.memory_space<hbm>>) target(%arg8 : memref<128xi32, #tpu.memory_space<vmem>>) target_semaphore(%arg17 : memref<!tpu.dma_semaphore, #tpu.memory_space<semaphore_mem>>)
        %add3A_122 = arith.addi %mul3A_62, %mul3A_118 : i32
        %dma_start3A_123 = tpu.memref_slice %arg4[%add3A_122] : memref<151808xi32, #tpu.memory_space<hbm>> -> memref<128xi32, #tpu.memory_space<hbm>>
        %dma_start3A_124 = tpu.memref_slice %arg4[%add3A_122] : memref<151808xi32, #tpu.memory_space<hbm>> -> memref<128xi32, #tpu.memory_space<hbm>>
        tpu.enqueue_dma source(%dma_start3A_124 : memref<128xi32, #tpu.memory_space<hbm>>) target(%arg10 : memref<128xi32, #tpu.memory_space<vmem>>) target_semaphore(%arg17 : memref<!tpu.dma_semaphore, #tpu.memory_space<semaphore_mem>>)
        %dma_wait3A_125 = tpu.memref_slice %arg3[%add3A_65] : memref<606464xi32, #tpu.memory_space<hbm>> -> memref<128xi32, #tpu.memory_space<hbm>>
        %dma_wait3A_126 = tpu.memref_slice %arg3[%add3A_65] : memref<606464xi32, #tpu.memory_space<hbm>> -> memref<128xi32, #tpu.memory_space<hbm>>
        tpu.wait_dma2 semaphore(%arg17 : memref<!tpu.dma_semaphore, #tpu.memory_space<semaphore_mem>>) src(%dma_wait3A_126 : memref<128xi32, #tpu.memory_space<hbm>>) dst(%arg8 : memref<128xi32, #tpu.memory_space<vmem>>)
        %dma_wait3A_127 = tpu.memref_slice %arg4[%mul3A_62] : memref<151808xi32, #tpu.memory_space<hbm>> -> memref<128xi32, #tpu.memory_space<hbm>>
        %dma_wait3A_128 = tpu.memref_slice %arg4[%mul3A_62] : memref<151808xi32, #tpu.memory_space<hbm>> -> memref<128xi32, #tpu.memory_space<hbm>>
        tpu.wait_dma2 semaphore(%arg17 : memref<!tpu.dma_semaphore, #tpu.memory_space<semaphore_mem>>) src(%dma_wait3A_128 : memref<128xi32, #tpu.memory_space<hbm>>) dst(%arg10 : memref<128xi32, #tpu.memory_space<vmem>>)
        %dma_start3A_129 = arith.constant 0 : i32
        %dma_start3A_130 = arith.constant 0 : i32
        %dma_start3A_131 = tpu.memref_slice %arg2[%dma_start3A_129, %dma_start3A_130] : memref<40000x128xf32, #tpu.memory_space<hbm>> -> memref<40000x128xf32, #tpu.memory_space<hbm>>
        tpu.enqueue_indirect_dma source(%dma_start3A_131 : memref<40000x128xf32, #tpu.memory_space<hbm>>) target(%arg12 : memref<128x128xf32, #tpu.memory_space<vmem>>) offsets(%arg8 : memref<128xi32, #tpu.memory_space<vmem>>) semaphore(%arg15 : memref<!tpu.dma_semaphore, #tpu.memory_space<semaphore_mem>>)
        %dma_wait3A_132 = arith.constant 0 : i32
        %dma_wait3A_133 = arith.constant 0 : i32
        %dma_wait3A_134 = tpu.memref_slice %arg2[%dma_wait3A_132, %dma_wait3A_133] : memref<40000x128xf32, #tpu.memory_space<hbm>> -> memref<128x128xf32, #tpu.memory_space<hbm>>
        %dma_wait3A_135 = arith.constant 0 : i32
        %dma_wait3A_136 = arith.constant 0 : i32
        %dma_wait3A_137 = tpu.memref_slice %arg2[%dma_wait3A_135, %dma_wait3A_136] : memref<40000x128xf32, #tpu.memory_space<hbm>> -> memref<128x128xf32, #tpu.memory_space<hbm>>
        tpu.wait_dma2 semaphore(%arg16 : memref<!tpu.dma_semaphore, #tpu.memory_space<semaphore_mem>>) src(%dma_wait3A_137 : memref<128x128xf32, #tpu.memory_space<hbm>>) dst(%arg13 : memref<128x128xf32, #tpu.memory_space<vmem>>)
        "tpu.region"() ({
          %run_scoped3A = tpu.sem_alloc : memref<!tpu.dma_semaphore, #tpu.memory_space<semaphore_mem>>
          %dma_start3A_152 = arith.constant 0 : i32
          %dma_start3A_153 = arith.constant 0 : i32
          %dma_start3A_154 = tpu.memref_slice %arg14[%dma_start3A_152, %dma_start3A_153] : memref<2048x128xf32, #tpu.memory_space<vmem_shared>> -> memref<2048x128xf32, #tpu.memory_space<vmem_shared>>
          tpu.enqueue_indirect_dma source(%arg13 : memref<128x128xf32, #tpu.memory_space<vmem>>) target(%dma_start3A_154 : memref<2048x128xf32, #tpu.memory_space<vmem_shared>>) offsets(%arg11 : memref<128xi32, #tpu.memory_space<vmem>>) semaphore(%run_scoped3A : memref<!tpu.dma_semaphore, #tpu.memory_space<semaphore_mem>>) {add = true}
          %dma_wait3A_155 = arith.constant 0 : i32
          %dma_wait3A_156 = arith.constant 0 : i32
          %dma_wait3A_157 = tpu.memref_slice %arg14[%dma_wait3A_155, %dma_wait3A_156] : memref<2048x128xf32, #tpu.memory_space<vmem_shared>> -> memref<2048x128xf32, #tpu.memory_space<vmem_shared>>
          tpu.wait_indirect_dma semaphore(%run_scoped3A : memref<!tpu.dma_semaphore, #tpu.memory_space<semaphore_mem>>) src(%arg13 : memref<128x128xf32, #tpu.memory_space<vmem>>) dst(%dma_wait3A_157 : memref<2048x128xf32, #tpu.memory_space<vmem_shared>>)
          tpu.yield
        }) : () -> ()
        %mul3A_138 = arith.constant 2 : i32
        %mul3A_139 = arith.muli %add3A_97, %mul3A_138 : i32
        %add3A_140 = arith.constant 1 : i32
        %add3A_141 = arith.addi %mul3A_139, %add3A_140 : i32
        %add3A_142 = arith.constant 2 : i32
        %add3A_143 = arith.addi %add3A_141, %add3A_142 : i32
        %mul3A_144 = arith.constant 128 : i32
        %mul3A_145 = arith.muli %add3A_143, %mul3A_144 : i32
        %add3A_146 = arith.addi %add3A_65, %mul3A_145 : i32
        %dma_start3A_147 = tpu.memref_slice %arg3[%add3A_146] : memref<606464xi32, #tpu.memory_space<hbm>> -> memref<128xi32, #tpu.memory_space<hbm>>
        %dma_start3A_148 = tpu.memref_slice %arg3[%add3A_146] : memref<606464xi32, #tpu.memory_space<hbm>> -> memref<128xi32, #tpu.memory_space<hbm>>
        tpu.enqueue_dma source(%dma_start3A_148 : memref<128xi32, #tpu.memory_space<hbm>>) target(%arg9 : memref<128xi32, #tpu.memory_space<vmem>>) target_semaphore(%arg17 : memref<!tpu.dma_semaphore, #tpu.memory_space<semaphore_mem>>)
        %add3A_149 = arith.addi %mul3A_62, %mul3A_145 : i32
        %dma_start3A_150 = tpu.memref_slice %arg4[%add3A_149] : memref<151808xi32, #tpu.memory_space<hbm>> -> memref<128xi32, #tpu.memory_space<hbm>>
        %dma_start3A_151 = tpu.memref_slice %arg4[%add3A_149] : memref<151808xi32, #tpu.memory_space<hbm>> -> memref<128xi32, #tpu.memory_space<hbm>>
        tpu.enqueue_dma source(%dma_start3A_151 : memref<128xi32, #tpu.memory_space<hbm>>) target(%arg11 : memref<128xi32, #tpu.memory_space<vmem>>) target_semaphore(%arg17 : memref<!tpu.dma_semaphore, #tpu.memory_space<semaphore_mem>>)
      }
      %scan3A_83 = arith.constant 37 : i32
      %dma_wait3A = tpu.memref_slice %arg3[%add3A_65] : memref<606464xi32, #tpu.memory_space<hbm>> -> memref<128xi32, #tpu.memory_space<hbm>>
      %dma_wait3A_84 = tpu.memref_slice %arg3[%add3A_65] : memref<606464xi32, #tpu.memory_space<hbm>> -> memref<128xi32, #tpu.memory_space<hbm>>
      tpu.wait_dma2 semaphore(%arg17 : memref<!tpu.dma_semaphore, #tpu.memory_space<semaphore_mem>>) src(%dma_wait3A_84 : memref<128xi32, #tpu.memory_space<hbm>>) dst(%arg9 : memref<128xi32, #tpu.memory_space<vmem>>)
      %dma_wait3A_85 = tpu.memref_slice %arg4[%mul3A_62] : memref<151808xi32, #tpu.memory_space<hbm>> -> memref<128xi32, #tpu.memory_space<hbm>>
      %dma_wait3A_86 = tpu.memref_slice %arg4[%mul3A_62] : memref<151808xi32, #tpu.memory_space<hbm>> -> memref<128xi32, #tpu.memory_space<hbm>>
      tpu.wait_dma2 semaphore(%arg17 : memref<!tpu.dma_semaphore, #tpu.memory_space<semaphore_mem>>) src(%dma_wait3A_86 : memref<128xi32, #tpu.memory_space<hbm>>) dst(%arg11 : memref<128xi32, #tpu.memory_space<vmem>>)
      %dma_wait3A_87 = arith.constant 0 : i32
      %dma_wait3A_88 = arith.constant 0 : i32
      %dma_wait3A_89 = tpu.memref_slice %arg2[%dma_wait3A_87, %dma_wait3A_88] : memref<40000x128xf32, #tpu.memory_space<hbm>> -> memref<128x128xf32, #tpu.memory_space<hbm>>
      %dma_wait3A_90 = arith.constant 0 : i32
      %dma_wait3A_91 = arith.constant 0 : i32
      %dma_wait3A_92 = tpu.memref_slice %arg2[%dma_wait3A_90, %dma_wait3A_91] : memref<40000x128xf32, #tpu.memory_space<hbm>> -> memref<128x128xf32, #tpu.memory_space<hbm>>
      tpu.wait_dma2 semaphore(%arg15 : memref<!tpu.dma_semaphore, #tpu.memory_space<semaphore_mem>>) src(%dma_wait3A_92 : memref<128x128xf32, #tpu.memory_space<hbm>>) dst(%arg12 : memref<128x128xf32, #tpu.memory_space<vmem>>)
    } else {
    }
    %eq3A_30 = arith.constant 4 : i32
    %eq3A_31 = arith.cmpi eq, %add3A_18, %eq3A_30 : i32
    %convert_element_type3A_32 = arith.extui %eq3A_31 : i1 to i32
    %cond3A_33 = arith.constant 0 : i32
    %cond3A_34 = arith.cmpi ne, %convert_element_type3A_32, %cond3A_33 : i32
    scf.if %cond3A_34 {
      %mul3A_61 = arith.constant 9472 : i32
      %mul3A_62 = arith.muli %arg1, %mul3A_61 : i32
      "tpu.region"() ({
        %run_scoped3A = tpu.sem_alloc : memref<!tpu.dma_semaphore, #tpu.memory_space<semaphore_mem>>
        tpu.enqueue_dma source(%arg6 : memref<128x128xf32, #tpu.memory_space<hbm>>) target(%arg12 : memref<128x128xf32, #tpu.memory_space<vmem>>) target_semaphore(%run_scoped3A : memref<!tpu.dma_semaphore, #tpu.memory_space<semaphore_mem>>)
        tpu.wait_dma2 semaphore(%run_scoped3A : memref<!tpu.dma_semaphore, #tpu.memory_space<semaphore_mem>>) src(%arg6 : memref<128x128xf32, #tpu.memory_space<hbm>>) dst(%arg12 : memref<128x128xf32, #tpu.memory_space<vmem>>)
        tpu.yield
      }) : () -> ()
      "tpu.region"() ({
        %run_scoped3A = tpu.sem_alloc : memref<!tpu.dma_semaphore, #tpu.memory_space<semaphore_mem>>
        %dma_start3A = tpu.memref_slice %arg4[%mul3A_62] : memref<151808xi32, #tpu.memory_space<hbm>> -> memref<128xi32, #tpu.memory_space<hbm>>
        %dma_start3A_67 = tpu.memref_slice %arg4[%mul3A_62] : memref<151808xi32, #tpu.memory_space<hbm>> -> memref<128xi32, #tpu.memory_space<hbm>>
        tpu.enqueue_dma source(%dma_start3A_67 : memref<128xi32, #tpu.memory_space<hbm>>) target(%arg10 : memref<128xi32, #tpu.memory_space<vmem>>) target_semaphore(%run_scoped3A : memref<!tpu.dma_semaphore, #tpu.memory_space<semaphore_mem>>)
        %dma_wait3A = tpu.memref_slice %arg4[%mul3A_62] : memref<151808xi32, #tpu.memory_space<hbm>> -> memref<128xi32, #tpu.memory_space<hbm>>
        %dma_wait3A_68 = tpu.memref_slice %arg4[%mul3A_62] : memref<151808xi32, #tpu.memory_space<hbm>> -> memref<128xi32, #tpu.memory_space<hbm>>
        tpu.wait_dma2 semaphore(%run_scoped3A : memref<!tpu.dma_semaphore, #tpu.memory_space<semaphore_mem>>) src(%dma_wait3A_68 : memref<128xi32, #tpu.memory_space<hbm>>) dst(%arg10 : memref<128xi32, #tpu.memory_space<vmem>>)
        tpu.yield
      }) : () -> ()
      %scan3A = arith.constant 0 : i32
      %scan3A_63 = arith.constant 37 : i32
      %scan3A_64 = arith.addi %scan3A, %scan3A_63 : i32
      %scan3A_65 = arith.constant 1 : i32
      scf.for %scan3A_67 = %scan3A to %scan3A_64 step %scan3A_65  : i32 {
        %mul3A_68 = arith.constant 1 : i32
        %mul3A_69 = arith.muli %scan3A_67, %mul3A_68 : i32
        %add3A_70 = arith.constant 0 : i32
        %add3A_71 = arith.addi %add3A_70, %mul3A_69 : i32
        %mul3A_72 = arith.constant 2 : i32
        %mul3A_73 = arith.muli %mul3A_72, %add3A_71 : i32
        %add3A_74 = arith.constant 1 : i32
        %add3A_75 = arith.addi %mul3A_73, %add3A_74 : i32
        %mul3A_76 = arith.constant 128 : i32
        %mul3A_77 = arith.muli %add3A_75, %mul3A_76 : i32
        %add3A_78 = arith.addi %mul3A_62, %mul3A_77 : i32
        %dma_start3A = tpu.memref_slice %arg4[%add3A_78] : memref<151808xi32, #tpu.memory_space<hbm>> -> memref<128xi32, #tpu.memory_space<hbm>>
        %dma_start3A_79 = tpu.memref_slice %arg4[%add3A_78] : memref<151808xi32, #tpu.memory_space<hbm>> -> memref<128xi32, #tpu.memory_space<hbm>>
        tpu.enqueue_dma source(%dma_start3A_79 : memref<128xi32, #tpu.memory_space<hbm>>) target(%arg11 : memref<128xi32, #tpu.memory_space<vmem>>) target_semaphore(%arg17 : memref<!tpu.dma_semaphore, #tpu.memory_space<semaphore_mem>>)
        "tpu.region"() ({
          %run_scoped3A = tpu.sem_alloc : memref<!tpu.dma_semaphore, #tpu.memory_space<semaphore_mem>>
          %dma_start3A_92 = arith.constant 0 : i32
          %dma_start3A_93 = arith.constant 0 : i32
          %dma_start3A_94 = tpu.memref_slice %arg14[%dma_start3A_92, %dma_start3A_93] : memref<2048x128xf32, #tpu.memory_space<vmem_shared>> -> memref<2048x128xf32, #tpu.memory_space<vmem_shared>>
          tpu.enqueue_indirect_dma source(%arg12 : memref<128x128xf32, #tpu.memory_space<vmem>>) target(%dma_start3A_94 : memref<2048x128xf32, #tpu.memory_space<vmem_shared>>) offsets(%arg10 : memref<128xi32, #tpu.memory_space<vmem>>) semaphore(%run_scoped3A : memref<!tpu.dma_semaphore, #tpu.memory_space<semaphore_mem>>) {add = true}
          %dma_wait3A_95 = arith.constant 0 : i32
          %dma_wait3A_96 = arith.constant 0 : i32
          %dma_wait3A_97 = tpu.memref_slice %arg14[%dma_wait3A_95, %dma_wait3A_96] : memref<2048x128xf32, #tpu.memory_space<vmem_shared>> -> memref<2048x128xf32, #tpu.memory_space<vmem_shared>>
          tpu.wait_indirect_dma semaphore(%run_scoped3A : memref<!tpu.dma_semaphore, #tpu.memory_space<semaphore_mem>>) src(%arg12 : memref<128x128xf32, #tpu.memory_space<vmem>>) dst(%dma_wait3A_97 : memref<2048x128xf32, #tpu.memory_space<vmem_shared>>)
          tpu.yield
        }) : () -> ()
        %dma_wait3A = tpu.memref_slice %arg4[%mul3A_62] : memref<151808xi32, #tpu.memory_space<hbm>> -> memref<128xi32, #tpu.memory_space<hbm>>
        %dma_wait3A_80 = tpu.memref_slice %arg4[%mul3A_62] : memref<151808xi32, #tpu.memory_space<hbm>> -> memref<128xi32, #tpu.memory_space<hbm>>
        tpu.wait_dma2 semaphore(%arg17 : memref<!tpu.dma_semaphore, #tpu.memory_space<semaphore_mem>>) src(%dma_wait3A_80 : memref<128xi32, #tpu.memory_space<hbm>>) dst(%arg11 : memref<128xi32, #tpu.memory_space<vmem>>)
        %mul3A_81 = arith.constant 2 : i32
        %mul3A_82 = arith.muli %mul3A_81, %add3A_71 : i32
        %add3A_83 = arith.constant 2 : i32
        %add3A_84 = arith.addi %mul3A_82, %add3A_83 : i32
        %mul3A_85 = arith.constant 128 : i32
        %mul3A_86 = arith.muli %add3A_84, %mul3A_85 : i32
        %add3A_87 = arith.addi %mul3A_62, %mul3A_86 : i32
        %dma_start3A_88 = tpu.memref_slice %arg4[%add3A_87] : memref<151808xi32, #tpu.memory_space<hbm>> -> memref<128xi32, #tpu.memory_space<hbm>>
        %dma_start3A_89 = tpu.memref_slice %arg4[%add3A_87] : memref<151808xi32, #tpu.memory_space<hbm>> -> memref<128xi32, #tpu.memory_space<hbm>>
        tpu.enqueue_dma source(%dma_start3A_89 : memref<128xi32, #tpu.memory_space<hbm>>) target(%arg10 : memref<128xi32, #tpu.memory_space<vmem>>) target_semaphore(%arg17 : memref<!tpu.dma_semaphore, #tpu.memory_space<semaphore_mem>>)
        "tpu.region"() ({
          %run_scoped3A = tpu.sem_alloc : memref<!tpu.dma_semaphore, #tpu.memory_space<semaphore_mem>>
          %dma_start3A_92 = arith.constant 0 : i32
          %dma_start3A_93 = arith.constant 0 : i32
          %dma_start3A_94 = tpu.memref_slice %arg14[%dma_start3A_92, %dma_start3A_93] : memref<2048x128xf32, #tpu.memory_space<vmem_shared>> -> memref<2048x128xf32, #tpu.memory_space<vmem_shared>>
          tpu.enqueue_indirect_dma source(%arg12 : memref<128x128xf32, #tpu.memory_space<vmem>>) target(%dma_start3A_94 : memref<2048x128xf32, #tpu.memory_space<vmem_shared>>) offsets(%arg11 : memref<128xi32, #tpu.memory_space<vmem>>) semaphore(%run_scoped3A : memref<!tpu.dma_semaphore, #tpu.memory_space<semaphore_mem>>) {add = true}
          %dma_wait3A_95 = arith.constant 0 : i32
          %dma_wait3A_96 = arith.constant 0 : i32
          %dma_wait3A_97 = tpu.memref_slice %arg14[%dma_wait3A_95, %dma_wait3A_96] : memref<2048x128xf32, #tpu.memory_space<vmem_shared>> -> memref<2048x128xf32, #tpu.memory_space<vmem_shared>>
          tpu.wait_indirect_dma semaphore(%run_scoped3A : memref<!tpu.dma_semaphore, #tpu.memory_space<semaphore_mem>>) src(%arg12 : memref<128x128xf32, #tpu.memory_space<vmem>>) dst(%dma_wait3A_97 : memref<2048x128xf32, #tpu.memory_space<vmem_shared>>)
          tpu.yield
        }) : () -> ()
        %dma_wait3A_90 = tpu.memref_slice %arg4[%mul3A_62] : memref<151808xi32, #tpu.memory_space<hbm>> -> memref<128xi32, #tpu.memory_space<hbm>>
        %dma_wait3A_91 = tpu.memref_slice %arg4[%mul3A_62] : memref<151808xi32, #tpu.memory_space<hbm>> -> memref<128xi32, #tpu.memory_space<hbm>>
        tpu.wait_dma2 semaphore(%arg17 : memref<!tpu.dma_semaphore, #tpu.memory_space<semaphore_mem>>) src(%dma_wait3A_91 : memref<128xi32, #tpu.memory_space<hbm>>) dst(%arg10 : memref<128xi32, #tpu.memory_space<vmem>>)
      }
      %scan3A_66 = arith.constant 37 : i32
    } else {
    }
    %barrier3A_35 = arith.constant 0 : index
    tpu.barrier barrier_id(%barrier3A_35)
    %convert_element_type3A_36 = arith.extui %lt3A_20 : i1 to i32
    %cond3A_37 = arith.constant 0 : i32
    %cond3A_38 = arith.cmpi ne, %convert_element_type3A_36, %cond3A_37 : i32
    scf.if %cond3A_38 {
      "tpu.region"() ({
        %run_scoped3A = tpu.sem_alloc : memref<!tpu.dma_semaphore, #tpu.memory_space<semaphore_mem>>
        %dma_start3A = arith.constant 0 : i32
        %dma_start3A_61 = tpu.memref_slice %arg7[%add3A_18, %mul3A_0, %dma_start3A] : memref<5x2048x128xf32, #tpu.memory_space<hbm>> -> memref<1x128x128xf32, #tpu.memory_space<hbm>>
        %dma_start3A_62 = tpu.memref_squeeze %dma_start3A_61 : memref<1x128x128xf32, #tpu.memory_space<hbm>> -> memref<128x128xf32, #tpu.memory_space<hbm>>
        %dma_start3A_63 = arith.constant 0 : i32
        %dma_start3A_64 = tpu.memref_slice %arg14[%mul3A_0, %dma_start3A_63] : memref<2048x128xf32, #tpu.memory_space<vmem_shared>> -> memref<128x128xf32, #tpu.memory_space<vmem_shared>>
        tpu.enqueue_dma source(%dma_start3A_64 : memref<128x128xf32, #tpu.memory_space<vmem_shared>>) target(%dma_start3A_62 : memref<128x128xf32, #tpu.memory_space<hbm>>) target_semaphore(%run_scoped3A : memref<!tpu.dma_semaphore, #tpu.memory_space<semaphore_mem>>)
        %dma_wait3A = arith.constant 0 : i32
        %dma_wait3A_65 = tpu.memref_slice %arg7[%add3A_18, %mul3A_0, %dma_wait3A] : memref<5x2048x128xf32, #tpu.memory_space<hbm>> -> memref<1x128x128xf32, #tpu.memory_space<hbm>>
        %dma_wait3A_66 = tpu.memref_squeeze %dma_wait3A_65 : memref<1x128x128xf32, #tpu.memory_space<hbm>> -> memref<128x128xf32, #tpu.memory_space<hbm>>
        %dma_wait3A_67 = arith.constant 0 : i32
        %dma_wait3A_68 = tpu.memref_slice %arg14[%mul3A_0, %dma_wait3A_67] : memref<2048x128xf32, #tpu.memory_space<vmem_shared>> -> memref<128x128xf32, #tpu.memory_space<vmem_shared>>
        tpu.wait_dma2 semaphore(%run_scoped3A : memref<!tpu.dma_semaphore, #tpu.memory_space<semaphore_mem>>) src(%dma_wait3A_68 : memref<128x128xf32, #tpu.memory_space<vmem_shared>>) dst(%dma_wait3A_66 : memref<128x128xf32, #tpu.memory_space<hbm>>)
        tpu.yield
      }) : () -> ()
    } else {
    }
    %add3A_39 = arith.constant 4 : i32
    %add3A_40 = arith.addi %add3A_39, %arg0 : i32
    %lt3A_41 = arith.constant 5 : i32
    %lt3A_42 = arith.cmpi slt, %add3A_40, %lt3A_41 : i32
    %convert_element_type3A_43 = arith.extui %lt3A_42 : i1 to i32
    %cond3A_44 = arith.constant 0 : i32
    %cond3A_45 = arith.cmpi ne, %convert_element_type3A_43, %cond3A_44 : i32
    scf.if %cond3A_45 {
      "tpu.region"() ({
        %run_scoped3A = tpu.sem_alloc : memref<!tpu.dma_semaphore, #tpu.memory_space<semaphore_mem>>
        %dma_start3A = arith.constant 0 : i32
        %dma_start3A_61 = tpu.memref_slice %arg14[%mul3A_0, %dma_start3A] : memref<2048x128xf32, #tpu.memory_space<vmem_shared>> -> memref<128x128xf32, #tpu.memory_space<vmem_shared>>
        %dma_start3A_62 = arith.constant 0 : i32
        %dma_start3A_63 = tpu.memref_slice %arg5[%mul3A_0, %dma_start3A_62] : memref<2048x128xf32, #tpu.memory_space<hbm>> -> memref<128x128xf32, #tpu.memory_space<hbm>>
        tpu.enqueue_dma source(%dma_start3A_63 : memref<128x128xf32, #tpu.memory_space<hbm>>) target(%dma_start3A_61 : memref<128x128xf32, #tpu.memory_space<vmem_shared>>) target_semaphore(%run_scoped3A : memref<!tpu.dma_semaphore, #tpu.memory_space<semaphore_mem>>)
        %dma_wait3A = arith.constant 0 : i32
        %dma_wait3A_64 = tpu.memref_slice %arg14[%mul3A_0, %dma_wait3A] : memref<2048x128xf32, #tpu.memory_space<vmem_shared>> -> memref<128x128xf32, #tpu.memory_space<vmem_shared>>
        %dma_wait3A_65 = arith.constant 0 : i32
        %dma_wait3A_66 = tpu.memref_slice %arg5[%mul3A_0, %dma_wait3A_65] : memref<2048x128xf32, #tpu.memory_space<hbm>> -> memref<128x128xf32, #tpu.memory_space<hbm>>
        tpu.wait_dma2 semaphore(%run_scoped3A : memref<!tpu.dma_semaphore, #tpu.memory_space<semaphore_mem>>) src(%dma_wait3A_66 : memref<128x128xf32, #tpu.memory_space<hbm>>) dst(%dma_wait3A_64 : memref<128x128xf32, #tpu.memory_space<vmem_shared>>)
        tpu.yield
      }) : () -> ()
    } else {
    }
    %barrier3A_46 = arith.constant 0 : index
    tpu.barrier barrier_id(%barrier3A_46)
    %lt3A_47 = arith.constant 4 : i32
    %lt3A_48 = arith.cmpi slt, %add3A_40, %lt3A_47 : i32
    %convert_element_type3A_49 = arith.extui %lt3A_48 : i1 to i32
    %cond3A_50 = arith.constant 0 : i32
    %cond3A_51 = arith.cmpi ne, %convert_element_type3A_49, %cond3A_50 : i32
    scf.if %cond3A_51 {
      %mul3A_61 = arith.constant 9472 : i32
      %mul3A_62 = arith.muli %arg1, %mul3A_61 : i32
      %mul3A_63 = arith.constant 151552 : i32
      %mul3A_64 = arith.muli %add3A_40, %mul3A_63 : i32
      %add3A_65 = arith.addi %mul3A_64, %mul3A_62 : i32
      %add3A_66 = arith.constant 0 : i32
      %add3A_67 = arith.addi %add3A_65, %add3A_66 : i32
      "tpu.region"() ({
        %run_scoped3A = tpu.sem_alloc : memref<!tpu.dma_semaphore, #tpu.memory_space<semaphore_mem>>
        %dma_start3A_93 = tpu.memref_slice %arg3[%add3A_67] : memref<606464xi32, #tpu.memory_space<hbm>> -> memref<128xi32, #tpu.memory_space<hbm>>
        %dma_start3A_94 = tpu.memref_slice %arg3[%add3A_67] : memref<606464xi32, #tpu.memory_space<hbm>> -> memref<128xi32, #tpu.memory_space<hbm>>
        tpu.enqueue_dma source(%dma_start3A_94 : memref<128xi32, #tpu.memory_space<hbm>>) target(%arg8 : memref<128xi32, #tpu.memory_space<vmem>>) target_semaphore(%run_scoped3A : memref<!tpu.dma_semaphore, #tpu.memory_space<semaphore_mem>>)
        %dma_wait3A_95 = tpu.memref_slice %arg3[%add3A_67] : memref<606464xi32, #tpu.memory_space<hbm>> -> memref<128xi32, #tpu.memory_space<hbm>>
        %dma_wait3A_96 = tpu.memref_slice %arg3[%add3A_67] : memref<606464xi32, #tpu.memory_space<hbm>> -> memref<128xi32, #tpu.memory_space<hbm>>
        tpu.wait_dma2 semaphore(%run_scoped3A : memref<!tpu.dma_semaphore, #tpu.memory_space<semaphore_mem>>) src(%dma_wait3A_96 : memref<128xi32, #tpu.memory_space<hbm>>) dst(%arg8 : memref<128xi32, #tpu.memory_space<vmem>>)
        tpu.yield
      }) : () -> ()
      %add3A_68 = arith.constant 0 : i32
      %add3A_69 = arith.addi %mul3A_62, %add3A_68 : i32
      "tpu.region"() ({
        %run_scoped3A = tpu.sem_alloc : memref<!tpu.dma_semaphore, #tpu.memory_space<semaphore_mem>>
        %dma_start3A_93 = tpu.memref_slice %arg4[%add3A_69] : memref<151808xi32, #tpu.memory_space<hbm>> -> memref<128xi32, #tpu.memory_space<hbm>>
        %dma_start3A_94 = tpu.memref_slice %arg4[%add3A_69] : memref<151808xi32, #tpu.memory_space<hbm>> -> memref<128xi32, #tpu.memory_space<hbm>>
        tpu.enqueue_dma source(%dma_start3A_94 : memref<128xi32, #tpu.memory_space<hbm>>) target(%arg10 : memref<128xi32, #tpu.memory_space<vmem>>) target_semaphore(%run_scoped3A : memref<!tpu.dma_semaphore, #tpu.memory_space<semaphore_mem>>)
        %dma_wait3A_95 = tpu.memref_slice %arg4[%add3A_69] : memref<151808xi32, #tpu.memory_space<hbm>> -> memref<128xi32, #tpu.memory_space<hbm>>
        %dma_wait3A_96 = tpu.memref_slice %arg4[%add3A_69] : memref<151808xi32, #tpu.memory_space<hbm>> -> memref<128xi32, #tpu.memory_space<hbm>>
        tpu.wait_dma2 semaphore(%run_scoped3A : memref<!tpu.dma_semaphore, #tpu.memory_space<semaphore_mem>>) src(%dma_wait3A_96 : memref<128xi32, #tpu.memory_space<hbm>>) dst(%arg10 : memref<128xi32, #tpu.memory_space<vmem>>)
        tpu.yield
      }) : () -> ()
      %dma_start3A = arith.constant 0 : i32
      %dma_start3A_70 = arith.constant 0 : i32
      %dma_start3A_71 = tpu.memref_slice %arg2[%dma_start3A, %dma_start3A_70] : memref<40000x128xf32, #tpu.memory_space<hbm>> -> memref<40000x128xf32, #tpu.memory_space<hbm>>
      tpu.enqueue_indirect_dma source(%dma_start3A_71 : memref<40000x128xf32, #tpu.memory_space<hbm>>) target(%arg12 : memref<128x128xf32, #tpu.memory_space<vmem>>) offsets(%arg8 : memref<128xi32, #tpu.memory_space<vmem>>) semaphore(%arg15 : memref<!tpu.dma_semaphore, #tpu.memory_space<semaphore_mem>>)
      %add3A_72 = arith.constant 128 : i32
      %add3A_73 = arith.addi %add3A_65, %add3A_72 : i32
      %dma_start3A_74 = tpu.memref_slice %arg3[%add3A_73] : memref<606464xi32, #tpu.memory_space<hbm>> -> memref<128xi32, #tpu.memory_space<hbm>>
      %dma_start3A_75 = tpu.memref_slice %arg3[%add3A_73] : memref<606464xi32, #tpu.memory_space<hbm>> -> memref<128xi32, #tpu.memory_space<hbm>>
      tpu.enqueue_dma source(%dma_start3A_75 : memref<128xi32, #tpu.memory_space<hbm>>) target(%arg9 : memref<128xi32, #tpu.memory_space<vmem>>) target_semaphore(%arg17 : memref<!tpu.dma_semaphore, #tpu.memory_space<semaphore_mem>>)
      %add3A_76 = arith.constant 128 : i32
      %add3A_77 = arith.addi %mul3A_62, %add3A_76 : i32
      %dma_start3A_78 = tpu.memref_slice %arg4[%add3A_77] : memref<151808xi32, #tpu.memory_space<hbm>> -> memref<128xi32, #tpu.memory_space<hbm>>
      %dma_start3A_79 = tpu.memref_slice %arg4[%add3A_77] : memref<151808xi32, #tpu.memory_space<hbm>> -> memref<128xi32, #tpu.memory_space<hbm>>
      tpu.enqueue_dma source(%dma_start3A_79 : memref<128xi32, #tpu.memory_space<hbm>>) target(%arg11 : memref<128xi32, #tpu.memory_space<vmem>>) target_semaphore(%arg17 : memref<!tpu.dma_semaphore, #tpu.memory_space<semaphore_mem>>)
      %scan3A = arith.constant 0 : i32
      %scan3A_80 = arith.constant 37 : i32
      %scan3A_81 = arith.addi %scan3A, %scan3A_80 : i32
      %scan3A_82 = arith.constant 1 : i32
      scf.for %scan3A_93 = %scan3A to %scan3A_81 step %scan3A_82  : i32 {
        %mul3A_94 = arith.constant 1 : i32
        %mul3A_95 = arith.muli %scan3A_93, %mul3A_94 : i32
        %add3A_96 = arith.constant 0 : i32
        %add3A_97 = arith.addi %add3A_96, %mul3A_95 : i32
        %dma_wait3A_98 = tpu.memref_slice %arg3[%add3A_65] : memref<606464xi32, #tpu.memory_space<hbm>> -> memref<128xi32, #tpu.memory_space<hbm>>
        %dma_wait3A_99 = tpu.memref_slice %arg3[%add3A_65] : memref<606464xi32, #tpu.memory_space<hbm>> -> memref<128xi32, #tpu.memory_space<hbm>>
        tpu.wait_dma2 semaphore(%arg17 : memref<!tpu.dma_semaphore, #tpu.memory_space<semaphore_mem>>) src(%dma_wait3A_99 : memref<128xi32, #tpu.memory_space<hbm>>) dst(%arg9 : memref<128xi32, #tpu.memory_space<vmem>>)
        %dma_wait3A_100 = tpu.memref_slice %arg4[%mul3A_62] : memref<151808xi32, #tpu.memory_space<hbm>> -> memref<128xi32, #tpu.memory_space<hbm>>
        %dma_wait3A_101 = tpu.memref_slice %arg4[%mul3A_62] : memref<151808xi32, #tpu.memory_space<hbm>> -> memref<128xi32, #tpu.memory_space<hbm>>
        tpu.wait_dma2 semaphore(%arg17 : memref<!tpu.dma_semaphore, #tpu.memory_space<semaphore_mem>>) src(%dma_wait3A_101 : memref<128xi32, #tpu.memory_space<hbm>>) dst(%arg11 : memref<128xi32, #tpu.memory_space<vmem>>)
        %dma_start3A_102 = arith.constant 0 : i32
        %dma_start3A_103 = arith.constant 0 : i32
        %dma_start3A_104 = tpu.memref_slice %arg2[%dma_start3A_102, %dma_start3A_103] : memref<40000x128xf32, #tpu.memory_space<hbm>> -> memref<40000x128xf32, #tpu.memory_space<hbm>>
        tpu.enqueue_indirect_dma source(%dma_start3A_104 : memref<40000x128xf32, #tpu.memory_space<hbm>>) target(%arg13 : memref<128x128xf32, #tpu.memory_space<vmem>>) offsets(%arg9 : memref<128xi32, #tpu.memory_space<vmem>>) semaphore(%arg16 : memref<!tpu.dma_semaphore, #tpu.memory_space<semaphore_mem>>)
        %dma_wait3A_105 = arith.constant 0 : i32
        %dma_wait3A_106 = arith.constant 0 : i32
        %dma_wait3A_107 = tpu.memref_slice %arg2[%dma_wait3A_105, %dma_wait3A_106] : memref<40000x128xf32, #tpu.memory_space<hbm>> -> memref<128x128xf32, #tpu.memory_space<hbm>>
        %dma_wait3A_108 = arith.constant 0 : i32
        %dma_wait3A_109 = arith.constant 0 : i32
        %dma_wait3A_110 = tpu.memref_slice %arg2[%dma_wait3A_108, %dma_wait3A_109] : memref<40000x128xf32, #tpu.memory_space<hbm>> -> memref<128x128xf32, #tpu.memory_space<hbm>>
        tpu.wait_dma2 semaphore(%arg15 : memref<!tpu.dma_semaphore, #tpu.memory_space<semaphore_mem>>) src(%dma_wait3A_110 : memref<128x128xf32, #tpu.memory_space<hbm>>) dst(%arg12 : memref<128x128xf32, #tpu.memory_space<vmem>>)
        "tpu.region"() ({
          %run_scoped3A = tpu.sem_alloc : memref<!tpu.dma_semaphore, #tpu.memory_space<semaphore_mem>>
          %dma_start3A_152 = arith.constant 0 : i32
          %dma_start3A_153 = arith.constant 0 : i32
          %dma_start3A_154 = tpu.memref_slice %arg14[%dma_start3A_152, %dma_start3A_153] : memref<2048x128xf32, #tpu.memory_space<vmem_shared>> -> memref<2048x128xf32, #tpu.memory_space<vmem_shared>>
          tpu.enqueue_indirect_dma source(%arg12 : memref<128x128xf32, #tpu.memory_space<vmem>>) target(%dma_start3A_154 : memref<2048x128xf32, #tpu.memory_space<vmem_shared>>) offsets(%arg10 : memref<128xi32, #tpu.memory_space<vmem>>) semaphore(%run_scoped3A : memref<!tpu.dma_semaphore, #tpu.memory_space<semaphore_mem>>) {add = true}
          %dma_wait3A_155 = arith.constant 0 : i32
          %dma_wait3A_156 = arith.constant 0 : i32
          %dma_wait3A_157 = tpu.memref_slice %arg14[%dma_wait3A_155, %dma_wait3A_156] : memref<2048x128xf32, #tpu.memory_space<vmem_shared>> -> memref<2048x128xf32, #tpu.memory_space<vmem_shared>>
          tpu.wait_indirect_dma semaphore(%run_scoped3A : memref<!tpu.dma_semaphore, #tpu.memory_space<semaphore_mem>>) src(%arg12 : memref<128x128xf32, #tpu.memory_space<vmem>>) dst(%dma_wait3A_157 : memref<2048x128xf32, #tpu.memory_space<vmem_shared>>)
          tpu.yield
        }) : () -> ()
        %mul3A_111 = arith.constant 2 : i32
        %mul3A_112 = arith.muli %add3A_97, %mul3A_111 : i32
        %add3A_113 = arith.constant 0 : i32
        %add3A_114 = arith.addi %mul3A_112, %add3A_113 : i32
        %add3A_115 = arith.constant 2 : i32
        %add3A_116 = arith.addi %add3A_114, %add3A_115 : i32
        %mul3A_117 = arith.constant 128 : i32
        %mul3A_118 = arith.muli %add3A_116, %mul3A_117 : i32
        %add3A_119 = arith.addi %add3A_65, %mul3A_118 : i32
        %dma_start3A_120 = tpu.memref_slice %arg3[%add3A_119] : memref<606464xi32, #tpu.memory_space<hbm>> -> memref<128xi32, #tpu.memory_space<hbm>>
        %dma_start3A_121 = tpu.memref_slice %arg3[%add3A_119] : memref<606464xi32, #tpu.memory_space<hbm>> -> memref<128xi32, #tpu.memory_space<hbm>>
        tpu.enqueue_dma source(%dma_start3A_121 : memref<128xi32, #tpu.memory_space<hbm>>) target(%arg8 : memref<128xi32, #tpu.memory_space<vmem>>) target_semaphore(%arg17 : memref<!tpu.dma_semaphore, #tpu.memory_space<semaphore_mem>>)
        %add3A_122 = arith.addi %mul3A_62, %mul3A_118 : i32
        %dma_start3A_123 = tpu.memref_slice %arg4[%add3A_122] : memref<151808xi32, #tpu.memory_space<hbm>> -> memref<128xi32, #tpu.memory_space<hbm>>
        %dma_start3A_124 = tpu.memref_slice %arg4[%add3A_122] : memref<151808xi32, #tpu.memory_space<hbm>> -> memref<128xi32, #tpu.memory_space<hbm>>
        tpu.enqueue_dma source(%dma_start3A_124 : memref<128xi32, #tpu.memory_space<hbm>>) target(%arg10 : memref<128xi32, #tpu.memory_space<vmem>>) target_semaphore(%arg17 : memref<!tpu.dma_semaphore, #tpu.memory_space<semaphore_mem>>)
        %dma_wait3A_125 = tpu.memref_slice %arg3[%add3A_65] : memref<606464xi32, #tpu.memory_space<hbm>> -> memref<128xi32, #tpu.memory_space<hbm>>
        %dma_wait3A_126 = tpu.memref_slice %arg3[%add3A_65] : memref<606464xi32, #tpu.memory_space<hbm>> -> memref<128xi32, #tpu.memory_space<hbm>>
        tpu.wait_dma2 semaphore(%arg17 : memref<!tpu.dma_semaphore, #tpu.memory_space<semaphore_mem>>) src(%dma_wait3A_126 : memref<128xi32, #tpu.memory_space<hbm>>) dst(%arg8 : memref<128xi32, #tpu.memory_space<vmem>>)
        %dma_wait3A_127 = tpu.memref_slice %arg4[%mul3A_62] : memref<151808xi32, #tpu.memory_space<hbm>> -> memref<128xi32, #tpu.memory_space<hbm>>
        %dma_wait3A_128 = tpu.memref_slice %arg4[%mul3A_62] : memref<151808xi32, #tpu.memory_space<hbm>> -> memref<128xi32, #tpu.memory_space<hbm>>
        tpu.wait_dma2 semaphore(%arg17 : memref<!tpu.dma_semaphore, #tpu.memory_space<semaphore_mem>>) src(%dma_wait3A_128 : memref<128xi32, #tpu.memory_space<hbm>>) dst(%arg10 : memref<128xi32, #tpu.memory_space<vmem>>)
        %dma_start3A_129 = arith.constant 0 : i32
        %dma_start3A_130 = arith.constant 0 : i32
        %dma_start3A_131 = tpu.memref_slice %arg2[%dma_start3A_129, %dma_start3A_130] : memref<40000x128xf32, #tpu.memory_space<hbm>> -> memref<40000x128xf32, #tpu.memory_space<hbm>>
        tpu.enqueue_indirect_dma source(%dma_start3A_131 : memref<40000x128xf32, #tpu.memory_space<hbm>>) target(%arg12 : memref<128x128xf32, #tpu.memory_space<vmem>>) offsets(%arg8 : memref<128xi32, #tpu.memory_space<vmem>>) semaphore(%arg15 : memref<!tpu.dma_semaphore, #tpu.memory_space<semaphore_mem>>)
        %dma_wait3A_132 = arith.constant 0 : i32
        %dma_wait3A_133 = arith.constant 0 : i32
        %dma_wait3A_134 = tpu.memref_slice %arg2[%dma_wait3A_132, %dma_wait3A_133] : memref<40000x128xf32, #tpu.memory_space<hbm>> -> memref<128x128xf32, #tpu.memory_space<hbm>>
        %dma_wait3A_135 = arith.constant 0 : i32
        %dma_wait3A_136 = arith.constant 0 : i32
        %dma_wait3A_137 = tpu.memref_slice %arg2[%dma_wait3A_135, %dma_wait3A_136] : memref<40000x128xf32, #tpu.memory_space<hbm>> -> memref<128x128xf32, #tpu.memory_space<hbm>>
        tpu.wait_dma2 semaphore(%arg16 : memref<!tpu.dma_semaphore, #tpu.memory_space<semaphore_mem>>) src(%dma_wait3A_137 : memref<128x128xf32, #tpu.memory_space<hbm>>) dst(%arg13 : memref<128x128xf32, #tpu.memory_space<vmem>>)
        "tpu.region"() ({
          %run_scoped3A = tpu.sem_alloc : memref<!tpu.dma_semaphore, #tpu.memory_space<semaphore_mem>>
          %dma_start3A_152 = arith.constant 0 : i32
          %dma_start3A_153 = arith.constant 0 : i32
          %dma_start3A_154 = tpu.memref_slice %arg14[%dma_start3A_152, %dma_start3A_153] : memref<2048x128xf32, #tpu.memory_space<vmem_shared>> -> memref<2048x128xf32, #tpu.memory_space<vmem_shared>>
          tpu.enqueue_indirect_dma source(%arg13 : memref<128x128xf32, #tpu.memory_space<vmem>>) target(%dma_start3A_154 : memref<2048x128xf32, #tpu.memory_space<vmem_shared>>) offsets(%arg11 : memref<128xi32, #tpu.memory_space<vmem>>) semaphore(%run_scoped3A : memref<!tpu.dma_semaphore, #tpu.memory_space<semaphore_mem>>) {add = true}
          %dma_wait3A_155 = arith.constant 0 : i32
          %dma_wait3A_156 = arith.constant 0 : i32
          %dma_wait3A_157 = tpu.memref_slice %arg14[%dma_wait3A_155, %dma_wait3A_156] : memref<2048x128xf32, #tpu.memory_space<vmem_shared>> -> memref<2048x128xf32, #tpu.memory_space<vmem_shared>>
          tpu.wait_indirect_dma semaphore(%run_scoped3A : memref<!tpu.dma_semaphore, #tpu.memory_space<semaphore_mem>>) src(%arg13 : memref<128x128xf32, #tpu.memory_space<vmem>>) dst(%dma_wait3A_157 : memref<2048x128xf32, #tpu.memory_space<vmem_shared>>)
          tpu.yield
        }) : () -> ()
        %mul3A_138 = arith.constant 2 : i32
        %mul3A_139 = arith.muli %add3A_97, %mul3A_138 : i32
        %add3A_140 = arith.constant 1 : i32
        %add3A_141 = arith.addi %mul3A_139, %add3A_140 : i32
        %add3A_142 = arith.constant 2 : i32
        %add3A_143 = arith.addi %add3A_141, %add3A_142 : i32
        %mul3A_144 = arith.constant 128 : i32
        %mul3A_145 = arith.muli %add3A_143, %mul3A_144 : i32
        %add3A_146 = arith.addi %add3A_65, %mul3A_145 : i32
        %dma_start3A_147 = tpu.memref_slice %arg3[%add3A_146] : memref<606464xi32, #tpu.memory_space<hbm>> -> memref<128xi32, #tpu.memory_space<hbm>>
        %dma_start3A_148 = tpu.memref_slice %arg3[%add3A_146] : memref<606464xi32, #tpu.memory_space<hbm>> -> memref<128xi32, #tpu.memory_space<hbm>>
        tpu.enqueue_dma source(%dma_start3A_148 : memref<128xi32, #tpu.memory_space<hbm>>) target(%arg9 : memref<128xi32, #tpu.memory_space<vmem>>) target_semaphore(%arg17 : memref<!tpu.dma_semaphore, #tpu.memory_space<semaphore_mem>>)
        %add3A_149 = arith.addi %mul3A_62, %mul3A_145 : i32
        %dma_start3A_150 = tpu.memref_slice %arg4[%add3A_149] : memref<151808xi32, #tpu.memory_space<hbm>> -> memref<128xi32, #tpu.memory_space<hbm>>
        %dma_start3A_151 = tpu.memref_slice %arg4[%add3A_149] : memref<151808xi32, #tpu.memory_space<hbm>> -> memref<128xi32, #tpu.memory_space<hbm>>
        tpu.enqueue_dma source(%dma_start3A_151 : memref<128xi32, #tpu.memory_space<hbm>>) target(%arg11 : memref<128xi32, #tpu.memory_space<vmem>>) target_semaphore(%arg17 : memref<!tpu.dma_semaphore, #tpu.memory_space<semaphore_mem>>)
      }
      %scan3A_83 = arith.constant 37 : i32
      %dma_wait3A = tpu.memref_slice %arg3[%add3A_65] : memref<606464xi32, #tpu.memory_space<hbm>> -> memref<128xi32, #tpu.memory_space<hbm>>
      %dma_wait3A_84 = tpu.memref_slice %arg3[%add3A_65] : memref<606464xi32, #tpu.memory_space<hbm>> -> memref<128xi32, #tpu.memory_space<hbm>>
      tpu.wait_dma2 semaphore(%arg17 : memref<!tpu.dma_semaphore, #tpu.memory_space<semaphore_mem>>) src(%dma_wait3A_84 : memref<128xi32, #tpu.memory_space<hbm>>) dst(%arg9 : memref<128xi32, #tpu.memory_space<vmem>>)
      %dma_wait3A_85 = tpu.memref_slice %arg4[%mul3A_62] : memref<151808xi32, #tpu.memory_space<hbm>> -> memref<128xi32, #tpu.memory_space<hbm>>
      %dma_wait3A_86 = tpu.memref_slice %arg4[%mul3A_62] : memref<151808xi32, #tpu.memory_space<hbm>> -> memref<128xi32, #tpu.memory_space<hbm>>
      tpu.wait_dma2 semaphore(%arg17 : memref<!tpu.dma_semaphore, #tpu.memory_space<semaphore_mem>>) src(%dma_wait3A_86 : memref<128xi32, #tpu.memory_space<hbm>>) dst(%arg11 : memref<128xi32, #tpu.memory_space<vmem>>)
      %dma_wait3A_87 = arith.constant 0 : i32
      %dma_wait3A_88 = arith.constant 0 : i32
      %dma_wait3A_89 = tpu.memref_slice %arg2[%dma_wait3A_87, %dma_wait3A_88] : memref<40000x128xf32, #tpu.memory_space<hbm>> -> memref<128x128xf32, #tpu.memory_space<hbm>>
      %dma_wait3A_90 = arith.constant 0 : i32
      %dma_wait3A_91 = arith.constant 0 : i32
      %dma_wait3A_92 = tpu.memref_slice %arg2[%dma_wait3A_90, %dma_wait3A_91] : memref<40000x128xf32, #tpu.memory_space<hbm>> -> memref<128x128xf32, #tpu.memory_space<hbm>>
      tpu.wait_dma2 semaphore(%arg15 : memref<!tpu.dma_semaphore, #tpu.memory_space<semaphore_mem>>) src(%dma_wait3A_92 : memref<128x128xf32, #tpu.memory_space<hbm>>) dst(%arg12 : memref<128x128xf32, #tpu.memory_space<vmem>>)
    } else {
    }
    %eq3A_52 = arith.constant 4 : i32
    %eq3A_53 = arith.cmpi eq, %add3A_40, %eq3A_52 : i32
    %convert_element_type3A_54 = arith.extui %eq3A_53 : i1 to i32
    %cond3A_55 = arith.constant 0 : i32
    %cond3A_56 = arith.cmpi ne, %convert_element_type3A_54, %cond3A_55 : i32
    scf.if %cond3A_56 {
      %mul3A_61 = arith.constant 9472 : i32
      %mul3A_62 = arith.muli %arg1, %mul3A_61 : i32
      "tpu.region"() ({
        %run_scoped3A = tpu.sem_alloc : memref<!tpu.dma_semaphore, #tpu.memory_space<semaphore_mem>>
        tpu.enqueue_dma source(%arg6 : memref<128x128xf32, #tpu.memory_space<hbm>>) target(%arg12 : memref<128x128xf32, #tpu.memory_space<vmem>>) target_semaphore(%run_scoped3A : memref<!tpu.dma_semaphore, #tpu.memory_space<semaphore_mem>>)
        tpu.wait_dma2 semaphore(%run_scoped3A : memref<!tpu.dma_semaphore, #tpu.memory_space<semaphore_mem>>) src(%arg6 : memref<128x128xf32, #tpu.memory_space<hbm>>) dst(%arg12 : memref<128x128xf32, #tpu.memory_space<vmem>>)
        tpu.yield
      }) : () -> ()
      "tpu.region"() ({
        %run_scoped3A = tpu.sem_alloc : memref<!tpu.dma_semaphore, #tpu.memory_space<semaphore_mem>>
        %dma_start3A = tpu.memref_slice %arg4[%mul3A_62] : memref<151808xi32, #tpu.memory_space<hbm>> -> memref<128xi32, #tpu.memory_space<hbm>>
        %dma_start3A_67 = tpu.memref_slice %arg4[%mul3A_62] : memref<151808xi32, #tpu.memory_space<hbm>> -> memref<128xi32, #tpu.memory_space<hbm>>
        tpu.enqueue_dma source(%dma_start3A_67 : memref<128xi32, #tpu.memory_space<hbm>>) target(%arg10 : memref<128xi32, #tpu.memory_space<vmem>>) target_semaphore(%run_scoped3A : memref<!tpu.dma_semaphore, #tpu.memory_space<semaphore_mem>>)
        %dma_wait3A = tpu.memref_slice %arg4[%mul3A_62] : memref<151808xi32, #tpu.memory_space<hbm>> -> memref<128xi32, #tpu.memory_space<hbm>>
        %dma_wait3A_68 = tpu.memref_slice %arg4[%mul3A_62] : memref<151808xi32, #tpu.memory_space<hbm>> -> memref<128xi32, #tpu.memory_space<hbm>>
        tpu.wait_dma2 semaphore(%run_scoped3A : memref<!tpu.dma_semaphore, #tpu.memory_space<semaphore_mem>>) src(%dma_wait3A_68 : memref<128xi32, #tpu.memory_space<hbm>>) dst(%arg10 : memref<128xi32, #tpu.memory_space<vmem>>)
        tpu.yield
      }) : () -> ()
      %scan3A = arith.constant 0 : i32
      %scan3A_63 = arith.constant 37 : i32
      %scan3A_64 = arith.addi %scan3A, %scan3A_63 : i32
      %scan3A_65 = arith.constant 1 : i32
      scf.for %scan3A_67 = %scan3A to %scan3A_64 step %scan3A_65  : i32 {
        %mul3A_68 = arith.constant 1 : i32
        %mul3A_69 = arith.muli %scan3A_67, %mul3A_68 : i32
        %add3A_70 = arith.constant 0 : i32
        %add3A_71 = arith.addi %add3A_70, %mul3A_69 : i32
        %mul3A_72 = arith.constant 2 : i32
        %mul3A_73 = arith.muli %mul3A_72, %add3A_71 : i32
        %add3A_74 = arith.constant 1 : i32
        %add3A_75 = arith.addi %mul3A_73, %add3A_74 : i32
        %mul3A_76 = arith.constant 128 : i32
        %mul3A_77 = arith.muli %add3A_75, %mul3A_76 : i32
        %add3A_78 = arith.addi %mul3A_62, %mul3A_77 : i32
        %dma_start3A = tpu.memref_slice %arg4[%add3A_78] : memref<151808xi32, #tpu.memory_space<hbm>> -> memref<128xi32, #tpu.memory_space<hbm>>
        %dma_start3A_79 = tpu.memref_slice %arg4[%add3A_78] : memref<151808xi32, #tpu.memory_space<hbm>> -> memref<128xi32, #tpu.memory_space<hbm>>
        tpu.enqueue_dma source(%dma_start3A_79 : memref<128xi32, #tpu.memory_space<hbm>>) target(%arg11 : memref<128xi32, #tpu.memory_space<vmem>>) target_semaphore(%arg17 : memref<!tpu.dma_semaphore, #tpu.memory_space<semaphore_mem>>)
        "tpu.region"() ({
          %run_scoped3A = tpu.sem_alloc : memref<!tpu.dma_semaphore, #tpu.memory_space<semaphore_mem>>
          %dma_start3A_92 = arith.constant 0 : i32
          %dma_start3A_93 = arith.constant 0 : i32
          %dma_start3A_94 = tpu.memref_slice %arg14[%dma_start3A_92, %dma_start3A_93] : memref<2048x128xf32, #tpu.memory_space<vmem_shared>> -> memref<2048x128xf32, #tpu.memory_space<vmem_shared>>
          tpu.enqueue_indirect_dma source(%arg12 : memref<128x128xf32, #tpu.memory_space<vmem>>) target(%dma_start3A_94 : memref<2048x128xf32, #tpu.memory_space<vmem_shared>>) offsets(%arg10 : memref<128xi32, #tpu.memory_space<vmem>>) semaphore(%run_scoped3A : memref<!tpu.dma_semaphore, #tpu.memory_space<semaphore_mem>>) {add = true}
          %dma_wait3A_95 = arith.constant 0 : i32
          %dma_wait3A_96 = arith.constant 0 : i32
          %dma_wait3A_97 = tpu.memref_slice %arg14[%dma_wait3A_95, %dma_wait3A_96] : memref<2048x128xf32, #tpu.memory_space<vmem_shared>> -> memref<2048x128xf32, #tpu.memory_space<vmem_shared>>
          tpu.wait_indirect_dma semaphore(%run_scoped3A : memref<!tpu.dma_semaphore, #tpu.memory_space<semaphore_mem>>) src(%arg12 : memref<128x128xf32, #tpu.memory_space<vmem>>) dst(%dma_wait3A_97 : memref<2048x128xf32, #tpu.memory_space<vmem_shared>>)
          tpu.yield
        }) : () -> ()
        %dma_wait3A = tpu.memref_slice %arg4[%mul3A_62] : memref<151808xi32, #tpu.memory_space<hbm>> -> memref<128xi32, #tpu.memory_space<hbm>>
        %dma_wait3A_80 = tpu.memref_slice %arg4[%mul3A_62] : memref<151808xi32, #tpu.memory_space<hbm>> -> memref<128xi32, #tpu.memory_space<hbm>>
        tpu.wait_dma2 semaphore(%arg17 : memref<!tpu.dma_semaphore, #tpu.memory_space<semaphore_mem>>) src(%dma_wait3A_80 : memref<128xi32, #tpu.memory_space<hbm>>) dst(%arg11 : memref<128xi32, #tpu.memory_space<vmem>>)
        %mul3A_81 = arith.constant 2 : i32
        %mul3A_82 = arith.muli %mul3A_81, %add3A_71 : i32
        %add3A_83 = arith.constant 2 : i32
        %add3A_84 = arith.addi %mul3A_82, %add3A_83 : i32
        %mul3A_85 = arith.constant 128 : i32
        %mul3A_86 = arith.muli %add3A_84, %mul3A_85 : i32
        %add3A_87 = arith.addi %mul3A_62, %mul3A_86 : i32
        %dma_start3A_88 = tpu.memref_slice %arg4[%add3A_87] : memref<151808xi32, #tpu.memory_space<hbm>> -> memref<128xi32, #tpu.memory_space<hbm>>
        %dma_start3A_89 = tpu.memref_slice %arg4[%add3A_87] : memref<151808xi32, #tpu.memory_space<hbm>> -> memref<128xi32, #tpu.memory_space<hbm>>
        tpu.enqueue_dma source(%dma_start3A_89 : memref<128xi32, #tpu.memory_space<hbm>>) target(%arg10 : memref<128xi32, #tpu.memory_space<vmem>>) target_semaphore(%arg17 : memref<!tpu.dma_semaphore, #tpu.memory_space<semaphore_mem>>)
        "tpu.region"() ({
          %run_scoped3A = tpu.sem_alloc : memref<!tpu.dma_semaphore, #tpu.memory_space<semaphore_mem>>
          %dma_start3A_92 = arith.constant 0 : i32
          %dma_start3A_93 = arith.constant 0 : i32
          %dma_start3A_94 = tpu.memref_slice %arg14[%dma_start3A_92, %dma_start3A_93] : memref<2048x128xf32, #tpu.memory_space<vmem_shared>> -> memref<2048x128xf32, #tpu.memory_space<vmem_shared>>
          tpu.enqueue_indirect_dma source(%arg12 : memref<128x128xf32, #tpu.memory_space<vmem>>) target(%dma_start3A_94 : memref<2048x128xf32, #tpu.memory_space<vmem_shared>>) offsets(%arg11 : memref<128xi32, #tpu.memory_space<vmem>>) semaphore(%run_scoped3A : memref<!tpu.dma_semaphore, #tpu.memory_space<semaphore_mem>>) {add = true}
          %dma_wait3A_95 = arith.constant 0 : i32
          %dma_wait3A_96 = arith.constant 0 : i32
          %dma_wait3A_97 = tpu.memref_slice %arg14[%dma_wait3A_95, %dma_wait3A_96] : memref<2048x128xf32, #tpu.memory_space<vmem_shared>> -> memref<2048x128xf32, #tpu.memory_space<vmem_shared>>
          tpu.wait_indirect_dma semaphore(%run_scoped3A : memref<!tpu.dma_semaphore, #tpu.memory_space<semaphore_mem>>) src(%arg12 : memref<128x128xf32, #tpu.memory_space<vmem>>) dst(%dma_wait3A_97 : memref<2048x128xf32, #tpu.memory_space<vmem_shared>>)
          tpu.yield
        }) : () -> ()
        %dma_wait3A_90 = tpu.memref_slice %arg4[%mul3A_62] : memref<151808xi32, #tpu.memory_space<hbm>> -> memref<128xi32, #tpu.memory_space<hbm>>
        %dma_wait3A_91 = tpu.memref_slice %arg4[%mul3A_62] : memref<151808xi32, #tpu.memory_space<hbm>> -> memref<128xi32, #tpu.memory_space<hbm>>
        tpu.wait_dma2 semaphore(%arg17 : memref<!tpu.dma_semaphore, #tpu.memory_space<semaphore_mem>>) src(%dma_wait3A_91 : memref<128xi32, #tpu.memory_space<hbm>>) dst(%arg10 : memref<128xi32, #tpu.memory_space<vmem>>)
      }
      %scan3A_66 = arith.constant 37 : i32
    } else {
    }
    %barrier3A_57 = arith.constant 0 : index
    tpu.barrier barrier_id(%barrier3A_57)
    %convert_element_type3A_58 = arith.extui %lt3A_42 : i1 to i32
    %cond3A_59 = arith.constant 0 : i32
    %cond3A_60 = arith.cmpi ne, %convert_element_type3A_58, %cond3A_59 : i32
    scf.if %cond3A_60 {
      "tpu.region"() ({
        %run_scoped3A = tpu.sem_alloc : memref<!tpu.dma_semaphore, #tpu.memory_space<semaphore_mem>>
        %dma_start3A = arith.constant 0 : i32
        %dma_start3A_61 = tpu.memref_slice %arg7[%add3A_40, %mul3A_0, %dma_start3A] : memref<5x2048x128xf32, #tpu.memory_space<hbm>> -> memref<1x128x128xf32, #tpu.memory_space<hbm>>
        %dma_start3A_62 = tpu.memref_squeeze %dma_start3A_61 : memref<1x128x128xf32, #tpu.memory_space<hbm>> -> memref<128x128xf32, #tpu.memory_space<hbm>>
        %dma_start3A_63 = arith.constant 0 : i32
        %dma_start3A_64 = tpu.memref_slice %arg14[%mul3A_0, %dma_start3A_63] : memref<2048x128xf32, #tpu.memory_space<vmem_shared>> -> memref<128x128xf32, #tpu.memory_space<vmem_shared>>
        tpu.enqueue_dma source(%dma_start3A_64 : memref<128x128xf32, #tpu.memory_space<vmem_shared>>) target(%dma_start3A_62 : memref<128x128xf32, #tpu.memory_space<hbm>>) target_semaphore(%run_scoped3A : memref<!tpu.dma_semaphore, #tpu.memory_space<semaphore_mem>>)
        %dma_wait3A = arith.constant 0 : i32
        %dma_wait3A_65 = tpu.memref_slice %arg7[%add3A_40, %mul3A_0, %dma_wait3A] : memref<5x2048x128xf32, #tpu.memory_space<hbm>> -> memref<1x128x128xf32, #tpu.memory_space<hbm>>
        %dma_wait3A_66 = tpu.memref_squeeze %dma_wait3A_65 : memref<1x128x128xf32, #tpu.memory_space<hbm>> -> memref<128x128xf32, #tpu.memory_space<hbm>>
        %dma_wait3A_67 = arith.constant 0 : i32
        %dma_wait3A_68 = tpu.memref_slice %arg14[%mul3A_0, %dma_wait3A_67] : memref<2048x128xf32, #tpu.memory_space<vmem_shared>> -> memref<128x128xf32, #tpu.memory_space<vmem_shared>>
        tpu.wait_dma2 semaphore(%run_scoped3A : memref<!tpu.dma_semaphore, #tpu.memory_space<semaphore_mem>>) src(%dma_wait3A_68 : memref<128x128xf32, #tpu.memory_space<vmem_shared>>) dst(%dma_wait3A_66 : memref<128x128xf32, #tpu.memory_space<hbm>>)
        tpu.yield
      }) : () -> ()
    } else {
    }
    return
  }
}

#map = affine_map<(d0, d1) -> (0, 0)>
#map1 = affine_map<(d0, d1) -> (0)>
#map2 = affine_map<(d0, d1) -> (0, 0, 0)>
module attributes {stable_mosaic.version = 14 : i64} {
  func.func @body(%arg0: i32, %arg1: i32, %arg2: memref<500x128xf32, #tpu.memory_space<hbm>>, %arg3: memref<33024xi32, #tpu.memory_space<hbm>>, %arg4: memref<33024xi32, #tpu.memory_space<hbm>>, %arg5: memref<2048x128xf32, #tpu.memory_space<hbm>>, %arg6: memref<128x128xf32, #tpu.memory_space<hbm>>, %arg7: memref<2x2048x128xf32, #tpu.memory_space<hbm>>, %arg8: memref<128xi32, #tpu.memory_space<vmem>>, %arg9: memref<128xi32, #tpu.memory_space<vmem>>, %arg10: memref<128xi32, #tpu.memory_space<vmem>>, %arg11: memref<128xi32, #tpu.memory_space<vmem>>, %arg12: memref<128x128xf32, #tpu.memory_space<vmem>>, %arg13: memref<128x128xf32, #tpu.memory_space<vmem>>, %arg14: memref<2048x128xf32, #tpu.memory_space<vmem_shared>>, %arg15: memref<!tpu.dma_semaphore, #tpu.memory_space<semaphore_mem>>, %arg16: memref<!tpu.dma_semaphore, #tpu.memory_space<semaphore_mem>>, %arg17: memref<!tpu.dma_semaphore, #tpu.memory_space<semaphore_mem>>) attributes {dimension_semantics = [#tpu.dimension_semantics<core_parallel>, #tpu.dimension_semantics<subcore_parallel>], iteration_bounds = array<i64: 2, 16>, scalar_prefetch = 0 : i64, scratch_operands = 10 : i64, tpu.core_type = #tpu.core_type<sc_vector_subcore>, window_params = [{transform_indices = #map}, {transform_indices = #map1}, {transform_indices = #map1}, {transform_indices = #map}, {transform_indices = #map}, {transform_indices = #map2}]} {
    %mul3A = arith.constant 128 : i32
    %mul3A_0 = arith.muli %arg1, %mul3A : i32
    %add3A = arith.constant 0 : i32
    %add3A_1 = arith.addi %add3A, %arg0 : i32
    %lt3A = arith.constant 2 : i32
    %lt3A_2 = arith.cmpi slt, %add3A_1, %lt3A : i32
    %convert_element_type3A = arith.extui %lt3A_2 : i1 to i32
    %cond3A = arith.constant 0 : i32
    %cond3A_3 = arith.cmpi ne, %convert_element_type3A, %cond3A : i32
    scf.if %cond3A_3 {
      "tpu.region"() ({
        %run_scoped3A = tpu.sem_alloc : memref<!tpu.dma_semaphore, #tpu.memory_space<semaphore_mem>>
        %dma_start3A = arith.constant 0 : i32
        %dma_start3A_17 = tpu.memref_slice %arg14[%mul3A_0, %dma_start3A] : memref<2048x128xf32, #tpu.memory_space<vmem_shared>> -> memref<128x128xf32, #tpu.memory_space<vmem_shared>>
        %dma_start3A_18 = arith.constant 0 : i32
        %dma_start3A_19 = tpu.memref_slice %arg5[%mul3A_0, %dma_start3A_18] : memref<2048x128xf32, #tpu.memory_space<hbm>> -> memref<128x128xf32, #tpu.memory_space<hbm>>
        tpu.enqueue_dma source(%dma_start3A_19 : memref<128x128xf32, #tpu.memory_space<hbm>>) target(%dma_start3A_17 : memref<128x128xf32, #tpu.memory_space<vmem_shared>>) target_semaphore(%run_scoped3A : memref<!tpu.dma_semaphore, #tpu.memory_space<semaphore_mem>>)
        %dma_wait3A = arith.constant 0 : i32
        %dma_wait3A_20 = tpu.memref_slice %arg14[%mul3A_0, %dma_wait3A] : memref<2048x128xf32, #tpu.memory_space<vmem_shared>> -> memref<128x128xf32, #tpu.memory_space<vmem_shared>>
        %dma_wait3A_21 = arith.constant 0 : i32
        %dma_wait3A_22 = tpu.memref_slice %arg5[%mul3A_0, %dma_wait3A_21] : memref<2048x128xf32, #tpu.memory_space<hbm>> -> memref<128x128xf32, #tpu.memory_space<hbm>>
        tpu.wait_dma2 semaphore(%run_scoped3A : memref<!tpu.dma_semaphore, #tpu.memory_space<semaphore_mem>>) src(%dma_wait3A_22 : memref<128x128xf32, #tpu.memory_space<hbm>>) dst(%dma_wait3A_20 : memref<128x128xf32, #tpu.memory_space<vmem_shared>>)
        tpu.yield
      }) : () -> ()
    } else {
    }
    %barrier3A = arith.constant 0 : index
    tpu.barrier barrier_id(%barrier3A)
    %lt3A_4 = arith.constant 1 : i32
    %lt3A_5 = arith.cmpi slt, %add3A_1, %lt3A_4 : i32
    %convert_element_type3A_6 = arith.extui %lt3A_5 : i1 to i32
    %cond3A_7 = arith.constant 0 : i32
    %cond3A_8 = arith.cmpi ne, %convert_element_type3A_6, %cond3A_7 : i32
    scf.if %cond3A_8 {
      %mul3A_17 = arith.constant 2048 : i32
      %mul3A_18 = arith.muli %arg1, %mul3A_17 : i32
      %mul3A_19 = arith.constant 32768 : i32
      %mul3A_20 = arith.muli %add3A_1, %mul3A_19 : i32
      %add3A_21 = arith.addi %mul3A_20, %mul3A_18 : i32
      %add3A_22 = arith.constant 0 : i32
      %add3A_23 = arith.addi %add3A_21, %add3A_22 : i32
      "tpu.region"() ({
        %run_scoped3A = tpu.sem_alloc : memref<!tpu.dma_semaphore, #tpu.memory_space<semaphore_mem>>
        %dma_start3A_49 = tpu.memref_slice %arg3[%add3A_23] : memref<33024xi32, #tpu.memory_space<hbm>> -> memref<128xi32, #tpu.memory_space<hbm>>
        %dma_start3A_50 = tpu.memref_slice %arg3[%add3A_23] : memref<33024xi32, #tpu.memory_space<hbm>> -> memref<128xi32, #tpu.memory_space<hbm>>
        tpu.enqueue_dma source(%dma_start3A_50 : memref<128xi32, #tpu.memory_space<hbm>>) target(%arg8 : memref<128xi32, #tpu.memory_space<vmem>>) target_semaphore(%run_scoped3A : memref<!tpu.dma_semaphore, #tpu.memory_space<semaphore_mem>>)
        %dma_wait3A_51 = tpu.memref_slice %arg3[%add3A_23] : memref<33024xi32, #tpu.memory_space<hbm>> -> memref<128xi32, #tpu.memory_space<hbm>>
        %dma_wait3A_52 = tpu.memref_slice %arg3[%add3A_23] : memref<33024xi32, #tpu.memory_space<hbm>> -> memref<128xi32, #tpu.memory_space<hbm>>
        tpu.wait_dma2 semaphore(%run_scoped3A : memref<!tpu.dma_semaphore, #tpu.memory_space<semaphore_mem>>) src(%dma_wait3A_52 : memref<128xi32, #tpu.memory_space<hbm>>) dst(%arg8 : memref<128xi32, #tpu.memory_space<vmem>>)
        tpu.yield
      }) : () -> ()
      %add3A_24 = arith.constant 0 : i32
      %add3A_25 = arith.addi %mul3A_18, %add3A_24 : i32
      "tpu.region"() ({
        %run_scoped3A = tpu.sem_alloc : memref<!tpu.dma_semaphore, #tpu.memory_space<semaphore_mem>>
        %dma_start3A_49 = tpu.memref_slice %arg4[%add3A_25] : memref<33024xi32, #tpu.memory_space<hbm>> -> memref<128xi32, #tpu.memory_space<hbm>>
        %dma_start3A_50 = tpu.memref_slice %arg4[%add3A_25] : memref<33024xi32, #tpu.memory_space<hbm>> -> memref<128xi32, #tpu.memory_space<hbm>>
        tpu.enqueue_dma source(%dma_start3A_50 : memref<128xi32, #tpu.memory_space<hbm>>) target(%arg10 : memref<128xi32, #tpu.memory_space<vmem>>) target_semaphore(%run_scoped3A : memref<!tpu.dma_semaphore, #tpu.memory_space<semaphore_mem>>)
        %dma_wait3A_51 = tpu.memref_slice %arg4[%add3A_25] : memref<33024xi32, #tpu.memory_space<hbm>> -> memref<128xi32, #tpu.memory_space<hbm>>
        %dma_wait3A_52 = tpu.memref_slice %arg4[%add3A_25] : memref<33024xi32, #tpu.memory_space<hbm>> -> memref<128xi32, #tpu.memory_space<hbm>>
        tpu.wait_dma2 semaphore(%run_scoped3A : memref<!tpu.dma_semaphore, #tpu.memory_space<semaphore_mem>>) src(%dma_wait3A_52 : memref<128xi32, #tpu.memory_space<hbm>>) dst(%arg10 : memref<128xi32, #tpu.memory_space<vmem>>)
        tpu.yield
      }) : () -> ()
      %dma_start3A = arith.constant 0 : i32
      %dma_start3A_26 = arith.constant 0 : i32
      %dma_start3A_27 = tpu.memref_slice %arg2[%dma_start3A, %dma_start3A_26] : memref<500x128xf32, #tpu.memory_space<hbm>> -> memref<500x128xf32, #tpu.memory_space<hbm>>
      tpu.enqueue_indirect_dma source(%dma_start3A_27 : memref<500x128xf32, #tpu.memory_space<hbm>>) target(%arg12 : memref<128x128xf32, #tpu.memory_space<vmem>>) offsets(%arg8 : memref<128xi32, #tpu.memory_space<vmem>>) semaphore(%arg15 : memref<!tpu.dma_semaphore, #tpu.memory_space<semaphore_mem>>)
      %add3A_28 = arith.constant 128 : i32
      %add3A_29 = arith.addi %add3A_21, %add3A_28 : i32
      %dma_start3A_30 = tpu.memref_slice %arg3[%add3A_29] : memref<33024xi32, #tpu.memory_space<hbm>> -> memref<128xi32, #tpu.memory_space<hbm>>
      %dma_start3A_31 = tpu.memref_slice %arg3[%add3A_29] : memref<33024xi32, #tpu.memory_space<hbm>> -> memref<128xi32, #tpu.memory_space<hbm>>
      tpu.enqueue_dma source(%dma_start3A_31 : memref<128xi32, #tpu.memory_space<hbm>>) target(%arg9 : memref<128xi32, #tpu.memory_space<vmem>>) target_semaphore(%arg17 : memref<!tpu.dma_semaphore, #tpu.memory_space<semaphore_mem>>)
      %add3A_32 = arith.constant 128 : i32
      %add3A_33 = arith.addi %mul3A_18, %add3A_32 : i32
      %dma_start3A_34 = tpu.memref_slice %arg4[%add3A_33] : memref<33024xi32, #tpu.memory_space<hbm>> -> memref<128xi32, #tpu.memory_space<hbm>>
      %dma_start3A_35 = tpu.memref_slice %arg4[%add3A_33] : memref<33024xi32, #tpu.memory_space<hbm>> -> memref<128xi32, #tpu.memory_space<hbm>>
      tpu.enqueue_dma source(%dma_start3A_35 : memref<128xi32, #tpu.memory_space<hbm>>) target(%arg11 : memref<128xi32, #tpu.memory_space<vmem>>) target_semaphore(%arg17 : memref<!tpu.dma_semaphore, #tpu.memory_space<semaphore_mem>>)
      %scan3A = arith.constant 0 : i32
      %scan3A_36 = arith.constant 8 : i32
      %scan3A_37 = arith.addi %scan3A, %scan3A_36 : i32
      %scan3A_38 = arith.constant 1 : i32
      scf.for %scan3A_49 = %scan3A to %scan3A_37 step %scan3A_38  : i32 {
        %mul3A_50 = arith.constant 1 : i32
        %mul3A_51 = arith.muli %scan3A_49, %mul3A_50 : i32
        %add3A_52 = arith.constant 0 : i32
        %add3A_53 = arith.addi %add3A_52, %mul3A_51 : i32
        %dma_wait3A_54 = tpu.memref_slice %arg3[%add3A_21] : memref<33024xi32, #tpu.memory_space<hbm>> -> memref<128xi32, #tpu.memory_space<hbm>>
        %dma_wait3A_55 = tpu.memref_slice %arg3[%add3A_21] : memref<33024xi32, #tpu.memory_space<hbm>> -> memref<128xi32, #tpu.memory_space<hbm>>
        tpu.wait_dma2 semaphore(%arg17 : memref<!tpu.dma_semaphore, #tpu.memory_space<semaphore_mem>>) src(%dma_wait3A_55 : memref<128xi32, #tpu.memory_space<hbm>>) dst(%arg9 : memref<128xi32, #tpu.memory_space<vmem>>)
        %dma_wait3A_56 = tpu.memref_slice %arg4[%mul3A_18] : memref<33024xi32, #tpu.memory_space<hbm>> -> memref<128xi32, #tpu.memory_space<hbm>>
        %dma_wait3A_57 = tpu.memref_slice %arg4[%mul3A_18] : memref<33024xi32, #tpu.memory_space<hbm>> -> memref<128xi32, #tpu.memory_space<hbm>>
        tpu.wait_dma2 semaphore(%arg17 : memref<!tpu.dma_semaphore, #tpu.memory_space<semaphore_mem>>) src(%dma_wait3A_57 : memref<128xi32, #tpu.memory_space<hbm>>) dst(%arg11 : memref<128xi32, #tpu.memory_space<vmem>>)
        %dma_start3A_58 = arith.constant 0 : i32
        %dma_start3A_59 = arith.constant 0 : i32
        %dma_start3A_60 = tpu.memref_slice %arg2[%dma_start3A_58, %dma_start3A_59] : memref<500x128xf32, #tpu.memory_space<hbm>> -> memref<500x128xf32, #tpu.memory_space<hbm>>
        tpu.enqueue_indirect_dma source(%dma_start3A_60 : memref<500x128xf32, #tpu.memory_space<hbm>>) target(%arg13 : memref<128x128xf32, #tpu.memory_space<vmem>>) offsets(%arg9 : memref<128xi32, #tpu.memory_space<vmem>>) semaphore(%arg16 : memref<!tpu.dma_semaphore, #tpu.memory_space<semaphore_mem>>)
        %dma_wait3A_61 = arith.constant 0 : i32
        %dma_wait3A_62 = arith.constant 0 : i32
        %dma_wait3A_63 = tpu.memref_slice %arg2[%dma_wait3A_61, %dma_wait3A_62] : memref<500x128xf32, #tpu.memory_space<hbm>> -> memref<128x128xf32, #tpu.memory_space<hbm>>
        %dma_wait3A_64 = arith.constant 0 : i32
        %dma_wait3A_65 = arith.constant 0 : i32
        %dma_wait3A_66 = tpu.memref_slice %arg2[%dma_wait3A_64, %dma_wait3A_65] : memref<500x128xf32, #tpu.memory_space<hbm>> -> memref<128x128xf32, #tpu.memory_space<hbm>>
        tpu.wait_dma2 semaphore(%arg15 : memref<!tpu.dma_semaphore, #tpu.memory_space<semaphore_mem>>) src(%dma_wait3A_66 : memref<128x128xf32, #tpu.memory_space<hbm>>) dst(%arg12 : memref<128x128xf32, #tpu.memory_space<vmem>>)
        "tpu.region"() ({
          %run_scoped3A = tpu.sem_alloc : memref<!tpu.dma_semaphore, #tpu.memory_space<semaphore_mem>>
          %dma_start3A_108 = arith.constant 0 : i32
          %dma_start3A_109 = arith.constant 0 : i32
          %dma_start3A_110 = tpu.memref_slice %arg14[%dma_start3A_108, %dma_start3A_109] : memref<2048x128xf32, #tpu.memory_space<vmem_shared>> -> memref<2048x128xf32, #tpu.memory_space<vmem_shared>>
          tpu.enqueue_indirect_dma source(%arg12 : memref<128x128xf32, #tpu.memory_space<vmem>>) target(%dma_start3A_110 : memref<2048x128xf32, #tpu.memory_space<vmem_shared>>) offsets(%arg10 : memref<128xi32, #tpu.memory_space<vmem>>) semaphore(%run_scoped3A : memref<!tpu.dma_semaphore, #tpu.memory_space<semaphore_mem>>) {add = true}
          %dma_wait3A_111 = arith.constant 0 : i32
          %dma_wait3A_112 = arith.constant 0 : i32
          %dma_wait3A_113 = tpu.memref_slice %arg14[%dma_wait3A_111, %dma_wait3A_112] : memref<2048x128xf32, #tpu.memory_space<vmem_shared>> -> memref<2048x128xf32, #tpu.memory_space<vmem_shared>>
          tpu.wait_indirect_dma semaphore(%run_scoped3A : memref<!tpu.dma_semaphore, #tpu.memory_space<semaphore_mem>>) src(%arg12 : memref<128x128xf32, #tpu.memory_space<vmem>>) dst(%dma_wait3A_113 : memref<2048x128xf32, #tpu.memory_space<vmem_shared>>)
          tpu.yield
        }) : () -> ()
        %mul3A_67 = arith.constant 2 : i32
        %mul3A_68 = arith.muli %add3A_53, %mul3A_67 : i32
        %add3A_69 = arith.constant 0 : i32
        %add3A_70 = arith.addi %mul3A_68, %add3A_69 : i32
        %add3A_71 = arith.constant 2 : i32
        %add3A_72 = arith.addi %add3A_70, %add3A_71 : i32
        %mul3A_73 = arith.constant 128 : i32
        %mul3A_74 = arith.muli %add3A_72, %mul3A_73 : i32
        %add3A_75 = arith.addi %add3A_21, %mul3A_74 : i32
        %dma_start3A_76 = tpu.memref_slice %arg3[%add3A_75] : memref<33024xi32, #tpu.memory_space<hbm>> -> memref<128xi32, #tpu.memory_space<hbm>>
        %dma_start3A_77 = tpu.memref_slice %arg3[%add3A_75] : memref<33024xi32, #tpu.memory_space<hbm>> -> memref<128xi32, #tpu.memory_space<hbm>>
        tpu.enqueue_dma source(%dma_start3A_77 : memref<128xi32, #tpu.memory_space<hbm>>) target(%arg8 : memref<128xi32, #tpu.memory_space<vmem>>) target_semaphore(%arg17 : memref<!tpu.dma_semaphore, #tpu.memory_space<semaphore_mem>>)
        %add3A_78 = arith.addi %mul3A_18, %mul3A_74 : i32
        %dma_start3A_79 = tpu.memref_slice %arg4[%add3A_78] : memref<33024xi32, #tpu.memory_space<hbm>> -> memref<128xi32, #tpu.memory_space<hbm>>
        %dma_start3A_80 = tpu.memref_slice %arg4[%add3A_78] : memref<33024xi32, #tpu.memory_space<hbm>> -> memref<128xi32, #tpu.memory_space<hbm>>
        tpu.enqueue_dma source(%dma_start3A_80 : memref<128xi32, #tpu.memory_space<hbm>>) target(%arg10 : memref<128xi32, #tpu.memory_space<vmem>>) target_semaphore(%arg17 : memref<!tpu.dma_semaphore, #tpu.memory_space<semaphore_mem>>)
        %dma_wait3A_81 = tpu.memref_slice %arg3[%add3A_21] : memref<33024xi32, #tpu.memory_space<hbm>> -> memref<128xi32, #tpu.memory_space<hbm>>
        %dma_wait3A_82 = tpu.memref_slice %arg3[%add3A_21] : memref<33024xi32, #tpu.memory_space<hbm>> -> memref<128xi32, #tpu.memory_space<hbm>>
        tpu.wait_dma2 semaphore(%arg17 : memref<!tpu.dma_semaphore, #tpu.memory_space<semaphore_mem>>) src(%dma_wait3A_82 : memref<128xi32, #tpu.memory_space<hbm>>) dst(%arg8 : memref<128xi32, #tpu.memory_space<vmem>>)
        %dma_wait3A_83 = tpu.memref_slice %arg4[%mul3A_18] : memref<33024xi32, #tpu.memory_space<hbm>> -> memref<128xi32, #tpu.memory_space<hbm>>
        %dma_wait3A_84 = tpu.memref_slice %arg4[%mul3A_18] : memref<33024xi32, #tpu.memory_space<hbm>> -> memref<128xi32, #tpu.memory_space<hbm>>
        tpu.wait_dma2 semaphore(%arg17 : memref<!tpu.dma_semaphore, #tpu.memory_space<semaphore_mem>>) src(%dma_wait3A_84 : memref<128xi32, #tpu.memory_space<hbm>>) dst(%arg10 : memref<128xi32, #tpu.memory_space<vmem>>)
        %dma_start3A_85 = arith.constant 0 : i32
        %dma_start3A_86 = arith.constant 0 : i32
        %dma_start3A_87 = tpu.memref_slice %arg2[%dma_start3A_85, %dma_start3A_86] : memref<500x128xf32, #tpu.memory_space<hbm>> -> memref<500x128xf32, #tpu.memory_space<hbm>>
        tpu.enqueue_indirect_dma source(%dma_start3A_87 : memref<500x128xf32, #tpu.memory_space<hbm>>) target(%arg12 : memref<128x128xf32, #tpu.memory_space<vmem>>) offsets(%arg8 : memref<128xi32, #tpu.memory_space<vmem>>) semaphore(%arg15 : memref<!tpu.dma_semaphore, #tpu.memory_space<semaphore_mem>>)
        %dma_wait3A_88 = arith.constant 0 : i32
        %dma_wait3A_89 = arith.constant 0 : i32
        %dma_wait3A_90 = tpu.memref_slice %arg2[%dma_wait3A_88, %dma_wait3A_89] : memref<500x128xf32, #tpu.memory_space<hbm>> -> memref<128x128xf32, #tpu.memory_space<hbm>>
        %dma_wait3A_91 = arith.constant 0 : i32
        %dma_wait3A_92 = arith.constant 0 : i32
        %dma_wait3A_93 = tpu.memref_slice %arg2[%dma_wait3A_91, %dma_wait3A_92] : memref<500x128xf32, #tpu.memory_space<hbm>> -> memref<128x128xf32, #tpu.memory_space<hbm>>
        tpu.wait_dma2 semaphore(%arg16 : memref<!tpu.dma_semaphore, #tpu.memory_space<semaphore_mem>>) src(%dma_wait3A_93 : memref<128x128xf32, #tpu.memory_space<hbm>>) dst(%arg13 : memref<128x128xf32, #tpu.memory_space<vmem>>)
        "tpu.region"() ({
          %run_scoped3A = tpu.sem_alloc : memref<!tpu.dma_semaphore, #tpu.memory_space<semaphore_mem>>
          %dma_start3A_108 = arith.constant 0 : i32
          %dma_start3A_109 = arith.constant 0 : i32
          %dma_start3A_110 = tpu.memref_slice %arg14[%dma_start3A_108, %dma_start3A_109] : memref<2048x128xf32, #tpu.memory_space<vmem_shared>> -> memref<2048x128xf32, #tpu.memory_space<vmem_shared>>
          tpu.enqueue_indirect_dma source(%arg13 : memref<128x128xf32, #tpu.memory_space<vmem>>) target(%dma_start3A_110 : memref<2048x128xf32, #tpu.memory_space<vmem_shared>>) offsets(%arg11 : memref<128xi32, #tpu.memory_space<vmem>>) semaphore(%run_scoped3A : memref<!tpu.dma_semaphore, #tpu.memory_space<semaphore_mem>>) {add = true}
          %dma_wait3A_111 = arith.constant 0 : i32
          %dma_wait3A_112 = arith.constant 0 : i32
          %dma_wait3A_113 = tpu.memref_slice %arg14[%dma_wait3A_111, %dma_wait3A_112] : memref<2048x128xf32, #tpu.memory_space<vmem_shared>> -> memref<2048x128xf32, #tpu.memory_space<vmem_shared>>
          tpu.wait_indirect_dma semaphore(%run_scoped3A : memref<!tpu.dma_semaphore, #tpu.memory_space<semaphore_mem>>) src(%arg13 : memref<128x128xf32, #tpu.memory_space<vmem>>) dst(%dma_wait3A_113 : memref<2048x128xf32, #tpu.memory_space<vmem_shared>>)
          tpu.yield
        }) : () -> ()
        %mul3A_94 = arith.constant 2 : i32
        %mul3A_95 = arith.muli %add3A_53, %mul3A_94 : i32
        %add3A_96 = arith.constant 1 : i32
        %add3A_97 = arith.addi %mul3A_95, %add3A_96 : i32
        %add3A_98 = arith.constant 2 : i32
        %add3A_99 = arith.addi %add3A_97, %add3A_98 : i32
        %mul3A_100 = arith.constant 128 : i32
        %mul3A_101 = arith.muli %add3A_99, %mul3A_100 : i32
        %add3A_102 = arith.addi %add3A_21, %mul3A_101 : i32
        %dma_start3A_103 = tpu.memref_slice %arg3[%add3A_102] : memref<33024xi32, #tpu.memory_space<hbm>> -> memref<128xi32, #tpu.memory_space<hbm>>
        %dma_start3A_104 = tpu.memref_slice %arg3[%add3A_102] : memref<33024xi32, #tpu.memory_space<hbm>> -> memref<128xi32, #tpu.memory_space<hbm>>
        tpu.enqueue_dma source(%dma_start3A_104 : memref<128xi32, #tpu.memory_space<hbm>>) target(%arg9 : memref<128xi32, #tpu.memory_space<vmem>>) target_semaphore(%arg17 : memref<!tpu.dma_semaphore, #tpu.memory_space<semaphore_mem>>)
        %add3A_105 = arith.addi %mul3A_18, %mul3A_101 : i32
        %dma_start3A_106 = tpu.memref_slice %arg4[%add3A_105] : memref<33024xi32, #tpu.memory_space<hbm>> -> memref<128xi32, #tpu.memory_space<hbm>>
        %dma_start3A_107 = tpu.memref_slice %arg4[%add3A_105] : memref<33024xi32, #tpu.memory_space<hbm>> -> memref<128xi32, #tpu.memory_space<hbm>>
        tpu.enqueue_dma source(%dma_start3A_107 : memref<128xi32, #tpu.memory_space<hbm>>) target(%arg11 : memref<128xi32, #tpu.memory_space<vmem>>) target_semaphore(%arg17 : memref<!tpu.dma_semaphore, #tpu.memory_space<semaphore_mem>>)
      }
      %scan3A_39 = arith.constant 8 : i32
      %dma_wait3A = tpu.memref_slice %arg3[%add3A_21] : memref<33024xi32, #tpu.memory_space<hbm>> -> memref<128xi32, #tpu.memory_space<hbm>>
      %dma_wait3A_40 = tpu.memref_slice %arg3[%add3A_21] : memref<33024xi32, #tpu.memory_space<hbm>> -> memref<128xi32, #tpu.memory_space<hbm>>
      tpu.wait_dma2 semaphore(%arg17 : memref<!tpu.dma_semaphore, #tpu.memory_space<semaphore_mem>>) src(%dma_wait3A_40 : memref<128xi32, #tpu.memory_space<hbm>>) dst(%arg9 : memref<128xi32, #tpu.memory_space<vmem>>)
      %dma_wait3A_41 = tpu.memref_slice %arg4[%mul3A_18] : memref<33024xi32, #tpu.memory_space<hbm>> -> memref<128xi32, #tpu.memory_space<hbm>>
      %dma_wait3A_42 = tpu.memref_slice %arg4[%mul3A_18] : memref<33024xi32, #tpu.memory_space<hbm>> -> memref<128xi32, #tpu.memory_space<hbm>>
      tpu.wait_dma2 semaphore(%arg17 : memref<!tpu.dma_semaphore, #tpu.memory_space<semaphore_mem>>) src(%dma_wait3A_42 : memref<128xi32, #tpu.memory_space<hbm>>) dst(%arg11 : memref<128xi32, #tpu.memory_space<vmem>>)
      %dma_wait3A_43 = arith.constant 0 : i32
      %dma_wait3A_44 = arith.constant 0 : i32
      %dma_wait3A_45 = tpu.memref_slice %arg2[%dma_wait3A_43, %dma_wait3A_44] : memref<500x128xf32, #tpu.memory_space<hbm>> -> memref<128x128xf32, #tpu.memory_space<hbm>>
      %dma_wait3A_46 = arith.constant 0 : i32
      %dma_wait3A_47 = arith.constant 0 : i32
      %dma_wait3A_48 = tpu.memref_slice %arg2[%dma_wait3A_46, %dma_wait3A_47] : memref<500x128xf32, #tpu.memory_space<hbm>> -> memref<128x128xf32, #tpu.memory_space<hbm>>
      tpu.wait_dma2 semaphore(%arg15 : memref<!tpu.dma_semaphore, #tpu.memory_space<semaphore_mem>>) src(%dma_wait3A_48 : memref<128x128xf32, #tpu.memory_space<hbm>>) dst(%arg12 : memref<128x128xf32, #tpu.memory_space<vmem>>)
    } else {
    }
    %eq3A = arith.constant 1 : i32
    %eq3A_9 = arith.cmpi eq, %add3A_1, %eq3A : i32
    %convert_element_type3A_10 = arith.extui %eq3A_9 : i1 to i32
    %cond3A_11 = arith.constant 0 : i32
    %cond3A_12 = arith.cmpi ne, %convert_element_type3A_10, %cond3A_11 : i32
    scf.if %cond3A_12 {
      %mul3A_17 = arith.constant 2048 : i32
      %mul3A_18 = arith.muli %arg1, %mul3A_17 : i32
      "tpu.region"() ({
        %run_scoped3A = tpu.sem_alloc : memref<!tpu.dma_semaphore, #tpu.memory_space<semaphore_mem>>
        tpu.enqueue_dma source(%arg6 : memref<128x128xf32, #tpu.memory_space<hbm>>) target(%arg12 : memref<128x128xf32, #tpu.memory_space<vmem>>) target_semaphore(%run_scoped3A : memref<!tpu.dma_semaphore, #tpu.memory_space<semaphore_mem>>)
        tpu.wait_dma2 semaphore(%run_scoped3A : memref<!tpu.dma_semaphore, #tpu.memory_space<semaphore_mem>>) src(%arg6 : memref<128x128xf32, #tpu.memory_space<hbm>>) dst(%arg12 : memref<128x128xf32, #tpu.memory_space<vmem>>)
        tpu.yield
      }) : () -> ()
      "tpu.region"() ({
        %run_scoped3A = tpu.sem_alloc : memref<!tpu.dma_semaphore, #tpu.memory_space<semaphore_mem>>
        %dma_start3A = tpu.memref_slice %arg4[%mul3A_18] : memref<33024xi32, #tpu.memory_space<hbm>> -> memref<128xi32, #tpu.memory_space<hbm>>
        %dma_start3A_23 = tpu.memref_slice %arg4[%mul3A_18] : memref<33024xi32, #tpu.memory_space<hbm>> -> memref<128xi32, #tpu.memory_space<hbm>>
        tpu.enqueue_dma source(%dma_start3A_23 : memref<128xi32, #tpu.memory_space<hbm>>) target(%arg10 : memref<128xi32, #tpu.memory_space<vmem>>) target_semaphore(%run_scoped3A : memref<!tpu.dma_semaphore, #tpu.memory_space<semaphore_mem>>)
        %dma_wait3A = tpu.memref_slice %arg4[%mul3A_18] : memref<33024xi32, #tpu.memory_space<hbm>> -> memref<128xi32, #tpu.memory_space<hbm>>
        %dma_wait3A_24 = tpu.memref_slice %arg4[%mul3A_18] : memref<33024xi32, #tpu.memory_space<hbm>> -> memref<128xi32, #tpu.memory_space<hbm>>
        tpu.wait_dma2 semaphore(%run_scoped3A : memref<!tpu.dma_semaphore, #tpu.memory_space<semaphore_mem>>) src(%dma_wait3A_24 : memref<128xi32, #tpu.memory_space<hbm>>) dst(%arg10 : memref<128xi32, #tpu.memory_space<vmem>>)
        tpu.yield
      }) : () -> ()
      %scan3A = arith.constant 0 : i32
      %scan3A_19 = arith.constant 8 : i32
      %scan3A_20 = arith.addi %scan3A, %scan3A_19 : i32
      %scan3A_21 = arith.constant 1 : i32
      scf.for %scan3A_23 = %scan3A to %scan3A_20 step %scan3A_21  : i32 {
        %mul3A_24 = arith.constant 1 : i32
        %mul3A_25 = arith.muli %scan3A_23, %mul3A_24 : i32
        %add3A_26 = arith.constant 0 : i32
        %add3A_27 = arith.addi %add3A_26, %mul3A_25 : i32
        %mul3A_28 = arith.constant 2 : i32
        %mul3A_29 = arith.muli %mul3A_28, %add3A_27 : i32
        %add3A_30 = arith.constant 1 : i32
        %add3A_31 = arith.addi %mul3A_29, %add3A_30 : i32
        %mul3A_32 = arith.constant 128 : i32
        %mul3A_33 = arith.muli %add3A_31, %mul3A_32 : i32
        %add3A_34 = arith.addi %mul3A_18, %mul3A_33 : i32
        %dma_start3A = tpu.memref_slice %arg4[%add3A_34] : memref<33024xi32, #tpu.memory_space<hbm>> -> memref<128xi32, #tpu.memory_space<hbm>>
        %dma_start3A_35 = tpu.memref_slice %arg4[%add3A_34] : memref<33024xi32, #tpu.memory_space<hbm>> -> memref<128xi32, #tpu.memory_space<hbm>>
        tpu.enqueue_dma source(%dma_start3A_35 : memref<128xi32, #tpu.memory_space<hbm>>) target(%arg11 : memref<128xi32, #tpu.memory_space<vmem>>) target_semaphore(%arg17 : memref<!tpu.dma_semaphore, #tpu.memory_space<semaphore_mem>>)
        "tpu.region"() ({
          %run_scoped3A = tpu.sem_alloc : memref<!tpu.dma_semaphore, #tpu.memory_space<semaphore_mem>>
          %dma_start3A_48 = arith.constant 0 : i32
          %dma_start3A_49 = arith.constant 0 : i32
          %dma_start3A_50 = tpu.memref_slice %arg14[%dma_start3A_48, %dma_start3A_49] : memref<2048x128xf32, #tpu.memory_space<vmem_shared>> -> memref<2048x128xf32, #tpu.memory_space<vmem_shared>>
          tpu.enqueue_indirect_dma source(%arg12 : memref<128x128xf32, #tpu.memory_space<vmem>>) target(%dma_start3A_50 : memref<2048x128xf32, #tpu.memory_space<vmem_shared>>) offsets(%arg10 : memref<128xi32, #tpu.memory_space<vmem>>) semaphore(%run_scoped3A : memref<!tpu.dma_semaphore, #tpu.memory_space<semaphore_mem>>) {add = true}
          %dma_wait3A_51 = arith.constant 0 : i32
          %dma_wait3A_52 = arith.constant 0 : i32
          %dma_wait3A_53 = tpu.memref_slice %arg14[%dma_wait3A_51, %dma_wait3A_52] : memref<2048x128xf32, #tpu.memory_space<vmem_shared>> -> memref<2048x128xf32, #tpu.memory_space<vmem_shared>>
          tpu.wait_indirect_dma semaphore(%run_scoped3A : memref<!tpu.dma_semaphore, #tpu.memory_space<semaphore_mem>>) src(%arg12 : memref<128x128xf32, #tpu.memory_space<vmem>>) dst(%dma_wait3A_53 : memref<2048x128xf32, #tpu.memory_space<vmem_shared>>)
          tpu.yield
        }) : () -> ()
        %dma_wait3A = tpu.memref_slice %arg4[%mul3A_18] : memref<33024xi32, #tpu.memory_space<hbm>> -> memref<128xi32, #tpu.memory_space<hbm>>
        %dma_wait3A_36 = tpu.memref_slice %arg4[%mul3A_18] : memref<33024xi32, #tpu.memory_space<hbm>> -> memref<128xi32, #tpu.memory_space<hbm>>
        tpu.wait_dma2 semaphore(%arg17 : memref<!tpu.dma_semaphore, #tpu.memory_space<semaphore_mem>>) src(%dma_wait3A_36 : memref<128xi32, #tpu.memory_space<hbm>>) dst(%arg11 : memref<128xi32, #tpu.memory_space<vmem>>)
        %mul3A_37 = arith.constant 2 : i32
        %mul3A_38 = arith.muli %mul3A_37, %add3A_27 : i32
        %add3A_39 = arith.constant 2 : i32
        %add3A_40 = arith.addi %mul3A_38, %add3A_39 : i32
        %mul3A_41 = arith.constant 128 : i32
        %mul3A_42 = arith.muli %add3A_40, %mul3A_41 : i32
        %add3A_43 = arith.addi %mul3A_18, %mul3A_42 : i32
        %dma_start3A_44 = tpu.memref_slice %arg4[%add3A_43] : memref<33024xi32, #tpu.memory_space<hbm>> -> memref<128xi32, #tpu.memory_space<hbm>>
        %dma_start3A_45 = tpu.memref_slice %arg4[%add3A_43] : memref<33024xi32, #tpu.memory_space<hbm>> -> memref<128xi32, #tpu.memory_space<hbm>>
        tpu.enqueue_dma source(%dma_start3A_45 : memref<128xi32, #tpu.memory_space<hbm>>) target(%arg10 : memref<128xi32, #tpu.memory_space<vmem>>) target_semaphore(%arg17 : memref<!tpu.dma_semaphore, #tpu.memory_space<semaphore_mem>>)
        "tpu.region"() ({
          %run_scoped3A = tpu.sem_alloc : memref<!tpu.dma_semaphore, #tpu.memory_space<semaphore_mem>>
          %dma_start3A_48 = arith.constant 0 : i32
          %dma_start3A_49 = arith.constant 0 : i32
          %dma_start3A_50 = tpu.memref_slice %arg14[%dma_start3A_48, %dma_start3A_49] : memref<2048x128xf32, #tpu.memory_space<vmem_shared>> -> memref<2048x128xf32, #tpu.memory_space<vmem_shared>>
          tpu.enqueue_indirect_dma source(%arg12 : memref<128x128xf32, #tpu.memory_space<vmem>>) target(%dma_start3A_50 : memref<2048x128xf32, #tpu.memory_space<vmem_shared>>) offsets(%arg11 : memref<128xi32, #tpu.memory_space<vmem>>) semaphore(%run_scoped3A : memref<!tpu.dma_semaphore, #tpu.memory_space<semaphore_mem>>) {add = true}
          %dma_wait3A_51 = arith.constant 0 : i32
          %dma_wait3A_52 = arith.constant 0 : i32
          %dma_wait3A_53 = tpu.memref_slice %arg14[%dma_wait3A_51, %dma_wait3A_52] : memref<2048x128xf32, #tpu.memory_space<vmem_shared>> -> memref<2048x128xf32, #tpu.memory_space<vmem_shared>>
          tpu.wait_indirect_dma semaphore(%run_scoped3A : memref<!tpu.dma_semaphore, #tpu.memory_space<semaphore_mem>>) src(%arg12 : memref<128x128xf32, #tpu.memory_space<vmem>>) dst(%dma_wait3A_53 : memref<2048x128xf32, #tpu.memory_space<vmem_shared>>)
          tpu.yield
        }) : () -> ()
        %dma_wait3A_46 = tpu.memref_slice %arg4[%mul3A_18] : memref<33024xi32, #tpu.memory_space<hbm>> -> memref<128xi32, #tpu.memory_space<hbm>>
        %dma_wait3A_47 = tpu.memref_slice %arg4[%mul3A_18] : memref<33024xi32, #tpu.memory_space<hbm>> -> memref<128xi32, #tpu.memory_space<hbm>>
        tpu.wait_dma2 semaphore(%arg17 : memref<!tpu.dma_semaphore, #tpu.memory_space<semaphore_mem>>) src(%dma_wait3A_47 : memref<128xi32, #tpu.memory_space<hbm>>) dst(%arg10 : memref<128xi32, #tpu.memory_space<vmem>>)
      }
      %scan3A_22 = arith.constant 8 : i32
    } else {
    }
    %barrier3A_13 = arith.constant 0 : index
    tpu.barrier barrier_id(%barrier3A_13)
    %convert_element_type3A_14 = arith.extui %lt3A_2 : i1 to i32
    %cond3A_15 = arith.constant 0 : i32
    %cond3A_16 = arith.cmpi ne, %convert_element_type3A_14, %cond3A_15 : i32
    scf.if %cond3A_16 {
      "tpu.region"() ({
        %run_scoped3A = tpu.sem_alloc : memref<!tpu.dma_semaphore, #tpu.memory_space<semaphore_mem>>
        %dma_start3A = arith.constant 0 : i32
        %dma_start3A_17 = tpu.memref_slice %arg7[%add3A_1, %mul3A_0, %dma_start3A] : memref<2x2048x128xf32, #tpu.memory_space<hbm>> -> memref<1x128x128xf32, #tpu.memory_space<hbm>>
        %dma_start3A_18 = tpu.memref_squeeze %dma_start3A_17 : memref<1x128x128xf32, #tpu.memory_space<hbm>> -> memref<128x128xf32, #tpu.memory_space<hbm>>
        %dma_start3A_19 = arith.constant 0 : i32
        %dma_start3A_20 = tpu.memref_slice %arg14[%mul3A_0, %dma_start3A_19] : memref<2048x128xf32, #tpu.memory_space<vmem_shared>> -> memref<128x128xf32, #tpu.memory_space<vmem_shared>>
        tpu.enqueue_dma source(%dma_start3A_20 : memref<128x128xf32, #tpu.memory_space<vmem_shared>>) target(%dma_start3A_18 : memref<128x128xf32, #tpu.memory_space<hbm>>) target_semaphore(%run_scoped3A : memref<!tpu.dma_semaphore, #tpu.memory_space<semaphore_mem>>)
        %dma_wait3A = arith.constant 0 : i32
        %dma_wait3A_21 = tpu.memref_slice %arg7[%add3A_1, %mul3A_0, %dma_wait3A] : memref<2x2048x128xf32, #tpu.memory_space<hbm>> -> memref<1x128x128xf32, #tpu.memory_space<hbm>>
        %dma_wait3A_22 = tpu.memref_squeeze %dma_wait3A_21 : memref<1x128x128xf32, #tpu.memory_space<hbm>> -> memref<128x128xf32, #tpu.memory_space<hbm>>
        %dma_wait3A_23 = arith.constant 0 : i32
        %dma_wait3A_24 = tpu.memref_slice %arg14[%mul3A_0, %dma_wait3A_23] : memref<2048x128xf32, #tpu.memory_space<vmem_shared>> -> memref<128x128xf32, #tpu.memory_space<vmem_shared>>
        tpu.wait_dma2 semaphore(%run_scoped3A : memref<!tpu.dma_semaphore, #tpu.memory_space<semaphore_mem>>) src(%dma_wait3A_24 : memref<128x128xf32, #tpu.memory_space<vmem_shared>>) dst(%dma_wait3A_22 : memref<128x128xf32, #tpu.memory_space<hbm>>)
        tpu.yield
      }) : () -> ()
    } else {
    }
    return
  }
}

#map = affine_map<(d0, d1) -> (0, 0)>
#map1 = affine_map<(d0, d1) -> (0)>
#map2 = affine_map<(d0, d1) -> (0, 0, 0)>
module attributes {stable_mosaic.version = 14 : i64} {
  func.func @body(%arg0: i32, %arg1: i32, %arg2: memref<4000x128xf32, #tpu.memory_space<hbm>>, %arg3: memref<303360xi32, #tpu.memory_space<hbm>>, %arg4: memref<151808xi32, #tpu.memory_space<hbm>>, %arg5: memref<10112x128xf32, #tpu.memory_space<hbm>>, %arg6: memref<128x128xf32, #tpu.memory_space<hbm>>, %arg7: memref<3x10112x128xf32, #tpu.memory_space<hbm>>, %arg8: memref<128xi32, #tpu.memory_space<vmem>>, %arg9: memref<128xi32, #tpu.memory_space<vmem>>, %arg10: memref<128xi32, #tpu.memory_space<vmem>>, %arg11: memref<128xi32, #tpu.memory_space<vmem>>, %arg12: memref<128x128xf32, #tpu.memory_space<vmem>>, %arg13: memref<128x128xf32, #tpu.memory_space<vmem>>, %arg14: memref<10112x128xf32, #tpu.memory_space<vmem_shared>>, %arg15: memref<!tpu.dma_semaphore, #tpu.memory_space<semaphore_mem>>, %arg16: memref<!tpu.dma_semaphore, #tpu.memory_space<semaphore_mem>>, %arg17: memref<!tpu.dma_semaphore, #tpu.memory_space<semaphore_mem>>) attributes {dimension_semantics = [#tpu.dimension_semantics<core_parallel>, #tpu.dimension_semantics<subcore_parallel>], iteration_bounds = array<i64: 2, 16>, scalar_prefetch = 0 : i64, scratch_operands = 10 : i64, tpu.core_type = #tpu.core_type<sc_vector_subcore>, window_params = [{transform_indices = #map}, {transform_indices = #map1}, {transform_indices = #map1}, {transform_indices = #map}, {transform_indices = #map}, {transform_indices = #map2}]} {
    %mul3A = arith.constant 632 : i32
    %mul3A_0 = arith.muli %arg1, %mul3A : i32
    %add3A = arith.constant 0 : i32
    %add3A_1 = arith.addi %add3A, %arg0 : i32
    %lt3A = arith.constant 3 : i32
    %lt3A_2 = arith.cmpi slt, %add3A_1, %lt3A : i32
    %convert_element_type3A = arith.extui %lt3A_2 : i1 to i32
    %cond3A = arith.constant 0 : i32
    %cond3A_3 = arith.cmpi ne, %convert_element_type3A, %cond3A : i32
    scf.if %cond3A_3 {
      "tpu.region"() ({
        %run_scoped3A = tpu.sem_alloc : memref<!tpu.dma_semaphore, #tpu.memory_space<semaphore_mem>>
        %dma_start3A = arith.constant 0 : i32
        %dma_start3A_39 = tpu.memref_slice %arg14[%mul3A_0, %dma_start3A] : memref<10112x128xf32, #tpu.memory_space<vmem_shared>> -> memref<632x128xf32, #tpu.memory_space<vmem_shared>>
        %dma_start3A_40 = arith.constant 0 : i32
        %dma_start3A_41 = tpu.memref_slice %arg5[%mul3A_0, %dma_start3A_40] : memref<10112x128xf32, #tpu.memory_space<hbm>> -> memref<632x128xf32, #tpu.memory_space<hbm>>
        tpu.enqueue_dma source(%dma_start3A_41 : memref<632x128xf32, #tpu.memory_space<hbm>>) target(%dma_start3A_39 : memref<632x128xf32, #tpu.memory_space<vmem_shared>>) target_semaphore(%run_scoped3A : memref<!tpu.dma_semaphore, #tpu.memory_space<semaphore_mem>>)
        %dma_wait3A = arith.constant 0 : i32
        %dma_wait3A_42 = tpu.memref_slice %arg14[%mul3A_0, %dma_wait3A] : memref<10112x128xf32, #tpu.memory_space<vmem_shared>> -> memref<632x128xf32, #tpu.memory_space<vmem_shared>>
        %dma_wait3A_43 = arith.constant 0 : i32
        %dma_wait3A_44 = tpu.memref_slice %arg5[%mul3A_0, %dma_wait3A_43] : memref<10112x128xf32, #tpu.memory_space<hbm>> -> memref<632x128xf32, #tpu.memory_space<hbm>>
        tpu.wait_dma2 semaphore(%run_scoped3A : memref<!tpu.dma_semaphore, #tpu.memory_space<semaphore_mem>>) src(%dma_wait3A_44 : memref<632x128xf32, #tpu.memory_space<hbm>>) dst(%dma_wait3A_42 : memref<632x128xf32, #tpu.memory_space<vmem_shared>>)
        tpu.yield
      }) : () -> ()
    } else {
    }
    %barrier3A = arith.constant 0 : index
    tpu.barrier barrier_id(%barrier3A)
    %lt3A_4 = arith.constant 2 : i32
    %lt3A_5 = arith.cmpi slt, %add3A_1, %lt3A_4 : i32
    %convert_element_type3A_6 = arith.extui %lt3A_5 : i1 to i32
    %cond3A_7 = arith.constant 0 : i32
    %cond3A_8 = arith.cmpi ne, %convert_element_type3A_6, %cond3A_7 : i32
    scf.if %cond3A_8 {
      %mul3A_39 = arith.constant 9472 : i32
      %mul3A_40 = arith.muli %arg1, %mul3A_39 : i32
      %mul3A_41 = arith.constant 151552 : i32
      %mul3A_42 = arith.muli %add3A_1, %mul3A_41 : i32
      %add3A_43 = arith.addi %mul3A_42, %mul3A_40 : i32
      %add3A_44 = arith.constant 0 : i32
      %add3A_45 = arith.addi %add3A_43, %add3A_44 : i32
      "tpu.region"() ({
        %run_scoped3A = tpu.sem_alloc : memref<!tpu.dma_semaphore, #tpu.memory_space<semaphore_mem>>
        %dma_start3A_71 = tpu.memref_slice %arg3[%add3A_45] : memref<303360xi32, #tpu.memory_space<hbm>> -> memref<128xi32, #tpu.memory_space<hbm>>
        %dma_start3A_72 = tpu.memref_slice %arg3[%add3A_45] : memref<303360xi32, #tpu.memory_space<hbm>> -> memref<128xi32, #tpu.memory_space<hbm>>
        tpu.enqueue_dma source(%dma_start3A_72 : memref<128xi32, #tpu.memory_space<hbm>>) target(%arg8 : memref<128xi32, #tpu.memory_space<vmem>>) target_semaphore(%run_scoped3A : memref<!tpu.dma_semaphore, #tpu.memory_space<semaphore_mem>>)
        %dma_wait3A_73 = tpu.memref_slice %arg3[%add3A_45] : memref<303360xi32, #tpu.memory_space<hbm>> -> memref<128xi32, #tpu.memory_space<hbm>>
        %dma_wait3A_74 = tpu.memref_slice %arg3[%add3A_45] : memref<303360xi32, #tpu.memory_space<hbm>> -> memref<128xi32, #tpu.memory_space<hbm>>
        tpu.wait_dma2 semaphore(%run_scoped3A : memref<!tpu.dma_semaphore, #tpu.memory_space<semaphore_mem>>) src(%dma_wait3A_74 : memref<128xi32, #tpu.memory_space<hbm>>) dst(%arg8 : memref<128xi32, #tpu.memory_space<vmem>>)
        tpu.yield
      }) : () -> ()
      %add3A_46 = arith.constant 0 : i32
      %add3A_47 = arith.addi %mul3A_40, %add3A_46 : i32
      "tpu.region"() ({
        %run_scoped3A = tpu.sem_alloc : memref<!tpu.dma_semaphore, #tpu.memory_space<semaphore_mem>>
        %dma_start3A_71 = tpu.memref_slice %arg4[%add3A_47] : memref<151808xi32, #tpu.memory_space<hbm>> -> memref<128xi32, #tpu.memory_space<hbm>>
        %dma_start3A_72 = tpu.memref_slice %arg4[%add3A_47] : memref<151808xi32, #tpu.memory_space<hbm>> -> memref<128xi32, #tpu.memory_space<hbm>>
        tpu.enqueue_dma source(%dma_start3A_72 : memref<128xi32, #tpu.memory_space<hbm>>) target(%arg10 : memref<128xi32, #tpu.memory_space<vmem>>) target_semaphore(%run_scoped3A : memref<!tpu.dma_semaphore, #tpu.memory_space<semaphore_mem>>)
        %dma_wait3A_73 = tpu.memref_slice %arg4[%add3A_47] : memref<151808xi32, #tpu.memory_space<hbm>> -> memref<128xi32, #tpu.memory_space<hbm>>
        %dma_wait3A_74 = tpu.memref_slice %arg4[%add3A_47] : memref<151808xi32, #tpu.memory_space<hbm>> -> memref<128xi32, #tpu.memory_space<hbm>>
        tpu.wait_dma2 semaphore(%run_scoped3A : memref<!tpu.dma_semaphore, #tpu.memory_space<semaphore_mem>>) src(%dma_wait3A_74 : memref<128xi32, #tpu.memory_space<hbm>>) dst(%arg10 : memref<128xi32, #tpu.memory_space<vmem>>)
        tpu.yield
      }) : () -> ()
      %dma_start3A = arith.constant 0 : i32
      %dma_start3A_48 = arith.constant 0 : i32
      %dma_start3A_49 = tpu.memref_slice %arg2[%dma_start3A, %dma_start3A_48] : memref<4000x128xf32, #tpu.memory_space<hbm>> -> memref<4000x128xf32, #tpu.memory_space<hbm>>
      tpu.enqueue_indirect_dma source(%dma_start3A_49 : memref<4000x128xf32, #tpu.memory_space<hbm>>) target(%arg12 : memref<128x128xf32, #tpu.memory_space<vmem>>) offsets(%arg8 : memref<128xi32, #tpu.memory_space<vmem>>) semaphore(%arg15 : memref<!tpu.dma_semaphore, #tpu.memory_space<semaphore_mem>>)
      %add3A_50 = arith.constant 128 : i32
      %add3A_51 = arith.addi %add3A_43, %add3A_50 : i32
      %dma_start3A_52 = tpu.memref_slice %arg3[%add3A_51] : memref<303360xi32, #tpu.memory_space<hbm>> -> memref<128xi32, #tpu.memory_space<hbm>>
      %dma_start3A_53 = tpu.memref_slice %arg3[%add3A_51] : memref<303360xi32, #tpu.memory_space<hbm>> -> memref<128xi32, #tpu.memory_space<hbm>>
      tpu.enqueue_dma source(%dma_start3A_53 : memref<128xi32, #tpu.memory_space<hbm>>) target(%arg9 : memref<128xi32, #tpu.memory_space<vmem>>) target_semaphore(%arg17 : memref<!tpu.dma_semaphore, #tpu.memory_space<semaphore_mem>>)
      %add3A_54 = arith.constant 128 : i32
      %add3A_55 = arith.addi %mul3A_40, %add3A_54 : i32
      %dma_start3A_56 = tpu.memref_slice %arg4[%add3A_55] : memref<151808xi32, #tpu.memory_space<hbm>> -> memref<128xi32, #tpu.memory_space<hbm>>
      %dma_start3A_57 = tpu.memref_slice %arg4[%add3A_55] : memref<151808xi32, #tpu.memory_space<hbm>> -> memref<128xi32, #tpu.memory_space<hbm>>
      tpu.enqueue_dma source(%dma_start3A_57 : memref<128xi32, #tpu.memory_space<hbm>>) target(%arg11 : memref<128xi32, #tpu.memory_space<vmem>>) target_semaphore(%arg17 : memref<!tpu.dma_semaphore, #tpu.memory_space<semaphore_mem>>)
      %scan3A = arith.constant 0 : i32
      %scan3A_58 = arith.constant 37 : i32
      %scan3A_59 = arith.addi %scan3A, %scan3A_58 : i32
      %scan3A_60 = arith.constant 1 : i32
      scf.for %scan3A_71 = %scan3A to %scan3A_59 step %scan3A_60  : i32 {
        %mul3A_72 = arith.constant 1 : i32
        %mul3A_73 = arith.muli %scan3A_71, %mul3A_72 : i32
        %add3A_74 = arith.constant 0 : i32
        %add3A_75 = arith.addi %add3A_74, %mul3A_73 : i32
        %dma_wait3A_76 = tpu.memref_slice %arg3[%add3A_43] : memref<303360xi32, #tpu.memory_space<hbm>> -> memref<128xi32, #tpu.memory_space<hbm>>
        %dma_wait3A_77 = tpu.memref_slice %arg3[%add3A_43] : memref<303360xi32, #tpu.memory_space<hbm>> -> memref<128xi32, #tpu.memory_space<hbm>>
        tpu.wait_dma2 semaphore(%arg17 : memref<!tpu.dma_semaphore, #tpu.memory_space<semaphore_mem>>) src(%dma_wait3A_77 : memref<128xi32, #tpu.memory_space<hbm>>) dst(%arg9 : memref<128xi32, #tpu.memory_space<vmem>>)
        %dma_wait3A_78 = tpu.memref_slice %arg4[%mul3A_40] : memref<151808xi32, #tpu.memory_space<hbm>> -> memref<128xi32, #tpu.memory_space<hbm>>
        %dma_wait3A_79 = tpu.memref_slice %arg4[%mul3A_40] : memref<151808xi32, #tpu.memory_space<hbm>> -> memref<128xi32, #tpu.memory_space<hbm>>
        tpu.wait_dma2 semaphore(%arg17 : memref<!tpu.dma_semaphore, #tpu.memory_space<semaphore_mem>>) src(%dma_wait3A_79 : memref<128xi32, #tpu.memory_space<hbm>>) dst(%arg11 : memref<128xi32, #tpu.memory_space<vmem>>)
        %dma_start3A_80 = arith.constant 0 : i32
        %dma_start3A_81 = arith.constant 0 : i32
        %dma_start3A_82 = tpu.memref_slice %arg2[%dma_start3A_80, %dma_start3A_81] : memref<4000x128xf32, #tpu.memory_space<hbm>> -> memref<4000x128xf32, #tpu.memory_space<hbm>>
        tpu.enqueue_indirect_dma source(%dma_start3A_82 : memref<4000x128xf32, #tpu.memory_space<hbm>>) target(%arg13 : memref<128x128xf32, #tpu.memory_space<vmem>>) offsets(%arg9 : memref<128xi32, #tpu.memory_space<vmem>>) semaphore(%arg16 : memref<!tpu.dma_semaphore, #tpu.memory_space<semaphore_mem>>)
        %dma_wait3A_83 = arith.constant 0 : i32
        %dma_wait3A_84 = arith.constant 0 : i32
        %dma_wait3A_85 = tpu.memref_slice %arg2[%dma_wait3A_83, %dma_wait3A_84] : memref<4000x128xf32, #tpu.memory_space<hbm>> -> memref<128x128xf32, #tpu.memory_space<hbm>>
        %dma_wait3A_86 = arith.constant 0 : i32
        %dma_wait3A_87 = arith.constant 0 : i32
        %dma_wait3A_88 = tpu.memref_slice %arg2[%dma_wait3A_86, %dma_wait3A_87] : memref<4000x128xf32, #tpu.memory_space<hbm>> -> memref<128x128xf32, #tpu.memory_space<hbm>>
        tpu.wait_dma2 semaphore(%arg15 : memref<!tpu.dma_semaphore, #tpu.memory_space<semaphore_mem>>) src(%dma_wait3A_88 : memref<128x128xf32, #tpu.memory_space<hbm>>) dst(%arg12 : memref<128x128xf32, #tpu.memory_space<vmem>>)
        "tpu.region"() ({
          %run_scoped3A = tpu.sem_alloc : memref<!tpu.dma_semaphore, #tpu.memory_space<semaphore_mem>>
          %dma_start3A_130 = arith.constant 0 : i32
          %dma_start3A_131 = arith.constant 0 : i32
          %dma_start3A_132 = tpu.memref_slice %arg14[%dma_start3A_130, %dma_start3A_131] : memref<10112x128xf32, #tpu.memory_space<vmem_shared>> -> memref<10112x128xf32, #tpu.memory_space<vmem_shared>>
          tpu.enqueue_indirect_dma source(%arg12 : memref<128x128xf32, #tpu.memory_space<vmem>>) target(%dma_start3A_132 : memref<10112x128xf32, #tpu.memory_space<vmem_shared>>) offsets(%arg10 : memref<128xi32, #tpu.memory_space<vmem>>) semaphore(%run_scoped3A : memref<!tpu.dma_semaphore, #tpu.memory_space<semaphore_mem>>) {add = true}
          %dma_wait3A_133 = arith.constant 0 : i32
          %dma_wait3A_134 = arith.constant 0 : i32
          %dma_wait3A_135 = tpu.memref_slice %arg14[%dma_wait3A_133, %dma_wait3A_134] : memref<10112x128xf32, #tpu.memory_space<vmem_shared>> -> memref<10112x128xf32, #tpu.memory_space<vmem_shared>>
          tpu.wait_indirect_dma semaphore(%run_scoped3A : memref<!tpu.dma_semaphore, #tpu.memory_space<semaphore_mem>>) src(%arg12 : memref<128x128xf32, #tpu.memory_space<vmem>>) dst(%dma_wait3A_135 : memref<10112x128xf32, #tpu.memory_space<vmem_shared>>)
          tpu.yield
        }) : () -> ()
        %mul3A_89 = arith.constant 2 : i32
        %mul3A_90 = arith.muli %add3A_75, %mul3A_89 : i32
        %add3A_91 = arith.constant 0 : i32
        %add3A_92 = arith.addi %mul3A_90, %add3A_91 : i32
        %add3A_93 = arith.constant 2 : i32
        %add3A_94 = arith.addi %add3A_92, %add3A_93 : i32
        %mul3A_95 = arith.constant 128 : i32
        %mul3A_96 = arith.muli %add3A_94, %mul3A_95 : i32
        %add3A_97 = arith.addi %add3A_43, %mul3A_96 : i32
        %dma_start3A_98 = tpu.memref_slice %arg3[%add3A_97] : memref<303360xi32, #tpu.memory_space<hbm>> -> memref<128xi32, #tpu.memory_space<hbm>>
        %dma_start3A_99 = tpu.memref_slice %arg3[%add3A_97] : memref<303360xi32, #tpu.memory_space<hbm>> -> memref<128xi32, #tpu.memory_space<hbm>>
        tpu.enqueue_dma source(%dma_start3A_99 : memref<128xi32, #tpu.memory_space<hbm>>) target(%arg8 : memref<128xi32, #tpu.memory_space<vmem>>) target_semaphore(%arg17 : memref<!tpu.dma_semaphore, #tpu.memory_space<semaphore_mem>>)
        %add3A_100 = arith.addi %mul3A_40, %mul3A_96 : i32
        %dma_start3A_101 = tpu.memref_slice %arg4[%add3A_100] : memref<151808xi32, #tpu.memory_space<hbm>> -> memref<128xi32, #tpu.memory_space<hbm>>
        %dma_start3A_102 = tpu.memref_slice %arg4[%add3A_100] : memref<151808xi32, #tpu.memory_space<hbm>> -> memref<128xi32, #tpu.memory_space<hbm>>
        tpu.enqueue_dma source(%dma_start3A_102 : memref<128xi32, #tpu.memory_space<hbm>>) target(%arg10 : memref<128xi32, #tpu.memory_space<vmem>>) target_semaphore(%arg17 : memref<!tpu.dma_semaphore, #tpu.memory_space<semaphore_mem>>)
        %dma_wait3A_103 = tpu.memref_slice %arg3[%add3A_43] : memref<303360xi32, #tpu.memory_space<hbm>> -> memref<128xi32, #tpu.memory_space<hbm>>
        %dma_wait3A_104 = tpu.memref_slice %arg3[%add3A_43] : memref<303360xi32, #tpu.memory_space<hbm>> -> memref<128xi32, #tpu.memory_space<hbm>>
        tpu.wait_dma2 semaphore(%arg17 : memref<!tpu.dma_semaphore, #tpu.memory_space<semaphore_mem>>) src(%dma_wait3A_104 : memref<128xi32, #tpu.memory_space<hbm>>) dst(%arg8 : memref<128xi32, #tpu.memory_space<vmem>>)
        %dma_wait3A_105 = tpu.memref_slice %arg4[%mul3A_40] : memref<151808xi32, #tpu.memory_space<hbm>> -> memref<128xi32, #tpu.memory_space<hbm>>
        %dma_wait3A_106 = tpu.memref_slice %arg4[%mul3A_40] : memref<151808xi32, #tpu.memory_space<hbm>> -> memref<128xi32, #tpu.memory_space<hbm>>
        tpu.wait_dma2 semaphore(%arg17 : memref<!tpu.dma_semaphore, #tpu.memory_space<semaphore_mem>>) src(%dma_wait3A_106 : memref<128xi32, #tpu.memory_space<hbm>>) dst(%arg10 : memref<128xi32, #tpu.memory_space<vmem>>)
        %dma_start3A_107 = arith.constant 0 : i32
        %dma_start3A_108 = arith.constant 0 : i32
        %dma_start3A_109 = tpu.memref_slice %arg2[%dma_start3A_107, %dma_start3A_108] : memref<4000x128xf32, #tpu.memory_space<hbm>> -> memref<4000x128xf32, #tpu.memory_space<hbm>>
        tpu.enqueue_indirect_dma source(%dma_start3A_109 : memref<4000x128xf32, #tpu.memory_space<hbm>>) target(%arg12 : memref<128x128xf32, #tpu.memory_space<vmem>>) offsets(%arg8 : memref<128xi32, #tpu.memory_space<vmem>>) semaphore(%arg15 : memref<!tpu.dma_semaphore, #tpu.memory_space<semaphore_mem>>)
        %dma_wait3A_110 = arith.constant 0 : i32
        %dma_wait3A_111 = arith.constant 0 : i32
        %dma_wait3A_112 = tpu.memref_slice %arg2[%dma_wait3A_110, %dma_wait3A_111] : memref<4000x128xf32, #tpu.memory_space<hbm>> -> memref<128x128xf32, #tpu.memory_space<hbm>>
        %dma_wait3A_113 = arith.constant 0 : i32
        %dma_wait3A_114 = arith.constant 0 : i32
        %dma_wait3A_115 = tpu.memref_slice %arg2[%dma_wait3A_113, %dma_wait3A_114] : memref<4000x128xf32, #tpu.memory_space<hbm>> -> memref<128x128xf32, #tpu.memory_space<hbm>>
        tpu.wait_dma2 semaphore(%arg16 : memref<!tpu.dma_semaphore, #tpu.memory_space<semaphore_mem>>) src(%dma_wait3A_115 : memref<128x128xf32, #tpu.memory_space<hbm>>) dst(%arg13 : memref<128x128xf32, #tpu.memory_space<vmem>>)
        "tpu.region"() ({
          %run_scoped3A = tpu.sem_alloc : memref<!tpu.dma_semaphore, #tpu.memory_space<semaphore_mem>>
          %dma_start3A_130 = arith.constant 0 : i32
          %dma_start3A_131 = arith.constant 0 : i32
          %dma_start3A_132 = tpu.memref_slice %arg14[%dma_start3A_130, %dma_start3A_131] : memref<10112x128xf32, #tpu.memory_space<vmem_shared>> -> memref<10112x128xf32, #tpu.memory_space<vmem_shared>>
          tpu.enqueue_indirect_dma source(%arg13 : memref<128x128xf32, #tpu.memory_space<vmem>>) target(%dma_start3A_132 : memref<10112x128xf32, #tpu.memory_space<vmem_shared>>) offsets(%arg11 : memref<128xi32, #tpu.memory_space<vmem>>) semaphore(%run_scoped3A : memref<!tpu.dma_semaphore, #tpu.memory_space<semaphore_mem>>) {add = true}
          %dma_wait3A_133 = arith.constant 0 : i32
          %dma_wait3A_134 = arith.constant 0 : i32
          %dma_wait3A_135 = tpu.memref_slice %arg14[%dma_wait3A_133, %dma_wait3A_134] : memref<10112x128xf32, #tpu.memory_space<vmem_shared>> -> memref<10112x128xf32, #tpu.memory_space<vmem_shared>>
          tpu.wait_indirect_dma semaphore(%run_scoped3A : memref<!tpu.dma_semaphore, #tpu.memory_space<semaphore_mem>>) src(%arg13 : memref<128x128xf32, #tpu.memory_space<vmem>>) dst(%dma_wait3A_135 : memref<10112x128xf32, #tpu.memory_space<vmem_shared>>)
          tpu.yield
        }) : () -> ()
        %mul3A_116 = arith.constant 2 : i32
        %mul3A_117 = arith.muli %add3A_75, %mul3A_116 : i32
        %add3A_118 = arith.constant 1 : i32
        %add3A_119 = arith.addi %mul3A_117, %add3A_118 : i32
        %add3A_120 = arith.constant 2 : i32
        %add3A_121 = arith.addi %add3A_119, %add3A_120 : i32
        %mul3A_122 = arith.constant 128 : i32
        %mul3A_123 = arith.muli %add3A_121, %mul3A_122 : i32
        %add3A_124 = arith.addi %add3A_43, %mul3A_123 : i32
        %dma_start3A_125 = tpu.memref_slice %arg3[%add3A_124] : memref<303360xi32, #tpu.memory_space<hbm>> -> memref<128xi32, #tpu.memory_space<hbm>>
        %dma_start3A_126 = tpu.memref_slice %arg3[%add3A_124] : memref<303360xi32, #tpu.memory_space<hbm>> -> memref<128xi32, #tpu.memory_space<hbm>>
        tpu.enqueue_dma source(%dma_start3A_126 : memref<128xi32, #tpu.memory_space<hbm>>) target(%arg9 : memref<128xi32, #tpu.memory_space<vmem>>) target_semaphore(%arg17 : memref<!tpu.dma_semaphore, #tpu.memory_space<semaphore_mem>>)
        %add3A_127 = arith.addi %mul3A_40, %mul3A_123 : i32
        %dma_start3A_128 = tpu.memref_slice %arg4[%add3A_127] : memref<151808xi32, #tpu.memory_space<hbm>> -> memref<128xi32, #tpu.memory_space<hbm>>
        %dma_start3A_129 = tpu.memref_slice %arg4[%add3A_127] : memref<151808xi32, #tpu.memory_space<hbm>> -> memref<128xi32, #tpu.memory_space<hbm>>
        tpu.enqueue_dma source(%dma_start3A_129 : memref<128xi32, #tpu.memory_space<hbm>>) target(%arg11 : memref<128xi32, #tpu.memory_space<vmem>>) target_semaphore(%arg17 : memref<!tpu.dma_semaphore, #tpu.memory_space<semaphore_mem>>)
      }
      %scan3A_61 = arith.constant 37 : i32
      %dma_wait3A = tpu.memref_slice %arg3[%add3A_43] : memref<303360xi32, #tpu.memory_space<hbm>> -> memref<128xi32, #tpu.memory_space<hbm>>
      %dma_wait3A_62 = tpu.memref_slice %arg3[%add3A_43] : memref<303360xi32, #tpu.memory_space<hbm>> -> memref<128xi32, #tpu.memory_space<hbm>>
      tpu.wait_dma2 semaphore(%arg17 : memref<!tpu.dma_semaphore, #tpu.memory_space<semaphore_mem>>) src(%dma_wait3A_62 : memref<128xi32, #tpu.memory_space<hbm>>) dst(%arg9 : memref<128xi32, #tpu.memory_space<vmem>>)
      %dma_wait3A_63 = tpu.memref_slice %arg4[%mul3A_40] : memref<151808xi32, #tpu.memory_space<hbm>> -> memref<128xi32, #tpu.memory_space<hbm>>
      %dma_wait3A_64 = tpu.memref_slice %arg4[%mul3A_40] : memref<151808xi32, #tpu.memory_space<hbm>> -> memref<128xi32, #tpu.memory_space<hbm>>
      tpu.wait_dma2 semaphore(%arg17 : memref<!tpu.dma_semaphore, #tpu.memory_space<semaphore_mem>>) src(%dma_wait3A_64 : memref<128xi32, #tpu.memory_space<hbm>>) dst(%arg11 : memref<128xi32, #tpu.memory_space<vmem>>)
      %dma_wait3A_65 = arith.constant 0 : i32
      %dma_wait3A_66 = arith.constant 0 : i32
      %dma_wait3A_67 = tpu.memref_slice %arg2[%dma_wait3A_65, %dma_wait3A_66] : memref<4000x128xf32, #tpu.memory_space<hbm>> -> memref<128x128xf32, #tpu.memory_space<hbm>>
      %dma_wait3A_68 = arith.constant 0 : i32
      %dma_wait3A_69 = arith.constant 0 : i32
      %dma_wait3A_70 = tpu.memref_slice %arg2[%dma_wait3A_68, %dma_wait3A_69] : memref<4000x128xf32, #tpu.memory_space<hbm>> -> memref<128x128xf32, #tpu.memory_space<hbm>>
      tpu.wait_dma2 semaphore(%arg15 : memref<!tpu.dma_semaphore, #tpu.memory_space<semaphore_mem>>) src(%dma_wait3A_70 : memref<128x128xf32, #tpu.memory_space<hbm>>) dst(%arg12 : memref<128x128xf32, #tpu.memory_space<vmem>>)
    } else {
    }
    %eq3A = arith.constant 2 : i32
    %eq3A_9 = arith.cmpi eq, %add3A_1, %eq3A : i32
    %convert_element_type3A_10 = arith.extui %eq3A_9 : i1 to i32
    %cond3A_11 = arith.constant 0 : i32
    %cond3A_12 = arith.cmpi ne, %convert_element_type3A_10, %cond3A_11 : i32
    scf.if %cond3A_12 {
      %mul3A_39 = arith.constant 9472 : i32
      %mul3A_40 = arith.muli %arg1, %mul3A_39 : i32
      "tpu.region"() ({
        %run_scoped3A = tpu.sem_alloc : memref<!tpu.dma_semaphore, #tpu.memory_space<semaphore_mem>>
        tpu.enqueue_dma source(%arg6 : memref<128x128xf32, #tpu.memory_space<hbm>>) target(%arg12 : memref<128x128xf32, #tpu.memory_space<vmem>>) target_semaphore(%run_scoped3A : memref<!tpu.dma_semaphore, #tpu.memory_space<semaphore_mem>>)
        tpu.wait_dma2 semaphore(%run_scoped3A : memref<!tpu.dma_semaphore, #tpu.memory_space<semaphore_mem>>) src(%arg6 : memref<128x128xf32, #tpu.memory_space<hbm>>) dst(%arg12 : memref<128x128xf32, #tpu.memory_space<vmem>>)
        tpu.yield
      }) : () -> ()
      "tpu.region"() ({
        %run_scoped3A = tpu.sem_alloc : memref<!tpu.dma_semaphore, #tpu.memory_space<semaphore_mem>>
        %dma_start3A = tpu.memref_slice %arg4[%mul3A_40] : memref<151808xi32, #tpu.memory_space<hbm>> -> memref<128xi32, #tpu.memory_space<hbm>>
        %dma_start3A_45 = tpu.memref_slice %arg4[%mul3A_40] : memref<151808xi32, #tpu.memory_space<hbm>> -> memref<128xi32, #tpu.memory_space<hbm>>
        tpu.enqueue_dma source(%dma_start3A_45 : memref<128xi32, #tpu.memory_space<hbm>>) target(%arg10 : memref<128xi32, #tpu.memory_space<vmem>>) target_semaphore(%run_scoped3A : memref<!tpu.dma_semaphore, #tpu.memory_space<semaphore_mem>>)
        %dma_wait3A = tpu.memref_slice %arg4[%mul3A_40] : memref<151808xi32, #tpu.memory_space<hbm>> -> memref<128xi32, #tpu.memory_space<hbm>>
        %dma_wait3A_46 = tpu.memref_slice %arg4[%mul3A_40] : memref<151808xi32, #tpu.memory_space<hbm>> -> memref<128xi32, #tpu.memory_space<hbm>>
        tpu.wait_dma2 semaphore(%run_scoped3A : memref<!tpu.dma_semaphore, #tpu.memory_space<semaphore_mem>>) src(%dma_wait3A_46 : memref<128xi32, #tpu.memory_space<hbm>>) dst(%arg10 : memref<128xi32, #tpu.memory_space<vmem>>)
        tpu.yield
      }) : () -> ()
      %scan3A = arith.constant 0 : i32
      %scan3A_41 = arith.constant 37 : i32
      %scan3A_42 = arith.addi %scan3A, %scan3A_41 : i32
      %scan3A_43 = arith.constant 1 : i32
      scf.for %scan3A_45 = %scan3A to %scan3A_42 step %scan3A_43  : i32 {
        %mul3A_46 = arith.constant 1 : i32
        %mul3A_47 = arith.muli %scan3A_45, %mul3A_46 : i32
        %add3A_48 = arith.constant 0 : i32
        %add3A_49 = arith.addi %add3A_48, %mul3A_47 : i32
        %mul3A_50 = arith.constant 2 : i32
        %mul3A_51 = arith.muli %mul3A_50, %add3A_49 : i32
        %add3A_52 = arith.constant 1 : i32
        %add3A_53 = arith.addi %mul3A_51, %add3A_52 : i32
        %mul3A_54 = arith.constant 128 : i32
        %mul3A_55 = arith.muli %add3A_53, %mul3A_54 : i32
        %add3A_56 = arith.addi %mul3A_40, %mul3A_55 : i32
        %dma_start3A = tpu.memref_slice %arg4[%add3A_56] : memref<151808xi32, #tpu.memory_space<hbm>> -> memref<128xi32, #tpu.memory_space<hbm>>
        %dma_start3A_57 = tpu.memref_slice %arg4[%add3A_56] : memref<151808xi32, #tpu.memory_space<hbm>> -> memref<128xi32, #tpu.memory_space<hbm>>
        tpu.enqueue_dma source(%dma_start3A_57 : memref<128xi32, #tpu.memory_space<hbm>>) target(%arg11 : memref<128xi32, #tpu.memory_space<vmem>>) target_semaphore(%arg17 : memref<!tpu.dma_semaphore, #tpu.memory_space<semaphore_mem>>)
        "tpu.region"() ({
          %run_scoped3A = tpu.sem_alloc : memref<!tpu.dma_semaphore, #tpu.memory_space<semaphore_mem>>
          %dma_start3A_70 = arith.constant 0 : i32
          %dma_start3A_71 = arith.constant 0 : i32
          %dma_start3A_72 = tpu.memref_slice %arg14[%dma_start3A_70, %dma_start3A_71] : memref<10112x128xf32, #tpu.memory_space<vmem_shared>> -> memref<10112x128xf32, #tpu.memory_space<vmem_shared>>
          tpu.enqueue_indirect_dma source(%arg12 : memref<128x128xf32, #tpu.memory_space<vmem>>) target(%dma_start3A_72 : memref<10112x128xf32, #tpu.memory_space<vmem_shared>>) offsets(%arg10 : memref<128xi32, #tpu.memory_space<vmem>>) semaphore(%run_scoped3A : memref<!tpu.dma_semaphore, #tpu.memory_space<semaphore_mem>>) {add = true}
          %dma_wait3A_73 = arith.constant 0 : i32
          %dma_wait3A_74 = arith.constant 0 : i32
          %dma_wait3A_75 = tpu.memref_slice %arg14[%dma_wait3A_73, %dma_wait3A_74] : memref<10112x128xf32, #tpu.memory_space<vmem_shared>> -> memref<10112x128xf32, #tpu.memory_space<vmem_shared>>
          tpu.wait_indirect_dma semaphore(%run_scoped3A : memref<!tpu.dma_semaphore, #tpu.memory_space<semaphore_mem>>) src(%arg12 : memref<128x128xf32, #tpu.memory_space<vmem>>) dst(%dma_wait3A_75 : memref<10112x128xf32, #tpu.memory_space<vmem_shared>>)
          tpu.yield
        }) : () -> ()
        %dma_wait3A = tpu.memref_slice %arg4[%mul3A_40] : memref<151808xi32, #tpu.memory_space<hbm>> -> memref<128xi32, #tpu.memory_space<hbm>>
        %dma_wait3A_58 = tpu.memref_slice %arg4[%mul3A_40] : memref<151808xi32, #tpu.memory_space<hbm>> -> memref<128xi32, #tpu.memory_space<hbm>>
        tpu.wait_dma2 semaphore(%arg17 : memref<!tpu.dma_semaphore, #tpu.memory_space<semaphore_mem>>) src(%dma_wait3A_58 : memref<128xi32, #tpu.memory_space<hbm>>) dst(%arg11 : memref<128xi32, #tpu.memory_space<vmem>>)
        %mul3A_59 = arith.constant 2 : i32
        %mul3A_60 = arith.muli %mul3A_59, %add3A_49 : i32
        %add3A_61 = arith.constant 2 : i32
        %add3A_62 = arith.addi %mul3A_60, %add3A_61 : i32
        %mul3A_63 = arith.constant 128 : i32
        %mul3A_64 = arith.muli %add3A_62, %mul3A_63 : i32
        %add3A_65 = arith.addi %mul3A_40, %mul3A_64 : i32
        %dma_start3A_66 = tpu.memref_slice %arg4[%add3A_65] : memref<151808xi32, #tpu.memory_space<hbm>> -> memref<128xi32, #tpu.memory_space<hbm>>
        %dma_start3A_67 = tpu.memref_slice %arg4[%add3A_65] : memref<151808xi32, #tpu.memory_space<hbm>> -> memref<128xi32, #tpu.memory_space<hbm>>
        tpu.enqueue_dma source(%dma_start3A_67 : memref<128xi32, #tpu.memory_space<hbm>>) target(%arg10 : memref<128xi32, #tpu.memory_space<vmem>>) target_semaphore(%arg17 : memref<!tpu.dma_semaphore, #tpu.memory_space<semaphore_mem>>)
        "tpu.region"() ({
          %run_scoped3A = tpu.sem_alloc : memref<!tpu.dma_semaphore, #tpu.memory_space<semaphore_mem>>
          %dma_start3A_70 = arith.constant 0 : i32
          %dma_start3A_71 = arith.constant 0 : i32
          %dma_start3A_72 = tpu.memref_slice %arg14[%dma_start3A_70, %dma_start3A_71] : memref<10112x128xf32, #tpu.memory_space<vmem_shared>> -> memref<10112x128xf32, #tpu.memory_space<vmem_shared>>
          tpu.enqueue_indirect_dma source(%arg12 : memref<128x128xf32, #tpu.memory_space<vmem>>) target(%dma_start3A_72 : memref<10112x128xf32, #tpu.memory_space<vmem_shared>>) offsets(%arg11 : memref<128xi32, #tpu.memory_space<vmem>>) semaphore(%run_scoped3A : memref<!tpu.dma_semaphore, #tpu.memory_space<semaphore_mem>>) {add = true}
          %dma_wait3A_73 = arith.constant 0 : i32
          %dma_wait3A_74 = arith.constant 0 : i32
          %dma_wait3A_75 = tpu.memref_slice %arg14[%dma_wait3A_73, %dma_wait3A_74] : memref<10112x128xf32, #tpu.memory_space<vmem_shared>> -> memref<10112x128xf32, #tpu.memory_space<vmem_shared>>
          tpu.wait_indirect_dma semaphore(%run_scoped3A : memref<!tpu.dma_semaphore, #tpu.memory_space<semaphore_mem>>) src(%arg12 : memref<128x128xf32, #tpu.memory_space<vmem>>) dst(%dma_wait3A_75 : memref<10112x128xf32, #tpu.memory_space<vmem_shared>>)
          tpu.yield
        }) : () -> ()
        %dma_wait3A_68 = tpu.memref_slice %arg4[%mul3A_40] : memref<151808xi32, #tpu.memory_space<hbm>> -> memref<128xi32, #tpu.memory_space<hbm>>
        %dma_wait3A_69 = tpu.memref_slice %arg4[%mul3A_40] : memref<151808xi32, #tpu.memory_space<hbm>> -> memref<128xi32, #tpu.memory_space<hbm>>
        tpu.wait_dma2 semaphore(%arg17 : memref<!tpu.dma_semaphore, #tpu.memory_space<semaphore_mem>>) src(%dma_wait3A_69 : memref<128xi32, #tpu.memory_space<hbm>>) dst(%arg10 : memref<128xi32, #tpu.memory_space<vmem>>)
      }
      %scan3A_44 = arith.constant 37 : i32
    } else {
    }
    %barrier3A_13 = arith.constant 0 : index
    tpu.barrier barrier_id(%barrier3A_13)
    %convert_element_type3A_14 = arith.extui %lt3A_2 : i1 to i32
    %cond3A_15 = arith.constant 0 : i32
    %cond3A_16 = arith.cmpi ne, %convert_element_type3A_14, %cond3A_15 : i32
    scf.if %cond3A_16 {
      "tpu.region"() ({
        %run_scoped3A = tpu.sem_alloc : memref<!tpu.dma_semaphore, #tpu.memory_space<semaphore_mem>>
        %dma_start3A = arith.constant 0 : i32
        %dma_start3A_39 = tpu.memref_slice %arg7[%add3A_1, %mul3A_0, %dma_start3A] : memref<3x10112x128xf32, #tpu.memory_space<hbm>> -> memref<1x632x128xf32, #tpu.memory_space<hbm>>
        %dma_start3A_40 = tpu.memref_squeeze %dma_start3A_39 : memref<1x632x128xf32, #tpu.memory_space<hbm>> -> memref<632x128xf32, #tpu.memory_space<hbm>>
        %dma_start3A_41 = arith.constant 0 : i32
        %dma_start3A_42 = tpu.memref_slice %arg14[%mul3A_0, %dma_start3A_41] : memref<10112x128xf32, #tpu.memory_space<vmem_shared>> -> memref<632x128xf32, #tpu.memory_space<vmem_shared>>
        tpu.enqueue_dma source(%dma_start3A_42 : memref<632x128xf32, #tpu.memory_space<vmem_shared>>) target(%dma_start3A_40 : memref<632x128xf32, #tpu.memory_space<hbm>>) target_semaphore(%run_scoped3A : memref<!tpu.dma_semaphore, #tpu.memory_space<semaphore_mem>>)
        %dma_wait3A = arith.constant 0 : i32
        %dma_wait3A_43 = tpu.memref_slice %arg7[%add3A_1, %mul3A_0, %dma_wait3A] : memref<3x10112x128xf32, #tpu.memory_space<hbm>> -> memref<1x632x128xf32, #tpu.memory_space<hbm>>
        %dma_wait3A_44 = tpu.memref_squeeze %dma_wait3A_43 : memref<1x632x128xf32, #tpu.memory_space<hbm>> -> memref<632x128xf32, #tpu.memory_space<hbm>>
        %dma_wait3A_45 = arith.constant 0 : i32
        %dma_wait3A_46 = tpu.memref_slice %arg14[%mul3A_0, %dma_wait3A_45] : memref<10112x128xf32, #tpu.memory_space<vmem_shared>> -> memref<632x128xf32, #tpu.memory_space<vmem_shared>>
        tpu.wait_dma2 semaphore(%run_scoped3A : memref<!tpu.dma_semaphore, #tpu.memory_space<semaphore_mem>>) src(%dma_wait3A_46 : memref<632x128xf32, #tpu.memory_space<vmem_shared>>) dst(%dma_wait3A_44 : memref<632x128xf32, #tpu.memory_space<hbm>>)
        tpu.yield
      }) : () -> ()
    } else {
    }
    %add3A_17 = arith.constant 2 : i32
    %add3A_18 = arith.addi %add3A_17, %arg0 : i32
    %lt3A_19 = arith.constant 3 : i32
    %lt3A_20 = arith.cmpi slt, %add3A_18, %lt3A_19 : i32
    %convert_element_type3A_21 = arith.extui %lt3A_20 : i1 to i32
    %cond3A_22 = arith.constant 0 : i32
    %cond3A_23 = arith.cmpi ne, %convert_element_type3A_21, %cond3A_22 : i32
    scf.if %cond3A_23 {
      "tpu.region"() ({
        %run_scoped3A = tpu.sem_alloc : memref<!tpu.dma_semaphore, #tpu.memory_space<semaphore_mem>>
        %dma_start3A = arith.constant 0 : i32
        %dma_start3A_39 = tpu.memref_slice %arg14[%mul3A_0, %dma_start3A] : memref<10112x128xf32, #tpu.memory_space<vmem_shared>> -> memref<632x128xf32, #tpu.memory_space<vmem_shared>>
        %dma_start3A_40 = arith.constant 0 : i32
        %dma_start3A_41 = tpu.memref_slice %arg5[%mul3A_0, %dma_start3A_40] : memref<10112x128xf32, #tpu.memory_space<hbm>> -> memref<632x128xf32, #tpu.memory_space<hbm>>
        tpu.enqueue_dma source(%dma_start3A_41 : memref<632x128xf32, #tpu.memory_space<hbm>>) target(%dma_start3A_39 : memref<632x128xf32, #tpu.memory_space<vmem_shared>>) target_semaphore(%run_scoped3A : memref<!tpu.dma_semaphore, #tpu.memory_space<semaphore_mem>>)
        %dma_wait3A = arith.constant 0 : i32
        %dma_wait3A_42 = tpu.memref_slice %arg14[%mul3A_0, %dma_wait3A] : memref<10112x128xf32, #tpu.memory_space<vmem_shared>> -> memref<632x128xf32, #tpu.memory_space<vmem_shared>>
        %dma_wait3A_43 = arith.constant 0 : i32
        %dma_wait3A_44 = tpu.memref_slice %arg5[%mul3A_0, %dma_wait3A_43] : memref<10112x128xf32, #tpu.memory_space<hbm>> -> memref<632x128xf32, #tpu.memory_space<hbm>>
        tpu.wait_dma2 semaphore(%run_scoped3A : memref<!tpu.dma_semaphore, #tpu.memory_space<semaphore_mem>>) src(%dma_wait3A_44 : memref<632x128xf32, #tpu.memory_space<hbm>>) dst(%dma_wait3A_42 : memref<632x128xf32, #tpu.memory_space<vmem_shared>>)
        tpu.yield
      }) : () -> ()
    } else {
    }
    %barrier3A_24 = arith.constant 0 : index
    tpu.barrier barrier_id(%barrier3A_24)
    %lt3A_25 = arith.constant 2 : i32
    %lt3A_26 = arith.cmpi slt, %add3A_18, %lt3A_25 : i32
    %convert_element_type3A_27 = arith.extui %lt3A_26 : i1 to i32
    %cond3A_28 = arith.constant 0 : i32
    %cond3A_29 = arith.cmpi ne, %convert_element_type3A_27, %cond3A_28 : i32
    scf.if %cond3A_29 {
      %mul3A_39 = arith.constant 9472 : i32
      %mul3A_40 = arith.muli %arg1, %mul3A_39 : i32
      %mul3A_41 = arith.constant 151552 : i32
      %mul3A_42 = arith.muli %add3A_18, %mul3A_41 : i32
      %add3A_43 = arith.addi %mul3A_42, %mul3A_40 : i32
      %add3A_44 = arith.constant 0 : i32
      %add3A_45 = arith.addi %add3A_43, %add3A_44 : i32
      "tpu.region"() ({
        %run_scoped3A = tpu.sem_alloc : memref<!tpu.dma_semaphore, #tpu.memory_space<semaphore_mem>>
        %dma_start3A_71 = tpu.memref_slice %arg3[%add3A_45] : memref<303360xi32, #tpu.memory_space<hbm>> -> memref<128xi32, #tpu.memory_space<hbm>>
        %dma_start3A_72 = tpu.memref_slice %arg3[%add3A_45] : memref<303360xi32, #tpu.memory_space<hbm>> -> memref<128xi32, #tpu.memory_space<hbm>>
        tpu.enqueue_dma source(%dma_start3A_72 : memref<128xi32, #tpu.memory_space<hbm>>) target(%arg8 : memref<128xi32, #tpu.memory_space<vmem>>) target_semaphore(%run_scoped3A : memref<!tpu.dma_semaphore, #tpu.memory_space<semaphore_mem>>)
        %dma_wait3A_73 = tpu.memref_slice %arg3[%add3A_45] : memref<303360xi32, #tpu.memory_space<hbm>> -> memref<128xi32, #tpu.memory_space<hbm>>
        %dma_wait3A_74 = tpu.memref_slice %arg3[%add3A_45] : memref<303360xi32, #tpu.memory_space<hbm>> -> memref<128xi32, #tpu.memory_space<hbm>>
        tpu.wait_dma2 semaphore(%run_scoped3A : memref<!tpu.dma_semaphore, #tpu.memory_space<semaphore_mem>>) src(%dma_wait3A_74 : memref<128xi32, #tpu.memory_space<hbm>>) dst(%arg8 : memref<128xi32, #tpu.memory_space<vmem>>)
        tpu.yield
      }) : () -> ()
      %add3A_46 = arith.constant 0 : i32
      %add3A_47 = arith.addi %mul3A_40, %add3A_46 : i32
      "tpu.region"() ({
        %run_scoped3A = tpu.sem_alloc : memref<!tpu.dma_semaphore, #tpu.memory_space<semaphore_mem>>
        %dma_start3A_71 = tpu.memref_slice %arg4[%add3A_47] : memref<151808xi32, #tpu.memory_space<hbm>> -> memref<128xi32, #tpu.memory_space<hbm>>
        %dma_start3A_72 = tpu.memref_slice %arg4[%add3A_47] : memref<151808xi32, #tpu.memory_space<hbm>> -> memref<128xi32, #tpu.memory_space<hbm>>
        tpu.enqueue_dma source(%dma_start3A_72 : memref<128xi32, #tpu.memory_space<hbm>>) target(%arg10 : memref<128xi32, #tpu.memory_space<vmem>>) target_semaphore(%run_scoped3A : memref<!tpu.dma_semaphore, #tpu.memory_space<semaphore_mem>>)
        %dma_wait3A_73 = tpu.memref_slice %arg4[%add3A_47] : memref<151808xi32, #tpu.memory_space<hbm>> -> memref<128xi32, #tpu.memory_space<hbm>>
        %dma_wait3A_74 = tpu.memref_slice %arg4[%add3A_47] : memref<151808xi32, #tpu.memory_space<hbm>> -> memref<128xi32, #tpu.memory_space<hbm>>
        tpu.wait_dma2 semaphore(%run_scoped3A : memref<!tpu.dma_semaphore, #tpu.memory_space<semaphore_mem>>) src(%dma_wait3A_74 : memref<128xi32, #tpu.memory_space<hbm>>) dst(%arg10 : memref<128xi32, #tpu.memory_space<vmem>>)
        tpu.yield
      }) : () -> ()
      %dma_start3A = arith.constant 0 : i32
      %dma_start3A_48 = arith.constant 0 : i32
      %dma_start3A_49 = tpu.memref_slice %arg2[%dma_start3A, %dma_start3A_48] : memref<4000x128xf32, #tpu.memory_space<hbm>> -> memref<4000x128xf32, #tpu.memory_space<hbm>>
      tpu.enqueue_indirect_dma source(%dma_start3A_49 : memref<4000x128xf32, #tpu.memory_space<hbm>>) target(%arg12 : memref<128x128xf32, #tpu.memory_space<vmem>>) offsets(%arg8 : memref<128xi32, #tpu.memory_space<vmem>>) semaphore(%arg15 : memref<!tpu.dma_semaphore, #tpu.memory_space<semaphore_mem>>)
      %add3A_50 = arith.constant 128 : i32
      %add3A_51 = arith.addi %add3A_43, %add3A_50 : i32
      %dma_start3A_52 = tpu.memref_slice %arg3[%add3A_51] : memref<303360xi32, #tpu.memory_space<hbm>> -> memref<128xi32, #tpu.memory_space<hbm>>
      %dma_start3A_53 = tpu.memref_slice %arg3[%add3A_51] : memref<303360xi32, #tpu.memory_space<hbm>> -> memref<128xi32, #tpu.memory_space<hbm>>
      tpu.enqueue_dma source(%dma_start3A_53 : memref<128xi32, #tpu.memory_space<hbm>>) target(%arg9 : memref<128xi32, #tpu.memory_space<vmem>>) target_semaphore(%arg17 : memref<!tpu.dma_semaphore, #tpu.memory_space<semaphore_mem>>)
      %add3A_54 = arith.constant 128 : i32
      %add3A_55 = arith.addi %mul3A_40, %add3A_54 : i32
      %dma_start3A_56 = tpu.memref_slice %arg4[%add3A_55] : memref<151808xi32, #tpu.memory_space<hbm>> -> memref<128xi32, #tpu.memory_space<hbm>>
      %dma_start3A_57 = tpu.memref_slice %arg4[%add3A_55] : memref<151808xi32, #tpu.memory_space<hbm>> -> memref<128xi32, #tpu.memory_space<hbm>>
      tpu.enqueue_dma source(%dma_start3A_57 : memref<128xi32, #tpu.memory_space<hbm>>) target(%arg11 : memref<128xi32, #tpu.memory_space<vmem>>) target_semaphore(%arg17 : memref<!tpu.dma_semaphore, #tpu.memory_space<semaphore_mem>>)
      %scan3A = arith.constant 0 : i32
      %scan3A_58 = arith.constant 37 : i32
      %scan3A_59 = arith.addi %scan3A, %scan3A_58 : i32
      %scan3A_60 = arith.constant 1 : i32
      scf.for %scan3A_71 = %scan3A to %scan3A_59 step %scan3A_60  : i32 {
        %mul3A_72 = arith.constant 1 : i32
        %mul3A_73 = arith.muli %scan3A_71, %mul3A_72 : i32
        %add3A_74 = arith.constant 0 : i32
        %add3A_75 = arith.addi %add3A_74, %mul3A_73 : i32
        %dma_wait3A_76 = tpu.memref_slice %arg3[%add3A_43] : memref<303360xi32, #tpu.memory_space<hbm>> -> memref<128xi32, #tpu.memory_space<hbm>>
        %dma_wait3A_77 = tpu.memref_slice %arg3[%add3A_43] : memref<303360xi32, #tpu.memory_space<hbm>> -> memref<128xi32, #tpu.memory_space<hbm>>
        tpu.wait_dma2 semaphore(%arg17 : memref<!tpu.dma_semaphore, #tpu.memory_space<semaphore_mem>>) src(%dma_wait3A_77 : memref<128xi32, #tpu.memory_space<hbm>>) dst(%arg9 : memref<128xi32, #tpu.memory_space<vmem>>)
        %dma_wait3A_78 = tpu.memref_slice %arg4[%mul3A_40] : memref<151808xi32, #tpu.memory_space<hbm>> -> memref<128xi32, #tpu.memory_space<hbm>>
        %dma_wait3A_79 = tpu.memref_slice %arg4[%mul3A_40] : memref<151808xi32, #tpu.memory_space<hbm>> -> memref<128xi32, #tpu.memory_space<hbm>>
        tpu.wait_dma2 semaphore(%arg17 : memref<!tpu.dma_semaphore, #tpu.memory_space<semaphore_mem>>) src(%dma_wait3A_79 : memref<128xi32, #tpu.memory_space<hbm>>) dst(%arg11 : memref<128xi32, #tpu.memory_space<vmem>>)
        %dma_start3A_80 = arith.constant 0 : i32
        %dma_start3A_81 = arith.constant 0 : i32
        %dma_start3A_82 = tpu.memref_slice %arg2[%dma_start3A_80, %dma_start3A_81] : memref<4000x128xf32, #tpu.memory_space<hbm>> -> memref<4000x128xf32, #tpu.memory_space<hbm>>
        tpu.enqueue_indirect_dma source(%dma_start3A_82 : memref<4000x128xf32, #tpu.memory_space<hbm>>) target(%arg13 : memref<128x128xf32, #tpu.memory_space<vmem>>) offsets(%arg9 : memref<128xi32, #tpu.memory_space<vmem>>) semaphore(%arg16 : memref<!tpu.dma_semaphore, #tpu.memory_space<semaphore_mem>>)
        %dma_wait3A_83 = arith.constant 0 : i32
        %dma_wait3A_84 = arith.constant 0 : i32
        %dma_wait3A_85 = tpu.memref_slice %arg2[%dma_wait3A_83, %dma_wait3A_84] : memref<4000x128xf32, #tpu.memory_space<hbm>> -> memref<128x128xf32, #tpu.memory_space<hbm>>
        %dma_wait3A_86 = arith.constant 0 : i32
        %dma_wait3A_87 = arith.constant 0 : i32
        %dma_wait3A_88 = tpu.memref_slice %arg2[%dma_wait3A_86, %dma_wait3A_87] : memref<4000x128xf32, #tpu.memory_space<hbm>> -> memref<128x128xf32, #tpu.memory_space<hbm>>
        tpu.wait_dma2 semaphore(%arg15 : memref<!tpu.dma_semaphore, #tpu.memory_space<semaphore_mem>>) src(%dma_wait3A_88 : memref<128x128xf32, #tpu.memory_space<hbm>>) dst(%arg12 : memref<128x128xf32, #tpu.memory_space<vmem>>)
        "tpu.region"() ({
          %run_scoped3A = tpu.sem_alloc : memref<!tpu.dma_semaphore, #tpu.memory_space<semaphore_mem>>
          %dma_start3A_130 = arith.constant 0 : i32
          %dma_start3A_131 = arith.constant 0 : i32
          %dma_start3A_132 = tpu.memref_slice %arg14[%dma_start3A_130, %dma_start3A_131] : memref<10112x128xf32, #tpu.memory_space<vmem_shared>> -> memref<10112x128xf32, #tpu.memory_space<vmem_shared>>
          tpu.enqueue_indirect_dma source(%arg12 : memref<128x128xf32, #tpu.memory_space<vmem>>) target(%dma_start3A_132 : memref<10112x128xf32, #tpu.memory_space<vmem_shared>>) offsets(%arg10 : memref<128xi32, #tpu.memory_space<vmem>>) semaphore(%run_scoped3A : memref<!tpu.dma_semaphore, #tpu.memory_space<semaphore_mem>>) {add = true}
          %dma_wait3A_133 = arith.constant 0 : i32
          %dma_wait3A_134 = arith.constant 0 : i32
          %dma_wait3A_135 = tpu.memref_slice %arg14[%dma_wait3A_133, %dma_wait3A_134] : memref<10112x128xf32, #tpu.memory_space<vmem_shared>> -> memref<10112x128xf32, #tpu.memory_space<vmem_shared>>
          tpu.wait_indirect_dma semaphore(%run_scoped3A : memref<!tpu.dma_semaphore, #tpu.memory_space<semaphore_mem>>) src(%arg12 : memref<128x128xf32, #tpu.memory_space<vmem>>) dst(%dma_wait3A_135 : memref<10112x128xf32, #tpu.memory_space<vmem_shared>>)
          tpu.yield
        }) : () -> ()
        %mul3A_89 = arith.constant 2 : i32
        %mul3A_90 = arith.muli %add3A_75, %mul3A_89 : i32
        %add3A_91 = arith.constant 0 : i32
        %add3A_92 = arith.addi %mul3A_90, %add3A_91 : i32
        %add3A_93 = arith.constant 2 : i32
        %add3A_94 = arith.addi %add3A_92, %add3A_93 : i32
        %mul3A_95 = arith.constant 128 : i32
        %mul3A_96 = arith.muli %add3A_94, %mul3A_95 : i32
        %add3A_97 = arith.addi %add3A_43, %mul3A_96 : i32
        %dma_start3A_98 = tpu.memref_slice %arg3[%add3A_97] : memref<303360xi32, #tpu.memory_space<hbm>> -> memref<128xi32, #tpu.memory_space<hbm>>
        %dma_start3A_99 = tpu.memref_slice %arg3[%add3A_97] : memref<303360xi32, #tpu.memory_space<hbm>> -> memref<128xi32, #tpu.memory_space<hbm>>
        tpu.enqueue_dma source(%dma_start3A_99 : memref<128xi32, #tpu.memory_space<hbm>>) target(%arg8 : memref<128xi32, #tpu.memory_space<vmem>>) target_semaphore(%arg17 : memref<!tpu.dma_semaphore, #tpu.memory_space<semaphore_mem>>)
        %add3A_100 = arith.addi %mul3A_40, %mul3A_96 : i32
        %dma_start3A_101 = tpu.memref_slice %arg4[%add3A_100] : memref<151808xi32, #tpu.memory_space<hbm>> -> memref<128xi32, #tpu.memory_space<hbm>>
        %dma_start3A_102 = tpu.memref_slice %arg4[%add3A_100] : memref<151808xi32, #tpu.memory_space<hbm>> -> memref<128xi32, #tpu.memory_space<hbm>>
        tpu.enqueue_dma source(%dma_start3A_102 : memref<128xi32, #tpu.memory_space<hbm>>) target(%arg10 : memref<128xi32, #tpu.memory_space<vmem>>) target_semaphore(%arg17 : memref<!tpu.dma_semaphore, #tpu.memory_space<semaphore_mem>>)
        %dma_wait3A_103 = tpu.memref_slice %arg3[%add3A_43] : memref<303360xi32, #tpu.memory_space<hbm>> -> memref<128xi32, #tpu.memory_space<hbm>>
        %dma_wait3A_104 = tpu.memref_slice %arg3[%add3A_43] : memref<303360xi32, #tpu.memory_space<hbm>> -> memref<128xi32, #tpu.memory_space<hbm>>
        tpu.wait_dma2 semaphore(%arg17 : memref<!tpu.dma_semaphore, #tpu.memory_space<semaphore_mem>>) src(%dma_wait3A_104 : memref<128xi32, #tpu.memory_space<hbm>>) dst(%arg8 : memref<128xi32, #tpu.memory_space<vmem>>)
        %dma_wait3A_105 = tpu.memref_slice %arg4[%mul3A_40] : memref<151808xi32, #tpu.memory_space<hbm>> -> memref<128xi32, #tpu.memory_space<hbm>>
        %dma_wait3A_106 = tpu.memref_slice %arg4[%mul3A_40] : memref<151808xi32, #tpu.memory_space<hbm>> -> memref<128xi32, #tpu.memory_space<hbm>>
        tpu.wait_dma2 semaphore(%arg17 : memref<!tpu.dma_semaphore, #tpu.memory_space<semaphore_mem>>) src(%dma_wait3A_106 : memref<128xi32, #tpu.memory_space<hbm>>) dst(%arg10 : memref<128xi32, #tpu.memory_space<vmem>>)
        %dma_start3A_107 = arith.constant 0 : i32
        %dma_start3A_108 = arith.constant 0 : i32
        %dma_start3A_109 = tpu.memref_slice %arg2[%dma_start3A_107, %dma_start3A_108] : memref<4000x128xf32, #tpu.memory_space<hbm>> -> memref<4000x128xf32, #tpu.memory_space<hbm>>
        tpu.enqueue_indirect_dma source(%dma_start3A_109 : memref<4000x128xf32, #tpu.memory_space<hbm>>) target(%arg12 : memref<128x128xf32, #tpu.memory_space<vmem>>) offsets(%arg8 : memref<128xi32, #tpu.memory_space<vmem>>) semaphore(%arg15 : memref<!tpu.dma_semaphore, #tpu.memory_space<semaphore_mem>>)
        %dma_wait3A_110 = arith.constant 0 : i32
        %dma_wait3A_111 = arith.constant 0 : i32
        %dma_wait3A_112 = tpu.memref_slice %arg2[%dma_wait3A_110, %dma_wait3A_111] : memref<4000x128xf32, #tpu.memory_space<hbm>> -> memref<128x128xf32, #tpu.memory_space<hbm>>
        %dma_wait3A_113 = arith.constant 0 : i32
        %dma_wait3A_114 = arith.constant 0 : i32
        %dma_wait3A_115 = tpu.memref_slice %arg2[%dma_wait3A_113, %dma_wait3A_114] : memref<4000x128xf32, #tpu.memory_space<hbm>> -> memref<128x128xf32, #tpu.memory_space<hbm>>
        tpu.wait_dma2 semaphore(%arg16 : memref<!tpu.dma_semaphore, #tpu.memory_space<semaphore_mem>>) src(%dma_wait3A_115 : memref<128x128xf32, #tpu.memory_space<hbm>>) dst(%arg13 : memref<128x128xf32, #tpu.memory_space<vmem>>)
        "tpu.region"() ({
          %run_scoped3A = tpu.sem_alloc : memref<!tpu.dma_semaphore, #tpu.memory_space<semaphore_mem>>
          %dma_start3A_130 = arith.constant 0 : i32
          %dma_start3A_131 = arith.constant 0 : i32
          %dma_start3A_132 = tpu.memref_slice %arg14[%dma_start3A_130, %dma_start3A_131] : memref<10112x128xf32, #tpu.memory_space<vmem_shared>> -> memref<10112x128xf32, #tpu.memory_space<vmem_shared>>
          tpu.enqueue_indirect_dma source(%arg13 : memref<128x128xf32, #tpu.memory_space<vmem>>) target(%dma_start3A_132 : memref<10112x128xf32, #tpu.memory_space<vmem_shared>>) offsets(%arg11 : memref<128xi32, #tpu.memory_space<vmem>>) semaphore(%run_scoped3A : memref<!tpu.dma_semaphore, #tpu.memory_space<semaphore_mem>>) {add = true}
          %dma_wait3A_133 = arith.constant 0 : i32
          %dma_wait3A_134 = arith.constant 0 : i32
          %dma_wait3A_135 = tpu.memref_slice %arg14[%dma_wait3A_133, %dma_wait3A_134] : memref<10112x128xf32, #tpu.memory_space<vmem_shared>> -> memref<10112x128xf32, #tpu.memory_space<vmem_shared>>
          tpu.wait_indirect_dma semaphore(%run_scoped3A : memref<!tpu.dma_semaphore, #tpu.memory_space<semaphore_mem>>) src(%arg13 : memref<128x128xf32, #tpu.memory_space<vmem>>) dst(%dma_wait3A_135 : memref<10112x128xf32, #tpu.memory_space<vmem_shared>>)
          tpu.yield
        }) : () -> ()
        %mul3A_116 = arith.constant 2 : i32
        %mul3A_117 = arith.muli %add3A_75, %mul3A_116 : i32
        %add3A_118 = arith.constant 1 : i32
        %add3A_119 = arith.addi %mul3A_117, %add3A_118 : i32
        %add3A_120 = arith.constant 2 : i32
        %add3A_121 = arith.addi %add3A_119, %add3A_120 : i32
        %mul3A_122 = arith.constant 128 : i32
        %mul3A_123 = arith.muli %add3A_121, %mul3A_122 : i32
        %add3A_124 = arith.addi %add3A_43, %mul3A_123 : i32
        %dma_start3A_125 = tpu.memref_slice %arg3[%add3A_124] : memref<303360xi32, #tpu.memory_space<hbm>> -> memref<128xi32, #tpu.memory_space<hbm>>
        %dma_start3A_126 = tpu.memref_slice %arg3[%add3A_124] : memref<303360xi32, #tpu.memory_space<hbm>> -> memref<128xi32, #tpu.memory_space<hbm>>
        tpu.enqueue_dma source(%dma_start3A_126 : memref<128xi32, #tpu.memory_space<hbm>>) target(%arg9 : memref<128xi32, #tpu.memory_space<vmem>>) target_semaphore(%arg17 : memref<!tpu.dma_semaphore, #tpu.memory_space<semaphore_mem>>)
        %add3A_127 = arith.addi %mul3A_40, %mul3A_123 : i32
        %dma_start3A_128 = tpu.memref_slice %arg4[%add3A_127] : memref<151808xi32, #tpu.memory_space<hbm>> -> memref<128xi32, #tpu.memory_space<hbm>>
        %dma_start3A_129 = tpu.memref_slice %arg4[%add3A_127] : memref<151808xi32, #tpu.memory_space<hbm>> -> memref<128xi32, #tpu.memory_space<hbm>>
        tpu.enqueue_dma source(%dma_start3A_129 : memref<128xi32, #tpu.memory_space<hbm>>) target(%arg11 : memref<128xi32, #tpu.memory_space<vmem>>) target_semaphore(%arg17 : memref<!tpu.dma_semaphore, #tpu.memory_space<semaphore_mem>>)
      }
      %scan3A_61 = arith.constant 37 : i32
      %dma_wait3A = tpu.memref_slice %arg3[%add3A_43] : memref<303360xi32, #tpu.memory_space<hbm>> -> memref<128xi32, #tpu.memory_space<hbm>>
      %dma_wait3A_62 = tpu.memref_slice %arg3[%add3A_43] : memref<303360xi32, #tpu.memory_space<hbm>> -> memref<128xi32, #tpu.memory_space<hbm>>
      tpu.wait_dma2 semaphore(%arg17 : memref<!tpu.dma_semaphore, #tpu.memory_space<semaphore_mem>>) src(%dma_wait3A_62 : memref<128xi32, #tpu.memory_space<hbm>>) dst(%arg9 : memref<128xi32, #tpu.memory_space<vmem>>)
      %dma_wait3A_63 = tpu.memref_slice %arg4[%mul3A_40] : memref<151808xi32, #tpu.memory_space<hbm>> -> memref<128xi32, #tpu.memory_space<hbm>>
      %dma_wait3A_64 = tpu.memref_slice %arg4[%mul3A_40] : memref<151808xi32, #tpu.memory_space<hbm>> -> memref<128xi32, #tpu.memory_space<hbm>>
      tpu.wait_dma2 semaphore(%arg17 : memref<!tpu.dma_semaphore, #tpu.memory_space<semaphore_mem>>) src(%dma_wait3A_64 : memref<128xi32, #tpu.memory_space<hbm>>) dst(%arg11 : memref<128xi32, #tpu.memory_space<vmem>>)
      %dma_wait3A_65 = arith.constant 0 : i32
      %dma_wait3A_66 = arith.constant 0 : i32
      %dma_wait3A_67 = tpu.memref_slice %arg2[%dma_wait3A_65, %dma_wait3A_66] : memref<4000x128xf32, #tpu.memory_space<hbm>> -> memref<128x128xf32, #tpu.memory_space<hbm>>
      %dma_wait3A_68 = arith.constant 0 : i32
      %dma_wait3A_69 = arith.constant 0 : i32
      %dma_wait3A_70 = tpu.memref_slice %arg2[%dma_wait3A_68, %dma_wait3A_69] : memref<4000x128xf32, #tpu.memory_space<hbm>> -> memref<128x128xf32, #tpu.memory_space<hbm>>
      tpu.wait_dma2 semaphore(%arg15 : memref<!tpu.dma_semaphore, #tpu.memory_space<semaphore_mem>>) src(%dma_wait3A_70 : memref<128x128xf32, #tpu.memory_space<hbm>>) dst(%arg12 : memref<128x128xf32, #tpu.memory_space<vmem>>)
    } else {
    }
    %eq3A_30 = arith.constant 2 : i32
    %eq3A_31 = arith.cmpi eq, %add3A_18, %eq3A_30 : i32
    %convert_element_type3A_32 = arith.extui %eq3A_31 : i1 to i32
    %cond3A_33 = arith.constant 0 : i32
    %cond3A_34 = arith.cmpi ne, %convert_element_type3A_32, %cond3A_33 : i32
    scf.if %cond3A_34 {
      %mul3A_39 = arith.constant 9472 : i32
      %mul3A_40 = arith.muli %arg1, %mul3A_39 : i32
      "tpu.region"() ({
        %run_scoped3A = tpu.sem_alloc : memref<!tpu.dma_semaphore, #tpu.memory_space<semaphore_mem>>
        tpu.enqueue_dma source(%arg6 : memref<128x128xf32, #tpu.memory_space<hbm>>) target(%arg12 : memref<128x128xf32, #tpu.memory_space<vmem>>) target_semaphore(%run_scoped3A : memref<!tpu.dma_semaphore, #tpu.memory_space<semaphore_mem>>)
        tpu.wait_dma2 semaphore(%run_scoped3A : memref<!tpu.dma_semaphore, #tpu.memory_space<semaphore_mem>>) src(%arg6 : memref<128x128xf32, #tpu.memory_space<hbm>>) dst(%arg12 : memref<128x128xf32, #tpu.memory_space<vmem>>)
        tpu.yield
      }) : () -> ()
      "tpu.region"() ({
        %run_scoped3A = tpu.sem_alloc : memref<!tpu.dma_semaphore, #tpu.memory_space<semaphore_mem>>
        %dma_start3A = tpu.memref_slice %arg4[%mul3A_40] : memref<151808xi32, #tpu.memory_space<hbm>> -> memref<128xi32, #tpu.memory_space<hbm>>
        %dma_start3A_45 = tpu.memref_slice %arg4[%mul3A_40] : memref<151808xi32, #tpu.memory_space<hbm>> -> memref<128xi32, #tpu.memory_space<hbm>>
        tpu.enqueue_dma source(%dma_start3A_45 : memref<128xi32, #tpu.memory_space<hbm>>) target(%arg10 : memref<128xi32, #tpu.memory_space<vmem>>) target_semaphore(%run_scoped3A : memref<!tpu.dma_semaphore, #tpu.memory_space<semaphore_mem>>)
        %dma_wait3A = tpu.memref_slice %arg4[%mul3A_40] : memref<151808xi32, #tpu.memory_space<hbm>> -> memref<128xi32, #tpu.memory_space<hbm>>
        %dma_wait3A_46 = tpu.memref_slice %arg4[%mul3A_40] : memref<151808xi32, #tpu.memory_space<hbm>> -> memref<128xi32, #tpu.memory_space<hbm>>
        tpu.wait_dma2 semaphore(%run_scoped3A : memref<!tpu.dma_semaphore, #tpu.memory_space<semaphore_mem>>) src(%dma_wait3A_46 : memref<128xi32, #tpu.memory_space<hbm>>) dst(%arg10 : memref<128xi32, #tpu.memory_space<vmem>>)
        tpu.yield
      }) : () -> ()
      %scan3A = arith.constant 0 : i32
      %scan3A_41 = arith.constant 37 : i32
      %scan3A_42 = arith.addi %scan3A, %scan3A_41 : i32
      %scan3A_43 = arith.constant 1 : i32
      scf.for %scan3A_45 = %scan3A to %scan3A_42 step %scan3A_43  : i32 {
        %mul3A_46 = arith.constant 1 : i32
        %mul3A_47 = arith.muli %scan3A_45, %mul3A_46 : i32
        %add3A_48 = arith.constant 0 : i32
        %add3A_49 = arith.addi %add3A_48, %mul3A_47 : i32
        %mul3A_50 = arith.constant 2 : i32
        %mul3A_51 = arith.muli %mul3A_50, %add3A_49 : i32
        %add3A_52 = arith.constant 1 : i32
        %add3A_53 = arith.addi %mul3A_51, %add3A_52 : i32
        %mul3A_54 = arith.constant 128 : i32
        %mul3A_55 = arith.muli %add3A_53, %mul3A_54 : i32
        %add3A_56 = arith.addi %mul3A_40, %mul3A_55 : i32
        %dma_start3A = tpu.memref_slice %arg4[%add3A_56] : memref<151808xi32, #tpu.memory_space<hbm>> -> memref<128xi32, #tpu.memory_space<hbm>>
        %dma_start3A_57 = tpu.memref_slice %arg4[%add3A_56] : memref<151808xi32, #tpu.memory_space<hbm>> -> memref<128xi32, #tpu.memory_space<hbm>>
        tpu.enqueue_dma source(%dma_start3A_57 : memref<128xi32, #tpu.memory_space<hbm>>) target(%arg11 : memref<128xi32, #tpu.memory_space<vmem>>) target_semaphore(%arg17 : memref<!tpu.dma_semaphore, #tpu.memory_space<semaphore_mem>>)
        "tpu.region"() ({
          %run_scoped3A = tpu.sem_alloc : memref<!tpu.dma_semaphore, #tpu.memory_space<semaphore_mem>>
          %dma_start3A_70 = arith.constant 0 : i32
          %dma_start3A_71 = arith.constant 0 : i32
          %dma_start3A_72 = tpu.memref_slice %arg14[%dma_start3A_70, %dma_start3A_71] : memref<10112x128xf32, #tpu.memory_space<vmem_shared>> -> memref<10112x128xf32, #tpu.memory_space<vmem_shared>>
          tpu.enqueue_indirect_dma source(%arg12 : memref<128x128xf32, #tpu.memory_space<vmem>>) target(%dma_start3A_72 : memref<10112x128xf32, #tpu.memory_space<vmem_shared>>) offsets(%arg10 : memref<128xi32, #tpu.memory_space<vmem>>) semaphore(%run_scoped3A : memref<!tpu.dma_semaphore, #tpu.memory_space<semaphore_mem>>) {add = true}
          %dma_wait3A_73 = arith.constant 0 : i32
          %dma_wait3A_74 = arith.constant 0 : i32
          %dma_wait3A_75 = tpu.memref_slice %arg14[%dma_wait3A_73, %dma_wait3A_74] : memref<10112x128xf32, #tpu.memory_space<vmem_shared>> -> memref<10112x128xf32, #tpu.memory_space<vmem_shared>>
          tpu.wait_indirect_dma semaphore(%run_scoped3A : memref<!tpu.dma_semaphore, #tpu.memory_space<semaphore_mem>>) src(%arg12 : memref<128x128xf32, #tpu.memory_space<vmem>>) dst(%dma_wait3A_75 : memref<10112x128xf32, #tpu.memory_space<vmem_shared>>)
          tpu.yield
        }) : () -> ()
        %dma_wait3A = tpu.memref_slice %arg4[%mul3A_40] : memref<151808xi32, #tpu.memory_space<hbm>> -> memref<128xi32, #tpu.memory_space<hbm>>
        %dma_wait3A_58 = tpu.memref_slice %arg4[%mul3A_40] : memref<151808xi32, #tpu.memory_space<hbm>> -> memref<128xi32, #tpu.memory_space<hbm>>
        tpu.wait_dma2 semaphore(%arg17 : memref<!tpu.dma_semaphore, #tpu.memory_space<semaphore_mem>>) src(%dma_wait3A_58 : memref<128xi32, #tpu.memory_space<hbm>>) dst(%arg11 : memref<128xi32, #tpu.memory_space<vmem>>)
        %mul3A_59 = arith.constant 2 : i32
        %mul3A_60 = arith.muli %mul3A_59, %add3A_49 : i32
        %add3A_61 = arith.constant 2 : i32
        %add3A_62 = arith.addi %mul3A_60, %add3A_61 : i32
        %mul3A_63 = arith.constant 128 : i32
        %mul3A_64 = arith.muli %add3A_62, %mul3A_63 : i32
        %add3A_65 = arith.addi %mul3A_40, %mul3A_64 : i32
        %dma_start3A_66 = tpu.memref_slice %arg4[%add3A_65] : memref<151808xi32, #tpu.memory_space<hbm>> -> memref<128xi32, #tpu.memory_space<hbm>>
        %dma_start3A_67 = tpu.memref_slice %arg4[%add3A_65] : memref<151808xi32, #tpu.memory_space<hbm>> -> memref<128xi32, #tpu.memory_space<hbm>>
        tpu.enqueue_dma source(%dma_start3A_67 : memref<128xi32, #tpu.memory_space<hbm>>) target(%arg10 : memref<128xi32, #tpu.memory_space<vmem>>) target_semaphore(%arg17 : memref<!tpu.dma_semaphore, #tpu.memory_space<semaphore_mem>>)
        "tpu.region"() ({
          %run_scoped3A = tpu.sem_alloc : memref<!tpu.dma_semaphore, #tpu.memory_space<semaphore_mem>>
          %dma_start3A_70 = arith.constant 0 : i32
          %dma_start3A_71 = arith.constant 0 : i32
          %dma_start3A_72 = tpu.memref_slice %arg14[%dma_start3A_70, %dma_start3A_71] : memref<10112x128xf32, #tpu.memory_space<vmem_shared>> -> memref<10112x128xf32, #tpu.memory_space<vmem_shared>>
          tpu.enqueue_indirect_dma source(%arg12 : memref<128x128xf32, #tpu.memory_space<vmem>>) target(%dma_start3A_72 : memref<10112x128xf32, #tpu.memory_space<vmem_shared>>) offsets(%arg11 : memref<128xi32, #tpu.memory_space<vmem>>) semaphore(%run_scoped3A : memref<!tpu.dma_semaphore, #tpu.memory_space<semaphore_mem>>) {add = true}
          %dma_wait3A_73 = arith.constant 0 : i32
          %dma_wait3A_74 = arith.constant 0 : i32
          %dma_wait3A_75 = tpu.memref_slice %arg14[%dma_wait3A_73, %dma_wait3A_74] : memref<10112x128xf32, #tpu.memory_space<vmem_shared>> -> memref<10112x128xf32, #tpu.memory_space<vmem_shared>>
          tpu.wait_indirect_dma semaphore(%run_scoped3A : memref<!tpu.dma_semaphore, #tpu.memory_space<semaphore_mem>>) src(%arg12 : memref<128x128xf32, #tpu.memory_space<vmem>>) dst(%dma_wait3A_75 : memref<10112x128xf32, #tpu.memory_space<vmem_shared>>)
          tpu.yield
        }) : () -> ()
        %dma_wait3A_68 = tpu.memref_slice %arg4[%mul3A_40] : memref<151808xi32, #tpu.memory_space<hbm>> -> memref<128xi32, #tpu.memory_space<hbm>>
        %dma_wait3A_69 = tpu.memref_slice %arg4[%mul3A_40] : memref<151808xi32, #tpu.memory_space<hbm>> -> memref<128xi32, #tpu.memory_space<hbm>>
        tpu.wait_dma2 semaphore(%arg17 : memref<!tpu.dma_semaphore, #tpu.memory_space<semaphore_mem>>) src(%dma_wait3A_69 : memref<128xi32, #tpu.memory_space<hbm>>) dst(%arg10 : memref<128xi32, #tpu.memory_space<vmem>>)
      }
      %scan3A_44 = arith.constant 37 : i32
    } else {
    }
    %barrier3A_35 = arith.constant 0 : index
    tpu.barrier barrier_id(%barrier3A_35)
    %convert_element_type3A_36 = arith.extui %lt3A_20 : i1 to i32
    %cond3A_37 = arith.constant 0 : i32
    %cond3A_38 = arith.cmpi ne, %convert_element_type3A_36, %cond3A_37 : i32
    scf.if %cond3A_38 {
      "tpu.region"() ({
        %run_scoped3A = tpu.sem_alloc : memref<!tpu.dma_semaphore, #tpu.memory_space<semaphore_mem>>
        %dma_start3A = arith.constant 0 : i32
        %dma_start3A_39 = tpu.memref_slice %arg7[%add3A_18, %mul3A_0, %dma_start3A] : memref<3x10112x128xf32, #tpu.memory_space<hbm>> -> memref<1x632x128xf32, #tpu.memory_space<hbm>>
        %dma_start3A_40 = tpu.memref_squeeze %dma_start3A_39 : memref<1x632x128xf32, #tpu.memory_space<hbm>> -> memref<632x128xf32, #tpu.memory_space<hbm>>
        %dma_start3A_41 = arith.constant 0 : i32
        %dma_start3A_42 = tpu.memref_slice %arg14[%mul3A_0, %dma_start3A_41] : memref<10112x128xf32, #tpu.memory_space<vmem_shared>> -> memref<632x128xf32, #tpu.memory_space<vmem_shared>>
        tpu.enqueue_dma source(%dma_start3A_42 : memref<632x128xf32, #tpu.memory_space<vmem_shared>>) target(%dma_start3A_40 : memref<632x128xf32, #tpu.memory_space<hbm>>) target_semaphore(%run_scoped3A : memref<!tpu.dma_semaphore, #tpu.memory_space<semaphore_mem>>)
        %dma_wait3A = arith.constant 0 : i32
        %dma_wait3A_43 = tpu.memref_slice %arg7[%add3A_18, %mul3A_0, %dma_wait3A] : memref<3x10112x128xf32, #tpu.memory_space<hbm>> -> memref<1x632x128xf32, #tpu.memory_space<hbm>>
        %dma_wait3A_44 = tpu.memref_squeeze %dma_wait3A_43 : memref<1x632x128xf32, #tpu.memory_space<hbm>> -> memref<632x128xf32, #tpu.memory_space<hbm>>
        %dma_wait3A_45 = arith.constant 0 : i32
        %dma_wait3A_46 = tpu.memref_slice %arg14[%mul3A_0, %dma_wait3A_45] : memref<10112x128xf32, #tpu.memory_space<vmem_shared>> -> memref<632x128xf32, #tpu.memory_space<vmem_shared>>
        tpu.wait_dma2 semaphore(%run_scoped3A : memref<!tpu.dma_semaphore, #tpu.memory_space<semaphore_mem>>) src(%dma_wait3A_46 : memref<632x128xf32, #tpu.memory_space<vmem_shared>>) dst(%dma_wait3A_44 : memref<632x128xf32, #tpu.memory_space<hbm>>)
        tpu.yield
      }) : () -> ()
    } else {
    }
    return
  }
}

#map = affine_map<(d0, d1) -> (0, 0)>
#map1 = affine_map<(d0, d1) -> (0)>
#map2 = affine_map<(d0, d1) -> (0, 0, 0)>
module attributes {stable_mosaic.version = 14 : i64} {
  func.func @body(%arg0: i32, %arg1: i32, %arg2: memref<8000x128xf32, #tpu.memory_space<hbm>>, %arg3: memref<606464xi32, #tpu.memory_space<hbm>>, %arg4: memref<151808xi32, #tpu.memory_space<hbm>>, %arg5: memref<10112x128xf32, #tpu.memory_space<hbm>>, %arg6: memref<128x128xf32, #tpu.memory_space<hbm>>, %arg7: memref<4x10112x128xf32, #tpu.memory_space<hbm>>, %arg8: memref<128xi32, #tpu.memory_space<vmem>>, %arg9: memref<128xi32, #tpu.memory_space<vmem>>, %arg10: memref<128xi32, #tpu.memory_space<vmem>>, %arg11: memref<128xi32, #tpu.memory_space<vmem>>, %arg12: memref<128x128xf32, #tpu.memory_space<vmem>>, %arg13: memref<128x128xf32, #tpu.memory_space<vmem>>, %arg14: memref<10112x128xf32, #tpu.memory_space<vmem_shared>>, %arg15: memref<!tpu.dma_semaphore, #tpu.memory_space<semaphore_mem>>, %arg16: memref<!tpu.dma_semaphore, #tpu.memory_space<semaphore_mem>>, %arg17: memref<!tpu.dma_semaphore, #tpu.memory_space<semaphore_mem>>) attributes {dimension_semantics = [#tpu.dimension_semantics<core_parallel>, #tpu.dimension_semantics<subcore_parallel>], iteration_bounds = array<i64: 2, 16>, scalar_prefetch = 0 : i64, scratch_operands = 10 : i64, tpu.core_type = #tpu.core_type<sc_vector_subcore>, window_params = [{transform_indices = #map}, {transform_indices = #map1}, {transform_indices = #map1}, {transform_indices = #map}, {transform_indices = #map}, {transform_indices = #map2}]} {
    %mul3A = arith.constant 632 : i32
    %mul3A_0 = arith.muli %arg1, %mul3A : i32
    %add3A = arith.constant 0 : i32
    %add3A_1 = arith.addi %add3A, %arg0 : i32
    %lt3A = arith.constant 4 : i32
    %lt3A_2 = arith.cmpi slt, %add3A_1, %lt3A : i32
    %convert_element_type3A = arith.extui %lt3A_2 : i1 to i32
    %cond3A = arith.constant 0 : i32
    %cond3A_3 = arith.cmpi ne, %convert_element_type3A, %cond3A : i32
    scf.if %cond3A_3 {
      "tpu.region"() ({
        %run_scoped3A = tpu.sem_alloc : memref<!tpu.dma_semaphore, #tpu.memory_space<semaphore_mem>>
        %dma_start3A = arith.constant 0 : i32
        %dma_start3A_30 = tpu.memref_slice %arg14[%mul3A_0, %dma_start3A] : memref<10112x128xf32, #tpu.memory_space<vmem_shared>> -> memref<632x128xf32, #tpu.memory_space<vmem_shared>>
        %dma_start3A_31 = arith.constant 0 : i32
        %dma_start3A_32 = tpu.memref_slice %arg5[%mul3A_0, %dma_start3A_31] : memref<10112x128xf32, #tpu.memory_space<hbm>> -> memref<632x128xf32, #tpu.memory_space<hbm>>
        tpu.enqueue_dma source(%dma_start3A_32 : memref<632x128xf32, #tpu.memory_space<hbm>>) target(%dma_start3A_30 : memref<632x128xf32, #tpu.memory_space<vmem_shared>>) target_semaphore(%run_scoped3A : memref<!tpu.dma_semaphore, #tpu.memory_space<semaphore_mem>>)
        %dma_wait3A = arith.constant 0 : i32
        %dma_wait3A_33 = tpu.memref_slice %arg14[%mul3A_0, %dma_wait3A] : memref<10112x128xf32, #tpu.memory_space<vmem_shared>> -> memref<632x128xf32, #tpu.memory_space<vmem_shared>>
        %dma_wait3A_34 = arith.constant 0 : i32
        %dma_wait3A_35 = tpu.memref_slice %arg5[%mul3A_0, %dma_wait3A_34] : memref<10112x128xf32, #tpu.memory_space<hbm>> -> memref<632x128xf32, #tpu.memory_space<hbm>>
        tpu.wait_dma2 semaphore(%run_scoped3A : memref<!tpu.dma_semaphore, #tpu.memory_space<semaphore_mem>>) src(%dma_wait3A_35 : memref<632x128xf32, #tpu.memory_space<hbm>>) dst(%dma_wait3A_33 : memref<632x128xf32, #tpu.memory_space<vmem_shared>>)
        tpu.yield
      }) : () -> ()
    } else {
    }
    %barrier3A = arith.constant 0 : index
    tpu.barrier barrier_id(%barrier3A)
    %lt3A_4 = arith.constant 4 : i32
    %lt3A_5 = arith.cmpi slt, %add3A_1, %lt3A_4 : i32
    %convert_element_type3A_6 = arith.extui %lt3A_5 : i1 to i32
    %cond3A_7 = arith.constant 0 : i32
    %cond3A_8 = arith.cmpi ne, %convert_element_type3A_6, %cond3A_7 : i32
    scf.if %cond3A_8 {
      %mul3A_30 = arith.constant 9472 : i32
      %mul3A_31 = arith.muli %arg1, %mul3A_30 : i32
      %mul3A_32 = arith.constant 151552 : i32
      %mul3A_33 = arith.muli %add3A_1, %mul3A_32 : i32
      %add3A_34 = arith.addi %mul3A_33, %mul3A_31 : i32
      %add3A_35 = arith.constant 0 : i32
      %add3A_36 = arith.addi %add3A_34, %add3A_35 : i32
      "tpu.region"() ({
        %run_scoped3A = tpu.sem_alloc : memref<!tpu.dma_semaphore, #tpu.memory_space<semaphore_mem>>
        %dma_start3A_62 = tpu.memref_slice %arg3[%add3A_36] : memref<606464xi32, #tpu.memory_space<hbm>> -> memref<128xi32, #tpu.memory_space<hbm>>
        %dma_start3A_63 = tpu.memref_slice %arg3[%add3A_36] : memref<606464xi32, #tpu.memory_space<hbm>> -> memref<128xi32, #tpu.memory_space<hbm>>
        tpu.enqueue_dma source(%dma_start3A_63 : memref<128xi32, #tpu.memory_space<hbm>>) target(%arg8 : memref<128xi32, #tpu.memory_space<vmem>>) target_semaphore(%run_scoped3A : memref<!tpu.dma_semaphore, #tpu.memory_space<semaphore_mem>>)
        %dma_wait3A_64 = tpu.memref_slice %arg3[%add3A_36] : memref<606464xi32, #tpu.memory_space<hbm>> -> memref<128xi32, #tpu.memory_space<hbm>>
        %dma_wait3A_65 = tpu.memref_slice %arg3[%add3A_36] : memref<606464xi32, #tpu.memory_space<hbm>> -> memref<128xi32, #tpu.memory_space<hbm>>
        tpu.wait_dma2 semaphore(%run_scoped3A : memref<!tpu.dma_semaphore, #tpu.memory_space<semaphore_mem>>) src(%dma_wait3A_65 : memref<128xi32, #tpu.memory_space<hbm>>) dst(%arg8 : memref<128xi32, #tpu.memory_space<vmem>>)
        tpu.yield
      }) : () -> ()
      %add3A_37 = arith.constant 0 : i32
      %add3A_38 = arith.addi %mul3A_31, %add3A_37 : i32
      "tpu.region"() ({
        %run_scoped3A = tpu.sem_alloc : memref<!tpu.dma_semaphore, #tpu.memory_space<semaphore_mem>>
        %dma_start3A_62 = tpu.memref_slice %arg4[%add3A_38] : memref<151808xi32, #tpu.memory_space<hbm>> -> memref<128xi32, #tpu.memory_space<hbm>>
        %dma_start3A_63 = tpu.memref_slice %arg4[%add3A_38] : memref<151808xi32, #tpu.memory_space<hbm>> -> memref<128xi32, #tpu.memory_space<hbm>>
        tpu.enqueue_dma source(%dma_start3A_63 : memref<128xi32, #tpu.memory_space<hbm>>) target(%arg10 : memref<128xi32, #tpu.memory_space<vmem>>) target_semaphore(%run_scoped3A : memref<!tpu.dma_semaphore, #tpu.memory_space<semaphore_mem>>)
        %dma_wait3A_64 = tpu.memref_slice %arg4[%add3A_38] : memref<151808xi32, #tpu.memory_space<hbm>> -> memref<128xi32, #tpu.memory_space<hbm>>
        %dma_wait3A_65 = tpu.memref_slice %arg4[%add3A_38] : memref<151808xi32, #tpu.memory_space<hbm>> -> memref<128xi32, #tpu.memory_space<hbm>>
        tpu.wait_dma2 semaphore(%run_scoped3A : memref<!tpu.dma_semaphore, #tpu.memory_space<semaphore_mem>>) src(%dma_wait3A_65 : memref<128xi32, #tpu.memory_space<hbm>>) dst(%arg10 : memref<128xi32, #tpu.memory_space<vmem>>)
        tpu.yield
      }) : () -> ()
      %dma_start3A = arith.constant 0 : i32
      %dma_start3A_39 = arith.constant 0 : i32
      %dma_start3A_40 = tpu.memref_slice %arg2[%dma_start3A, %dma_start3A_39] : memref<8000x128xf32, #tpu.memory_space<hbm>> -> memref<8000x128xf32, #tpu.memory_space<hbm>>
      tpu.enqueue_indirect_dma source(%dma_start3A_40 : memref<8000x128xf32, #tpu.memory_space<hbm>>) target(%arg12 : memref<128x128xf32, #tpu.memory_space<vmem>>) offsets(%arg8 : memref<128xi32, #tpu.memory_space<vmem>>) semaphore(%arg15 : memref<!tpu.dma_semaphore, #tpu.memory_space<semaphore_mem>>)
      %add3A_41 = arith.constant 128 : i32
      %add3A_42 = arith.addi %add3A_34, %add3A_41 : i32
      %dma_start3A_43 = tpu.memref_slice %arg3[%add3A_42] : memref<606464xi32, #tpu.memory_space<hbm>> -> memref<128xi32, #tpu.memory_space<hbm>>
      %dma_start3A_44 = tpu.memref_slice %arg3[%add3A_42] : memref<606464xi32, #tpu.memory_space<hbm>> -> memref<128xi32, #tpu.memory_space<hbm>>
      tpu.enqueue_dma source(%dma_start3A_44 : memref<128xi32, #tpu.memory_space<hbm>>) target(%arg9 : memref<128xi32, #tpu.memory_space<vmem>>) target_semaphore(%arg17 : memref<!tpu.dma_semaphore, #tpu.memory_space<semaphore_mem>>)
      %add3A_45 = arith.constant 128 : i32
      %add3A_46 = arith.addi %mul3A_31, %add3A_45 : i32
      %dma_start3A_47 = tpu.memref_slice %arg4[%add3A_46] : memref<151808xi32, #tpu.memory_space<hbm>> -> memref<128xi32, #tpu.memory_space<hbm>>
      %dma_start3A_48 = tpu.memref_slice %arg4[%add3A_46] : memref<151808xi32, #tpu.memory_space<hbm>> -> memref<128xi32, #tpu.memory_space<hbm>>
      tpu.enqueue_dma source(%dma_start3A_48 : memref<128xi32, #tpu.memory_space<hbm>>) target(%arg11 : memref<128xi32, #tpu.memory_space<vmem>>) target_semaphore(%arg17 : memref<!tpu.dma_semaphore, #tpu.memory_space<semaphore_mem>>)
      %scan3A = arith.constant 0 : i32
      %scan3A_49 = arith.constant 37 : i32
      %scan3A_50 = arith.addi %scan3A, %scan3A_49 : i32
      %scan3A_51 = arith.constant 1 : i32
      scf.for %scan3A_62 = %scan3A to %scan3A_50 step %scan3A_51  : i32 {
        %mul3A_63 = arith.constant 1 : i32
        %mul3A_64 = arith.muli %scan3A_62, %mul3A_63 : i32
        %add3A_65 = arith.constant 0 : i32
        %add3A_66 = arith.addi %add3A_65, %mul3A_64 : i32
        %dma_wait3A_67 = tpu.memref_slice %arg3[%add3A_34] : memref<606464xi32, #tpu.memory_space<hbm>> -> memref<128xi32, #tpu.memory_space<hbm>>
        %dma_wait3A_68 = tpu.memref_slice %arg3[%add3A_34] : memref<606464xi32, #tpu.memory_space<hbm>> -> memref<128xi32, #tpu.memory_space<hbm>>
        tpu.wait_dma2 semaphore(%arg17 : memref<!tpu.dma_semaphore, #tpu.memory_space<semaphore_mem>>) src(%dma_wait3A_68 : memref<128xi32, #tpu.memory_space<hbm>>) dst(%arg9 : memref<128xi32, #tpu.memory_space<vmem>>)
        %dma_wait3A_69 = tpu.memref_slice %arg4[%mul3A_31] : memref<151808xi32, #tpu.memory_space<hbm>> -> memref<128xi32, #tpu.memory_space<hbm>>
        %dma_wait3A_70 = tpu.memref_slice %arg4[%mul3A_31] : memref<151808xi32, #tpu.memory_space<hbm>> -> memref<128xi32, #tpu.memory_space<hbm>>
        tpu.wait_dma2 semaphore(%arg17 : memref<!tpu.dma_semaphore, #tpu.memory_space<semaphore_mem>>) src(%dma_wait3A_70 : memref<128xi32, #tpu.memory_space<hbm>>) dst(%arg11 : memref<128xi32, #tpu.memory_space<vmem>>)
        %dma_start3A_71 = arith.constant 0 : i32
        %dma_start3A_72 = arith.constant 0 : i32
        %dma_start3A_73 = tpu.memref_slice %arg2[%dma_start3A_71, %dma_start3A_72] : memref<8000x128xf32, #tpu.memory_space<hbm>> -> memref<8000x128xf32, #tpu.memory_space<hbm>>
        tpu.enqueue_indirect_dma source(%dma_start3A_73 : memref<8000x128xf32, #tpu.memory_space<hbm>>) target(%arg13 : memref<128x128xf32, #tpu.memory_space<vmem>>) offsets(%arg9 : memref<128xi32, #tpu.memory_space<vmem>>) semaphore(%arg16 : memref<!tpu.dma_semaphore, #tpu.memory_space<semaphore_mem>>)
        %dma_wait3A_74 = arith.constant 0 : i32
        %dma_wait3A_75 = arith.constant 0 : i32
        %dma_wait3A_76 = tpu.memref_slice %arg2[%dma_wait3A_74, %dma_wait3A_75] : memref<8000x128xf32, #tpu.memory_space<hbm>> -> memref<128x128xf32, #tpu.memory_space<hbm>>
        %dma_wait3A_77 = arith.constant 0 : i32
        %dma_wait3A_78 = arith.constant 0 : i32
        %dma_wait3A_79 = tpu.memref_slice %arg2[%dma_wait3A_77, %dma_wait3A_78] : memref<8000x128xf32, #tpu.memory_space<hbm>> -> memref<128x128xf32, #tpu.memory_space<hbm>>
        tpu.wait_dma2 semaphore(%arg15 : memref<!tpu.dma_semaphore, #tpu.memory_space<semaphore_mem>>) src(%dma_wait3A_79 : memref<128x128xf32, #tpu.memory_space<hbm>>) dst(%arg12 : memref<128x128xf32, #tpu.memory_space<vmem>>)
        "tpu.region"() ({
          %run_scoped3A = tpu.sem_alloc : memref<!tpu.dma_semaphore, #tpu.memory_space<semaphore_mem>>
          %dma_start3A_121 = arith.constant 0 : i32
          %dma_start3A_122 = arith.constant 0 : i32
          %dma_start3A_123 = tpu.memref_slice %arg14[%dma_start3A_121, %dma_start3A_122] : memref<10112x128xf32, #tpu.memory_space<vmem_shared>> -> memref<10112x128xf32, #tpu.memory_space<vmem_shared>>
          tpu.enqueue_indirect_dma source(%arg12 : memref<128x128xf32, #tpu.memory_space<vmem>>) target(%dma_start3A_123 : memref<10112x128xf32, #tpu.memory_space<vmem_shared>>) offsets(%arg10 : memref<128xi32, #tpu.memory_space<vmem>>) semaphore(%run_scoped3A : memref<!tpu.dma_semaphore, #tpu.memory_space<semaphore_mem>>) {add = true}
          %dma_wait3A_124 = arith.constant 0 : i32
          %dma_wait3A_125 = arith.constant 0 : i32
          %dma_wait3A_126 = tpu.memref_slice %arg14[%dma_wait3A_124, %dma_wait3A_125] : memref<10112x128xf32, #tpu.memory_space<vmem_shared>> -> memref<10112x128xf32, #tpu.memory_space<vmem_shared>>
          tpu.wait_indirect_dma semaphore(%run_scoped3A : memref<!tpu.dma_semaphore, #tpu.memory_space<semaphore_mem>>) src(%arg12 : memref<128x128xf32, #tpu.memory_space<vmem>>) dst(%dma_wait3A_126 : memref<10112x128xf32, #tpu.memory_space<vmem_shared>>)
          tpu.yield
        }) : () -> ()
        %mul3A_80 = arith.constant 2 : i32
        %mul3A_81 = arith.muli %add3A_66, %mul3A_80 : i32
        %add3A_82 = arith.constant 0 : i32
        %add3A_83 = arith.addi %mul3A_81, %add3A_82 : i32
        %add3A_84 = arith.constant 2 : i32
        %add3A_85 = arith.addi %add3A_83, %add3A_84 : i32
        %mul3A_86 = arith.constant 128 : i32
        %mul3A_87 = arith.muli %add3A_85, %mul3A_86 : i32
        %add3A_88 = arith.addi %add3A_34, %mul3A_87 : i32
        %dma_start3A_89 = tpu.memref_slice %arg3[%add3A_88] : memref<606464xi32, #tpu.memory_space<hbm>> -> memref<128xi32, #tpu.memory_space<hbm>>
        %dma_start3A_90 = tpu.memref_slice %arg3[%add3A_88] : memref<606464xi32, #tpu.memory_space<hbm>> -> memref<128xi32, #tpu.memory_space<hbm>>
        tpu.enqueue_dma source(%dma_start3A_90 : memref<128xi32, #tpu.memory_space<hbm>>) target(%arg8 : memref<128xi32, #tpu.memory_space<vmem>>) target_semaphore(%arg17 : memref<!tpu.dma_semaphore, #tpu.memory_space<semaphore_mem>>)
        %add3A_91 = arith.addi %mul3A_31, %mul3A_87 : i32
        %dma_start3A_92 = tpu.memref_slice %arg4[%add3A_91] : memref<151808xi32, #tpu.memory_space<hbm>> -> memref<128xi32, #tpu.memory_space<hbm>>
        %dma_start3A_93 = tpu.memref_slice %arg4[%add3A_91] : memref<151808xi32, #tpu.memory_space<hbm>> -> memref<128xi32, #tpu.memory_space<hbm>>
        tpu.enqueue_dma source(%dma_start3A_93 : memref<128xi32, #tpu.memory_space<hbm>>) target(%arg10 : memref<128xi32, #tpu.memory_space<vmem>>) target_semaphore(%arg17 : memref<!tpu.dma_semaphore, #tpu.memory_space<semaphore_mem>>)
        %dma_wait3A_94 = tpu.memref_slice %arg3[%add3A_34] : memref<606464xi32, #tpu.memory_space<hbm>> -> memref<128xi32, #tpu.memory_space<hbm>>
        %dma_wait3A_95 = tpu.memref_slice %arg3[%add3A_34] : memref<606464xi32, #tpu.memory_space<hbm>> -> memref<128xi32, #tpu.memory_space<hbm>>
        tpu.wait_dma2 semaphore(%arg17 : memref<!tpu.dma_semaphore, #tpu.memory_space<semaphore_mem>>) src(%dma_wait3A_95 : memref<128xi32, #tpu.memory_space<hbm>>) dst(%arg8 : memref<128xi32, #tpu.memory_space<vmem>>)
        %dma_wait3A_96 = tpu.memref_slice %arg4[%mul3A_31] : memref<151808xi32, #tpu.memory_space<hbm>> -> memref<128xi32, #tpu.memory_space<hbm>>
        %dma_wait3A_97 = tpu.memref_slice %arg4[%mul3A_31] : memref<151808xi32, #tpu.memory_space<hbm>> -> memref<128xi32, #tpu.memory_space<hbm>>
        tpu.wait_dma2 semaphore(%arg17 : memref<!tpu.dma_semaphore, #tpu.memory_space<semaphore_mem>>) src(%dma_wait3A_97 : memref<128xi32, #tpu.memory_space<hbm>>) dst(%arg10 : memref<128xi32, #tpu.memory_space<vmem>>)
        %dma_start3A_98 = arith.constant 0 : i32
        %dma_start3A_99 = arith.constant 0 : i32
        %dma_start3A_100 = tpu.memref_slice %arg2[%dma_start3A_98, %dma_start3A_99] : memref<8000x128xf32, #tpu.memory_space<hbm>> -> memref<8000x128xf32, #tpu.memory_space<hbm>>
        tpu.enqueue_indirect_dma source(%dma_start3A_100 : memref<8000x128xf32, #tpu.memory_space<hbm>>) target(%arg12 : memref<128x128xf32, #tpu.memory_space<vmem>>) offsets(%arg8 : memref<128xi32, #tpu.memory_space<vmem>>) semaphore(%arg15 : memref<!tpu.dma_semaphore, #tpu.memory_space<semaphore_mem>>)
        %dma_wait3A_101 = arith.constant 0 : i32
        %dma_wait3A_102 = arith.constant 0 : i32
        %dma_wait3A_103 = tpu.memref_slice %arg2[%dma_wait3A_101, %dma_wait3A_102] : memref<8000x128xf32, #tpu.memory_space<hbm>> -> memref<128x128xf32, #tpu.memory_space<hbm>>
        %dma_wait3A_104 = arith.constant 0 : i32
        %dma_wait3A_105 = arith.constant 0 : i32
        %dma_wait3A_106 = tpu.memref_slice %arg2[%dma_wait3A_104, %dma_wait3A_105] : memref<8000x128xf32, #tpu.memory_space<hbm>> -> memref<128x128xf32, #tpu.memory_space<hbm>>
        tpu.wait_dma2 semaphore(%arg16 : memref<!tpu.dma_semaphore, #tpu.memory_space<semaphore_mem>>) src(%dma_wait3A_106 : memref<128x128xf32, #tpu.memory_space<hbm>>) dst(%arg13 : memref<128x128xf32, #tpu.memory_space<vmem>>)
        "tpu.region"() ({
          %run_scoped3A = tpu.sem_alloc : memref<!tpu.dma_semaphore, #tpu.memory_space<semaphore_mem>>
          %dma_start3A_121 = arith.constant 0 : i32
          %dma_start3A_122 = arith.constant 0 : i32
          %dma_start3A_123 = tpu.memref_slice %arg14[%dma_start3A_121, %dma_start3A_122] : memref<10112x128xf32, #tpu.memory_space<vmem_shared>> -> memref<10112x128xf32, #tpu.memory_space<vmem_shared>>
          tpu.enqueue_indirect_dma source(%arg13 : memref<128x128xf32, #tpu.memory_space<vmem>>) target(%dma_start3A_123 : memref<10112x128xf32, #tpu.memory_space<vmem_shared>>) offsets(%arg11 : memref<128xi32, #tpu.memory_space<vmem>>) semaphore(%run_scoped3A : memref<!tpu.dma_semaphore, #tpu.memory_space<semaphore_mem>>) {add = true}
          %dma_wait3A_124 = arith.constant 0 : i32
          %dma_wait3A_125 = arith.constant 0 : i32
          %dma_wait3A_126 = tpu.memref_slice %arg14[%dma_wait3A_124, %dma_wait3A_125] : memref<10112x128xf32, #tpu.memory_space<vmem_shared>> -> memref<10112x128xf32, #tpu.memory_space<vmem_shared>>
          tpu.wait_indirect_dma semaphore(%run_scoped3A : memref<!tpu.dma_semaphore, #tpu.memory_space<semaphore_mem>>) src(%arg13 : memref<128x128xf32, #tpu.memory_space<vmem>>) dst(%dma_wait3A_126 : memref<10112x128xf32, #tpu.memory_space<vmem_shared>>)
          tpu.yield
        }) : () -> ()
        %mul3A_107 = arith.constant 2 : i32
        %mul3A_108 = arith.muli %add3A_66, %mul3A_107 : i32
        %add3A_109 = arith.constant 1 : i32
        %add3A_110 = arith.addi %mul3A_108, %add3A_109 : i32
        %add3A_111 = arith.constant 2 : i32
        %add3A_112 = arith.addi %add3A_110, %add3A_111 : i32
        %mul3A_113 = arith.constant 128 : i32
        %mul3A_114 = arith.muli %add3A_112, %mul3A_113 : i32
        %add3A_115 = arith.addi %add3A_34, %mul3A_114 : i32
        %dma_start3A_116 = tpu.memref_slice %arg3[%add3A_115] : memref<606464xi32, #tpu.memory_space<hbm>> -> memref<128xi32, #tpu.memory_space<hbm>>
        %dma_start3A_117 = tpu.memref_slice %arg3[%add3A_115] : memref<606464xi32, #tpu.memory_space<hbm>> -> memref<128xi32, #tpu.memory_space<hbm>>
        tpu.enqueue_dma source(%dma_start3A_117 : memref<128xi32, #tpu.memory_space<hbm>>) target(%arg9 : memref<128xi32, #tpu.memory_space<vmem>>) target_semaphore(%arg17 : memref<!tpu.dma_semaphore, #tpu.memory_space<semaphore_mem>>)
        %add3A_118 = arith.addi %mul3A_31, %mul3A_114 : i32
        %dma_start3A_119 = tpu.memref_slice %arg4[%add3A_118] : memref<151808xi32, #tpu.memory_space<hbm>> -> memref<128xi32, #tpu.memory_space<hbm>>
        %dma_start3A_120 = tpu.memref_slice %arg4[%add3A_118] : memref<151808xi32, #tpu.memory_space<hbm>> -> memref<128xi32, #tpu.memory_space<hbm>>
        tpu.enqueue_dma source(%dma_start3A_120 : memref<128xi32, #tpu.memory_space<hbm>>) target(%arg11 : memref<128xi32, #tpu.memory_space<vmem>>) target_semaphore(%arg17 : memref<!tpu.dma_semaphore, #tpu.memory_space<semaphore_mem>>)
      }
      %scan3A_52 = arith.constant 37 : i32
      %dma_wait3A = tpu.memref_slice %arg3[%add3A_34] : memref<606464xi32, #tpu.memory_space<hbm>> -> memref<128xi32, #tpu.memory_space<hbm>>
      %dma_wait3A_53 = tpu.memref_slice %arg3[%add3A_34] : memref<606464xi32, #tpu.memory_space<hbm>> -> memref<128xi32, #tpu.memory_space<hbm>>
      tpu.wait_dma2 semaphore(%arg17 : memref<!tpu.dma_semaphore, #tpu.memory_space<semaphore_mem>>) src(%dma_wait3A_53 : memref<128xi32, #tpu.memory_space<hbm>>) dst(%arg9 : memref<128xi32, #tpu.memory_space<vmem>>)
      %dma_wait3A_54 = tpu.memref_slice %arg4[%mul3A_31] : memref<151808xi32, #tpu.memory_space<hbm>> -> memref<128xi32, #tpu.memory_space<hbm>>
      %dma_wait3A_55 = tpu.memref_slice %arg4[%mul3A_31] : memref<151808xi32, #tpu.memory_space<hbm>> -> memref<128xi32, #tpu.memory_space<hbm>>
      tpu.wait_dma2 semaphore(%arg17 : memref<!tpu.dma_semaphore, #tpu.memory_space<semaphore_mem>>) src(%dma_wait3A_55 : memref<128xi32, #tpu.memory_space<hbm>>) dst(%arg11 : memref<128xi32, #tpu.memory_space<vmem>>)
      %dma_wait3A_56 = arith.constant 0 : i32
      %dma_wait3A_57 = arith.constant 0 : i32
      %dma_wait3A_58 = tpu.memref_slice %arg2[%dma_wait3A_56, %dma_wait3A_57] : memref<8000x128xf32, #tpu.memory_space<hbm>> -> memref<128x128xf32, #tpu.memory_space<hbm>>
      %dma_wait3A_59 = arith.constant 0 : i32
      %dma_wait3A_60 = arith.constant 0 : i32
      %dma_wait3A_61 = tpu.memref_slice %arg2[%dma_wait3A_59, %dma_wait3A_60] : memref<8000x128xf32, #tpu.memory_space<hbm>> -> memref<128x128xf32, #tpu.memory_space<hbm>>
      tpu.wait_dma2 semaphore(%arg15 : memref<!tpu.dma_semaphore, #tpu.memory_space<semaphore_mem>>) src(%dma_wait3A_61 : memref<128x128xf32, #tpu.memory_space<hbm>>) dst(%arg12 : memref<128x128xf32, #tpu.memory_space<vmem>>)
    } else {
    }
    %barrier3A_9 = arith.constant 0 : index
    tpu.barrier barrier_id(%barrier3A_9)
    %convert_element_type3A_10 = arith.extui %lt3A_2 : i1 to i32
    %cond3A_11 = arith.constant 0 : i32
    %cond3A_12 = arith.cmpi ne, %convert_element_type3A_10, %cond3A_11 : i32
    scf.if %cond3A_12 {
      "tpu.region"() ({
        %run_scoped3A = tpu.sem_alloc : memref<!tpu.dma_semaphore, #tpu.memory_space<semaphore_mem>>
        %dma_start3A = arith.constant 0 : i32
        %dma_start3A_30 = tpu.memref_slice %arg7[%add3A_1, %mul3A_0, %dma_start3A] : memref<4x10112x128xf32, #tpu.memory_space<hbm>> -> memref<1x632x128xf32, #tpu.memory_space<hbm>>
        %dma_start3A_31 = tpu.memref_squeeze %dma_start3A_30 : memref<1x632x128xf32, #tpu.memory_space<hbm>> -> memref<632x128xf32, #tpu.memory_space<hbm>>
        %dma_start3A_32 = arith.constant 0 : i32
        %dma_start3A_33 = tpu.memref_slice %arg14[%mul3A_0, %dma_start3A_32] : memref<10112x128xf32, #tpu.memory_space<vmem_shared>> -> memref<632x128xf32, #tpu.memory_space<vmem_shared>>
        tpu.enqueue_dma source(%dma_start3A_33 : memref<632x128xf32, #tpu.memory_space<vmem_shared>>) target(%dma_start3A_31 : memref<632x128xf32, #tpu.memory_space<hbm>>) target_semaphore(%run_scoped3A : memref<!tpu.dma_semaphore, #tpu.memory_space<semaphore_mem>>)
        %dma_wait3A = arith.constant 0 : i32
        %dma_wait3A_34 = tpu.memref_slice %arg7[%add3A_1, %mul3A_0, %dma_wait3A] : memref<4x10112x128xf32, #tpu.memory_space<hbm>> -> memref<1x632x128xf32, #tpu.memory_space<hbm>>
        %dma_wait3A_35 = tpu.memref_squeeze %dma_wait3A_34 : memref<1x632x128xf32, #tpu.memory_space<hbm>> -> memref<632x128xf32, #tpu.memory_space<hbm>>
        %dma_wait3A_36 = arith.constant 0 : i32
        %dma_wait3A_37 = tpu.memref_slice %arg14[%mul3A_0, %dma_wait3A_36] : memref<10112x128xf32, #tpu.memory_space<vmem_shared>> -> memref<632x128xf32, #tpu.memory_space<vmem_shared>>
        tpu.wait_dma2 semaphore(%run_scoped3A : memref<!tpu.dma_semaphore, #tpu.memory_space<semaphore_mem>>) src(%dma_wait3A_37 : memref<632x128xf32, #tpu.memory_space<vmem_shared>>) dst(%dma_wait3A_35 : memref<632x128xf32, #tpu.memory_space<hbm>>)
        tpu.yield
      }) : () -> ()
    } else {
    }
    %add3A_13 = arith.constant 2 : i32
    %add3A_14 = arith.addi %add3A_13, %arg0 : i32
    %lt3A_15 = arith.constant 4 : i32
    %lt3A_16 = arith.cmpi slt, %add3A_14, %lt3A_15 : i32
    %convert_element_type3A_17 = arith.extui %lt3A_16 : i1 to i32
    %cond3A_18 = arith.constant 0 : i32
    %cond3A_19 = arith.cmpi ne, %convert_element_type3A_17, %cond3A_18 : i32
    scf.if %cond3A_19 {
      "tpu.region"() ({
        %run_scoped3A = tpu.sem_alloc : memref<!tpu.dma_semaphore, #tpu.memory_space<semaphore_mem>>
        %dma_start3A = arith.constant 0 : i32
        %dma_start3A_30 = tpu.memref_slice %arg14[%mul3A_0, %dma_start3A] : memref<10112x128xf32, #tpu.memory_space<vmem_shared>> -> memref<632x128xf32, #tpu.memory_space<vmem_shared>>
        %dma_start3A_31 = arith.constant 0 : i32
        %dma_start3A_32 = tpu.memref_slice %arg5[%mul3A_0, %dma_start3A_31] : memref<10112x128xf32, #tpu.memory_space<hbm>> -> memref<632x128xf32, #tpu.memory_space<hbm>>
        tpu.enqueue_dma source(%dma_start3A_32 : memref<632x128xf32, #tpu.memory_space<hbm>>) target(%dma_start3A_30 : memref<632x128xf32, #tpu.memory_space<vmem_shared>>) target_semaphore(%run_scoped3A : memref<!tpu.dma_semaphore, #tpu.memory_space<semaphore_mem>>)
        %dma_wait3A = arith.constant 0 : i32
        %dma_wait3A_33 = tpu.memref_slice %arg14[%mul3A_0, %dma_wait3A] : memref<10112x128xf32, #tpu.memory_space<vmem_shared>> -> memref<632x128xf32, #tpu.memory_space<vmem_shared>>
        %dma_wait3A_34 = arith.constant 0 : i32
        %dma_wait3A_35 = tpu.memref_slice %arg5[%mul3A_0, %dma_wait3A_34] : memref<10112x128xf32, #tpu.memory_space<hbm>> -> memref<632x128xf32, #tpu.memory_space<hbm>>
        tpu.wait_dma2 semaphore(%run_scoped3A : memref<!tpu.dma_semaphore, #tpu.memory_space<semaphore_mem>>) src(%dma_wait3A_35 : memref<632x128xf32, #tpu.memory_space<hbm>>) dst(%dma_wait3A_33 : memref<632x128xf32, #tpu.memory_space<vmem_shared>>)
        tpu.yield
      }) : () -> ()
    } else {
    }
    %barrier3A_20 = arith.constant 0 : index
    tpu.barrier barrier_id(%barrier3A_20)
    %lt3A_21 = arith.constant 4 : i32
    %lt3A_22 = arith.cmpi slt, %add3A_14, %lt3A_21 : i32
    %convert_element_type3A_23 = arith.extui %lt3A_22 : i1 to i32
    %cond3A_24 = arith.constant 0 : i32
    %cond3A_25 = arith.cmpi ne, %convert_element_type3A_23, %cond3A_24 : i32
    scf.if %cond3A_25 {
      %mul3A_30 = arith.constant 9472 : i32
      %mul3A_31 = arith.muli %arg1, %mul3A_30 : i32
      %mul3A_32 = arith.constant 151552 : i32
      %mul3A_33 = arith.muli %add3A_14, %mul3A_32 : i32
      %add3A_34 = arith.addi %mul3A_33, %mul3A_31 : i32
      %add3A_35 = arith.constant 0 : i32
      %add3A_36 = arith.addi %add3A_34, %add3A_35 : i32
      "tpu.region"() ({
        %run_scoped3A = tpu.sem_alloc : memref<!tpu.dma_semaphore, #tpu.memory_space<semaphore_mem>>
        %dma_start3A_62 = tpu.memref_slice %arg3[%add3A_36] : memref<606464xi32, #tpu.memory_space<hbm>> -> memref<128xi32, #tpu.memory_space<hbm>>
        %dma_start3A_63 = tpu.memref_slice %arg3[%add3A_36] : memref<606464xi32, #tpu.memory_space<hbm>> -> memref<128xi32, #tpu.memory_space<hbm>>
        tpu.enqueue_dma source(%dma_start3A_63 : memref<128xi32, #tpu.memory_space<hbm>>) target(%arg8 : memref<128xi32, #tpu.memory_space<vmem>>) target_semaphore(%run_scoped3A : memref<!tpu.dma_semaphore, #tpu.memory_space<semaphore_mem>>)
        %dma_wait3A_64 = tpu.memref_slice %arg3[%add3A_36] : memref<606464xi32, #tpu.memory_space<hbm>> -> memref<128xi32, #tpu.memory_space<hbm>>
        %dma_wait3A_65 = tpu.memref_slice %arg3[%add3A_36] : memref<606464xi32, #tpu.memory_space<hbm>> -> memref<128xi32, #tpu.memory_space<hbm>>
        tpu.wait_dma2 semaphore(%run_scoped3A : memref<!tpu.dma_semaphore, #tpu.memory_space<semaphore_mem>>) src(%dma_wait3A_65 : memref<128xi32, #tpu.memory_space<hbm>>) dst(%arg8 : memref<128xi32, #tpu.memory_space<vmem>>)
        tpu.yield
      }) : () -> ()
      %add3A_37 = arith.constant 0 : i32
      %add3A_38 = arith.addi %mul3A_31, %add3A_37 : i32
      "tpu.region"() ({
        %run_scoped3A = tpu.sem_alloc : memref<!tpu.dma_semaphore, #tpu.memory_space<semaphore_mem>>
        %dma_start3A_62 = tpu.memref_slice %arg4[%add3A_38] : memref<151808xi32, #tpu.memory_space<hbm>> -> memref<128xi32, #tpu.memory_space<hbm>>
        %dma_start3A_63 = tpu.memref_slice %arg4[%add3A_38] : memref<151808xi32, #tpu.memory_space<hbm>> -> memref<128xi32, #tpu.memory_space<hbm>>
        tpu.enqueue_dma source(%dma_start3A_63 : memref<128xi32, #tpu.memory_space<hbm>>) target(%arg10 : memref<128xi32, #tpu.memory_space<vmem>>) target_semaphore(%run_scoped3A : memref<!tpu.dma_semaphore, #tpu.memory_space<semaphore_mem>>)
        %dma_wait3A_64 = tpu.memref_slice %arg4[%add3A_38] : memref<151808xi32, #tpu.memory_space<hbm>> -> memref<128xi32, #tpu.memory_space<hbm>>
        %dma_wait3A_65 = tpu.memref_slice %arg4[%add3A_38] : memref<151808xi32, #tpu.memory_space<hbm>> -> memref<128xi32, #tpu.memory_space<hbm>>
        tpu.wait_dma2 semaphore(%run_scoped3A : memref<!tpu.dma_semaphore, #tpu.memory_space<semaphore_mem>>) src(%dma_wait3A_65 : memref<128xi32, #tpu.memory_space<hbm>>) dst(%arg10 : memref<128xi32, #tpu.memory_space<vmem>>)
        tpu.yield
      }) : () -> ()
      %dma_start3A = arith.constant 0 : i32
      %dma_start3A_39 = arith.constant 0 : i32
      %dma_start3A_40 = tpu.memref_slice %arg2[%dma_start3A, %dma_start3A_39] : memref<8000x128xf32, #tpu.memory_space<hbm>> -> memref<8000x128xf32, #tpu.memory_space<hbm>>
      tpu.enqueue_indirect_dma source(%dma_start3A_40 : memref<8000x128xf32, #tpu.memory_space<hbm>>) target(%arg12 : memref<128x128xf32, #tpu.memory_space<vmem>>) offsets(%arg8 : memref<128xi32, #tpu.memory_space<vmem>>) semaphore(%arg15 : memref<!tpu.dma_semaphore, #tpu.memory_space<semaphore_mem>>)
      %add3A_41 = arith.constant 128 : i32
      %add3A_42 = arith.addi %add3A_34, %add3A_41 : i32
      %dma_start3A_43 = tpu.memref_slice %arg3[%add3A_42] : memref<606464xi32, #tpu.memory_space<hbm>> -> memref<128xi32, #tpu.memory_space<hbm>>
      %dma_start3A_44 = tpu.memref_slice %arg3[%add3A_42] : memref<606464xi32, #tpu.memory_space<hbm>> -> memref<128xi32, #tpu.memory_space<hbm>>
      tpu.enqueue_dma source(%dma_start3A_44 : memref<128xi32, #tpu.memory_space<hbm>>) target(%arg9 : memref<128xi32, #tpu.memory_space<vmem>>) target_semaphore(%arg17 : memref<!tpu.dma_semaphore, #tpu.memory_space<semaphore_mem>>)
      %add3A_45 = arith.constant 128 : i32
      %add3A_46 = arith.addi %mul3A_31, %add3A_45 : i32
      %dma_start3A_47 = tpu.memref_slice %arg4[%add3A_46] : memref<151808xi32, #tpu.memory_space<hbm>> -> memref<128xi32, #tpu.memory_space<hbm>>
      %dma_start3A_48 = tpu.memref_slice %arg4[%add3A_46] : memref<151808xi32, #tpu.memory_space<hbm>> -> memref<128xi32, #tpu.memory_space<hbm>>
      tpu.enqueue_dma source(%dma_start3A_48 : memref<128xi32, #tpu.memory_space<hbm>>) target(%arg11 : memref<128xi32, #tpu.memory_space<vmem>>) target_semaphore(%arg17 : memref<!tpu.dma_semaphore, #tpu.memory_space<semaphore_mem>>)
      %scan3A = arith.constant 0 : i32
      %scan3A_49 = arith.constant 37 : i32
      %scan3A_50 = arith.addi %scan3A, %scan3A_49 : i32
      %scan3A_51 = arith.constant 1 : i32
      scf.for %scan3A_62 = %scan3A to %scan3A_50 step %scan3A_51  : i32 {
        %mul3A_63 = arith.constant 1 : i32
        %mul3A_64 = arith.muli %scan3A_62, %mul3A_63 : i32
        %add3A_65 = arith.constant 0 : i32
        %add3A_66 = arith.addi %add3A_65, %mul3A_64 : i32
        %dma_wait3A_67 = tpu.memref_slice %arg3[%add3A_34] : memref<606464xi32, #tpu.memory_space<hbm>> -> memref<128xi32, #tpu.memory_space<hbm>>
        %dma_wait3A_68 = tpu.memref_slice %arg3[%add3A_34] : memref<606464xi32, #tpu.memory_space<hbm>> -> memref<128xi32, #tpu.memory_space<hbm>>
        tpu.wait_dma2 semaphore(%arg17 : memref<!tpu.dma_semaphore, #tpu.memory_space<semaphore_mem>>) src(%dma_wait3A_68 : memref<128xi32, #tpu.memory_space<hbm>>) dst(%arg9 : memref<128xi32, #tpu.memory_space<vmem>>)
        %dma_wait3A_69 = tpu.memref_slice %arg4[%mul3A_31] : memref<151808xi32, #tpu.memory_space<hbm>> -> memref<128xi32, #tpu.memory_space<hbm>>
        %dma_wait3A_70 = tpu.memref_slice %arg4[%mul3A_31] : memref<151808xi32, #tpu.memory_space<hbm>> -> memref<128xi32, #tpu.memory_space<hbm>>
        tpu.wait_dma2 semaphore(%arg17 : memref<!tpu.dma_semaphore, #tpu.memory_space<semaphore_mem>>) src(%dma_wait3A_70 : memref<128xi32, #tpu.memory_space<hbm>>) dst(%arg11 : memref<128xi32, #tpu.memory_space<vmem>>)
        %dma_start3A_71 = arith.constant 0 : i32
        %dma_start3A_72 = arith.constant 0 : i32
        %dma_start3A_73 = tpu.memref_slice %arg2[%dma_start3A_71, %dma_start3A_72] : memref<8000x128xf32, #tpu.memory_space<hbm>> -> memref<8000x128xf32, #tpu.memory_space<hbm>>
        tpu.enqueue_indirect_dma source(%dma_start3A_73 : memref<8000x128xf32, #tpu.memory_space<hbm>>) target(%arg13 : memref<128x128xf32, #tpu.memory_space<vmem>>) offsets(%arg9 : memref<128xi32, #tpu.memory_space<vmem>>) semaphore(%arg16 : memref<!tpu.dma_semaphore, #tpu.memory_space<semaphore_mem>>)
        %dma_wait3A_74 = arith.constant 0 : i32
        %dma_wait3A_75 = arith.constant 0 : i32
        %dma_wait3A_76 = tpu.memref_slice %arg2[%dma_wait3A_74, %dma_wait3A_75] : memref<8000x128xf32, #tpu.memory_space<hbm>> -> memref<128x128xf32, #tpu.memory_space<hbm>>
        %dma_wait3A_77 = arith.constant 0 : i32
        %dma_wait3A_78 = arith.constant 0 : i32
        %dma_wait3A_79 = tpu.memref_slice %arg2[%dma_wait3A_77, %dma_wait3A_78] : memref<8000x128xf32, #tpu.memory_space<hbm>> -> memref<128x128xf32, #tpu.memory_space<hbm>>
        tpu.wait_dma2 semaphore(%arg15 : memref<!tpu.dma_semaphore, #tpu.memory_space<semaphore_mem>>) src(%dma_wait3A_79 : memref<128x128xf32, #tpu.memory_space<hbm>>) dst(%arg12 : memref<128x128xf32, #tpu.memory_space<vmem>>)
        "tpu.region"() ({
          %run_scoped3A = tpu.sem_alloc : memref<!tpu.dma_semaphore, #tpu.memory_space<semaphore_mem>>
          %dma_start3A_121 = arith.constant 0 : i32
          %dma_start3A_122 = arith.constant 0 : i32
          %dma_start3A_123 = tpu.memref_slice %arg14[%dma_start3A_121, %dma_start3A_122] : memref<10112x128xf32, #tpu.memory_space<vmem_shared>> -> memref<10112x128xf32, #tpu.memory_space<vmem_shared>>
          tpu.enqueue_indirect_dma source(%arg12 : memref<128x128xf32, #tpu.memory_space<vmem>>) target(%dma_start3A_123 : memref<10112x128xf32, #tpu.memory_space<vmem_shared>>) offsets(%arg10 : memref<128xi32, #tpu.memory_space<vmem>>) semaphore(%run_scoped3A : memref<!tpu.dma_semaphore, #tpu.memory_space<semaphore_mem>>) {add = true}
          %dma_wait3A_124 = arith.constant 0 : i32
          %dma_wait3A_125 = arith.constant 0 : i32
          %dma_wait3A_126 = tpu.memref_slice %arg14[%dma_wait3A_124, %dma_wait3A_125] : memref<10112x128xf32, #tpu.memory_space<vmem_shared>> -> memref<10112x128xf32, #tpu.memory_space<vmem_shared>>
          tpu.wait_indirect_dma semaphore(%run_scoped3A : memref<!tpu.dma_semaphore, #tpu.memory_space<semaphore_mem>>) src(%arg12 : memref<128x128xf32, #tpu.memory_space<vmem>>) dst(%dma_wait3A_126 : memref<10112x128xf32, #tpu.memory_space<vmem_shared>>)
          tpu.yield
        }) : () -> ()
        %mul3A_80 = arith.constant 2 : i32
        %mul3A_81 = arith.muli %add3A_66, %mul3A_80 : i32
        %add3A_82 = arith.constant 0 : i32
        %add3A_83 = arith.addi %mul3A_81, %add3A_82 : i32
        %add3A_84 = arith.constant 2 : i32
        %add3A_85 = arith.addi %add3A_83, %add3A_84 : i32
        %mul3A_86 = arith.constant 128 : i32
        %mul3A_87 = arith.muli %add3A_85, %mul3A_86 : i32
        %add3A_88 = arith.addi %add3A_34, %mul3A_87 : i32
        %dma_start3A_89 = tpu.memref_slice %arg3[%add3A_88] : memref<606464xi32, #tpu.memory_space<hbm>> -> memref<128xi32, #tpu.memory_space<hbm>>
        %dma_start3A_90 = tpu.memref_slice %arg3[%add3A_88] : memref<606464xi32, #tpu.memory_space<hbm>> -> memref<128xi32, #tpu.memory_space<hbm>>
        tpu.enqueue_dma source(%dma_start3A_90 : memref<128xi32, #tpu.memory_space<hbm>>) target(%arg8 : memref<128xi32, #tpu.memory_space<vmem>>) target_semaphore(%arg17 : memref<!tpu.dma_semaphore, #tpu.memory_space<semaphore_mem>>)
        %add3A_91 = arith.addi %mul3A_31, %mul3A_87 : i32
        %dma_start3A_92 = tpu.memref_slice %arg4[%add3A_91] : memref<151808xi32, #tpu.memory_space<hbm>> -> memref<128xi32, #tpu.memory_space<hbm>>
        %dma_start3A_93 = tpu.memref_slice %arg4[%add3A_91] : memref<151808xi32, #tpu.memory_space<hbm>> -> memref<128xi32, #tpu.memory_space<hbm>>
        tpu.enqueue_dma source(%dma_start3A_93 : memref<128xi32, #tpu.memory_space<hbm>>) target(%arg10 : memref<128xi32, #tpu.memory_space<vmem>>) target_semaphore(%arg17 : memref<!tpu.dma_semaphore, #tpu.memory_space<semaphore_mem>>)
        %dma_wait3A_94 = tpu.memref_slice %arg3[%add3A_34] : memref<606464xi32, #tpu.memory_space<hbm>> -> memref<128xi32, #tpu.memory_space<hbm>>
        %dma_wait3A_95 = tpu.memref_slice %arg3[%add3A_34] : memref<606464xi32, #tpu.memory_space<hbm>> -> memref<128xi32, #tpu.memory_space<hbm>>
        tpu.wait_dma2 semaphore(%arg17 : memref<!tpu.dma_semaphore, #tpu.memory_space<semaphore_mem>>) src(%dma_wait3A_95 : memref<128xi32, #tpu.memory_space<hbm>>) dst(%arg8 : memref<128xi32, #tpu.memory_space<vmem>>)
        %dma_wait3A_96 = tpu.memref_slice %arg4[%mul3A_31] : memref<151808xi32, #tpu.memory_space<hbm>> -> memref<128xi32, #tpu.memory_space<hbm>>
        %dma_wait3A_97 = tpu.memref_slice %arg4[%mul3A_31] : memref<151808xi32, #tpu.memory_space<hbm>> -> memref<128xi32, #tpu.memory_space<hbm>>
        tpu.wait_dma2 semaphore(%arg17 : memref<!tpu.dma_semaphore, #tpu.memory_space<semaphore_mem>>) src(%dma_wait3A_97 : memref<128xi32, #tpu.memory_space<hbm>>) dst(%arg10 : memref<128xi32, #tpu.memory_space<vmem>>)
        %dma_start3A_98 = arith.constant 0 : i32
        %dma_start3A_99 = arith.constant 0 : i32
        %dma_start3A_100 = tpu.memref_slice %arg2[%dma_start3A_98, %dma_start3A_99] : memref<8000x128xf32, #tpu.memory_space<hbm>> -> memref<8000x128xf32, #tpu.memory_space<hbm>>
        tpu.enqueue_indirect_dma source(%dma_start3A_100 : memref<8000x128xf32, #tpu.memory_space<hbm>>) target(%arg12 : memref<128x128xf32, #tpu.memory_space<vmem>>) offsets(%arg8 : memref<128xi32, #tpu.memory_space<vmem>>) semaphore(%arg15 : memref<!tpu.dma_semaphore, #tpu.memory_space<semaphore_mem>>)
        %dma_wait3A_101 = arith.constant 0 : i32
        %dma_wait3A_102 = arith.constant 0 : i32
        %dma_wait3A_103 = tpu.memref_slice %arg2[%dma_wait3A_101, %dma_wait3A_102] : memref<8000x128xf32, #tpu.memory_space<hbm>> -> memref<128x128xf32, #tpu.memory_space<hbm>>
        %dma_wait3A_104 = arith.constant 0 : i32
        %dma_wait3A_105 = arith.constant 0 : i32
        %dma_wait3A_106 = tpu.memref_slice %arg2[%dma_wait3A_104, %dma_wait3A_105] : memref<8000x128xf32, #tpu.memory_space<hbm>> -> memref<128x128xf32, #tpu.memory_space<hbm>>
        tpu.wait_dma2 semaphore(%arg16 : memref<!tpu.dma_semaphore, #tpu.memory_space<semaphore_mem>>) src(%dma_wait3A_106 : memref<128x128xf32, #tpu.memory_space<hbm>>) dst(%arg13 : memref<128x128xf32, #tpu.memory_space<vmem>>)
        "tpu.region"() ({
          %run_scoped3A = tpu.sem_alloc : memref<!tpu.dma_semaphore, #tpu.memory_space<semaphore_mem>>
          %dma_start3A_121 = arith.constant 0 : i32
          %dma_start3A_122 = arith.constant 0 : i32
          %dma_start3A_123 = tpu.memref_slice %arg14[%dma_start3A_121, %dma_start3A_122] : memref<10112x128xf32, #tpu.memory_space<vmem_shared>> -> memref<10112x128xf32, #tpu.memory_space<vmem_shared>>
          tpu.enqueue_indirect_dma source(%arg13 : memref<128x128xf32, #tpu.memory_space<vmem>>) target(%dma_start3A_123 : memref<10112x128xf32, #tpu.memory_space<vmem_shared>>) offsets(%arg11 : memref<128xi32, #tpu.memory_space<vmem>>) semaphore(%run_scoped3A : memref<!tpu.dma_semaphore, #tpu.memory_space<semaphore_mem>>) {add = true}
          %dma_wait3A_124 = arith.constant 0 : i32
          %dma_wait3A_125 = arith.constant 0 : i32
          %dma_wait3A_126 = tpu.memref_slice %arg14[%dma_wait3A_124, %dma_wait3A_125] : memref<10112x128xf32, #tpu.memory_space<vmem_shared>> -> memref<10112x128xf32, #tpu.memory_space<vmem_shared>>
          tpu.wait_indirect_dma semaphore(%run_scoped3A : memref<!tpu.dma_semaphore, #tpu.memory_space<semaphore_mem>>) src(%arg13 : memref<128x128xf32, #tpu.memory_space<vmem>>) dst(%dma_wait3A_126 : memref<10112x128xf32, #tpu.memory_space<vmem_shared>>)
          tpu.yield
        }) : () -> ()
        %mul3A_107 = arith.constant 2 : i32
        %mul3A_108 = arith.muli %add3A_66, %mul3A_107 : i32
        %add3A_109 = arith.constant 1 : i32
        %add3A_110 = arith.addi %mul3A_108, %add3A_109 : i32
        %add3A_111 = arith.constant 2 : i32
        %add3A_112 = arith.addi %add3A_110, %add3A_111 : i32
        %mul3A_113 = arith.constant 128 : i32
        %mul3A_114 = arith.muli %add3A_112, %mul3A_113 : i32
        %add3A_115 = arith.addi %add3A_34, %mul3A_114 : i32
        %dma_start3A_116 = tpu.memref_slice %arg3[%add3A_115] : memref<606464xi32, #tpu.memory_space<hbm>> -> memref<128xi32, #tpu.memory_space<hbm>>
        %dma_start3A_117 = tpu.memref_slice %arg3[%add3A_115] : memref<606464xi32, #tpu.memory_space<hbm>> -> memref<128xi32, #tpu.memory_space<hbm>>
        tpu.enqueue_dma source(%dma_start3A_117 : memref<128xi32, #tpu.memory_space<hbm>>) target(%arg9 : memref<128xi32, #tpu.memory_space<vmem>>) target_semaphore(%arg17 : memref<!tpu.dma_semaphore, #tpu.memory_space<semaphore_mem>>)
        %add3A_118 = arith.addi %mul3A_31, %mul3A_114 : i32
        %dma_start3A_119 = tpu.memref_slice %arg4[%add3A_118] : memref<151808xi32, #tpu.memory_space<hbm>> -> memref<128xi32, #tpu.memory_space<hbm>>
        %dma_start3A_120 = tpu.memref_slice %arg4[%add3A_118] : memref<151808xi32, #tpu.memory_space<hbm>> -> memref<128xi32, #tpu.memory_space<hbm>>
        tpu.enqueue_dma source(%dma_start3A_120 : memref<128xi32, #tpu.memory_space<hbm>>) target(%arg11 : memref<128xi32, #tpu.memory_space<vmem>>) target_semaphore(%arg17 : memref<!tpu.dma_semaphore, #tpu.memory_space<semaphore_mem>>)
      }
      %scan3A_52 = arith.constant 37 : i32
      %dma_wait3A = tpu.memref_slice %arg3[%add3A_34] : memref<606464xi32, #tpu.memory_space<hbm>> -> memref<128xi32, #tpu.memory_space<hbm>>
      %dma_wait3A_53 = tpu.memref_slice %arg3[%add3A_34] : memref<606464xi32, #tpu.memory_space<hbm>> -> memref<128xi32, #tpu.memory_space<hbm>>
      tpu.wait_dma2 semaphore(%arg17 : memref<!tpu.dma_semaphore, #tpu.memory_space<semaphore_mem>>) src(%dma_wait3A_53 : memref<128xi32, #tpu.memory_space<hbm>>) dst(%arg9 : memref<128xi32, #tpu.memory_space<vmem>>)
      %dma_wait3A_54 = tpu.memref_slice %arg4[%mul3A_31] : memref<151808xi32, #tpu.memory_space<hbm>> -> memref<128xi32, #tpu.memory_space<hbm>>
      %dma_wait3A_55 = tpu.memref_slice %arg4[%mul3A_31] : memref<151808xi32, #tpu.memory_space<hbm>> -> memref<128xi32, #tpu.memory_space<hbm>>
      tpu.wait_dma2 semaphore(%arg17 : memref<!tpu.dma_semaphore, #tpu.memory_space<semaphore_mem>>) src(%dma_wait3A_55 : memref<128xi32, #tpu.memory_space<hbm>>) dst(%arg11 : memref<128xi32, #tpu.memory_space<vmem>>)
      %dma_wait3A_56 = arith.constant 0 : i32
      %dma_wait3A_57 = arith.constant 0 : i32
      %dma_wait3A_58 = tpu.memref_slice %arg2[%dma_wait3A_56, %dma_wait3A_57] : memref<8000x128xf32, #tpu.memory_space<hbm>> -> memref<128x128xf32, #tpu.memory_space<hbm>>
      %dma_wait3A_59 = arith.constant 0 : i32
      %dma_wait3A_60 = arith.constant 0 : i32
      %dma_wait3A_61 = tpu.memref_slice %arg2[%dma_wait3A_59, %dma_wait3A_60] : memref<8000x128xf32, #tpu.memory_space<hbm>> -> memref<128x128xf32, #tpu.memory_space<hbm>>
      tpu.wait_dma2 semaphore(%arg15 : memref<!tpu.dma_semaphore, #tpu.memory_space<semaphore_mem>>) src(%dma_wait3A_61 : memref<128x128xf32, #tpu.memory_space<hbm>>) dst(%arg12 : memref<128x128xf32, #tpu.memory_space<vmem>>)
    } else {
    }
    %barrier3A_26 = arith.constant 0 : index
    tpu.barrier barrier_id(%barrier3A_26)
    %convert_element_type3A_27 = arith.extui %lt3A_16 : i1 to i32
    %cond3A_28 = arith.constant 0 : i32
    %cond3A_29 = arith.cmpi ne, %convert_element_type3A_27, %cond3A_28 : i32
    scf.if %cond3A_29 {
      "tpu.region"() ({
        %run_scoped3A = tpu.sem_alloc : memref<!tpu.dma_semaphore, #tpu.memory_space<semaphore_mem>>
        %dma_start3A = arith.constant 0 : i32
        %dma_start3A_30 = tpu.memref_slice %arg7[%add3A_14, %mul3A_0, %dma_start3A] : memref<4x10112x128xf32, #tpu.memory_space<hbm>> -> memref<1x632x128xf32, #tpu.memory_space<hbm>>
        %dma_start3A_31 = tpu.memref_squeeze %dma_start3A_30 : memref<1x632x128xf32, #tpu.memory_space<hbm>> -> memref<632x128xf32, #tpu.memory_space<hbm>>
        %dma_start3A_32 = arith.constant 0 : i32
        %dma_start3A_33 = tpu.memref_slice %arg14[%mul3A_0, %dma_start3A_32] : memref<10112x128xf32, #tpu.memory_space<vmem_shared>> -> memref<632x128xf32, #tpu.memory_space<vmem_shared>>
        tpu.enqueue_dma source(%dma_start3A_33 : memref<632x128xf32, #tpu.memory_space<vmem_shared>>) target(%dma_start3A_31 : memref<632x128xf32, #tpu.memory_space<hbm>>) target_semaphore(%run_scoped3A : memref<!tpu.dma_semaphore, #tpu.memory_space<semaphore_mem>>)
        %dma_wait3A = arith.constant 0 : i32
        %dma_wait3A_34 = tpu.memref_slice %arg7[%add3A_14, %mul3A_0, %dma_wait3A] : memref<4x10112x128xf32, #tpu.memory_space<hbm>> -> memref<1x632x128xf32, #tpu.memory_space<hbm>>
        %dma_wait3A_35 = tpu.memref_squeeze %dma_wait3A_34 : memref<1x632x128xf32, #tpu.memory_space<hbm>> -> memref<632x128xf32, #tpu.memory_space<hbm>>
        %dma_wait3A_36 = arith.constant 0 : i32
        %dma_wait3A_37 = tpu.memref_slice %arg14[%mul3A_0, %dma_wait3A_36] : memref<10112x128xf32, #tpu.memory_space<vmem_shared>> -> memref<632x128xf32, #tpu.memory_space<vmem_shared>>
        tpu.wait_dma2 semaphore(%run_scoped3A : memref<!tpu.dma_semaphore, #tpu.memory_space<semaphore_mem>>) src(%dma_wait3A_37 : memref<632x128xf32, #tpu.memory_space<vmem_shared>>) dst(%dma_wait3A_35 : memref<632x128xf32, #tpu.memory_space<hbm>>)
        tpu.yield
      }) : () -> ()
    } else {
    }
    return
  }
}

module attributes {stable_mosaic.version = 14 : i64} {
  func.func @_dom_kernel(%arg0: memref<4x2000x128xf32, #tpu.memory_space<vmem>>, %arg1: memref<2000x128xf32, #tpu.memory_space<vmem>>, %arg2: memref<1x2000x128xf32, #tpu.memory_space<vmem>>, %arg3: memref<2000x128xf32, #tpu.memory_space<vmem>>, %arg4: memref<2000x256xf32, #tpu.memory_space<vmem>>, %arg5: memref<4x128x512xf32, #tpu.memory_space<vmem>>, %arg6: memref<1x128x512xf32, #tpu.memory_space<vmem>>, %arg7: memref<256x512xf32, #tpu.memory_space<vmem>>, %arg8: memref<1x512xf32, #tpu.memory_space<vmem>>, %arg9: memref<2000x512xf32, #tpu.memory_space<vmem>>) attributes {dimension_semantics = [], scalar_prefetch = 0 : i64, scratch_operands = 0 : i64, tpu.core_type = #tpu.core_type<tc>} {
    %get3A = arith.constant 0 : index
    %get3A_0 = arith.constant 0 : index
    %get3A_1 = vector.load %arg1[%get3A, %get3A_0] : memref<2000x128xf32, #tpu.memory_space<vmem>>, vector<2000x128xf32>
    %slice3A = vector.extract_strided_slice %get3A_1 {offsets = [0, 0], sizes = [2000, 1], strides = [1, 1]} : vector<2000x128xf32> to vector<2000x1xf32>
    %max3A = arith.constant 1.000000e+00 : f32
    %max3A_2 = vector.broadcast %max3A : f32 to vector<2000x1xf32>
    %max3A_3 = arith.maximumf %slice3A, %max3A_2 : vector<2000x1xf32>
    %div3A = arith.constant 1.000000e+00 : f32
    %div3A_4 = vector.broadcast %div3A : f32 to vector<2000x1xf32>
    %div3A_5 = arith.divf %div3A_4, %max3A_3 : vector<2000x1xf32>
    %get3A_6 = arith.constant 0 : index
    %get3A_7 = arith.constant 0 : index
    %get3A_8 = vector.load %arg3[%get3A_6, %get3A_7] : memref<2000x128xf32, #tpu.memory_space<vmem>>, vector<2000x128xf32>
    %slice3A_9 = vector.extract_strided_slice %get3A_8 {offsets = [0, 0], sizes = [2000, 1], strides = [1, 1]} : vector<2000x128xf32> to vector<2000x1xf32>
    %max3A_10 = arith.constant 1.000000e+00 : f32
    %max3A_11 = vector.broadcast %max3A_10 : f32 to vector<2000x1xf32>
    %max3A_12 = arith.maximumf %slice3A_9, %max3A_11 : vector<2000x1xf32>
    %div3A_13 = arith.constant 1.000000e+00 : f32
    %div3A_14 = vector.broadcast %div3A_13 : f32 to vector<2000x1xf32>
    %div3A_15 = arith.divf %div3A_14, %max3A_12 : vector<2000x1xf32>
    %get3A_16 = arith.constant 0 : index
    %get3A_17 = arith.constant 0 : index
    %get3A_18 = vector.load %arg4[%get3A_16, %get3A_17] : memref<2000x256xf32, #tpu.memory_space<vmem>>, vector<2000x256xf32>
    %get3A_19 = arith.constant 0 : index
    %get3A_20 = arith.constant 0 : index
    %get3A_21 = vector.load %arg7[%get3A_19, %get3A_20] : memref<256x512xf32, #tpu.memory_space<vmem>>, vector<256x512xf32>
    %dot_general3A = arith.constant dense<0.000000e+00> : vector<2000x512xf32>
    %dot_general3A_22 = tpu.matmul %get3A_18, %get3A_21, %dot_general3A {dimension_numbers = #tpu.dot_dimension_numbers<[1], [0], [0], [1], [0, 0, 1, 1], [], []>, transpose_lhs_hint = false} : vector<2000x256xf32>, vector<256x512xf32>, vector<2000x512xf32> -> vector<2000x512xf32>
    %get3A_23 = arith.constant 0 : index
    %get3A_24 = arith.constant 0 : index
    %get3A_25 = arith.constant 0 : index
    %get3A_26 = vector.load %arg0[%get3A_23, %get3A_24, %get3A_25] : memref<4x2000x128xf32, #tpu.memory_space<vmem>>, vector<1x2000x128xf32>
    %get3A_27 = vector.shape_cast %get3A_26 : vector<1x2000x128xf32> to vector<2000x128xf32>
    %mul3A = vector.broadcast %div3A_5 : vector<2000x1xf32> to vector<2000x128xf32>
    %mul3A_28 = arith.mulf %get3A_27, %mul3A : vector<2000x128xf32>
    %get3A_29 = arith.constant 0 : index
    %get3A_30 = arith.constant 0 : index
    %get3A_31 = arith.constant 0 : index
    %get3A_32 = vector.load %arg5[%get3A_29, %get3A_30, %get3A_31] : memref<4x128x512xf32, #tpu.memory_space<vmem>>, vector<1x128x512xf32>
    %get3A_33 = vector.shape_cast %get3A_32 : vector<1x128x512xf32> to vector<128x512xf32>
    %dot_general3A_34 = arith.constant dense<0.000000e+00> : vector<2000x512xf32>
    %dot_general3A_35 = tpu.matmul %mul3A_28, %get3A_33, %dot_general3A_34 {dimension_numbers = #tpu.dot_dimension_numbers<[1], [0], [0], [1], [0, 0, 1, 1], [], []>, transpose_lhs_hint = false} : vector<2000x128xf32>, vector<128x512xf32>, vector<2000x512xf32> -> vector<2000x512xf32>
    %add3A = arith.addf %dot_general3A_22, %dot_general3A_35 : vector<2000x512xf32>
    %get3A_36 = arith.constant 1 : index
    %get3A_37 = arith.constant 0 : index
    %get3A_38 = arith.constant 0 : index
    %get3A_39 = vector.load %arg0[%get3A_36, %get3A_37, %get3A_38] : memref<4x2000x128xf32, #tpu.memory_space<vmem>>, vector<1x2000x128xf32>
    %get3A_40 = vector.shape_cast %get3A_39 : vector<1x2000x128xf32> to vector<2000x128xf32>
    %mul3A_41 = vector.broadcast %div3A_5 : vector<2000x1xf32> to vector<2000x128xf32>
    %mul3A_42 = arith.mulf %get3A_40, %mul3A_41 : vector<2000x128xf32>
    %get3A_43 = arith.constant 1 : index
    %get3A_44 = arith.constant 0 : index
    %get3A_45 = arith.constant 0 : index
    %get3A_46 = vector.load %arg5[%get3A_43, %get3A_44, %get3A_45] : memref<4x128x512xf32, #tpu.memory_space<vmem>>, vector<1x128x512xf32>
    %get3A_47 = vector.shape_cast %get3A_46 : vector<1x128x512xf32> to vector<128x512xf32>
    %dot_general3A_48 = arith.constant dense<0.000000e+00> : vector<2000x512xf32>
    %dot_general3A_49 = tpu.matmul %mul3A_42, %get3A_47, %dot_general3A_48 {dimension_numbers = #tpu.dot_dimension_numbers<[1], [0], [0], [1], [0, 0, 1, 1], [], []>, transpose_lhs_hint = false} : vector<2000x128xf32>, vector<128x512xf32>, vector<2000x512xf32> -> vector<2000x512xf32>
    %add3A_50 = arith.addf %add3A, %dot_general3A_49 : vector<2000x512xf32>
    %get3A_51 = arith.constant 2 : index
    %get3A_52 = arith.constant 0 : index
    %get3A_53 = arith.constant 0 : index
    %get3A_54 = vector.load %arg0[%get3A_51, %get3A_52, %get3A_53] : memref<4x2000x128xf32, #tpu.memory_space<vmem>>, vector<1x2000x128xf32>
    %get3A_55 = vector.shape_cast %get3A_54 : vector<1x2000x128xf32> to vector<2000x128xf32>
    %mul3A_56 = vector.broadcast %div3A_5 : vector<2000x1xf32> to vector<2000x128xf32>
    %mul3A_57 = arith.mulf %get3A_55, %mul3A_56 : vector<2000x128xf32>
    %get3A_58 = arith.constant 2 : index
    %get3A_59 = arith.constant 0 : index
    %get3A_60 = arith.constant 0 : index
    %get3A_61 = vector.load %arg5[%get3A_58, %get3A_59, %get3A_60] : memref<4x128x512xf32, #tpu.memory_space<vmem>>, vector<1x128x512xf32>
    %get3A_62 = vector.shape_cast %get3A_61 : vector<1x128x512xf32> to vector<128x512xf32>
    %dot_general3A_63 = arith.constant dense<0.000000e+00> : vector<2000x512xf32>
    %dot_general3A_64 = tpu.matmul %mul3A_57, %get3A_62, %dot_general3A_63 {dimension_numbers = #tpu.dot_dimension_numbers<[1], [0], [0], [1], [0, 0, 1, 1], [], []>, transpose_lhs_hint = false} : vector<2000x128xf32>, vector<128x512xf32>, vector<2000x512xf32> -> vector<2000x512xf32>
    %add3A_65 = arith.addf %add3A_50, %dot_general3A_64 : vector<2000x512xf32>
    %get3A_66 = arith.constant 3 : index
    %get3A_67 = arith.constant 0 : index
    %get3A_68 = arith.constant 0 : index
    %get3A_69 = vector.load %arg0[%get3A_66, %get3A_67, %get3A_68] : memref<4x2000x128xf32, #tpu.memory_space<vmem>>, vector<1x2000x128xf32>
    %get3A_70 = vector.shape_cast %get3A_69 : vector<1x2000x128xf32> to vector<2000x128xf32>
    %mul3A_71 = vector.broadcast %div3A_5 : vector<2000x1xf32> to vector<2000x128xf32>
    %mul3A_72 = arith.mulf %get3A_70, %mul3A_71 : vector<2000x128xf32>
    %get3A_73 = arith.constant 3 : index
    %get3A_74 = arith.constant 0 : index
    %get3A_75 = arith.constant 0 : index
    %get3A_76 = vector.load %arg5[%get3A_73, %get3A_74, %get3A_75] : memref<4x128x512xf32, #tpu.memory_space<vmem>>, vector<1x128x512xf32>
    %get3A_77 = vector.shape_cast %get3A_76 : vector<1x128x512xf32> to vector<128x512xf32>
    %dot_general3A_78 = arith.constant dense<0.000000e+00> : vector<2000x512xf32>
    %dot_general3A_79 = tpu.matmul %mul3A_72, %get3A_77, %dot_general3A_78 {dimension_numbers = #tpu.dot_dimension_numbers<[1], [0], [0], [1], [0, 0, 1, 1], [], []>, transpose_lhs_hint = false} : vector<2000x128xf32>, vector<128x512xf32>, vector<2000x512xf32> -> vector<2000x512xf32>
    %add3A_80 = arith.addf %add3A_65, %dot_general3A_79 : vector<2000x512xf32>
    %get3A_81 = arith.constant 0 : index
    %get3A_82 = arith.constant 0 : index
    %get3A_83 = arith.constant 0 : index
    %get3A_84 = vector.load %arg2[%get3A_81, %get3A_82, %get3A_83] : memref<1x2000x128xf32, #tpu.memory_space<vmem>>, vector<1x2000x128xf32>
    %get3A_85 = vector.shape_cast %get3A_84 : vector<1x2000x128xf32> to vector<2000x128xf32>
    %mul3A_86 = vector.broadcast %div3A_15 : vector<2000x1xf32> to vector<2000x128xf32>
    %mul3A_87 = arith.mulf %get3A_85, %mul3A_86 : vector<2000x128xf32>
    %get3A_88 = arith.constant 0 : index
    %get3A_89 = arith.constant 0 : index
    %get3A_90 = arith.constant 0 : index
    %get3A_91 = vector.load %arg6[%get3A_88, %get3A_89, %get3A_90] : memref<1x128x512xf32, #tpu.memory_space<vmem>>, vector<1x128x512xf32>
    %get3A_92 = vector.shape_cast %get3A_91 : vector<1x128x512xf32> to vector<128x512xf32>
    %dot_general3A_93 = arith.constant dense<0.000000e+00> : vector<2000x512xf32>
    %dot_general3A_94 = tpu.matmul %mul3A_87, %get3A_92, %dot_general3A_93 {dimension_numbers = #tpu.dot_dimension_numbers<[1], [0], [0], [1], [0, 0, 1, 1], [], []>, transpose_lhs_hint = false} : vector<2000x128xf32>, vector<128x512xf32>, vector<2000x512xf32> -> vector<2000x512xf32>
    %add3A_95 = arith.addf %add3A_80, %dot_general3A_94 : vector<2000x512xf32>
    %get3A_96 = arith.constant 0 : index
    %get3A_97 = arith.constant 0 : index
    %get3A_98 = vector.load %arg8[%get3A_96, %get3A_97] : memref<1x512xf32, #tpu.memory_space<vmem>>, vector<1x512xf32>
    %add3A_99 = vector.broadcast %get3A_98 : vector<1x512xf32> to vector<2000x512xf32>
    %add3A_100 = arith.addf %add3A_95, %add3A_99 : vector<2000x512xf32>
    %mul3A_101 = arith.constant 5.000000e-01 : f32
    %mul3A_102 = vector.broadcast %mul3A_101 : f32 to vector<2000x512xf32>
    %mul3A_103 = arith.mulf %add3A_100, %mul3A_102 : vector<2000x512xf32>
    %max3A_104 = arith.constant 0.000000e+00 : f32
    %max3A_105 = vector.broadcast %max3A_104 : f32 to vector<2000x512xf32>
    %max3A_106 = arith.maximumf %mul3A_103, %max3A_105 : vector<2000x512xf32>
    %swap3A = arith.constant 0 : index
    %swap3A_107 = arith.constant 0 : index
    %swap3A_108 = vector.load %arg9[%swap3A, %swap3A_107] : memref<2000x512xf32, #tpu.memory_space<vmem>>, vector<2000x512xf32>
    tpu.vector_store %arg9[%swap3A, %swap3A_107], %max3A_106 {strides = array<i32>} : memref<2000x512xf32, #tpu.memory_space<vmem>>, vector<2000x512xf32>,
    return
  }
}

module attributes {stable_mosaic.version = 14 : i64} {
  func.func @_sage_block_kernel(%arg0: i32, %arg1: memref<2x1000x128xf32, #tpu.memory_space<vmem>>, %arg2: memref<1000x128xf32, #tpu.memory_space<vmem>>, %arg3: memref<1000x512xf32, #tpu.memory_space<vmem>>, %arg4: memref<2x128x512xf32, #tpu.memory_space<vmem>>, %arg5: memref<512x512xf32, #tpu.memory_space<vmem>>, %arg6: memref<1x512xf32, #tpu.memory_space<vmem>>, %arg7: memref<1000x512xf32, #tpu.memory_space<vmem>>) attributes {dimension_semantics = [#tpu.dimension_semantics<arbitrary>], iteration_bounds = array<i64: 10>, scalar_prefetch = 0 : i64, scratch_operands = 0 : i64, tpu.core_type = #tpu.core_type<tc>, window_params = [{transform_indices = @transform_0, window_bounds = array<i64: 2, 1000, 128>}, {transform_indices = @transform_1, window_bounds = array<i64: 1000, 128>}, {transform_indices = @transform_2, window_bounds = array<i64: 1000, 512>}, {pipeline_mode = #tpu.pipeline_mode<synchronous>, transform_indices = @transform_3, window_bounds = array<i64: 2, 128, 512>}, {pipeline_mode = #tpu.pipeline_mode<synchronous>, transform_indices = @transform_4, window_bounds = array<i64: 512, 512>}, {pipeline_mode = #tpu.pipeline_mode<synchronous>, transform_indices = @transform_5, window_bounds = array<i64: 1, 512>}, {transform_indices = @transform_6, window_bounds = array<i64: 1000, 512>}]} {
    %get3A = arith.constant 0 : index
    %get3A_0 = arith.constant 0 : index
    %get3A_1 = vector.load %arg2[%get3A, %get3A_0] : memref<1000x128xf32, #tpu.memory_space<vmem>>, vector<1000x128xf32>
    %slice3A = vector.extract_strided_slice %get3A_1 {offsets = [0, 0], sizes = [1000, 1], strides = [1, 1]} : vector<1000x128xf32> to vector<1000x1xf32>
    %max3A = arith.constant 1.000000e+00 : f32
    %max3A_2 = vector.broadcast %max3A : f32 to vector<1000x1xf32>
    %max3A_3 = arith.maximumf %slice3A, %max3A_2 : vector<1000x1xf32>
    %div3A = arith.constant 1.000000e+00 : f32
    %div3A_4 = vector.broadcast %div3A : f32 to vector<1000x1xf32>
    %div3A_5 = arith.divf %div3A_4, %max3A_3 : vector<1000x1xf32>
    %get3A_6 = arith.constant 0 : index
    %get3A_7 = arith.constant 0 : index
    %get3A_8 = vector.load %arg3[%get3A_6, %get3A_7] : memref<1000x512xf32, #tpu.memory_space<vmem>>, vector<1000x512xf32>
    %get3A_9 = arith.constant 0 : index
    %get3A_10 = arith.constant 0 : index
    %get3A_11 = vector.load %arg5[%get3A_9, %get3A_10] : memref<512x512xf32, #tpu.memory_space<vmem>>, vector<512x512xf32>
    %dot_general3A = arith.constant dense<0.000000e+00> : vector<1000x512xf32>
    %dot_general3A_12 = tpu.matmul %get3A_8, %get3A_11, %dot_general3A {dimension_numbers = #tpu.dot_dimension_numbers<[1], [0], [0], [1], [0, 0, 1, 1], [], []>, transpose_lhs_hint = false} : vector<1000x512xf32>, vector<512x512xf32>, vector<1000x512xf32> -> vector<1000x512xf32>
    %get3A_13 = arith.constant 0 : index
    %get3A_14 = arith.constant 0 : index
    %get3A_15 = arith.constant 0 : index
    %get3A_16 = vector.load %arg1[%get3A_13, %get3A_14, %get3A_15] : memref<2x1000x128xf32, #tpu.memory_space<vmem>>, vector<1x1000x128xf32>
    %get3A_17 = vector.shape_cast %get3A_16 : vector<1x1000x128xf32> to vector<1000x128xf32>
    %mul3A = vector.broadcast %div3A_5 : vector<1000x1xf32> to vector<1000x128xf32>
    %mul3A_18 = arith.mulf %get3A_17, %mul3A : vector<1000x128xf32>
    %get3A_19 = arith.constant 0 : index
    %get3A_20 = arith.constant 0 : index
    %get3A_21 = arith.constant 0 : index
    %get3A_22 = vector.load %arg4[%get3A_19, %get3A_20, %get3A_21] : memref<2x128x512xf32, #tpu.memory_space<vmem>>, vector<1x128x512xf32>
    %get3A_23 = vector.shape_cast %get3A_22 : vector<1x128x512xf32> to vector<128x512xf32>
    %dot_general3A_24 = arith.constant dense<0.000000e+00> : vector<1000x512xf32>
    %dot_general3A_25 = tpu.matmul %mul3A_18, %get3A_23, %dot_general3A_24 {dimension_numbers = #tpu.dot_dimension_numbers<[1], [0], [0], [1], [0, 0, 1, 1], [], []>, transpose_lhs_hint = false} : vector<1000x128xf32>, vector<128x512xf32>, vector<1000x512xf32> -> vector<1000x512xf32>
    %add3A = arith.addf %dot_general3A_12, %dot_general3A_25 : vector<1000x512xf32>
    %get3A_26 = arith.constant 1 : index
    %get3A_27 = arith.constant 0 : index
    %get3A_28 = arith.constant 0 : index
    %get3A_29 = vector.load %arg1[%get3A_26, %get3A_27, %get3A_28] : memref<2x1000x128xf32, #tpu.memory_space<vmem>>, vector<1x1000x128xf32>
    %get3A_30 = vector.shape_cast %get3A_29 : vector<1x1000x128xf32> to vector<1000x128xf32>
    %mul3A_31 = vector.broadcast %div3A_5 : vector<1000x1xf32> to vector<1000x128xf32>
    %mul3A_32 = arith.mulf %get3A_30, %mul3A_31 : vector<1000x128xf32>
    %get3A_33 = arith.constant 1 : index
    %get3A_34 = arith.constant 0 : index
    %get3A_35 = arith.constant 0 : index
    %get3A_36 = vector.load %arg4[%get3A_33, %get3A_34, %get3A_35] : memref<2x128x512xf32, #tpu.memory_space<vmem>>, vector<1x128x512xf32>
    %get3A_37 = vector.shape_cast %get3A_36 : vector<1x128x512xf32> to vector<128x512xf32>
    %dot_general3A_38 = arith.constant dense<0.000000e+00> : vector<1000x512xf32>
    %dot_general3A_39 = tpu.matmul %mul3A_32, %get3A_37, %dot_general3A_38 {dimension_numbers = #tpu.dot_dimension_numbers<[1], [0], [0], [1], [0, 0, 1, 1], [], []>, transpose_lhs_hint = false} : vector<1000x128xf32>, vector<128x512xf32>, vector<1000x512xf32> -> vector<1000x512xf32>
    %add3A_40 = arith.addf %add3A, %dot_general3A_39 : vector<1000x512xf32>
    %get3A_41 = arith.constant 0 : index
    %get3A_42 = arith.constant 0 : index
    %get3A_43 = vector.load %arg6[%get3A_41, %get3A_42] : memref<1x512xf32, #tpu.memory_space<vmem>>, vector<1x512xf32>
    %add3A_44 = vector.broadcast %get3A_43 : vector<1x512xf32> to vector<1000x512xf32>
    %add3A_45 = arith.addf %add3A_40, %add3A_44 : vector<1000x512xf32>
    %max3A_46 = arith.constant 0.000000e+00 : f32
    %max3A_47 = vector.broadcast %max3A_46 : f32 to vector<1000x512xf32>
    %max3A_48 = arith.maximumf %add3A_45, %max3A_47 : vector<1000x512xf32>
    %swap3A = arith.constant 0 : index
    %swap3A_49 = arith.constant 0 : index
    %swap3A_50 = vector.load %arg7[%swap3A, %swap3A_49] : memref<1000x512xf32, #tpu.memory_space<vmem>>, vector<1000x512xf32>
    tpu.vector_store %arg7[%swap3A, %swap3A_49], %max3A_48 {strides = array<i32>} : memref<1000x512xf32, #tpu.memory_space<vmem>>, vector<1000x512xf32>,
    return
  }
  func.func @transform_0(%arg0: i32) -> (i32, i32, i32) {
    %c0_i32 = arith.constant 0 : i32
    %c0_i32_0 = arith.constant 0 : i32
    %c0_i32_1 = arith.constant 0 : i32
    return %c0_i32, %arg0, %c0_i32_0 : i32, i32, i32
  }
  func.func @transform_1(%arg0: i32) -> (i32, i32) {
    %c0_i32 = arith.constant 0 : i32
    %c0_i32_0 = arith.constant 0 : i32
    return %arg0, %c0_i32 : i32, i32
  }
  func.func @transform_2(%arg0: i32) -> (i32, i32) {
    %c0_i32 = arith.constant 0 : i32
    %c0_i32_0 = arith.constant 0 : i32
    return %arg0, %c0_i32 : i32, i32
  }
  func.func @transform_3(%arg0: i32) -> (i32, i32, i32) {
    %c0_i32 = arith.constant 0 : i32
    %c0_i32_0 = arith.constant 0 : i32
    %c0_i32_1 = arith.constant 0 : i32
    %c0_i32_2 = arith.constant 0 : i32
    return %c0_i32, %c0_i32_0, %c0_i32_1 : i32, i32, i32
  }
  func.func @transform_4(%arg0: i32) -> (i32, i32) {
    %c0_i32 = arith.constant 0 : i32
    %c0_i32_0 = arith.constant 0 : i32
    %c0_i32_1 = arith.constant 0 : i32
    return %c0_i32, %c0_i32_0 : i32, i32
  }
  func.func @transform_5(%arg0: i32) -> (i32, i32) {
    %c0_i32 = arith.constant 0 : i32
    %c0_i32_0 = arith.constant 0 : i32
    %c0_i32_1 = arith.constant 0 : i32
    return %c0_i32, %c0_i32_0 : i32, i32
  }
  func.func @transform_6(%arg0: i32) -> (i32, i32) {
    %c0_i32 = arith.constant 0 : i32
    %c0_i32_0 = arith.constant 0 : i32
    return %arg0, %c0_i32 : i32, i32
  }
}

module attributes {stable_mosaic.version = 14 : i64} {
  func.func @_head_kernel(%arg0: i32, %arg1: memref<4x1000x128xf32, #tpu.memory_space<vmem>>, %arg2: memref<1000x128xf32, #tpu.memory_space<vmem>>, %arg3: memref<1000x512xf32, #tpu.memory_space<vmem>>, %arg4: memref<4x128x512xf32, #tpu.memory_space<vmem>>, %arg5: memref<512x512xf32, #tpu.memory_space<vmem>>, %arg6: memref<1x512xf32, #tpu.memory_space<vmem>>, %arg7: memref<512x512xf32, #tpu.memory_space<vmem>>, %arg8: memref<1x512xf32, #tpu.memory_space<vmem>>, %arg9: memref<512x16xf32, #tpu.memory_space<vmem>>, %arg10: memref<1x16xf32, #tpu.memory_space<vmem>>, %arg11: memref<1000x16xf32, #tpu.memory_space<vmem>>) attributes {dimension_semantics = [#tpu.dimension_semantics<arbitrary>], iteration_bounds = array<i64: 10>, scalar_prefetch = 0 : i64, scratch_operands = 0 : i64, tpu.core_type = #tpu.core_type<tc>, window_params = [{transform_indices = @transform_0, window_bounds = array<i64: 4, 1000, 128>}, {transform_indices = @transform_1, window_bounds = array<i64: 1000, 128>}, {transform_indices = @transform_2, window_bounds = array<i64: 1000, 512>}, {pipeline_mode = #tpu.pipeline_mode<synchronous>, transform_indices = @transform_3, window_bounds = array<i64: 4, 128, 512>}, {pipeline_mode = #tpu.pipeline_mode<synchronous>, transform_indices = @transform_4, window_bounds = array<i64: 512, 512>}, {pipeline_mode = #tpu.pipeline_mode<synchronous>, transform_indices = @transform_5, window_bounds = array<i64: 1, 512>}, {pipeline_mode = #tpu.pipeline_mode<synchronous>, transform_indices = @transform_6, window_bounds = array<i64: 512, 512>}, {pipeline_mode = #tpu.pipeline_mode<synchronous>, transform_indices = @transform_7, window_bounds = array<i64: 1, 512>}, {pipeline_mode = #tpu.pipeline_mode<synchronous>, transform_indices = @transform_8, window_bounds = array<i64: 512, 16>}, {pipeline_mode = #tpu.pipeline_mode<synchronous>, transform_indices = @transform_9, window_bounds = array<i64: 1, 16>}, {transform_indices = @transform_10, window_bounds = array<i64: 1000, 16>}]} {
    %get3A = arith.constant 0 : index
    %get3A_0 = arith.constant 0 : index
    %get3A_1 = vector.load %arg2[%get3A, %get3A_0] : memref<1000x128xf32, #tpu.memory_space<vmem>>, vector<1000x128xf32>
    %slice3A = vector.extract_strided_slice %get3A_1 {offsets = [0, 0], sizes = [1000, 1], strides = [1, 1]} : vector<1000x128xf32> to vector<1000x1xf32>
    %max3A = arith.constant 1.000000e+00 : f32
    %max3A_2 = vector.broadcast %max3A : f32 to vector<1000x1xf32>
    %max3A_3 = arith.maximumf %slice3A, %max3A_2 : vector<1000x1xf32>
    %div3A = arith.constant 1.000000e+00 : f32
    %div3A_4 = vector.broadcast %div3A : f32 to vector<1000x1xf32>
    %div3A_5 = arith.divf %div3A_4, %max3A_3 : vector<1000x1xf32>
    %get3A_6 = arith.constant 0 : index
    %get3A_7 = arith.constant 0 : index
    %get3A_8 = vector.load %arg3[%get3A_6, %get3A_7] : memref<1000x512xf32, #tpu.memory_space<vmem>>, vector<1000x512xf32>
    %get3A_9 = arith.constant 0 : index
    %get3A_10 = arith.constant 0 : index
    %get3A_11 = vector.load %arg5[%get3A_9, %get3A_10] : memref<512x512xf32, #tpu.memory_space<vmem>>, vector<512x512xf32>
    %dot_general3A = arith.constant dense<0.000000e+00> : vector<1000x512xf32>
    %dot_general3A_12 = tpu.matmul %get3A_8, %get3A_11, %dot_general3A {dimension_numbers = #tpu.dot_dimension_numbers<[1], [0], [0], [1], [0, 0, 1, 1], [], []>, transpose_lhs_hint = false} : vector<1000x512xf32>, vector<512x512xf32>, vector<1000x512xf32> -> vector<1000x512xf32>
    %get3A_13 = arith.constant 0 : index
    %get3A_14 = arith.constant 0 : index
    %get3A_15 = arith.constant 0 : index
    %get3A_16 = vector.load %arg1[%get3A_13, %get3A_14, %get3A_15] : memref<4x1000x128xf32, #tpu.memory_space<vmem>>, vector<1x1000x128xf32>
    %get3A_17 = vector.shape_cast %get3A_16 : vector<1x1000x128xf32> to vector<1000x128xf32>
    %mul3A = vector.broadcast %div3A_5 : vector<1000x1xf32> to vector<1000x128xf32>
    %mul3A_18 = arith.mulf %get3A_17, %mul3A : vector<1000x128xf32>
    %get3A_19 = arith.constant 0 : index
    %get3A_20 = arith.constant 0 : index
    %get3A_21 = arith.constant 0 : index
    %get3A_22 = vector.load %arg4[%get3A_19, %get3A_20, %get3A_21] : memref<4x128x512xf32, #tpu.memory_space<vmem>>, vector<1x128x512xf32>
    %get3A_23 = vector.shape_cast %get3A_22 : vector<1x128x512xf32> to vector<128x512xf32>
    %dot_general3A_24 = arith.constant dense<0.000000e+00> : vector<1000x512xf32>
    %dot_general3A_25 = tpu.matmul %mul3A_18, %get3A_23, %dot_general3A_24 {dimension_numbers = #tpu.dot_dimension_numbers<[1], [0], [0], [1], [0, 0, 1, 1], [], []>, transpose_lhs_hint = false} : vector<1000x128xf32>, vector<128x512xf32>, vector<1000x512xf32> -> vector<1000x512xf32>
    %add3A = arith.addf %dot_general3A_12, %dot_general3A_25 : vector<1000x512xf32>
    %get3A_26 = arith.constant 1 : index
    %get3A_27 = arith.constant 0 : index
    %get3A_28 = arith.constant 0 : index
    %get3A_29 = vector.load %arg1[%get3A_26, %get3A_27, %get3A_28] : memref<4x1000x128xf32, #tpu.memory_space<vmem>>, vector<1x1000x128xf32>
    %get3A_30 = vector.shape_cast %get3A_29 : vector<1x1000x128xf32> to vector<1000x128xf32>
    %mul3A_31 = vector.broadcast %div3A_5 : vector<1000x1xf32> to vector<1000x128xf32>
    %mul3A_32 = arith.mulf %get3A_30, %mul3A_31 : vector<1000x128xf32>
    %get3A_33 = arith.constant 1 : index
    %get3A_34 = arith.constant 0 : index
    %get3A_35 = arith.constant 0 : index
    %get3A_36 = vector.load %arg4[%get3A_33, %get3A_34, %get3A_35] : memref<4x128x512xf32, #tpu.memory_space<vmem>>, vector<1x128x512xf32>
    %get3A_37 = vector.shape_cast %get3A_36 : vector<1x128x512xf32> to vector<128x512xf32>
    %dot_general3A_38 = arith.constant dense<0.000000e+00> : vector<1000x512xf32>
    %dot_general3A_39 = tpu.matmul %mul3A_32, %get3A_37, %dot_general3A_38 {dimension_numbers = #tpu.dot_dimension_numbers<[1], [0], [0], [1], [0, 0, 1, 1], [], []>, transpose_lhs_hint = false} : vector<1000x128xf32>, vector<128x512xf32>, vector<1000x512xf32> -> vector<1000x512xf32>
    %add3A_40 = arith.addf %add3A, %dot_general3A_39 : vector<1000x512xf32>
    %get3A_41 = arith.constant 2 : index
    %get3A_42 = arith.constant 0 : index
    %get3A_43 = arith.constant 0 : index
    %get3A_44 = vector.load %arg1[%get3A_41, %get3A_42, %get3A_43] : memref<4x1000x128xf32, #tpu.memory_space<vmem>>, vector<1x1000x128xf32>
    %get3A_45 = vector.shape_cast %get3A_44 : vector<1x1000x128xf32> to vector<1000x128xf32>
    %mul3A_46 = vector.broadcast %div3A_5 : vector<1000x1xf32> to vector<1000x128xf32>
    %mul3A_47 = arith.mulf %get3A_45, %mul3A_46 : vector<1000x128xf32>
    %get3A_48 = arith.constant 2 : index
    %get3A_49 = arith.constant 0 : index
    %get3A_50 = arith.constant 0 : index
    %get3A_51 = vector.load %arg4[%get3A_48, %get3A_49, %get3A_50] : memref<4x128x512xf32, #tpu.memory_space<vmem>>, vector<1x128x512xf32>
    %get3A_52 = vector.shape_cast %get3A_51 : vector<1x128x512xf32> to vector<128x512xf32>
    %dot_general3A_53 = arith.constant dense<0.000000e+00> : vector<1000x512xf32>
    %dot_general3A_54 = tpu.matmul %mul3A_47, %get3A_52, %dot_general3A_53 {dimension_numbers = #tpu.dot_dimension_numbers<[1], [0], [0], [1], [0, 0, 1, 1], [], []>, transpose_lhs_hint = false} : vector<1000x128xf32>, vector<128x512xf32>, vector<1000x512xf32> -> vector<1000x512xf32>
    %add3A_55 = arith.addf %add3A_40, %dot_general3A_54 : vector<1000x512xf32>
    %get3A_56 = arith.constant 3 : index
    %get3A_57 = arith.constant 0 : index
    %get3A_58 = arith.constant 0 : index
    %get3A_59 = vector.load %arg1[%get3A_56, %get3A_57, %get3A_58] : memref<4x1000x128xf32, #tpu.memory_space<vmem>>, vector<1x1000x128xf32>
    %get3A_60 = vector.shape_cast %get3A_59 : vector<1x1000x128xf32> to vector<1000x128xf32>
    %mul3A_61 = vector.broadcast %div3A_5 : vector<1000x1xf32> to vector<1000x128xf32>
    %mul3A_62 = arith.mulf %get3A_60, %mul3A_61 : vector<1000x128xf32>
    %get3A_63 = arith.constant 3 : index
    %get3A_64 = arith.constant 0 : index
    %get3A_65 = arith.constant 0 : index
    %get3A_66 = vector.load %arg4[%get3A_63, %get3A_64, %get3A_65] : memref<4x128x512xf32, #tpu.memory_space<vmem>>, vector<1x128x512xf32>
    %get3A_67 = vector.shape_cast %get3A_66 : vector<1x128x512xf32> to vector<128x512xf32>
    %dot_general3A_68 = arith.constant dense<0.000000e+00> : vector<1000x512xf32>
    %dot_general3A_69 = tpu.matmul %mul3A_62, %get3A_67, %dot_general3A_68 {dimension_numbers = #tpu.dot_dimension_numbers<[1], [0], [0], [1], [0, 0, 1, 1], [], []>, transpose_lhs_hint = false} : vector<1000x128xf32>, vector<128x512xf32>, vector<1000x512xf32> -> vector<1000x512xf32>
    %add3A_70 = arith.addf %add3A_55, %dot_general3A_69 : vector<1000x512xf32>
    %get3A_71 = arith.constant 0 : index
    %get3A_72 = arith.constant 0 : index
    %get3A_73 = vector.load %arg6[%get3A_71, %get3A_72] : memref<1x512xf32, #tpu.memory_space<vmem>>, vector<1x512xf32>
    %add3A_74 = vector.broadcast %get3A_73 : vector<1x512xf32> to vector<1000x512xf32>
    %add3A_75 = arith.addf %add3A_70, %add3A_74 : vector<1000x512xf32>
    %max3A_76 = arith.constant 0.000000e+00 : f32
    %max3A_77 = vector.broadcast %max3A_76 : f32 to vector<1000x512xf32>
    %max3A_78 = arith.maximumf %add3A_75, %max3A_77 : vector<1000x512xf32>
    %get3A_79 = arith.constant 0 : index
    %get3A_80 = arith.constant 0 : index
    %get3A_81 = vector.load %arg7[%get3A_79, %get3A_80] : memref<512x512xf32, #tpu.memory_space<vmem>>, vector<512x512xf32>
    %dot_general3A_82 = arith.constant dense<0.000000e+00> : vector<1000x512xf32>
    %dot_general3A_83 = tpu.matmul %max3A_78, %get3A_81, %dot_general3A_82 {dimension_numbers = #tpu.dot_dimension_numbers<[1], [0], [0], [1], [0, 0, 1, 1], [], []>, transpose_lhs_hint = false} : vector<1000x512xf32>, vector<512x512xf32>, vector<1000x512xf32> -> vector<1000x512xf32>
    %get3A_84 = arith.constant 0 : index
    %get3A_85 = arith.constant 0 : index
    %get3A_86 = vector.load %arg8[%get3A_84, %get3A_85] : memref<1x512xf32, #tpu.memory_space<vmem>>, vector<1x512xf32>
    %add3A_87 = vector.broadcast %get3A_86 : vector<1x512xf32> to vector<1000x512xf32>
    %add3A_88 = arith.addf %dot_general3A_83, %add3A_87 : vector<1000x512xf32>
    %max3A_89 = arith.constant 0.000000e+00 : f32
    %max3A_90 = vector.broadcast %max3A_89 : f32 to vector<1000x512xf32>
    %max3A_91 = arith.maximumf %add3A_88, %max3A_90 : vector<1000x512xf32>
    %get3A_92 = arith.constant 0 : index
    %get3A_93 = arith.constant 0 : index
    %get3A_94 = vector.load %arg9[%get3A_92, %get3A_93] : memref<512x16xf32, #tpu.memory_space<vmem>>, vector<512x16xf32>
    %dot_general3A_95 = arith.constant dense<0.000000e+00> : vector<1000x16xf32>
    %dot_general3A_96 = tpu.matmul %max3A_91, %get3A_94, %dot_general3A_95 {dimension_numbers = #tpu.dot_dimension_numbers<[1], [0], [0], [1], [0, 0, 1, 1], [], []>, transpose_lhs_hint = false} : vector<1000x512xf32>, vector<512x16xf32>, vector<1000x16xf32> -> vector<1000x16xf32>
    %get3A_97 = arith.constant 0 : index
    %get3A_98 = arith.constant 0 : index
    %get3A_99 = vector.load %arg10[%get3A_97, %get3A_98] : memref<1x16xf32, #tpu.memory_space<vmem>>, vector<1x16xf32>
    %add3A_100 = vector.broadcast %get3A_99 : vector<1x16xf32> to vector<1000x16xf32>
    %add3A_101 = arith.addf %dot_general3A_96, %add3A_100 : vector<1000x16xf32>
    %reduce_max3A = arith.constant dense<0xFF800000> : vector<1000xf32>
    %reduce_max3A_102 = vector.multi_reduction <maximumf>, %add3A_101, %reduce_max3A [1] : vector<1000x16xf32> to vector<1000xf32>
    %broadcast_in_dim3A = vector.shape_cast %reduce_max3A_102 : vector<1000xf32> to vector<1000x1xf32>
    %sub3A = vector.broadcast %broadcast_in_dim3A : vector<1000x1xf32> to vector<1000x16xf32>
    %sub3A_103 = arith.subf %add3A_101, %sub3A : vector<1000x16xf32>
    %exp3A = math.exp %sub3A_103 : vector<1000x16xf32>
    %reduce_sum3A = arith.constant dense<0.000000e+00> : vector<1000xf32>
    %reduce_sum3A_104 = vector.multi_reduction <add>, %exp3A, %reduce_sum3A [1] : vector<1000x16xf32> to vector<1000xf32>
    %broadcast_in_dim3A_105 = vector.shape_cast %reduce_sum3A_104 : vector<1000xf32> to vector<1000x1xf32>
    %div3A_106 = vector.broadcast %broadcast_in_dim3A_105 : vector<1000x1xf32> to vector<1000x16xf32>
    %div3A_107 = arith.divf %exp3A, %div3A_106 : vector<1000x16xf32>
    %swap3A = arith.constant 0 : index
    %swap3A_108 = arith.constant 0 : index
    %swap3A_109 = vector.load %arg11[%swap3A, %swap3A_108] : memref<1000x16xf32, #tpu.memory_space<vmem>>, vector<1000x16xf32>
    tpu.vector_store %arg11[%swap3A, %swap3A_108], %div3A_107 {strides = array<i32>} : memref<1000x16xf32, #tpu.memory_space<vmem>>, vector<1000x16xf32>,
    return
  }
  func.func @transform_0(%arg0: i32) -> (i32, i32, i32) {
    %c0_i32 = arith.constant 0 : i32
    %c0_i32_0 = arith.constant 0 : i32
    %c0_i32_1 = arith.constant 0 : i32
    return %c0_i32, %arg0, %c0_i32_0 : i32, i32, i32
  }
  func.func @transform_1(%arg0: i32) -> (i32, i32) {
    %c0_i32 = arith.constant 0 : i32
    %c0_i32_0 = arith.constant 0 : i32
    return %arg0, %c0_i32 : i32, i32
  }
  func.func @transform_2(%arg0: i32) -> (i32, i32) {
    %c0_i32 = arith.constant 0 : i32
    %c0_i32_0 = arith.constant 0 : i32
    return %arg0, %c0_i32 : i32, i32
  }
  func.func @transform_3(%arg0: i32) -> (i32, i32, i32) {
    %c0_i32 = arith.constant 0 : i32
    %c0_i32_0 = arith.constant 0 : i32
    %c0_i32_1 = arith.constant 0 : i32
    %c0_i32_2 = arith.constant 0 : i32
    return %c0_i32, %c0_i32_0, %c0_i32_1 : i32, i32, i32
  }
  func.func @transform_4(%arg0: i32) -> (i32, i32) {
    %c0_i32 = arith.constant 0 : i32
    %c0_i32_0 = arith.constant 0 : i32
    %c0_i32_1 = arith.constant 0 : i32
    return %c0_i32, %c0_i32_0 : i32, i32
  }
  func.func @transform_5(%arg0: i32) -> (i32, i32) {
    %c0_i32 = arith.constant 0 : i32
    %c0_i32_0 = arith.constant 0 : i32
    %c0_i32_1 = arith.constant 0 : i32
    return %c0_i32, %c0_i32_0 : i32, i32
  }
  func.func @transform_6(%arg0: i32) -> (i32, i32) {
    %c0_i32 = arith.constant 0 : i32
    %c0_i32_0 = arith.constant 0 : i32
    %c0_i32_1 = arith.constant 0 : i32
    return %c0_i32, %c0_i32_0 : i32, i32
  }
  func.func @transform_7(%arg0: i32) -> (i32, i32) {
    %c0_i32 = arith.constant 0 : i32
    %c0_i32_0 = arith.constant 0 : i32
    %c0_i32_1 = arith.constant 0 : i32
    return %c0_i32, %c0_i32_0 : i32, i32
  }
  func.func @transform_8(%arg0: i32) -> (i32, i32) {
    %c0_i32 = arith.constant 0 : i32
    %c0_i32_0 = arith.constant 0 : i32
    %c0_i32_1 = arith.constant 0 : i32
    return %c0_i32, %c0_i32_0 : i32, i32
  }
  func.func @transform_9(%arg0: i32) -> (i32, i32) {
    %c0_i32 = arith.constant 0 : i32
    %c0_i32_0 = arith.constant 0 : i32
    %c0_i32_1 = arith.constant 0 : i32
    return %c0_i32, %c0_i32_0 : i32, i32
  }
  func.func @transform_10(%arg0: i32) -> (i32, i32) {
    %c0_i32 = arith.constant 0 : i32
    %c0_i32_0 = arith.constant 0 : i32
    return %arg0, %c0_i32 : i32, i32
  }
}

</mosaic_0001>

<sc_bundles>
// kernel: kernel.12.cloned.1.call-start
scs
__scs_entry_jumppad:
0x0: {  	(pc) =	sbr.rel $0x88, $3  }
0x1: {  	(tag) =	ssettag $0x0;
	lr =	simm.s32 $0x1  }
0x2: {  	[smem:$0x3F8B] =	sst lr;
	_ =	strace $0xD0000000  }
0x3: {  	_ = 	snop  }
0x4: {  	_ = 	snop  }
0x5: {  	_ = 	snop  }
0x6: {  	_ = 	snop  }
0x7: {  	_ = 	snop  }
__scs_overlays_trampoline_lowered:
0x8: {  	[smem:$0x3F9A] =	sst s0  }
0x9: {  	[smem:$0x3F9B] =	sst s1  }
0xa: {  	[smem:$0x3F9C] =	sst s2  }
0xb: {  	[smem:$0x3F9D] =	sst s3  }
0xc: {  	[smem:$0x3F9E] =	sst s4  }
0xd: {  	[smem:$0x3F9F] =	sst s5  }
0xe: {  	[smem:$0x3FA0] =	sst s6  }
0xf: {  	[smem:$0x3FA1] =	sst s7  }
0x10: {  	[smem:$0x3FA2] =	sst s8  }
0x11: {  	[smem:$0x3FA3] =	sst s9;
	s0 =	simm.s32 @!p0 $0x0  }
0x12: {  	s1 =	sld [smem:$0x3F89];
	s0 =	simm.s32 @p0 $0x1  }
0x13: {  	[smem:$0x3FA4] =	sst s0;
	s0 =	simm.s32 @!p1 $0x0  }
0x14: {  	s2 =	sld [smem:$0x3F88];
	s0 =	simm.s32 @p1 $0x1  }
0x15: {  	[smem:$0x3FA5] =	sst s0;
	s0 =	simm.s32 @!p2 $0x0  }
0x16: {  	s3 =	sld [smem:$0x3FDB];
	s0 =	simm.s32 @p2 $0x1  }
0x17: {  	s4 =	simm.s32 $0x1BF5;
	[smem:$0x3FA7] =	sst s0  }
0x18: {  	s0 =	sld [smem:$0x3F8A];
	_ =	swait.ge [sflag:s4], $0x0  }
0x19: {  	s7 =	sld [smem:$0x3F8B]  }
0x1a: {  	s8 =	sadd.s32 $0xFFFFE003, lr  }
0x1b: {  	s9 =	sadd.s32 $0xFFFFFEF7, lr;
	s5 =	simm.s32 $0xFFFFFFFF;
	p2 =	slt.u32 s8, $0xFFFFF086  }
0x1c: {  	p1 =	slt.u32 s9, $0xF7A;
	s5 =	simm.s32 @!p2 $0x0  }
0x1d: {  	s5 =	simm.s32 @p1 $0x1;
	p0 =	seq.s32 s7, s2  }
0x1e: {  	s7 =	smul.u32 @!p0 $0xF7A, s2;
	p2 =	seq.s32 @!p0 s5, $0x0  }
0x1f: {  	s9 =	smul.u32 $0xF7A, s1;
	s8 =	simm.s32 @!p0 $0x1BF5;
	p2 =	por !p2, p0  }
0x20: {  	[sflag:s8] =	ssyncset.s32 @!p0 $0xFFFFF086;
	s6 =	sadd.s32 @!p0 s3, s7;
	s7 =	simm.s32 @!p0 $0x108  }
0x21: {  	s3 =	sadd.s32 s3, s9;
	s6 =	sadd.s32 @!p0 $0x88, s6;
	s7 =	simm.s32 @p2 $0x1082  }
0x22: {  	[simem:s7], [sflag:s8] =	dma.local @!p0 [hbm:s6], $0xF7A  }
0x23: {  	s9 =	sor.u32 $0xD0000000, s2;
	s6 =	simm.s32 $0x108;
	_ =	swait.ge @!p0 [sflag:s8], $0x0  }
0x24: {  	s3 =	sadd.s32 $0x88, s3;
	s6 =	simm.s32 @!p1 $0x1082;
	[sflag:s4] =	ssyncset.s32 $0xFFFFF086  }
0x25: {  	[simem:s6], [sflag:s4] =	dma.local [hbm:s3], $0xF7A  }
0x26: {  	[smem:$0x3F8B] =	sst s1;
	(tag) =	ssettag s2;
	_ =	strace s9  }
0x27: {  	s1 =	sld [smem:$0x3F9B]  }
0x28: {  	s2 =	sld [smem:$0x3F9C]  }
0x29: {  	s4 =	sld [smem:$0x3F9E]  }
0x2a: {  	p0 =	seq.s32 s5, $0x0;
	s5 =	sld [smem:$0x3F9F]  }
0x2b: {  	s6 =	sld [smem:$0x3FA0]  }
0x2c: {  	s7 =	sld [smem:$0x3FA1]  }
0x2d: {  	s3 =	simm.s32 $0x108;
	s8 =	sld [smem:$0x3FA2]  }
0x2e: {  	s3 =	simm.s32 @!p0 $0x1082;
	s9 =	sld [smem:$0x3FA3]  }
0x2f: {  	lr =	sadd.s32 s0, s3;
	s0 =	sld [smem:$0x3F9A]  }
0x30: {  	s3 =	sld [smem:$0x3F9D]  }
0x31: {  	[smem:$0x3FA6] =	sst s10  }
0x32: {  	s10 =	sld [smem:$0x3FA4];
	_ =	sdelay $0x3  }
0x33: {  	p0 =	seq.s32 s10, $0x1;
	s10 =	sld [smem:$0x3FA6];
	_ =	sdelay $0x3  }
0x34: {  	[smem:$0x3FA6] =	sst s10  }
0x35: {  	s10 =	sld [smem:$0x3FA5];
	_ =	sdelay $0x3  }
0x36: {  	p1 =	seq.s32 s10, $0x1;
	s10 =	sld [smem:$0x3FA6];
	_ =	sdelay $0x3  }
0x37: {  	[smem:$0x3FA6] =	sst s10  }
0x38: {  	s10 =	sld [smem:$0x3FA7]  }
0x39: {  	_ = 	snop;
	(pc) =	sbr.ind lr, $3  }
0x3a: {  	_ = 	snop  }
0x3b: {  	_ = 	snop  }
0x3c: {  	p2 =	seq.s32 s10, $0x1;
	s10 =	sld [smem:$0x3FA6]  }
0x3d: {  	_ =	shalt  }
0x3e: {  	_ =	shalt  }
0x3f: {  	_ =	shalt  }
0x40: {  	_ =	shalt  }
0x41: {  	_ =	shalt  }
0x42: {  	_ =	shalt  }
0x43: {  	_ =	shalt  }
0x44: {  	_ =	shalt  }
0x45: {  	_ =	shalt  }
0x46: {  	_ =	shalt  }
0x47: {  	_ =	shalt  }
0x48: {  	_ =	shalt  }
0x49: {  	_ =	shalt  }
0x4a: {  	_ =	shalt  }
0x4b: {  	_ =	shalt  }
0x4c: {  	_ =	shalt  }
0x4d: {  	_ =	shalt  }
0x4e: {  	_ =	shalt  }
0x4f: {  	_ =	shalt  }
0x50: {  	_ =	shalt  }
0x51: {  	_ =	shalt  }
0x52: {  	_ =	shalt  }
0x53: {  	_ =	shalt  }
0x54: {  	_ =	shalt  }
0x55: {  	_ =	shalt  }
0x56: {  	_ =	shalt  }
0x57: {  	_ =	shalt  }
0x58: {  	_ =	shalt  }
0x59: {  	_ =	shalt  }
0x5a: {  	_ =	shalt  }
0x5b: {  	_ =	shalt  }
0x5c: {  	_ =	shalt  }
0x5d: {  	_ =	shalt  }
0x5e: {  	_ =	shalt  }
0x5f: {  	_ =	shalt  }
0x60: {  	_ =	shalt  }
0x61: {  	_ =	shalt  }
0x62: {  	_ =	shalt  }
0x63: {  	_ =	shalt  }
0x64: {  	_ =	shalt  }
0x65: {  	_ =	shalt  }
0x66: {  	_ =	shalt  }
0x67: {  	_ =	shalt  }
0x68: {  	_ =	shalt  }
0x69: {  	_ =	shalt  }
0x6a: {  	_ =	shalt  }
0x6b: {  	_ =	shalt  }
0x6c: {  	_ =	shalt  }
0x6d: {  	_ =	shalt  }
0x6e: {  	_ =	shalt  }
0x6f: {  	_ =	shalt  }
0x70: {  	_ =	shalt  }
0x71: {  	_ =	shalt  }
0x72: {  	_ =	shalt  }
0x73: {  	_ =	shalt  }
0x74: {  	_ =	shalt  }
0x75: {  	_ =	shalt  }
0x76: {  	_ =	shalt  }
0x77: {  	_ =	shalt  }
0x78: {  	_ =	shalt  }
0x79: {  	_ =	shalt  }
0x7a: {  	_ =	shalt  }
0x7b: {  	_ =	shalt  }
0x7c: {  	_ =	shalt  }
0x7d: {  	_ =	shalt  }
0x7e: {  	_ =	shalt  }
0x7f: {  	_ =	shalt  }
0x80: {  	_ =	shalt  }
0x81: {  	_ =	shalt  }
0x82: {  	_ =	shalt  }
0x83: {  	_ =	shalt  }
0x84: {  	_ =	shalt  }
0x85: {  	_ =	shalt  }
0x86: {  	_ =	shalt  }
0x87: {  	_ =	shalt  }
.Lfunc_end0:
.L_simem_size_0:
called_computation.1_lowered:
.L_overlay_start_0:
0x88: {  	s2 =	sld [smem:$0x3FD9]  }
0x89: {  	s3 =	sld [smem:$0x3FFE];
	_ =	sdelay $0x1  }
0x8a: {  	s1 =	srdreg.scid  }
0x8b: {  	s0 =	sand.u32 $0x1, s1  }
0x8c: {  	s17 =	sshll.u32 s0, $0xA;
	s2 =	sadd.s32 s3, s2  }
0x8d: {  	s2 =	sadd.s32 s2, s17  }
0x8e: {  	[smem:$0x3FB2] =	sst s2  }
0x8f: {  	_ = 	snop  }
0x90: {  	s2 =	sld [smem:$0x3FD0];
	(tm) =	ssettm $0x1  }
0x91: {  	s18 =	sld [smem:$0x3FFB];
	_ =	sdelay $0x3  }
0x92: {  	_ =	strace s18  }
0x93: {  	s3 =	sld [smem:$0x3FFC];
	_ =	sdelay $0x3  }
0x94: {  	_ =	strace s3  }
0x95: {  	s3 =	sld [smem:$0x3FFD];
	_ =	sdelay $0x3  }
0x96: {  	_ =	strace s3  }
0x97: {  	_ =	strace $0x8FFFFFFF  }
0x98: {  	s19 =	sld [smem:$0x3FDB];
	_ =	sdelay $0x1  }
0x99: {  	s4 =	simm.s32 $_scs_section_size  }
0x9a: {  	s5 =	simm.s32 $_size__tile_overlayer_lowered;
	s6 =	simm.s32 $_tile_overlayer_lowered  }
0x9b: {  	s22 =	simm.s32 $0x1BFF;
	s21 =	sshll.u32 s6, $0x1;
	s3 =	sadd.s32 s4, s19  }
0x9c: {  	s7 =	simm.s32 $0x0;
	s20 =	sshll.u32 s5, $0x1;
	s5 =	sadd.s32 s21, s3  }
0x9d: {  	[timem:s7], [sflag:s22] =	dma.local [hbm:s5], s20  }
0x9e: {  	_ =	swait.ge [sflag:s22], s20  }
0x9f: {  	s4 =	ssub.s32 $0x0, s20;
	[sflag:s22] =	ssyncset.done $0x0  }
0xa0: {  	[sflag:s22] =	ssyncadd.s32 s4;
	_ =	sdelay $0x1  }
0xa1: {  	s23 =	simm.s32 $0x1B8B  }
0xa2: {  	_ =	swait.ge [sflag:s23], $0x1  }
0xa3: {  	[sflag:s23] =	ssyncset.done $0x0  }
0xa4: {  	s25 =	simm.s32 $0x1B8E;
	s24 =	sld [smem:$0x3FFE];
	[sflag:s23] =	ssyncadd.s32 $0xFFFFFFFF  }
0xa5: {  	s26 =	simm.s32 $execute0_lowered;
	[smem:$0x3FD2] =	sst s25  }
0xa6: {  	s5 =	sshll.u32 s26, $0x1;
	_ =	strace $0x80000046;
	[dreg:$0x1] =	wrdreg $0xFFFFFFFF  }
0xa7: {  	s28 =	simm.s32 $_size_execute0_lowered;
	s3 =	sadd.s32 s3, s5;
	[dreg:$0x0] =	wrdreg $0x0  }
0xa8: {  	s5 =	sshll.u32 s28, $0x1;
	[dreg:$0x2] =	wrdreg s3  }
0xa9: {  	[dreg:$0x3] =	wrdreg s5  }
0xaa: {  	[dreg:$0x4] =	wrdreg $0xC0  }
0xab: {  	_ =	task [dreg:s7], $0x5FFFF  }
0xac: {  	[dreg:$0x1] =	wrdreg $0xFFFFFFFF  }
0xad: {  	[dreg:$0x0] =	wrdreg $0x60  }
0xae: {  	[dreg:$0x2] =	wrdreg s24  }
0xaf: {  	[dreg:$0x3] =	wrdreg s2  }
0xb0: {  	[dreg:$0x4] =	wrdreg $0x82000  }
0xb1: {  	[dreg:$0x5] =	wrdreg $0xA  }
0xb2: {  	_ =	task.clear_ibuf [dreg:s7], $0x6FFFF;
	_ =	strace $0x90000046  }
0xb3: {  	s29 =	simm.s32 $0xA;
	_ =	strace $0x80000048  }
0xb4: {  	_ =	swait.ge [sflag:s29], $0x1  }
0xb5: {  	[sflag:s29] =	ssyncadd.s32 $0xFFFFFFFF  }
0xb6: {  	_ =	strace $0x90000048  }
0xb7: {  	_ =	sfence  }
0xb8: {  	s30 =	sld [smem:$0x0];
	_ =	sdelay $0x2  }
0xb9: {  	s31 =	sshll.u32 s1, $0xD;
	s1 =	sshrl.u32 s1, $0x2  }
0xba: {  	s3 =	sand.u32 $0x4000, s31;
	s1 =	sadd.s32 s1, s30  }
0xbb: {  	s0 =	sor.u32 s3, s0;
	s1 =	sshll.u32 s1, $0x11  }
0xbc: {  	s0 =	sor.u32 s1, s0  }
0xbd: {  	s0 =	sadd.s32 $0x8F2B, s0  }
0xbe: {  	[sflag:s0] =	ssyncadd.remote.s32 $0x1  }
0xbf: {  	_ =	sfence.sel $0xFFFF  }
0xc0: {  	[dreg:$0x0] =	wrdreg $0xFFFFFFFF;
	(pc) =	sbr.abs _section_cstart, $3  }
0xc1: {  	[dreg:$0x1] =	wrdreg $0xFFFFFFFF  }
0xc2: {  	_ =	task.clear_ibuf [dreg:s7], $0x2FFFF;
	_ =	strace $0x9FFFFFFF  }
0xc3: {  	(tm) =	ssettm $0x7FFFFFFF  }
tec
execute0_lowered:
.L_overlay_start_1:
0x0: {  	(tag) =	ssettag $0x1  }
0x1: {  	s0 =	rddreg [dreg:$0x0]  }
0x2: {  	s2 =	rddreg [dreg:$0x1]  }
0x3: {  	s1 =	rddreg [dreg:$0x2];
	s3 =	simm.s32 $0x0  }
0x4: {  	s19 =	stileid.u32;
	s7 =	srdreg.scid;
	s28 =	simm.s32 $0x80  }
0x5: {  	s29 =	simm.s32 $0x200;
	s30 =	simm.s32 $0x180;
	s31 =	simm.s32 $0x3  }
0x6: {  	[smem:$0x7FF] =	sst s3;
	s4 =	sadd.s32 $0x14600, s0;
	s6 =	sshll.u32 s19, $0xB  }
0x7: {  	s5 =	sadd.s32 $0x1C00, s0;
	s7 =	sand.u32 $0x1, s7;
	s9 =	sadd.s32 $0xB0A00, s0  }
0x8: {  	s10 =	smul.u32 $0x2500, s19;
	s12 =	sshll.u32 s19, $0xE;
	s14 =	sadd.s32 $0xB9200, s0  }
0x9: {  	s24 =	sshll.u32 s19, $0x6;
	_ =	strace $0x80000047;
	s8 =	sadd.s32 s6, s0  }
0xa: {  	[dreg:$0x4] =	wrdreg s9;
	s22 =	ssub.s32 $0x2, s7;
	s13 =	smul.u32 $0x25000, s7  }
0xb: {  	s23 =	sadd.s32 s12, s1;
	s9 =	sor.u32 $0x1C04, s24;
	s26 =	sor.u32 $0x2, s7  }
0xc: {  	s0 =	sadd.s32 $0x1C10, s0;
	s16 =	sshll.u32 s7, $0x12;
	s21 =	sadd.s32 s6, s14  }
0xd: {  	p0 =	seq.s32 s7, $0x0;
	s6 =	simm.s32 $0x2;
	s11 =	sshrl.u32 s22, $0x1  }
0xe: {  	[dreg:$0x5] =	wrdreg s23;
	s8 =	sadd.s32 $0xB1200, s8;
	s25 =	sshrl.u32 s10, $0x3  }
0xf: {  	s17 =	smul.u32 $0x25000, s26;
	s16 =	sor.u32 s12, s16;
	s18 =	ssub.s32 s22, s11  }
0x10: {  	s22 =	sadd.s32 s10, s13;
	s11 =	sadd.s32 s2, s25;
	s16 =	sshrl.u32 s16, $0x3  }
0x11: {  	s13 =	sshrl.u32 s22, $0x3;
	s10 =	sadd.s32 s10, s17;
	s16 =	sadd.s32 s14, s16  }
0x12: {  	s23 =	sadd.s32 $0x180, s22;
	s15 =	sadd.s32 s5, s13;
	[dreg:$0x8] =	wrdreg s16  }
0x13: {  	s24 =	sadd.s32 $0x4A100, s22;
	s13 =	sadd.s32 s13, s0;
	[dreg:$0x6] =	wrdreg s15  }
0x14: {  	s25 =	sadd.s32 $0x4A180, s22;
	s10 =	sshrl.u32 s10, $0x3;
	[dreg:$0x7] =	wrdreg s13  }
0x15: {  	s13 =	sadd.s32 $0x10, s11;
	s15 =	sshll.u32 s26, $0x12;
	s20 =	sadd.s32 s5, s10  }
0x16: {  	s0 =	sadd.s32 s10, s0;
	s26 =	sshrl.u32 s25, $0x3;
	s25 =	simm.s32 $0x4  }
0x17: {  	s12 =	sor.u32 s12, s15;
	[dreg:$0x9] =	wrdreg s20;
	s20 =	smul.u32 $0x4A0, s19  }
0x18: {  	[dreg:$0xa] =	wrdreg s0;
	s0 =	sadd.s32 $0x20000, s21;
	s19 =	smax.u32 s18, $0x1  }
.Ltmp0:
0x19: {  	s21 =	sadd.s32 $0x100, s22;
	s18 =	simm.s32 $0x0;
	(pc) =	sbr.rel .LBB2_1-.Ltmp0, $4  }
0x1a: {  	s12 =	sshrl.u32 s12, $0x3;
	[dreg:$0xb] =	wrdreg s0;
	s0 =	sshrl.u32 s23, $0x3  }
0x1b: {  	s17 =	sadd.s32 s14, s12;
	s20 =	sadd.s32 s20, s2;
	s2 =	sshrl.u32 s24, $0x3  }
0x1c: {  	s22 =	sadd.s32 s0, s5;
	s24 =	sadd.s32 s26, s5;
	s26 =	simm.s32 $0x100  }
0x1d: {  	s0 =	simm.s32 $0x4200;
	s23 =	sadd.s32 s2, s5;
	s2 =	simm.s32 $0x1  }
.LBB2_6:
0x1e: {  	[bflag:$0x0] =	sbarrier.arrive $0xFFFF  }
0x1f: {  	[bflag:$0x0] =	sbarrier.arrive $0xFFFF  }
.LBB2_10:
0x20: {  	s18 =	sadd.s32 $0x1, s18  }
0x21: {  	p1 =	sne.s32 s18, s19  }
.Ltmp1:
0x22: {  	_ = 	snop;
	(pc) =	sbr.rel @!p1 .LBB2_11-.Ltmp1, $1  }
0x23: {  	_ =	sdelay $0x3  }
.LBB2_1:
0x24: {  	s7 =	rddreg [dreg:$0x5]  }
0x25: {  	s7 =	sshrl.u32 s7, $0x3  }
0x26: {  	[spmem:s7], [sflag:s9] =	dma.local [hbm:s8], $0x800  }
0x27: {  	_ =	swait.ge [sflag:s25], $0x800  }
0x28: {  	[sflag:s25] =	ssyncset.done $0x0  }
0x29: {  	[sflag:s25] =	ssyncadd.s32 $0xFFFFF800  }
0x2a: {  	[bflag:$0x0] =	sbarrier.arrive $0xFFFF  }
0x2b: {  	s10 =	rddreg [dreg:$0x6]  }
0x2c: {  	[tilespmem:s3], [sflag:$0x4] =	stream.linear.gather [hbm4b:s10+s3], $0x80, $0x38;
	[tilespmem:$0xC200] =	vst v63  }
0x2d: {  	_ =	swait.ge [sflag:s25], $0x80  }
0x2e: {  	[sflag:s25] =	ssyncset.done $0x0  }
0x2f: {  	[sflag:s25] =	ssyncadd.s32 $0xFFFFFF80  }
0x30: {  	[tilespmem:s26], [sflag:$0x4] =	stream.linear.gather [hbm4b:s11+s3], $0x80, $0x38;
	[tilespmem:$0xC200] =	vst v63  }
0x31: {  	_ =	swait.ge [sflag:s25], $0x80  }
0x32: {  	[sflag:s25] =	ssyncset.done $0x0  }
0x33: {  	[sflag:s25] =	ssyncadd.s32 $0xFFFFFF80  }
0x34: {  	[tilespmem:s29], [sflag:$0x1] =	stream.indirect.gather [hbm4b:s4+s28], $0x80, s3, s28, $0xb8;
	[tilespmem:$0xC200] =	vst v63  }
0x35: {  	s12 =	rddreg [dreg:$0x7]  }
0x36: {  	[tilespmem:s28], [sflag:$0x3] =	stream.linear.gather [hbm4b:s12+s3], $0x80, $0x38;
	[tilespmem:$0xC200] =	vst v63  }
0x37: {  	_ = 	snop  }
0x38: {  	[tilespmem:s30], [sflag:$0x3] =	stream.linear.gather [hbm4b:s13+s3], $0x80, $0x38;
	[tilespmem:$0xC200] =	vst v63  }
0x39: {  	_ =	swait.ge [sflag:s31], $0x80  }
0x3a: {  	[sflag:s31] =	ssyncset.done $0x0  }
0x3b: {  	[sflag:s31] =	ssyncadd.s32 $0xFFFFFF80  }
0x3c: {  	_ =	swait.ge [sflag:s31], $0x80  }
0x3d: {  	[sflag:s31] =	ssyncset.done $0x0  }
0x3e: {  	[sflag:s31] =	ssyncadd.s32 $0xFFFFFF80  }
0x3f: {  	[tilespmem:s0], [sflag:$0x2] =	stream.indirect.gather [hbm4b:s4+s28], $0x80, s28, s28, $0xb8;
	[tilespmem:$0xC200] =	vst v63  }
0x40: {  	_ =	swait.ge [sflag:s2], $0x4000  }
0x41: {  	[sflag:s2] =	ssyncset.done $0x0  }
0x42: {  	[sflag:s2] =	ssyncadd.s32 $0xFFFFC000  }
0x43: {  	[spmem:s1] =	stream.indirect.scatter.add.f32 [tilespmem:s29], [sflag:$0x4], $0x80, s26, s28, $0xb8;
	[tilespmem:$0xC200] =	vst v63  }
0x44: {  	_ =	swait.ge [sflag:s25], $0x4000  }
0x45: {  	s14 =	sshrl.u32 s21, $0x3;
	[sflag:s25] =	ssyncset.done $0x0  }
0x46: {  	s10 =	sadd.s32 s5, s14;
	s12 =	sadd.s32 $0x0, s20;
	[sflag:s25] =	ssyncadd.s32 $0xFFFFC000  }
0x47: {  	[tilespmem:s3], [sflag:$0x3] =	stream.linear.gather [hbm4b:s10+s3], $0x80, $0x38;
	[tilespmem:$0xC200] =	vst v63  }
0x48: {  	s15 =	sadd.s32 $0x20, s12  }
0x49: {  	[tilespmem:s26], [sflag:$0x3] =	stream.linear.gather [hbm4b:s15+s3], $0x80, $0x38;
	[tilespmem:$0xC200] =	vst v63  }
0x4a: {  	_ =	swait.ge [sflag:s31], $0x80  }
0x4b: {  	[sflag:s31] =	ssyncset.done $0x0  }
0x4c: {  	[sflag:s31] =	ssyncadd.s32 $0xFFFFFF80  }
0x4d: {  	_ =	swait.ge [sflag:s31], $0x80  }
0x4e: {  	[sflag:s31] =	ssyncset.done $0x0  }
0x4f: {  	[sflag:s31] =	ssyncadd.s32 $0xFFFFFF80  }
0x50: {  	[tilespmem:s29], [sflag:$0x1] =	stream.indirect.gather [hbm4b:s4+s28], $0x80, s3, s28, $0xb8;
	[tilespmem:$0xC200] =	vst v63  }
0x51: {  	_ =	swait.ge [sflag:s6], $0x4000  }
0x52: {  	[sflag:s6] =	ssyncset.done $0x0  }
0x53: {  	[sflag:s6] =	ssyncadd.s32 $0xFFFFC000  }
0x54: {  	[spmem:s1] =	stream.indirect.scatter.add.f32 [tilespmem:s0], [sflag:$0x4], $0x80, s30, s28, $0xb8;
	[tilespmem:$0xC200] =	vst v63  }
0x55: {  	_ =	swait.ge [sflag:s25], $0x4000  }
0x56: {  	s16 =	sadd.s32 $0x0, s22;
	s14 =	sadd.s32 $0x30, s12;
	[sflag:s25] =	ssyncset.done $0x0  }
0x57: {  	s12 =	sadd.s32 $0x100, s21;
	s10 =	simm.s32 $0x20;
	[sflag:s25] =	ssyncadd.s32 $0xFFFFC000  }
0x58: {  	[tilespmem:s28], [sflag:$0x3] =	stream.linear.gather [hbm4b:s16+s3], $0x80, $0x38;
	[tilespmem:$0xC200] =	vst v63  }
.LBB2_2:
0x59: {  	[tilespmem:s30], [sflag:$0x3] =	stream.linear.gather [hbm4b:s14+s3], $0x80, $0x38;
	[tilespmem:$0xC200] =	vst v63  }
0x5a: {  	s14 =	smov.u32 s10  }
0x5b: {  	p1 =	sne.s32 s10, $0x480;
	s10 =	sadd.s32 $0x20, s10;
	_ =	swait.ge [sflag:s31], $0x80  }
0x5c: {  	[sflag:s31] =	ssyncset.done $0x0  }
0x5d: {  	[sflag:s31] =	ssyncadd.s32 $0xFFFFFF80  }
0x5e: {  	_ =	swait.ge [sflag:s31], $0x80  }
0x5f: {  	[sflag:s31] =	ssyncset.done $0x0  }
0x60: {  	[sflag:s31] =	ssyncadd.s32 $0xFFFFFF80  }
0x61: {  	[tilespmem:s0], [sflag:$0x2] =	stream.indirect.gather [hbm4b:s4+s28], $0x80, s28, s28, $0xb8;
	[tilespmem:$0xC200] =	vst v63  }
0x62: {  	_ =	swait.ge [sflag:s2], $0x4000  }
0x63: {  	[sflag:s2] =	ssyncset.done $0x0  }
0x64: {  	[sflag:s2] =	ssyncadd.s32 $0xFFFFC000  }
0x65: {  	[spmem:s1] =	stream.indirect.scatter.add.f32 [tilespmem:s29], [sflag:$0x4], $0x80, s26, s28, $0xb8;
	[tilespmem:$0xC200] =	vst v63  }
0x66: {  	_ =	swait.ge [sflag:s25], $0x4000  }
0x67: {  	s15 =	sshrl.u32 s12, $0x3;
	[sflag:s25] =	ssyncset.done $0x0  }
0x68: {  	s15 =	sadd.s32 s5, s15;
	s16 =	sadd.s32 s14, s20;
	[sflag:s25] =	ssyncadd.s32 $0xFFFFC000  }
0x69: {  	[tilespmem:s3], [sflag:$0x3] =	stream.linear.gather [hbm4b:s15+s3], $0x80, $0x38;
	[tilespmem:$0xC200] =	vst v63  }
0x6a: {  	s15 =	sadd.s32 $0x20, s16  }
0x6b: {  	[tilespmem:s26], [sflag:$0x3] =	stream.linear.gather [hbm4b:s15+s3], $0x80, $0x38;
	[tilespmem:$0xC200] =	vst v63  }
0x6c: {  	_ =	swait.ge [sflag:s31], $0x80  }
0x6d: {  	[sflag:s31] =	ssyncset.done $0x0  }
0x6e: {  	[sflag:s31] =	ssyncadd.s32 $0xFFFFFF80  }
0x6f: {  	_ =	swait.ge [sflag:s31], $0x80  }
0x70: {  	[sflag:s31] =	ssyncset.done $0x0  }
0x71: {  	[sflag:s31] =	ssyncadd.s32 $0xFFFFFF80  }
0x72: {  	[tilespmem:s29], [sflag:$0x1] =	stream.indirect.gather [hbm4b:s4+s28], $0x80, s3, s28, $0xb8;
	[tilespmem:$0xC200] =	vst v63  }
0x73: {  	_ =	swait.ge [sflag:s6], $0x4000  }
0x74: {  	[sflag:s6] =	ssyncset.done $0x0  }
0x75: {  	[sflag:s6] =	ssyncadd.s32 $0xFFFFC000  }
0x76: {  	[spmem:s1] =	stream.indirect.scatter.add.f32 [tilespmem:s0], [sflag:$0x4], $0x80, s30, s28, $0xb8;
	[tilespmem:$0xC200] =	vst v63  }
.Ltmp2:
0x77: {  	_ =	swait.ge [sflag:s25], $0x4000;
	(pc) =	sbr.rel @p1 .LBB2_2-.Ltmp2, $4  }
0x78: {  	[sflag:s25] =	ssyncset.done $0x0  }
0x79: {  	s14 =	sadd.s32 s14, s22;
	[sflag:s25] =	ssyncadd.s32 $0xFFFFC000  }
0x7a: {  	[tilespmem:s28], [sflag:$0x3] =	stream.linear.gather [hbm4b:s14+s3], $0x80, $0x38;
	[tilespmem:$0xC200] =	vst v63  }
0x7b: {  	s12 =	sadd.s32 $0x100, s12;
	s14 =	sadd.s32 $0x30, s16  }
0x7c: {  	[tilespmem:s30], [sflag:$0x3] =	stream.linear.gather [hbm4b:s14+s3], $0x80, $0x38;
	[tilespmem:$0xC200] =	vst v63  }
0x7d: {  	_ =	swait.ge [sflag:s31], $0x80  }
0x7e: {  	[sflag:s31] =	ssyncset.done $0x0  }
0x7f: {  	[sflag:s31] =	ssyncadd.s32 $0xFFFFFF80  }
0x80: {  	_ =	swait.ge [sflag:s31], $0x80  }
0x81: {  	[sflag:s31] =	ssyncset.done $0x0  }
0x82: {  	[sflag:s31] =	ssyncadd.s32 $0xFFFFFF80  }
0x83: {  	_ =	swait.ge [sflag:s2], $0x4000  }
0x84: {  	[sflag:s2] =	ssyncset.done $0x0  }
0x85: {  	[sflag:s2] =	ssyncadd.s32 $0xFFFFC000  }
0x86: {  	[bflag:$0x0] =	sbarrier.arrive $0xFFFF  }
0x87: {  	s10 =	rddreg [dreg:$0x8]  }
0x88: {  	[hbm:s10], [sflag:s9] =	dma.local [spmem:s7], $0x800  }
0x89: {  	_ =	swait.ge [sflag:s25], $0x800  }
0x8a: {  	[sflag:s25] =	ssyncset.done $0x0  }
0x8b: {  	[sflag:s25] =	ssyncadd.s32 $0xFFFFF800  }
0x8c: {  	[spmem:s7], [sflag:s9] =	dma.local [hbm:s8], $0x800  }
0x8d: {  	_ =	swait.ge [sflag:s25], $0x800  }
0x8e: {  	[sflag:s25] =	ssyncset.done $0x0  }
0x8f: {  	[sflag:s25] =	ssyncadd.s32 $0xFFFFF800  }
0x90: {  	[bflag:$0x0] =	sbarrier.arrive $0xFFFF  }
0x91: {  	s15 =	simm.s32 $0x0;
	s12 =	rddreg [dreg:$0x9]  }
0x92: {  	[tilespmem:s15], [sflag:$0x4] =	stream.linear.gather [hbm4b:s12+s15], $0x80, $0x38;
	[tilespmem:$0xC200] =	vst v63  }
0x93: {  	_ =	swait.ge [sflag:s25], $0x80  }
0x94: {  	[sflag:s25] =	ssyncset.done $0x0  }
0x95: {  	[sflag:s25] =	ssyncadd.s32 $0xFFFFFF80  }
0x96: {  	[tilespmem:s26], [sflag:$0x4] =	stream.linear.gather [hbm4b:s11+s15], $0x80, $0x38;
	[tilespmem:$0xC200] =	vst v63  }
0x97: {  	_ =	swait.ge [sflag:s25], $0x80  }
0x98: {  	[sflag:s25] =	ssyncset.done $0x0  }
0x99: {  	[sflag:s25] =	ssyncadd.s32 $0xFFFFFF80  }
0x9a: {  	[tilespmem:s29], [sflag:$0x1] =	stream.indirect.gather [hbm4b:s4+s28], $0x80, s15, s28, $0xb8;
	[tilespmem:$0xC200] =	vst v63  }
0x9b: {  	s16 =	rddreg [dreg:$0xa]  }
0x9c: {  	[tilespmem:s28], [sflag:$0x3] =	stream.linear.gather [hbm4b:s16+s15], $0x80, $0x38;
	[tilespmem:$0xC200] =	vst v63  }
0x9d: {  	_ = 	snop  }
0x9e: {  	[tilespmem:s30], [sflag:$0x3] =	stream.linear.gather [hbm4b:s13+s15], $0x80, $0x38;
	[tilespmem:$0xC200] =	vst v63  }
0x9f: {  	_ =	swait.ge [sflag:s31], $0x80  }
0xa0: {  	[sflag:s31] =	ssyncset.done $0x0  }
0xa1: {  	[sflag:s31] =	ssyncadd.s32 $0xFFFFFF80  }
0xa2: {  	_ =	swait.ge [sflag:s31], $0x80  }
0xa3: {  	[sflag:s31] =	ssyncset.done $0x0  }
0xa4: {  	[sflag:s31] =	ssyncadd.s32 $0xFFFFFF80  }
0xa5: {  	[tilespmem:s0], [sflag:$0x2] =	stream.indirect.gather [hbm4b:s4+s28], $0x80, s28, s28, $0xb8;
	[tilespmem:$0xC200] =	vst v63  }
0xa6: {  	_ =	swait.ge [sflag:s2], $0x4000  }
0xa7: {  	[sflag:s2] =	ssyncset.done $0x0  }
0xa8: {  	[sflag:s2] =	ssyncadd.s32 $0xFFFFC000  }
0xa9: {  	[spmem:s1] =	stream.indirect.scatter.add.f32 [tilespmem:s29], [sflag:$0x4], $0x80, s26, s28, $0xb8;
	[tilespmem:$0xC200] =	vst v63  }
0xaa: {  	_ =	swait.ge [sflag:s25], $0x4000  }
0xab: {  	[sflag:s25] =	ssyncset.done $0x0  }
0xac: {  	s14 =	sadd.s32 $0x0, s20;
	s12 =	sadd.s32 $0x0, s23;
	[sflag:s25] =	ssyncadd.s32 $0xFFFFC000  }
0xad: {  	[tilespmem:s3], [sflag:$0x3] =	stream.linear.gather [hbm4b:s12+s3], $0x80, $0x38;
	[tilespmem:$0xC200] =	vst v63  }
0xae: {  	s15 =	sadd.s32 $0x20, s14  }
0xaf: {  	[tilespmem:s26], [sflag:$0x3] =	stream.linear.gather [hbm4b:s15+s3], $0x80, $0x38;
	[tilespmem:$0xC200] =	vst v63  }
0xb0: {  	_ =	swait.ge [sflag:s31], $0x80  }
0xb1: {  	[sflag:s31] =	ssyncset.done $0x0  }
0xb2: {  	[sflag:s31] =	ssyncadd.s32 $0xFFFFFF80  }
0xb3: {  	_ =	swait.ge [sflag:s31], $0x80  }
0xb4: {  	[sflag:s31] =	ssyncset.done $0x0  }
0xb5: {  	[sflag:s31] =	ssyncadd.s32 $0xFFFFFF80  }
0xb6: {  	[tilespmem:s29], [sflag:$0x1] =	stream.indirect.gather [hbm4b:s4+s28], $0x80, s3, s28, $0xb8;
	[tilespmem:$0xC200] =	vst v63  }
0xb7: {  	_ =	swait.ge [sflag:s6], $0x4000  }
0xb8: {  	[sflag:s6] =	ssyncset.done $0x0  }
0xb9: {  	[sflag:s6] =	ssyncadd.s32 $0xFFFFC000  }
0xba: {  	[spmem:s1] =	stream.indirect.scatter.add.f32 [tilespmem:s0], [sflag:$0x4], $0x80, s30, s28, $0xb8;
	[tilespmem:$0xC200] =	vst v63  }
0xbb: {  	_ =	swait.ge [sflag:s25], $0x4000  }
0xbc: {  	s10 =	simm.s32 $0x20;
	[sflag:s25] =	ssyncset.done $0x0  }
0xbd: {  	s16 =	sadd.s32 $0x0, s24;
	s12 =	sadd.s32 $0x30, s14;
	[sflag:s25] =	ssyncadd.s32 $0xFFFFC000  }
0xbe: {  	[tilespmem:s28], [sflag:$0x3] =	stream.linear.gather [hbm4b:s16+s3], $0x80, $0x38;
	[tilespmem:$0xC200] =	vst v63  }
.LBB2_4:
0xbf: {  	[tilespmem:s30], [sflag:$0x3] =	stream.linear.gather [hbm4b:s12+s3], $0x80, $0x38;
	[tilespmem:$0xC200] =	vst v63  }
0xc0: {  	s12 =	smov.u32 s10  }
0xc1: {  	p1 =	sne.s32 s10, $0x480;
	s10 =	sadd.s32 $0x20, s10;
	_ =	swait.ge [sflag:s31], $0x80  }
0xc2: {  	[sflag:s31] =	ssyncset.done $0x0  }
0xc3: {  	[sflag:s31] =	ssyncadd.s32 $0xFFFFFF80  }
0xc4: {  	_ =	swait.ge [sflag:s31], $0x80  }
0xc5: {  	[sflag:s31] =	ssyncset.done $0x0  }
0xc6: {  	[sflag:s31] =	ssyncadd.s32 $0xFFFFFF80  }
0xc7: {  	[tilespmem:s0], [sflag:$0x2] =	stream.indirect.gather [hbm4b:s4+s28], $0x80, s28, s28, $0xb8;
	[tilespmem:$0xC200] =	vst v63  }
0xc8: {  	_ =	swait.ge [sflag:s2], $0x4000  }
0xc9: {  	[sflag:s2] =	ssyncset.done $0x0  }
0xca: {  	[sflag:s2] =	ssyncadd.s32 $0xFFFFC000  }
0xcb: {  	[spmem:s1] =	stream.indirect.scatter.add.f32 [tilespmem:s29], [sflag:$0x4], $0x80, s26, s28, $0xb8;
	[tilespmem:$0xC200] =	vst v63  }
0xcc: {  	_ =	swait.ge [sflag:s25], $0x4000  }
0xcd: {  	[sflag:s25] =	ssyncset.done $0x0  }
0xce: {  	s14 =	sadd.s32 s12, s23;
	s15 =	sadd.s32 s12, s20;
	[sflag:s25] =	ssyncadd.s32 $0xFFFFC000  }
0xcf: {  	[tilespmem:s3], [sflag:$0x3] =	stream.linear.gather [hbm4b:s14+s3], $0x80, $0x38;
	[tilespmem:$0xC200] =	vst v63  }
0xd0: {  	s14 =	sadd.s32 $0x20, s15  }
0xd1: {  	[tilespmem:s26], [sflag:$0x3] =	stream.linear.gather [hbm4b:s14+s3], $0x80, $0x38;
	[tilespmem:$0xC200] =	vst v63  }
0xd2: {  	_ =	swait.ge [sflag:s31], $0x80  }
0xd3: {  	[sflag:s31] =	ssyncset.done $0x0  }
0xd4: {  	[sflag:s31] =	ssyncadd.s32 $0xFFFFFF80  }
0xd5: {  	_ =	swait.ge [sflag:s31], $0x80  }
0xd6: {  	[sflag:s31] =	ssyncset.done $0x0  }
0xd7: {  	[sflag:s31] =	ssyncadd.s32 $0xFFFFFF80  }
0xd8: {  	[tilespmem:s29], [sflag:$0x1] =	stream.indirect.gather [hbm4b:s4+s28], $0x80, s3, s28, $0xb8;
	[tilespmem:$0xC200] =	vst v63  }
0xd9: {  	_ =	swait.ge [sflag:s6], $0x4000  }
0xda: {  	[sflag:s6] =	ssyncset.done $0x0  }
0xdb: {  	[sflag:s6] =	ssyncadd.s32 $0xFFFFC000  }
0xdc: {  	[spmem:s1] =	stream.indirect.scatter.add.f32 [tilespmem:s0], [sflag:$0x4], $0x80, s30, s28, $0xb8;
	[tilespmem:$0xC200] =	vst v63  }
.Ltmp3:
0xdd: {  	_ =	swait.ge [sflag:s25], $0x4000;
	(pc) =	sbr.rel @p1 .LBB2_4-.Ltmp3, $4  }
0xde: {  	[sflag:s25] =	ssyncset.done $0x0  }
0xdf: {  	s12 =	sadd.s32 s12, s24;
	[sflag:s25] =	ssyncadd.s32 $0xFFFFC000  }
0xe0: {  	[tilespmem:s28], [sflag:$0x3] =	stream.linear.gather [hbm4b:s12+s3], $0x80, $0x38;
	[tilespmem:$0xC200] =	vst v63  }
0xe1: {  	s12 =	sadd.s32 $0x30, s15  }
0xe2: {  	[tilespmem:s30], [sflag:$0x3] =	stream.linear.gather [hbm4b:s12+s3], $0x80, $0x38;
	[tilespmem:$0xC200] =	vst v63  }
0xe3: {  	_ =	swait.ge [sflag:s31], $0x80  }
0xe4: {  	[sflag:s31] =	ssyncset.done $0x0  }
0xe5: {  	[sflag:s31] =	ssyncadd.s32 $0xFFFFFF80  }
0xe6: {  	_ =	swait.ge [sflag:s31], $0x80  }
0xe7: {  	[sflag:s31] =	ssyncset.done $0x0  }
0xe8: {  	[sflag:s31] =	ssyncadd.s32 $0xFFFFFF80  }
0xe9: {  	_ =	swait.ge [sflag:s2], $0x4000  }
0xea: {  	[sflag:s2] =	ssyncset.done $0x0  }
0xeb: {  	[sflag:s2] =	ssyncadd.s32 $0xFFFFC000  }
.Ltmp4:
0xec: {  	[bflag:$0x0] =	sbarrier.arrive $0xFFFF;
	(pc) =	sbr.rel @!p0 .LBB2_6-.Ltmp4, $4  }
0xed: {  	[hbm:s17], [sflag:s9] =	dma.local [spmem:s7], $0x800  }
0xee: {  	_ =	swait.ge [sflag:s25], $0x800  }
0xef: {  	[sflag:s25] =	ssyncset.done $0x0  }
0xf0: {  	[sflag:s25] =	ssyncadd.s32 $0xFFFFF800  }
0xf1: {  	[spmem:s7], [sflag:s9] =	dma.local [hbm:s8], $0x800  }
0xf2: {  	_ =	swait.ge [sflag:s25], $0x800  }
0xf3: {  	[sflag:s25] =	ssyncset.done $0x0  }
0xf4: {  	[sflag:s25] =	ssyncadd.s32 $0xFFFFF800  }
0xf5: {  	[bflag:$0x0] =	sbarrier.arrive $0xFFFF  }
0xf6: {  	s10 =	rddreg [dreg:$0x4]  }
0xf7: {  	[tilespmem:s29], [sflag:$0x4] =	stream.linear.gather [hbm4b:s10+s3], $0x4000, $0x38;
	[tilespmem:$0xC200] =	vst v63  }
0xf8: {  	_ =	swait.ge [sflag:s25], $0x4000  }
0xf9: {  	[sflag:s25] =	ssyncset.done $0x0  }
0xfa: {  	[sflag:s25] =	ssyncadd.s32 $0xFFFFC000  }
0xfb: {  	[tilespmem:s26], [sflag:$0x4] =	stream.linear.gather [hbm4b:s11+s3], $0x80, $0x38;
	[tilespmem:$0xC200] =	vst v63  }
0xfc: {  	_ =	swait.ge [sflag:s25], $0x80  }
0xfd: {  	s16 =	sadd.s32 $0xFFFFFB60, s20;
	[sflag:s25] =	ssyncset.done $0x0  }
0xfe: {  	s12 =	sadd.s32 $0x4B0, s16;
	[sflag:s25] =	ssyncadd.s32 $0xFFFFFF80  }
0xff: {  	[tilespmem:s30], [sflag:$0x3] =	stream.linear.gather [hbm4b:s12+s3], $0x80, $0x38;
	[tilespmem:$0xC200] =	vst v63  }
0x100: {  	_ = 	snop  }
0x101: {  	[spmem:s1] =	stream.indirect.scatter.add.f32 [tilespmem:s29], [sflag:$0x4], $0x80, s26, s28, $0xb8;
	[tilespmem:$0xC200] =	vst v63  }
0x102: {  	_ =	swait.ge [sflag:s25], $0x4000  }
0x103: {  	[sflag:s25] =	ssyncset.done $0x0  }
0x104: {  	[sflag:s25] =	ssyncadd.s32 $0xFFFFC000  }
0x105: {  	_ =	swait.ge [sflag:s31], $0x80  }
0x106: {  	[sflag:s31] =	ssyncset.done $0x0  }
0x107: {  	s10 =	sadd.s32 $0x4C0, s16;
	[sflag:s31] =	ssyncadd.s32 $0xFFFFFF80  }
0x108: {  	[tilespmem:s26], [sflag:$0x3] =	stream.linear.gather [hbm4b:s10+s3], $0x80, $0x38;
	[tilespmem:$0xC200] =	vst v63  }
0x109: {  	_ = 	snop  }
0x10a: {  	[spmem:s1] =	stream.indirect.scatter.add.f32 [tilespmem:s29], [sflag:$0x4], $0x80, s30, s28, $0xb8;
	[tilespmem:$0xC200] =	vst v63  }
0x10b: {  	_ =	swait.ge [sflag:s25], $0x4000  }
0x10c: {  	[sflag:s25] =	ssyncset.done $0x0  }
0x10d: {  	[sflag:s25] =	ssyncadd.s32 $0xFFFFC000  }
0x10e: {  	_ =	swait.ge [sflag:s31], $0x80  }
0x10f: {  	s12 =	simm.s32 $0xFFFFFBA0;
	s10 =	sadd.s32 $0xFFFFFB80, s20;
	[sflag:s31] =	ssyncset.done $0x0  }
.LBB2_8:
0x110: {  	s14 =	sadd.s32 $0x4B0, s10  }
0x111: {  	[sflag:s31] =	ssyncadd.s32 $0xFFFFFF80;
	s15 =	smov.u32 s12;
	s16 =	sadd.s32 $0x20, s12  }
0x112: {  	[tilespmem:s30], [sflag:$0x3] =	stream.linear.gather [hbm4b:s14+s3], $0x80, $0x38;
	[tilespmem:$0xC200] =	vst v63  }
0x113: {  	p1 =	sne.s32 s12, $0xFFFFFFE0  }
0x114: {  	[spmem:s1] =	stream.indirect.scatter.add.f32 [tilespmem:s29], [sflag:$0x4], $0x80, s26, s28, $0xb8;
	[tilespmem:$0xC200] =	vst v63  }
0x115: {  	_ =	swait.ge [sflag:s25], $0x4000  }
0x116: {  	[sflag:s25] =	ssyncset.done $0x0  }
0x117: {  	[sflag:s25] =	ssyncadd.s32 $0xFFFFC000  }
0x118: {  	_ =	swait.ge [sflag:s31], $0x80  }
0x119: {  	[sflag:s31] =	ssyncset.done $0x0  }
0x11a: {  	s10 =	sadd.s32 $0x4C0, s10;
	[sflag:s31] =	ssyncadd.s32 $0xFFFFFF80  }
0x11b: {  	[tilespmem:s26], [sflag:$0x3] =	stream.linear.gather [hbm4b:s10+s3], $0x80, $0x38;
	[tilespmem:$0xC200] =	vst v63  }
0x11c: {  	_ = 	snop  }
0x11d: {  	[spmem:s1] =	stream.indirect.scatter.add.f32 [tilespmem:s29], [sflag:$0x4], $0x80, s30, s28, $0xb8;
	[tilespmem:$0xC200] =	vst v63  }
.Ltmp5:
0x11e: {  	_ =	swait.ge [sflag:s25], $0x4000;
	(pc) =	sbr.rel @p1 .LBB2_8-.Ltmp5, $4  }
0x11f: {  	[sflag:s25] =	ssyncset.done $0x0  }
0x120: {  	[sflag:s25] =	ssyncadd.s32 $0xFFFFC000  }
0x121: {  	_ =	swait.ge [sflag:s31], $0x80  }
0x122: {  	s12 =	smov.u32 s16;
	s10 =	sadd.s32 s15, s20;
	[sflag:s31] =	ssyncset.done $0x0  }
0x123: {  	s12 =	sadd.s32 $0x4B0, s10;
	[sflag:s31] =	ssyncadd.s32 $0xFFFFFF80  }
0x124: {  	[tilespmem:s30], [sflag:$0x3] =	stream.linear.gather [hbm4b:s12+s3], $0x80, $0x38;
	[tilespmem:$0xC200] =	vst v63  }
0x125: {  	_ = 	snop  }
0x126: {  	[spmem:s1] =	stream.indirect.scatter.add.f32 [tilespmem:s29], [sflag:$0x4], $0x80, s26, s28, $0xb8;
	[tilespmem:$0xC200] =	vst v63  }
0x127: {  	_ =	swait.ge [sflag:s25], $0x4000  }
0x128: {  	[sflag:s25] =	ssyncset.done $0x0  }
0x129: {  	[sflag:s25] =	ssyncadd.s32 $0xFFFFC000  }
0x12a: {  	_ =	swait.ge [sflag:s31], $0x80  }
0x12b: {  	[sflag:s31] =	ssyncset.done $0x0  }
0x12c: {  	s15 =	sadd.s32 $0x4C0, s10;
	[sflag:s31] =	ssyncadd.s32 $0xFFFFFF80  }
0x12d: {  	[tilespmem:s26], [sflag:$0x3] =	stream.linear.gather [hbm4b:s15+s3], $0x80, $0x38;
	[tilespmem:$0xC200] =	vst v63  }
0x12e: {  	_ = 	snop  }
0x12f: {  	[spmem:s1] =	stream.indirect.scatter.add.f32 [tilespmem:s29], [sflag:$0x4], $0x80, s30, s28, $0xb8;
	[tilespmem:$0xC200] =	vst v63  }
0x130: {  	_ =	swait.ge [sflag:s25], $0x4000  }
0x131: {  	[sflag:s25] =	ssyncset.done $0x0  }
0x132: {  	[sflag:s25] =	ssyncadd.s32 $0xFFFFC000  }
0x133: {  	_ =	swait.ge [sflag:s31], $0x80  }
0x134: {  	[sflag:s31] =	ssyncset.done $0x0  }
0x135: {  	[sflag:s31] =	ssyncadd.s32 $0xFFFFFF80  }
0x136: {  	[bflag:$0x0] =	sbarrier.arrive $0xFFFF  }
.Ltmp6:
0x137: {  	s16 =	rddreg [dreg:$0xb];
	(pc) =	sbr.rel .LBB2_10-.Ltmp6, $4  }
0x138: {  	[hbm:s16], [sflag:s9] =	dma.local [spmem:s7], $0x800  }
0x139: {  	_ =	swait.ge [sflag:s25], $0x800  }
0x13a: {  	[sflag:s25] =	ssyncset.done $0x0  }
0x13b: {  	[sflag:s25] =	ssyncadd.s32 $0xFFFFF800  }
.LBB2_11:
0x13c: {  	_ =	sfence.sel $0x180000  }
0x13d: {  	[bflag:$0x0] =	sbarrier.arrive $0xFFFF  }
0x13e: {  	_ =	strace $0x90000047  }
0x13f: {  	s0 =	stileid.u32;
	[bflag:$0x2] =	sbarrier.arrive $0xFFFF  }
0x140: {  	p0 =	sne.s32 s0, $0x0;
	s0 =	rddreg [dreg:$0x3]  }
0x141: {  	s0 =	sadd.s32 @!p0 $0x100000, s0  }
0x142: {  	[sflag:s0] =	ssyncadd.tile.s32 @!p0 $0x1;
	_ =	shalt  }
.Lfunc_end2:
_tile_overlayer_lowered:
.L_overlay_start_2:
0x143: {  	(tag) =	ssettag $0x2  }
0x144: {  	s0 =	rddreg [dreg:$0x0];
	s2 =	stileid.u32  }
0x145: {  	s1 =	rddreg [dreg:$0x1];
	p0 =	sne.s32 s2, $0x0  }
0x146: {  	s3 =	rddreg [dreg:$0x2];
	[bflag:$0x3] =	sbarrier.arrive $0xFFFF;
	s2 =	simm.s32 @!p0 $0x1C04  }
0x147: {  	[timem:s3], [sflag:s2] =	dma.local @!p0 [hbm:s0], s1  }
0x148: {  	s0 =	simm.s32 @!p0 $0x4  }
0x149: {  	_ =	swait.ge @!p0 [sflag:s0], s1  }
0x14a: {  	s1 =	ssub.s32 @!p0 $0x0, s1;
	[sflag:s0] =	ssyncset.done @!p0 $0x0  }
0x14b: {  	[sflag:s0] =	ssyncadd.s32 @!p0 s1  }
0x14c: {  	[bflag:$0x3] =	sbarrier.arrive $0xFFFF  }
0x14d: {  	_ =	shalt  }

// kernel: kernel.15.cloned.1.call-start
scs
__scs_entry_jumppad:
0x0: {  	(pc) =	sbr.rel $0x88, $3  }
0x1: {  	(tag) =	ssettag $0x0;
	lr =	simm.s32 $0x1  }
0x2: {  	[smem:$0x3F8B] =	sst lr;
	_ =	strace $0xD0000000  }
0x3: {  	_ = 	snop  }
0x4: {  	_ = 	snop  }
0x5: {  	_ = 	snop  }
0x6: {  	_ = 	snop  }
0x7: {  	_ = 	snop  }
__scs_overlays_trampoline_lowered:
0x8: {  	[smem:$0x3F9A] =	sst s0  }
0x9: {  	[smem:$0x3F9B] =	sst s1  }
0xa: {  	[smem:$0x3F9C] =	sst s2  }
0xb: {  	[smem:$0x3F9D] =	sst s3  }
0xc: {  	[smem:$0x3F9E] =	sst s4  }
0xd: {  	[smem:$0x3F9F] =	sst s5  }
0xe: {  	[smem:$0x3FA0] =	sst s6  }
0xf: {  	[smem:$0x3FA1] =	sst s7  }
0x10: {  	[smem:$0x3FA2] =	sst s8  }
0x11: {  	[smem:$0x3FA3] =	sst s9;
	s0 =	simm.s32 @!p0 $0x0  }
0x12: {  	s1 =	sld [smem:$0x3F89];
	s0 =	simm.s32 @p0 $0x1  }
0x13: {  	[smem:$0x3FA4] =	sst s0;
	s0 =	simm.s32 @!p1 $0x0  }
0x14: {  	s2 =	sld [smem:$0x3F88];
	s0 =	simm.s32 @p1 $0x1  }
0x15: {  	[smem:$0x3FA5] =	sst s0;
	s0 =	simm.s32 @!p2 $0x0  }
0x16: {  	s3 =	sld [smem:$0x3FDB];
	s0 =	simm.s32 @p2 $0x1  }
0x17: {  	s4 =	simm.s32 $0x1BF5;
	[smem:$0x3FA7] =	sst s0  }
0x18: {  	s0 =	sld [smem:$0x3F8A];
	_ =	swait.ge [sflag:s4], $0x0  }
0x19: {  	s7 =	sld [smem:$0x3F8B]  }
0x1a: {  	s8 =	sadd.s32 $0xFFFFE003, lr  }
0x1b: {  	s9 =	sadd.s32 $0xFFFFFEF7, lr;
	s5 =	simm.s32 $0xFFFFFFFF;
	p2 =	slt.u32 s8, $0xFFFFF086  }
0x1c: {  	p1 =	slt.u32 s9, $0xF7A;
	s5 =	simm.s32 @!p2 $0x0  }
0x1d: {  	s5 =	simm.s32 @p1 $0x1;
	p0 =	seq.s32 s7, s2  }
0x1e: {  	s7 =	smul.u32 @!p0 $0xF7A, s2;
	p2 =	seq.s32 @!p0 s5, $0x0  }
0x1f: {  	s9 =	smul.u32 $0xF7A, s1;
	s8 =	simm.s32 @!p0 $0x1BF5;
	p2 =	por !p2, p0  }
0x20: {  	[sflag:s8] =	ssyncset.s32 @!p0 $0xFFFFF086;
	s6 =	sadd.s32 @!p0 s3, s7;
	s7 =	simm.s32 @!p0 $0x108  }
0x21: {  	s3 =	sadd.s32 s3, s9;
	s6 =	sadd.s32 @!p0 $0x88, s6;
	s7 =	simm.s32 @p2 $0x1082  }
0x22: {  	[simem:s7], [sflag:s8] =	dma.local @!p0 [hbm:s6], $0xF7A  }
0x23: {  	s9 =	sor.u32 $0xD0000000, s2;
	s6 =	simm.s32 $0x108;
	_ =	swait.ge @!p0 [sflag:s8], $0x0  }
0x24: {  	s3 =	sadd.s32 $0x88, s3;
	s6 =	simm.s32 @!p1 $0x1082;
	[sflag:s4] =	ssyncset.s32 $0xFFFFF086  }
0x25: {  	[simem:s6], [sflag:s4] =	dma.local [hbm:s3], $0xF7A  }
0x26: {  	[smem:$0x3F8B] =	sst s1;
	(tag) =	ssettag s2;
	_ =	strace s9  }
0x27: {  	s1 =	sld [smem:$0x3F9B]  }
0x28: {  	s2 =	sld [smem:$0x3F9C]  }
0x29: {  	s4 =	sld [smem:$0x3F9E]  }
0x2a: {  	p0 =	seq.s32 s5, $0x0;
	s5 =	sld [smem:$0x3F9F]  }
0x2b: {  	s6 =	sld [smem:$0x3FA0]  }
0x2c: {  	s7 =	sld [smem:$0x3FA1]  }
0x2d: {  	s3 =	simm.s32 $0x108;
	s8 =	sld [smem:$0x3FA2]  }
0x2e: {  	s3 =	simm.s32 @!p0 $0x1082;
	s9 =	sld [smem:$0x3FA3]  }
0x2f: {  	lr =	sadd.s32 s0, s3;
	s0 =	sld [smem:$0x3F9A]  }
0x30: {  	s3 =	sld [smem:$0x3F9D]  }
0x31: {  	[smem:$0x3FA6] =	sst s10  }
0x32: {  	s10 =	sld [smem:$0x3FA4];
	_ =	sdelay $0x3  }
0x33: {  	p0 =	seq.s32 s10, $0x1;
	s10 =	sld [smem:$0x3FA6];
	_ =	sdelay $0x3  }
0x34: {  	[smem:$0x3FA6] =	sst s10  }
0x35: {  	s10 =	sld [smem:$0x3FA5];
	_ =	sdelay $0x3  }
0x36: {  	p1 =	seq.s32 s10, $0x1;
	s10 =	sld [smem:$0x3FA6];
	_ =	sdelay $0x3  }
0x37: {  	[smem:$0x3FA6] =	sst s10  }
0x38: {  	s10 =	sld [smem:$0x3FA7]  }
0x39: {  	_ = 	snop;
	(pc) =	sbr.ind lr, $3  }
0x3a: {  	_ = 	snop  }
0x3b: {  	_ = 	snop  }
0x3c: {  	p2 =	seq.s32 s10, $0x1;
	s10 =	sld [smem:$0x3FA6]  }
0x3d: {  	_ =	shalt  }
0x3e: {  	_ =	shalt  }
0x3f: {  	_ =	shalt  }
0x40: {  	_ =	shalt  }
0x41: {  	_ =	shalt  }
0x42: {  	_ =	shalt  }
0x43: {  	_ =	shalt  }
0x44: {  	_ =	shalt  }
0x45: {  	_ =	shalt  }
0x46: {  	_ =	shalt  }
0x47: {  	_ =	shalt  }
0x48: {  	_ =	shalt  }
0x49: {  	_ =	shalt  }
0x4a: {  	_ =	shalt  }
0x4b: {  	_ =	shalt  }
0x4c: {  	_ =	shalt  }
0x4d: {  	_ =	shalt  }
0x4e: {  	_ =	shalt  }
0x4f: {  	_ =	shalt  }
0x50: {  	_ =	shalt  }
0x51: {  	_ =	shalt  }
0x52: {  	_ =	shalt  }
0x53: {  	_ =	shalt  }
0x54: {  	_ =	shalt  }
0x55: {  	_ =	shalt  }
0x56: {  	_ =	shalt  }
0x57: {  	_ =	shalt  }
0x58: {  	_ =	shalt  }
0x59: {  	_ =	shalt  }
0x5a: {  	_ =	shalt  }
0x5b: {  	_ =	shalt  }
0x5c: {  	_ =	shalt  }
0x5d: {  	_ =	shalt  }
0x5e: {  	_ =	shalt  }
0x5f: {  	_ =	shalt  }
0x60: {  	_ =	shalt  }
0x61: {  	_ =	shalt  }
0x62: {  	_ =	shalt  }
0x63: {  	_ =	shalt  }
0x64: {  	_ =	shalt  }
0x65: {  	_ =	shalt  }
0x66: {  	_ =	shalt  }
0x67: {  	_ =	shalt  }
0x68: {  	_ =	shalt  }
0x69: {  	_ =	shalt  }
0x6a: {  	_ =	shalt  }
0x6b: {  	_ =	shalt  }
0x6c: {  	_ =	shalt  }
0x6d: {  	_ =	shalt  }
0x6e: {  	_ =	shalt  }
0x6f: {  	_ =	shalt  }
0x70: {  	_ =	shalt  }
0x71: {  	_ =	shalt  }
0x72: {  	_ =	shalt  }
0x73: {  	_ =	shalt  }
0x74: {  	_ =	shalt  }
0x75: {  	_ =	shalt  }
0x76: {  	_ =	shalt  }
0x77: {  	_ =	shalt  }
0x78: {  	_ =	shalt  }
0x79: {  	_ =	shalt  }
0x7a: {  	_ =	shalt  }
0x7b: {  	_ =	shalt  }
0x7c: {  	_ =	shalt  }
0x7d: {  	_ =	shalt  }
0x7e: {  	_ =	shalt  }
0x7f: {  	_ =	shalt  }
0x80: {  	_ =	shalt  }
0x81: {  	_ =	shalt  }
0x82: {  	_ =	shalt  }
0x83: {  	_ =	shalt  }
0x84: {  	_ =	shalt  }
0x85: {  	_ =	shalt  }
0x86: {  	_ =	shalt  }
0x87: {  	_ =	shalt  }
.Lfunc_end0:
.L_simem_size_0:
called_computation.2_lowered:
.L_overlay_start_0:
0x88: {  	s2 =	sld [smem:$0x3FD9]  }
0x89: {  	s3 =	sld [smem:$0x3FFE];
	_ =	sdelay $0x1  }
0x8a: {  	s1 =	srdreg.scid  }
0x8b: {  	s0 =	sand.u32 $0x1, s1  }
0x8c: {  	s17 =	sshll.u32 s0, $0xA;
	s2 =	sadd.s32 s3, s2  }
0x8d: {  	s2 =	sadd.s32 s2, s17  }
0x8e: {  	[smem:$0x3FB2] =	sst s2  }
0x8f: {  	_ = 	snop  }
0x90: {  	s18 =	sld [smem:$0x3FC7];
	(tm) =	ssettm $0x1  }
0x91: {  	s19 =	sld [smem:$0x3FFB];
	_ =	sdelay $0x3  }
0x92: {  	_ =	strace s19  }
0x93: {  	s2 =	sld [smem:$0x3FFC];
	_ =	sdelay $0x3  }
0x94: {  	_ =	strace s2  }
0x95: {  	s2 =	sld [smem:$0x3FFD];
	_ =	sdelay $0x3  }
0x96: {  	_ =	strace s2  }
0x97: {  	_ =	strace $0x8FFFFFFF  }
0x98: {  	s20 =	sld [smem:$0x3FDB];
	_ =	sdelay $0x1  }
0x99: {  	s4 =	simm.s32 $_scs_section_size  }
0x9a: {  	s5 =	simm.s32 $_size__tile_overlayer_lowered;
	s6 =	simm.s32 $_tile_overlayer_lowered  }
0x9b: {  	s7 =	simm.s32 $0x1BFF;
	s21 =	sshll.u32 s6, $0x1;
	s4 =	sadd.s32 s4, s20  }
0x9c: {  	s22 =	simm.s32 $0x0;
	s5 =	sshll.u32 s5, $0x1;
	s6 =	sadd.s32 s21, s4  }
0x9d: {  	[timem:s22], [sflag:s7] =	dma.local [hbm:s6], s5  }
0x9e: {  	_ =	swait.ge [sflag:s7], s5  }
0x9f: {  	s5 =	ssub.s32 $0x0, s5;
	[sflag:s7] =	ssyncset.done $0x0  }
0xa0: {  	[sflag:s7] =	ssyncadd.s32 s5;
	_ =	sdelay $0x1  }
0xa1: {  	s23 =	simm.s32 $0x1B8B  }
0xa2: {  	_ =	swait.ge [sflag:s23], $0x1  }
0xa3: {  	[sflag:s23] =	ssyncset.done $0x0  }
0xa4: {  	[sflag:s23] =	ssyncadd.s32 $0xFFFFFFFF  }
0xa5: {  	s5 =	sld [smem:$0x0]  }
0xa6: {  	s6 =	sand.u32 $0xFFFFFFFE, s1  }
0xa7: {  	p0 =	sne.s32 s1, s6  }
0xa8: {  	s6 =	sshll.u32 @p0 s6, $0xE  }
0xa9: {  	s6 =	sadd.s32 @p0 $0x11B8D, s6;
	s7 =	sshll.u32 @p0 s5, $0x11  }
0xaa: {  	s6 =	sor.u32 @p0 s7, s6  }
0xab: {  	[sflag:s6] =	ssyncadd.remote.s32 @p0 $0x1;
	_ =	sdelay $0x1  }
0xac: {  	s6 =	simm.s32 @p0 $0x1B8D  }
0xad: {  	_ =	swait.eq @p0 [sflag:s6], $0x1  }
0xae: {  	[sflag:s6] =	ssyncadd.s32 @p0 $0xFFFFFFFF  }
0xaf: {  	s7 =	sshll.u32 @!p0 s1, $0xE  }
0xb0: {  	s7 =	sor.u32 @!p0 $0x4000, s7;
	s6 =	simm.s32 @!p0 $0x1B8D  }
0xb1: {  	s5 =	sshll.u32 @!p0 s5, $0x11;
	s7 =	sadd.s32 @!p0 $0x11B8D, s7;
	_ =	swait.eq @!p0 [sflag:s6], $0x1  }
0xb2: {  	s5 =	sor.u32 @!p0 s5, s7;
	[sflag:s6] =	ssyncadd.s32 @!p0 $0xFFFFFFFF  }
0xb3: {  	s25 =	simm.s32 $0x1B8E;
	s24 =	sld [smem:$0x3FFE];
	[sflag:s5] =	ssyncadd.remote.s32 @!p0 $0x1  }
0xb4: {  	s26 =	simm.s32 $execute0_lowered;
	[smem:$0x3FD2] =	sst s25  }
0xb5: {  	s6 =	sshll.u32 s26, $0x1;
	_ =	strace $0x80000049;
	[dreg:$0x1] =	wrdreg $0xFFFFFFFF  }
0xb6: {  	s28 =	simm.s32 $_size_execute0_lowered;
	s4 =	sadd.s32 s4, s6;
	[dreg:$0x0] =	wrdreg $0x0  }
0xb7: {  	s6 =	sshll.u32 s28, $0x1;
	[dreg:$0x2] =	wrdreg s4  }
0xb8: {  	[dreg:$0x3] =	wrdreg s6  }
0xb9: {  	[dreg:$0x4] =	wrdreg $0xC0  }
0xba: {  	_ =	task [dreg:s22], $0x5FFFF  }
0xbb: {  	[dreg:$0x1] =	wrdreg $0xFFFFFFFF  }
0xbc: {  	[dreg:$0x0] =	wrdreg $0x60  }
0xbd: {  	[dreg:$0x2] =	wrdreg s18  }
0xbe: {  	[dreg:$0x3] =	wrdreg s24  }
0xbf: {  	[dreg:$0x4] =	wrdreg $0x82000  }
0xc0: {  	[dreg:$0x5] =	wrdreg $0xB  }
0xc1: {  	_ =	task.clear_ibuf [dreg:s22], $0x6FFFF;
	_ =	strace $0x90000049  }
0xc2: {  	s29 =	simm.s32 $0xB;
	_ =	strace $0x8000004B  }
0xc3: {  	_ =	swait.ge [sflag:s29], $0x1  }
0xc4: {  	[sflag:s29] =	ssyncadd.s32 $0xFFFFFFFF  }
0xc5: {  	_ =	strace $0x9000004B  }
0xc6: {  	_ =	sfence  }
0xc7: {  	s30 =	sld [smem:$0x0];
	_ =	sdelay $0x2  }
0xc8: {  	s31 =	sshll.u32 s1, $0xD;
	s1 =	sshrl.u32 s1, $0x2  }
0xc9: {  	s4 =	sand.u32 $0x4000, s31;
	s1 =	sadd.s32 s1, s30  }
0xca: {  	s0 =	sor.u32 s4, s0;
	s1 =	sshll.u32 s1, $0x11  }
0xcb: {  	s0 =	sor.u32 s1, s0  }
0xcc: {  	s0 =	sadd.s32 $0x8F2B, s0  }
0xcd: {  	[sflag:s0] =	ssyncadd.remote.s32 $0x1  }
0xce: {  	_ =	sfence.sel $0xFFFF  }
0xcf: {  	[dreg:$0x0] =	wrdreg $0xFFFFFFFF;
	(pc) =	sbr.abs _section_cstart, $3  }
0xd0: {  	[dreg:$0x1] =	wrdreg $0xFFFFFFFF  }
0xd1: {  	_ =	task.clear_ibuf [dreg:s22], $0x2FFFF;
	_ =	strace $0x9FFFFFFF  }
0xd2: {  	(tm) =	ssettm $0x7FFFFFFF  }
0xd3: {  	_ =	shalt  }
tec
execute0_lowered:
.L_overlay_start_1:
0x0: {  	(tag) =	ssettag $0x1  }
0x1: {  	s1 =	rddreg [dreg:$0x0]  }
0x2: {  	s6 =	rddreg [dreg:$0x1]  }
0x3: {  	s2 =	rddreg [dreg:$0x2]  }
0x4: {  	s0 =	rddreg [dreg:$0x3]  }
0x5: {  	s3 =	simm.s32 $0x0;
	s5 =	srdreg.scid;
	s4 =	stileid.u32  }
0x6: {  	s18 =	simm.s32 $0x200;
	s19 =	simm.s32 $0x180;
	s20 =	simm.s32 $0x3  }
0x7: {  	s21 =	simm.s32 $0x4200;
	s22 =	simm.s32 $0x1;
	s23 =	simm.s32 $0x2  }
0x8: {  	s24 =	simm.s32 $0x0;
	[smem:$0x7FF] =	sst s3;
	s10 =	sadd.s32 $0xE2400, s6  }
0x9: {  	s11 =	sadd.s32 $0xE1200, s6;
	s14 =	sand.u32 $0x1, s5;
	s5 =	sadd.s32 $0xB0A00, s6  }
0xa: {  	s7 =	sshll.u32 s4, $0xB;
	s30 =	sshll.u32 s4, $0xE;
	s31 =	sshll.u32 s4, $0x6  }
0xb: {  	s9 =	sshll.u32 s4, $0x8;
	_ =	strace $0x8000004A;
	s8 =	ssub.s32 $0x2, s14  }
0xc: {  	s12 =	sadd.s32 s7, s6;
	s15 =	sadd.s32 s30, s2;
	s7 =	sor.u32 $0x1C04, s31  }
0xd: {  	s16 =	sor.u32 $0x10, s9;
	s17 =	sshll.u32 s14, $0xF;
	p0 =	sne.s32 s14, $0x0  }
.Ltmp0:
0xe: {  	s29 =	sshrl.u32 s8, $0x1;
	s6 =	sadd.s32 $0xB1200, s12;
	(pc) =	sbr.rel .LBB2_1-.Ltmp0, $4  }
0xf: {  	s12 =	sadd.s32 s17, s12;
	s14 =	sshrl.u32 s15, $0x3;
	s15 =	simm.s32 $0x4  }
0x10: {  	s17 =	simm.s32 $0x80;
	s13 =	ssub.s32 s8, s29;
	s8 =	sadd.s32 s11, s9  }
0x11: {  	s9 =	sadd.s32 s10, s9;
	s10 =	sadd.s32 s10, s16;
	s11 =	sadd.s32 s11, s16  }
0x12: {  	s12 =	sadd.s32 $0xE3600, s12;
	s16 =	simm.s32 $0x100;
	s13 =	smax.u32 s13, $0x1  }
.LBB2_7:
0x13: {  	s26 =	sadd.s32 $0x110, s25;
	[sflag:s20] =	ssyncadd.s32 $0xFFFFFF80  }
0x14: {  	[tilespmem:s19], [sflag:$0x3] =	stream.linear.gather [hbm4b:s26+s3], $0x80, $0x38;
	[tilespmem:$0xC200] =	vst v63  }
0x15: {  	_ = 	snop  }
0x16: {  	[spmem:s2] =	stream.indirect.scatter.add.f32 [tilespmem:s18], [sflag:$0x4], $0x80, s16, s17, $0xb8;
	[tilespmem:$0xC200] =	vst v63  }
0x17: {  	_ =	swait.ge [sflag:s15], $0x4000  }
0x18: {  	[sflag:s15] =	ssyncset.done $0x0  }
0x19: {  	[sflag:s15] =	ssyncadd.s32 $0xFFFFC000  }
0x1a: {  	_ =	swait.ge [sflag:s20], $0x80  }
0x1b: {  	[sflag:s20] =	ssyncset.done $0x0  }
0x1c: {  	s31 =	sadd.s32 $0x120, s25;
	[sflag:s20] =	ssyncadd.s32 $0xFFFFFF80  }
0x1d: {  	[tilespmem:s16], [sflag:$0x3] =	stream.linear.gather [hbm4b:s31+s3], $0x80, $0x38;
	[tilespmem:$0xC200] =	vst v63  }
0x1e: {  	_ = 	snop  }
0x1f: {  	[spmem:s2] =	stream.indirect.scatter.add.f32 [tilespmem:s18], [sflag:$0x4], $0x80, s19, s17, $0xb8;
	[tilespmem:$0xC200] =	vst v63  }
0x20: {  	_ =	swait.ge [sflag:s15], $0x4000  }
0x21: {  	[sflag:s15] =	ssyncset.done $0x0  }
0x22: {  	[sflag:s15] =	ssyncadd.s32 $0xFFFFC000  }
0x23: {  	_ =	swait.ge [sflag:s20], $0x80  }
0x24: {  	[sflag:s20] =	ssyncset.done $0x0  }
0x25: {  	[sflag:s20] =	ssyncadd.s32 $0xFFFFFF80  }
.LBB2_8:
0x26: {  	s24 =	sadd.s32 $0x1, s24  }
0x27: {  	p1 =	sne.s32 s24, s13  }
.Ltmp1:
0x28: {  	[bflag:$0x0] =	sbarrier.arrive $0xFFFF;
	(pc) =	sbr.rel @!p1 .LBB2_9-.Ltmp1, $4  }
0x29: {  	[hbm:s12], [sflag:s7] =	dma.local [spmem:s14], $0x800  }
0x2a: {  	_ =	swait.ge [sflag:s15], $0x800  }
0x2b: {  	[sflag:s15] =	ssyncset.done $0x0  }
0x2c: {  	[sflag:s15] =	ssyncadd.s32 $0xFFFFF800  }
.LBB2_1:
0x2d: {  	[spmem:s14], [sflag:s7] =	dma.local [hbm:s6], $0x800  }
.Ltmp2:
0x2e: {  	_ =	swait.ge [sflag:s15], $0x800;
	(pc) =	sbr.rel @p0 .LBB2_5-.Ltmp2, $3  }
0x2f: {  	[sflag:s15] =	ssyncset.done $0x0  }
0x30: {  	[sflag:s15] =	ssyncadd.s32 $0xFFFFF800  }
0x31: {  	[bflag:$0x0] =	sbarrier.arrive $0xFFFF;
	_ =	sdelay $0x1  }
0x32: {  	[tilespmem:s3], [sflag:$0x4] =	stream.linear.gather [hbm4b:s9+s3], $0x80, $0x38;
	[tilespmem:$0xC200] =	vst v63  }
0x33: {  	_ =	swait.ge [sflag:s15], $0x80  }
0x34: {  	[sflag:s15] =	ssyncset.done $0x0  }
0x35: {  	[sflag:s15] =	ssyncadd.s32 $0xFFFFFF80  }
0x36: {  	[tilespmem:s16], [sflag:$0x4] =	stream.linear.gather [hbm4b:s8+s3], $0x80, $0x38;
	[tilespmem:$0xC200] =	vst v63  }
0x37: {  	_ =	swait.ge [sflag:s15], $0x80  }
0x38: {  	[sflag:s15] =	ssyncset.done $0x0  }
0x39: {  	[sflag:s15] =	ssyncadd.s32 $0xFFFFFF80  }
0x3a: {  	[tilespmem:s18], [sflag:$0x1] =	stream.indirect.gather [hbm4b:s1+s17], $0x80, s3, s17, $0xb8;
	[tilespmem:$0xC200] =	vst v63  }
0x3b: {  	_ = 	snop  }
0x3c: {  	[tilespmem:s17], [sflag:$0x3] =	stream.linear.gather [hbm4b:s10+s3], $0x80, $0x38;
	[tilespmem:$0xC200] =	vst v63  }
0x3d: {  	_ = 	snop  }
0x3e: {  	[tilespmem:s19], [sflag:$0x3] =	stream.linear.gather [hbm4b:s11+s3], $0x80, $0x38;
	[tilespmem:$0xC200] =	vst v63  }
0x3f: {  	_ =	swait.ge [sflag:s20], $0x80  }
0x40: {  	[sflag:s20] =	ssyncset.done $0x0  }
0x41: {  	[sflag:s20] =	ssyncadd.s32 $0xFFFFFF80  }
0x42: {  	_ =	swait.ge [sflag:s20], $0x80  }
0x43: {  	[sflag:s20] =	ssyncset.done $0x0  }
0x44: {  	[sflag:s20] =	ssyncadd.s32 $0xFFFFFF80  }
0x45: {  	[tilespmem:s21], [sflag:$0x2] =	stream.indirect.gather [hbm4b:s1+s17], $0x80, s17, s17, $0xb8;
	[tilespmem:$0xC200] =	vst v63  }
0x46: {  	_ =	swait.ge [sflag:s22], $0x4000  }
0x47: {  	[sflag:s22] =	ssyncset.done $0x0  }
0x48: {  	[sflag:s22] =	ssyncadd.s32 $0xFFFFC000  }
0x49: {  	[spmem:s2] =	stream.indirect.scatter.add.f32 [tilespmem:s18], [sflag:$0x4], $0x80, s16, s17, $0xb8;
	[tilespmem:$0xC200] =	vst v63  }
0x4a: {  	_ =	swait.ge [sflag:s15], $0x4000  }
0x4b: {  	s25 =	sadd.s32 $0xFFFFFF00, s9;
	[sflag:s15] =	ssyncset.done $0x0  }
0x4c: {  	s28 =	sadd.s32 $0xFFFFFF00, s8;
	s26 =	sadd.s32 $0x120, s25;
	[sflag:s15] =	ssyncadd.s32 $0xFFFFC000  }
0x4d: {  	[tilespmem:s3], [sflag:$0x3] =	stream.linear.gather [hbm4b:s26+s3], $0x80, $0x38;
	[tilespmem:$0xC200] =	vst v63  }
0x4e: {  	s31 =	sadd.s32 $0x120, s28  }
0x4f: {  	[tilespmem:s16], [sflag:$0x3] =	stream.linear.gather [hbm4b:s31+s3], $0x80, $0x38;
	[tilespmem:$0xC200] =	vst v63  }
0x50: {  	_ =	swait.ge [sflag:s20], $0x80  }
0x51: {  	[sflag:s20] =	ssyncset.done $0x0  }
0x52: {  	[sflag:s20] =	ssyncadd.s32 $0xFFFFFF80  }
0x53: {  	_ =	swait.ge [sflag:s20], $0x80  }
0x54: {  	[sflag:s20] =	ssyncset.done $0x0  }
0x55: {  	[sflag:s20] =	ssyncadd.s32 $0xFFFFFF80  }
0x56: {  	[tilespmem:s18], [sflag:$0x1] =	stream.indirect.gather [hbm4b:s1+s17], $0x80, s3, s17, $0xb8;
	[tilespmem:$0xC200] =	vst v63  }
0x57: {  	_ =	swait.ge [sflag:s23], $0x4000  }
0x58: {  	[sflag:s23] =	ssyncset.done $0x0  }
0x59: {  	[sflag:s23] =	ssyncadd.s32 $0xFFFFC000  }
0x5a: {  	[spmem:s2] =	stream.indirect.scatter.add.f32 [tilespmem:s21], [sflag:$0x4], $0x80, s19, s17, $0xb8;
	[tilespmem:$0xC200] =	vst v63  }
0x5b: {  	_ =	swait.ge [sflag:s15], $0x4000  }
0x5c: {  	[sflag:s15] =	ssyncset.done $0x0  }
0x5d: {  	s25 =	sadd.s32 $0x130, s25;
	[sflag:s15] =	ssyncadd.s32 $0xFFFFC000  }
0x5e: {  	[tilespmem:s17], [sflag:$0x3] =	stream.linear.gather [hbm4b:s25+s3], $0x80, $0x38;
	[tilespmem:$0xC200] =	vst v63  }
0x5f: {  	s26 =	sadd.s32 $0x130, s28;
	s25 =	simm.s32 $0xFFFFFF20  }
.LBB2_3:
0x60: {  	[tilespmem:s19], [sflag:$0x3] =	stream.linear.gather [hbm4b:s26+s3], $0x80, $0x38;
	[tilespmem:$0xC200] =	vst v63  }
0x61: {  	s26 =	smov.u32 s25  }
0x62: {  	p1 =	sne.s32 s25, $0xFFFFFFE0;
	s25 =	sadd.s32 $0x20, s25;
	_ =	swait.ge [sflag:s20], $0x80  }
0x63: {  	[sflag:s20] =	ssyncset.done $0x0  }
0x64: {  	[sflag:s20] =	ssyncadd.s32 $0xFFFFFF80  }
0x65: {  	_ =	swait.ge [sflag:s20], $0x80  }
0x66: {  	[sflag:s20] =	ssyncset.done $0x0  }
0x67: {  	[sflag:s20] =	ssyncadd.s32 $0xFFFFFF80  }
0x68: {  	[tilespmem:s21], [sflag:$0x2] =	stream.indirect.gather [hbm4b:s1+s17], $0x80, s17, s17, $0xb8;
	[tilespmem:$0xC200] =	vst v63  }
0x69: {  	_ =	swait.ge [sflag:s22], $0x4000  }
0x6a: {  	[sflag:s22] =	ssyncset.done $0x0  }
0x6b: {  	[sflag:s22] =	ssyncadd.s32 $0xFFFFC000  }
0x6c: {  	[spmem:s2] =	stream.indirect.scatter.add.f32 [tilespmem:s18], [sflag:$0x4], $0x80, s16, s17, $0xb8;
	[tilespmem:$0xC200] =	vst v63  }
0x6d: {  	_ =	swait.ge [sflag:s15], $0x4000  }
0x6e: {  	s28 =	sadd.s32 s26, s9;
	[sflag:s15] =	ssyncset.done $0x0  }
0x6f: {  	s26 =	sadd.s32 s26, s8;
	s29 =	sadd.s32 $0x120, s28;
	[sflag:s15] =	ssyncadd.s32 $0xFFFFC000  }
0x70: {  	[tilespmem:s3], [sflag:$0x3] =	stream.linear.gather [hbm4b:s29+s3], $0x80, $0x38;
	[tilespmem:$0xC200] =	vst v63  }
0x71: {  	s29 =	sadd.s32 $0x120, s26  }
0x72: {  	[tilespmem:s16], [sflag:$0x3] =	stream.linear.gather [hbm4b:s29+s3], $0x80, $0x38;
	[tilespmem:$0xC200] =	vst v63  }
0x73: {  	_ =	swait.ge [sflag:s20], $0x80  }
0x74: {  	[sflag:s20] =	ssyncset.done $0x0  }
0x75: {  	[sflag:s20] =	ssyncadd.s32 $0xFFFFFF80  }
0x76: {  	_ =	swait.ge [sflag:s20], $0x80  }
0x77: {  	[sflag:s20] =	ssyncset.done $0x0  }
0x78: {  	[sflag:s20] =	ssyncadd.s32 $0xFFFFFF80  }
0x79: {  	[tilespmem:s18], [sflag:$0x1] =	stream.indirect.gather [hbm4b:s1+s17], $0x80, s3, s17, $0xb8;
	[tilespmem:$0xC200] =	vst v63  }
0x7a: {  	_ =	swait.ge [sflag:s23], $0x4000  }
0x7b: {  	[sflag:s23] =	ssyncset.done $0x0  }
0x7c: {  	[sflag:s23] =	ssyncadd.s32 $0xFFFFC000  }
0x7d: {  	[spmem:s2] =	stream.indirect.scatter.add.f32 [tilespmem:s21], [sflag:$0x4], $0x80, s19, s17, $0xb8;
	[tilespmem:$0xC200] =	vst v63  }
.Ltmp3:
0x7e: {  	_ =	swait.ge [sflag:s15], $0x4000;
	(pc) =	sbr.rel @p1 .LBB2_3-.Ltmp3, $4  }
0x7f: {  	[sflag:s15] =	ssyncset.done $0x0  }
0x80: {  	s28 =	sadd.s32 $0x130, s28;
	[sflag:s15] =	ssyncadd.s32 $0xFFFFC000  }
0x81: {  	[tilespmem:s17], [sflag:$0x3] =	stream.linear.gather [hbm4b:s28+s3], $0x80, $0x38;
	[tilespmem:$0xC200] =	vst v63  }
0x82: {  	s26 =	sadd.s32 $0x130, s26  }
0x83: {  	[tilespmem:s19], [sflag:$0x3] =	stream.linear.gather [hbm4b:s26+s3], $0x80, $0x38;
	[tilespmem:$0xC200] =	vst v63  }
0x84: {  	_ =	swait.ge [sflag:s20], $0x80  }
0x85: {  	[sflag:s20] =	ssyncset.done $0x0  }
0x86: {  	[sflag:s20] =	ssyncadd.s32 $0xFFFFFF80  }
0x87: {  	_ =	swait.ge [sflag:s20], $0x80  }
.Ltmp4:
0x88: {  	[sflag:s20] =	ssyncset.done $0x0;
	(pc) =	sbr.rel .LBB2_8-.Ltmp4, $4  }
0x89: {  	[sflag:s20] =	ssyncadd.s32 $0xFFFFFF80  }
0x8a: {  	_ =	swait.ge [sflag:s22], $0x4000  }
0x8b: {  	[sflag:s22] =	ssyncset.done $0x0  }
0x8c: {  	[sflag:s22] =	ssyncadd.s32 $0xFFFFC000  }
.LBB2_5:
0x8d: {  	[tilespmem:s18], [sflag:$0x4] =	stream.linear.gather [hbm4b:s5+s3], $0x4000, $0x38;
	[tilespmem:$0xC200] =	vst v63  }
0x8e: {  	_ =	swait.ge [sflag:s15], $0x4000  }
0x8f: {  	[sflag:s15] =	ssyncset.done $0x0  }
0x90: {  	[sflag:s15] =	ssyncadd.s32 $0xFFFFC000  }
0x91: {  	[tilespmem:s16], [sflag:$0x4] =	stream.linear.gather [hbm4b:s8+s3], $0x80, $0x38;
	[tilespmem:$0xC200] =	vst v63  }
0x92: {  	_ =	swait.ge [sflag:s15], $0x80  }
0x93: {  	s25 =	sadd.s32 $0xFFFFFF00, s8;
	[sflag:s15] =	ssyncset.done $0x0  }
0x94: {  	s26 =	sadd.s32 $0x110, s25;
	[sflag:s15] =	ssyncadd.s32 $0xFFFFFF80  }
0x95: {  	[tilespmem:s19], [sflag:$0x3] =	stream.linear.gather [hbm4b:s26+s3], $0x80, $0x38;
	[tilespmem:$0xC200] =	vst v63  }
0x96: {  	_ = 	snop  }
0x97: {  	[spmem:s2] =	stream.indirect.scatter.add.f32 [tilespmem:s18], [sflag:$0x4], $0x80, s16, s17, $0xb8;
	[tilespmem:$0xC200] =	vst v63  }
0x98: {  	_ =	swait.ge [sflag:s15], $0x4000  }
0x99: {  	[sflag:s15] =	ssyncset.done $0x0  }
0x9a: {  	[sflag:s15] =	ssyncadd.s32 $0xFFFFC000  }
0x9b: {  	_ =	swait.ge [sflag:s20], $0x80  }
0x9c: {  	[sflag:s20] =	ssyncset.done $0x0  }
0x9d: {  	s25 =	sadd.s32 $0x120, s25;
	[sflag:s20] =	ssyncadd.s32 $0xFFFFFF80  }
0x9e: {  	[tilespmem:s16], [sflag:$0x3] =	stream.linear.gather [hbm4b:s25+s3], $0x80, $0x38;
	[tilespmem:$0xC200] =	vst v63  }
0x9f: {  	_ = 	snop  }
0xa0: {  	[spmem:s2] =	stream.indirect.scatter.add.f32 [tilespmem:s18], [sflag:$0x4], $0x80, s19, s17, $0xb8;
	[tilespmem:$0xC200] =	vst v63  }
0xa1: {  	_ =	swait.ge [sflag:s15], $0x4000  }
0xa2: {  	[sflag:s15] =	ssyncset.done $0x0  }
0xa3: {  	[sflag:s15] =	ssyncadd.s32 $0xFFFFC000  }
0xa4: {  	_ =	swait.ge [sflag:s20], $0x80  }
0xa5: {  	s26 =	simm.s32 $0xFFFFFF40;
	s25 =	sadd.s32 $0xFFFFFF20, s8;
	[sflag:s20] =	ssyncset.done $0x0  }
.LBB2_6:
0xa6: {  	s28 =	sadd.s32 $0x110, s25  }
0xa7: {  	[sflag:s20] =	ssyncadd.s32 $0xFFFFFF80;
	s29 =	smov.u32 s26;
	s30 =	sadd.s32 $0x20, s26  }
0xa8: {  	[tilespmem:s19], [sflag:$0x3] =	stream.linear.gather [hbm4b:s28+s3], $0x80, $0x38;
	[tilespmem:$0xC200] =	vst v63  }
0xa9: {  	p1 =	sne.s32 s26, $0xFFFFFFE0  }
0xaa: {  	[spmem:s2] =	stream.indirect.scatter.add.f32 [tilespmem:s18], [sflag:$0x4], $0x80, s16, s17, $0xb8;
	[tilespmem:$0xC200] =	vst v63  }
0xab: {  	_ =	swait.ge [sflag:s15], $0x4000  }
0xac: {  	[sflag:s15] =	ssyncset.done $0x0  }
0xad: {  	[sflag:s15] =	ssyncadd.s32 $0xFFFFC000  }
0xae: {  	_ =	swait.ge [sflag:s20], $0x80  }
0xaf: {  	[sflag:s20] =	ssyncset.done $0x0  }
0xb0: {  	s25 =	sadd.s32 $0x120, s25;
	[sflag:s20] =	ssyncadd.s32 $0xFFFFFF80  }
0xb1: {  	[tilespmem:s16], [sflag:$0x3] =	stream.linear.gather [hbm4b:s25+s3], $0x80, $0x38;
	[tilespmem:$0xC200] =	vst v63  }
0xb2: {  	_ = 	snop  }
0xb3: {  	[spmem:s2] =	stream.indirect.scatter.add.f32 [tilespmem:s18], [sflag:$0x4], $0x80, s19, s17, $0xb8;
	[tilespmem:$0xC200] =	vst v63  }
.Ltmp5:
0xb4: {  	_ =	swait.ge [sflag:s15], $0x4000;
	(pc) =	sbr.rel @p1 .LBB2_6-.Ltmp5, $4  }
0xb5: {  	[sflag:s15] =	ssyncset.done $0x0  }
0xb6: {  	[sflag:s15] =	ssyncadd.s32 $0xFFFFC000  }
0xb7: {  	_ =	swait.ge [sflag:s20], $0x80  }
0xb8: {  	s26 =	smov.u32 s30;
	s25 =	sadd.s32 s29, s8;
	[sflag:s20] =	ssyncset.done $0x0  }
.Ltmp6:
0xb9: {  	_ = 	snop;
	(pc) =	sbr.rel .LBB2_7-.Ltmp6, $1  }
0xba: {  	_ =	sdelay $0x3  }
.LBB2_9:
0xbb: {  	_ =	sfence.sel $0x180000  }
0xbc: {  	[bflag:$0x0] =	sbarrier.arrive $0xFFFF  }
0xbd: {  	p0 =	sne.s32 s4, $0x0;
	_ =	strace $0x9000004A  }
0xbe: {  	s0 =	sadd.s32 @!p0 $0x100000, s0;
	[bflag:$0x2] =	sbarrier.arrive $0xFFFF  }
0xbf: {  	[sflag:s0] =	ssyncadd.tile.s32 @!p0 $0x1;
	_ =	shalt  }
.Lfunc_end2:
_tile_overlayer_lowered:
.L_overlay_start_2:
0xc0: {  	(tag) =	ssettag $0x2  }
0xc1: {  	s0 =	rddreg [dreg:$0x0];
	s2 =	stileid.u32  }
0xc2: {  	s1 =	rddreg [dreg:$0x1];
	p0 =	sne.s32 s2, $0x0  }
0xc3: {  	s3 =	rddreg [dreg:$0x2];
	[bflag:$0x3] =	sbarrier.arrive $0xFFFF;
	s2 =	simm.s32 @!p0 $0x1C04  }
0xc4: {  	[timem:s3], [sflag:s2] =	dma.local @!p0 [hbm:s0], s1  }
0xc5: {  	s0 =	simm.s32 @!p0 $0x4  }
0xc6: {  	_ =	swait.ge @!p0 [sflag:s0], s1  }
0xc7: {  	s1 =	ssub.s32 @!p0 $0x0, s1;
	[sflag:s0] =	ssyncset.done @!p0 $0x0  }
0xc8: {  	[sflag:s0] =	ssyncadd.s32 @!p0 s1  }
0xc9: {  	[bflag:$0x3] =	sbarrier.arrive $0xFFFF  }
0xca: {  	_ =	shalt  }

// kernel: kernel.18.cloned.1.call-start
scs
__scs_entry_jumppad:
0x0: {  	(pc) =	sbr.rel $0x88, $3  }
0x1: {  	(tag) =	ssettag $0x0;
	lr =	simm.s32 $0x1  }
0x2: {  	[smem:$0x3F8B] =	sst lr;
	_ =	strace $0xD0000000  }
0x3: {  	_ = 	snop  }
0x4: {  	_ = 	snop  }
0x5: {  	_ = 	snop  }
0x6: {  	_ = 	snop  }
0x7: {  	_ = 	snop  }
__scs_overlays_trampoline_lowered:
0x8: {  	[smem:$0x3F9A] =	sst s0  }
0x9: {  	[smem:$0x3F9B] =	sst s1  }
0xa: {  	[smem:$0x3F9C] =	sst s2  }
0xb: {  	[smem:$0x3F9D] =	sst s3  }
0xc: {  	[smem:$0x3F9E] =	sst s4  }
0xd: {  	[smem:$0x3F9F] =	sst s5  }
0xe: {  	[smem:$0x3FA0] =	sst s6  }
0xf: {  	[smem:$0x3FA1] =	sst s7  }
0x10: {  	[smem:$0x3FA2] =	sst s8  }
0x11: {  	[smem:$0x3FA3] =	sst s9;
	s0 =	simm.s32 @!p0 $0x0  }
0x12: {  	s1 =	sld [smem:$0x3F89];
	s0 =	simm.s32 @p0 $0x1  }
0x13: {  	[smem:$0x3FA4] =	sst s0;
	s0 =	simm.s32 @!p1 $0x0  }
0x14: {  	s2 =	sld [smem:$0x3F88];
	s0 =	simm.s32 @p1 $0x1  }
0x15: {  	[smem:$0x3FA5] =	sst s0;
	s0 =	simm.s32 @!p2 $0x0  }
0x16: {  	s3 =	sld [smem:$0x3FDB];
	s0 =	simm.s32 @p2 $0x1  }
0x17: {  	s4 =	simm.s32 $0x1BF5;
	[smem:$0x3FA7] =	sst s0  }
0x18: {  	s0 =	sld [smem:$0x3F8A];
	_ =	swait.ge [sflag:s4], $0x0  }
0x19: {  	s7 =	sld [smem:$0x3F8B]  }
0x1a: {  	s8 =	sadd.s32 $0xFFFFE003, lr  }
0x1b: {  	s9 =	sadd.s32 $0xFFFFFEF7, lr;
	s5 =	simm.s32 $0xFFFFFFFF;
	p2 =	slt.u32 s8, $0xFFFFF086  }
0x1c: {  	p1 =	slt.u32 s9, $0xF7A;
	s5 =	simm.s32 @!p2 $0x0  }
0x1d: {  	s5 =	simm.s32 @p1 $0x1;
	p0 =	seq.s32 s7, s2  }
0x1e: {  	s7 =	smul.u32 @!p0 $0xF7A, s2;
	p2 =	seq.s32 @!p0 s5, $0x0  }
0x1f: {  	s9 =	smul.u32 $0xF7A, s1;
	s8 =	simm.s32 @!p0 $0x1BF5;
	p2 =	por !p2, p0  }
0x20: {  	[sflag:s8] =	ssyncset.s32 @!p0 $0xFFFFF086;
	s6 =	sadd.s32 @!p0 s3, s7;
	s7 =	simm.s32 @!p0 $0x108  }
0x21: {  	s3 =	sadd.s32 s3, s9;
	s6 =	sadd.s32 @!p0 $0x88, s6;
	s7 =	simm.s32 @p2 $0x1082  }
0x22: {  	[simem:s7], [sflag:s8] =	dma.local @!p0 [hbm:s6], $0xF7A  }
0x23: {  	s9 =	sor.u32 $0xD0000000, s2;
	s6 =	simm.s32 $0x108;
	_ =	swait.ge @!p0 [sflag:s8], $0x0  }
0x24: {  	s3 =	sadd.s32 $0x88, s3;
	s6 =	simm.s32 @!p1 $0x1082;
	[sflag:s4] =	ssyncset.s32 $0xFFFFF086  }
0x25: {  	[simem:s6], [sflag:s4] =	dma.local [hbm:s3], $0xF7A  }
0x26: {  	[smem:$0x3F8B] =	sst s1;
	(tag) =	ssettag s2;
	_ =	strace s9  }
0x27: {  	s1 =	sld [smem:$0x3F9B]  }
0x28: {  	s2 =	sld [smem:$0x3F9C]  }
0x29: {  	s4 =	sld [smem:$0x3F9E]  }
0x2a: {  	p0 =	seq.s32 s5, $0x0;
	s5 =	sld [smem:$0x3F9F]  }
0x2b: {  	s6 =	sld [smem:$0x3FA0]  }
0x2c: {  	s7 =	sld [smem:$0x3FA1]  }
0x2d: {  	s3 =	simm.s32 $0x108;
	s8 =	sld [smem:$0x3FA2]  }
0x2e: {  	s3 =	simm.s32 @!p0 $0x1082;
	s9 =	sld [smem:$0x3FA3]  }
0x2f: {  	lr =	sadd.s32 s0, s3;
	s0 =	sld [smem:$0x3F9A]  }
0x30: {  	s3 =	sld [smem:$0x3F9D]  }
0x31: {  	[smem:$0x3FA6] =	sst s10  }
0x32: {  	s10 =	sld [smem:$0x3FA4];
	_ =	sdelay $0x3  }
0x33: {  	p0 =	seq.s32 s10, $0x1;
	s10 =	sld [smem:$0x3FA6];
	_ =	sdelay $0x3  }
0x34: {  	[smem:$0x3FA6] =	sst s10  }
0x35: {  	s10 =	sld [smem:$0x3FA5];
	_ =	sdelay $0x3  }
0x36: {  	p1 =	seq.s32 s10, $0x1;
	s10 =	sld [smem:$0x3FA6];
	_ =	sdelay $0x3  }
0x37: {  	[smem:$0x3FA6] =	sst s10  }
0x38: {  	s10 =	sld [smem:$0x3FA7]  }
0x39: {  	_ = 	snop;
	(pc) =	sbr.ind lr, $3  }
0x3a: {  	_ = 	snop  }
0x3b: {  	_ = 	snop  }
0x3c: {  	p2 =	seq.s32 s10, $0x1;
	s10 =	sld [smem:$0x3FA6]  }
0x3d: {  	_ =	shalt  }
0x3e: {  	_ =	shalt  }
0x3f: {  	_ =	shalt  }
0x40: {  	_ =	shalt  }
0x41: {  	_ =	shalt  }
0x42: {  	_ =	shalt  }
0x43: {  	_ =	shalt  }
0x44: {  	_ =	shalt  }
0x45: {  	_ =	shalt  }
0x46: {  	_ =	shalt  }
0x47: {  	_ =	shalt  }
0x48: {  	_ =	shalt  }
0x49: {  	_ =	shalt  }
0x4a: {  	_ =	shalt  }
0x4b: {  	_ =	shalt  }
0x4c: {  	_ =	shalt  }
0x4d: {  	_ =	shalt  }
0x4e: {  	_ =	shalt  }
0x4f: {  	_ =	shalt  }
0x50: {  	_ =	shalt  }
0x51: {  	_ =	shalt  }
0x52: {  	_ =	shalt  }
0x53: {  	_ =	shalt  }
0x54: {  	_ =	shalt  }
0x55: {  	_ =	shalt  }
0x56: {  	_ =	shalt  }
0x57: {  	_ =	shalt  }
0x58: {  	_ =	shalt  }
0x59: {  	_ =	shalt  }
0x5a: {  	_ =	shalt  }
0x5b: {  	_ =	shalt  }
0x5c: {  	_ =	shalt  }
0x5d: {  	_ =	shalt  }
0x5e: {  	_ =	shalt  }
0x5f: {  	_ =	shalt  }
0x60: {  	_ =	shalt  }
0x61: {  	_ =	shalt  }
0x62: {  	_ =	shalt  }
0x63: {  	_ =	shalt  }
0x64: {  	_ =	shalt  }
0x65: {  	_ =	shalt  }
0x66: {  	_ =	shalt  }
0x67: {  	_ =	shalt  }
0x68: {  	_ =	shalt  }
0x69: {  	_ =	shalt  }
0x6a: {  	_ =	shalt  }
0x6b: {  	_ =	shalt  }
0x6c: {  	_ =	shalt  }
0x6d: {  	_ =	shalt  }
0x6e: {  	_ =	shalt  }
0x6f: {  	_ =	shalt  }
0x70: {  	_ =	shalt  }
0x71: {  	_ =	shalt  }
0x72: {  	_ =	shalt  }
0x73: {  	_ =	shalt  }
0x74: {  	_ =	shalt  }
0x75: {  	_ =	shalt  }
0x76: {  	_ =	shalt  }
0x77: {  	_ =	shalt  }
0x78: {  	_ =	shalt  }
0x79: {  	_ =	shalt  }
0x7a: {  	_ =	shalt  }
0x7b: {  	_ =	shalt  }
0x7c: {  	_ =	shalt  }
0x7d: {  	_ =	shalt  }
0x7e: {  	_ =	shalt  }
0x7f: {  	_ =	shalt  }
0x80: {  	_ =	shalt  }
0x81: {  	_ =	shalt  }
0x82: {  	_ =	shalt  }
0x83: {  	_ =	shalt  }
0x84: {  	_ =	shalt  }
0x85: {  	_ =	shalt  }
0x86: {  	_ =	shalt  }
0x87: {  	_ =	shalt  }
.Lfunc_end0:
.L_simem_size_0:
called_computation.3_lowered:
.L_overlay_start_0:
0x88: {  	s2 =	sld [smem:$0x3FD9]  }
0x89: {  	s3 =	sld [smem:$0x3FFE];
	_ =	sdelay $0x1  }
0x8a: {  	s1 =	srdreg.scid  }
0x8b: {  	s0 =	sand.u32 $0x1, s1  }
0x8c: {  	s17 =	sshll.u32 s0, $0xA;
	s2 =	sadd.s32 s3, s2  }
0x8d: {  	s2 =	sadd.s32 s2, s17  }
0x8e: {  	[smem:$0x3FB2] =	sst s2  }
0x8f: {  	_ = 	snop  }
0x90: {  	(tm) =	ssettm $0x1  }
0x91: {  	s18 =	sld [smem:$0x3FFB];
	_ =	sdelay $0x3  }
0x92: {  	_ =	strace s18  }
0x93: {  	s2 =	sld [smem:$0x3FFC];
	_ =	sdelay $0x3  }
0x94: {  	_ =	strace s2  }
0x95: {  	s2 =	sld [smem:$0x3FFD];
	_ =	sdelay $0x3  }
0x96: {  	_ =	strace s2  }
0x97: {  	_ =	strace $0x8FFFFFFF  }
0x98: {  	s19 =	sld [smem:$0x3FDB];
	_ =	sdelay $0x1  }
0x99: {  	s20 =	simm.s32 $_scs_section_size  }
0x9a: {  	s4 =	simm.s32 $_size__tile_overlayer_lowered;
	s5 =	simm.s32 $_tile_overlayer_lowered  }
0x9b: {  	s6 =	simm.s32 $0x1BFF;
	s21 =	sshll.u32 s5, $0x1;
	s3 =	sadd.s32 s20, s19  }
0x9c: {  	s22 =	simm.s32 $0x0;
	s4 =	sshll.u32 s4, $0x1;
	s5 =	sadd.s32 s21, s3  }
0x9d: {  	[timem:s22], [sflag:s6] =	dma.local [hbm:s5], s4  }
0x9e: {  	_ =	swait.ge [sflag:s6], s4  }
0x9f: {  	s4 =	ssub.s32 $0x0, s4;
	[sflag:s6] =	ssyncset.done $0x0  }
0xa0: {  	[sflag:s6] =	ssyncadd.s32 s4;
	_ =	sdelay $0x1  }
0xa1: {  	s23 =	simm.s32 $0x1B8B  }
0xa2: {  	_ =	swait.ge [sflag:s23], $0x1  }
0xa3: {  	[sflag:s23] =	ssyncset.done $0x0  }
0xa4: {  	[sflag:s23] =	ssyncadd.s32 $0xFFFFFFFF  }
0xa5: {  	s4 =	sld [smem:$0x0]  }
0xa6: {  	s5 =	sand.u32 $0xFFFFFFFE, s1  }
0xa7: {  	p0 =	sne.s32 s1, s5  }
0xa8: {  	s5 =	sshll.u32 @p0 s5, $0xE  }
0xa9: {  	s5 =	sadd.s32 @p0 $0x11B8D, s5;
	s6 =	sshll.u32 @p0 s4, $0x11  }
0xaa: {  	s5 =	sor.u32 @p0 s6, s5  }
0xab: {  	[sflag:s5] =	ssyncadd.remote.s32 @p0 $0x1;
	_ =	sdelay $0x1  }
0xac: {  	s5 =	simm.s32 @p0 $0x1B8D  }
0xad: {  	_ =	swait.eq @p0 [sflag:s5], $0x1  }
0xae: {  	[sflag:s5] =	ssyncadd.s32 @p0 $0xFFFFFFFF  }
0xaf: {  	s6 =	sshll.u32 @!p0 s1, $0xE  }
0xb0: {  	s6 =	sor.u32 @!p0 $0x4000, s6;
	s5 =	simm.s32 @!p0 $0x1B8D  }
0xb1: {  	s4 =	sshll.u32 @!p0 s4, $0x11;
	s6 =	sadd.s32 @!p0 $0x11B8D, s6;
	_ =	swait.eq @!p0 [sflag:s5], $0x1  }
0xb2: {  	s4 =	sor.u32 @!p0 s4, s6;
	[sflag:s5] =	ssyncadd.s32 @!p0 $0xFFFFFFFF  }
0xb3: {  	s25 =	simm.s32 $0x1B8E;
	s24 =	sld [smem:$0x3FFE];
	[sflag:s4] =	ssyncadd.remote.s32 @!p0 $0x1  }
0xb4: {  	s26 =	simm.s32 $execute0_lowered;
	[smem:$0x3FD2] =	sst s25  }
0xb5: {  	s5 =	sshll.u32 s26, $0x1;
	_ =	strace $0x8000004F;
	[dreg:$0x1] =	wrdreg $0xFFFFFFFF  }
0xb6: {  	s28 =	simm.s32 $_size_execute0_lowered;
	s3 =	sadd.s32 s3, s5;
	[dreg:$0x0] =	wrdreg $0x0  }
0xb7: {  	s5 =	sshll.u32 s28, $0x1;
	[dreg:$0x2] =	wrdreg s3  }
0xb8: {  	[dreg:$0x3] =	wrdreg s5  }
0xb9: {  	[dreg:$0x4] =	wrdreg $0xC0  }
0xba: {  	_ =	task [dreg:s22], $0x5FFFF  }
0xbb: {  	[dreg:$0x1] =	wrdreg $0xFFFFFFFF  }
0xbc: {  	[dreg:$0x0] =	wrdreg $0x60  }
0xbd: {  	[dreg:$0x2] =	wrdreg s24  }
0xbe: {  	[dreg:$0x3] =	wrdreg $0x82000  }
0xbf: {  	[dreg:$0x4] =	wrdreg $0xA  }
0xc0: {  	_ =	task.clear_ibuf [dreg:s22], $0x5FFFF;
	_ =	strace $0x9000004F  }
0xc1: {  	s29 =	simm.s32 $0xA;
	_ =	strace $0x80000051  }
0xc2: {  	_ =	swait.ge [sflag:s29], $0x1  }
0xc3: {  	[sflag:s29] =	ssyncadd.s32 $0xFFFFFFFF  }
0xc4: {  	_ =	strace $0x90000051  }
0xc5: {  	_ =	sfence  }
0xc6: {  	s30 =	sld [smem:$0x0];
	_ =	sdelay $0x2  }
0xc7: {  	s31 =	sshll.u32 s1, $0xD;
	s1 =	sshrl.u32 s1, $0x2  }
0xc8: {  	s4 =	sand.u32 $0x4000, s31;
	s1 =	sadd.s32 s1, s30  }
0xc9: {  	s0 =	sor.u32 s4, s0;
	s1 =	sshll.u32 s1, $0x11  }
0xca: {  	s0 =	sor.u32 s1, s0  }
0xcb: {  	s0 =	sadd.s32 $0x8F2B, s0  }
0xcc: {  	[sflag:s0] =	ssyncadd.remote.s32 $0x1  }
0xcd: {  	_ =	sfence.sel $0xFFFF  }
0xce: {  	[dreg:$0x0] =	wrdreg $0xFFFFFFFF;
	(pc) =	sbr.abs _section_cstart, $3  }
0xcf: {  	[dreg:$0x1] =	wrdreg $0xFFFFFFFF  }
0xd0: {  	_ =	task.clear_ibuf [dreg:s22], $0x2FFFF;
	_ =	strace $0x9FFFFFFF  }
0xd1: {  	(tm) =	ssettm $0x7FFFFFFF  }
tec
execute0_lowered:
.L_overlay_start_1:
0x0: {  	(tag) =	ssettag $0x1  }
0x1: {  	s0 =	rddreg [dreg:$0x0]  }
0x2: {  	s2 =	rddreg [dreg:$0x1]  }
0x3: {  	s3 =	simm.s32 $0x0;
	s16 =	stileid.u32;
	s6 =	srdreg.scid  }
0x4: {  	s28 =	simm.s32 $0x180;
	s29 =	simm.s32 $0x3;
	s1 =	smul.u32 $0x2780, s16  }
0x5: {  	s30 =	simm.s32 $0x4200;
	s31 =	simm.s32 $0x1;
	s7 =	smul.u32 $0x4F000, s16  }
0x6: {  	[smem:$0x7FF] =	sst s3;
	s4 =	sadd.s32 $0xB1200, s0;
	s11 =	smul.u32 $0x2500, s16  }
0x7: {  	s5 =	sadd.s32 $0x1AF200, s0;
	s9 =	sadd.s32 $0xFCC00, s0;
	s14 =	smul.u32 $0x13C00, s16  }
0x8: {  	s6 =	sand.u32 $0x1, s6;
	s13 =	sadd.s32 $0x1C00, s0;
	s21 =	smul.u32 $0x4A0, s16  }
0x9: {  	s23 =	sshll.u32 s16, $0x6;
	_ =	strace $0x80000050;
	s10 =	smul.u32 $0x25000, s6  }
0xa: {  	s8 =	ssub.s32 $0x2, s6;
	s26 =	smul.u32 $0x13C000, s6;
	s6 =	sor.u32 $0x2, s6  }
0xb: {  	s1 =	sadd.s32 s1, s0;
	s12 =	sshrl.u32 s8, $0x1;
	s7 =	sshrl.u32 s7, $0x2  }
0xc: {  	s18 =	sshrl.u32 s11, $0x3;
	s0 =	sadd.s32 $0x1AF210, s0;
	s15 =	smul.u32 $0x25000, s6  }
0xd: {  	s6 =	smul.u32 $0x13C000, s6;
	s17 =	ssub.s32 s8, s12;
	s7 =	sadd.s32 s7, s2  }
0xe: {  	s20 =	sadd.s32 s11, s10;
	s8 =	sor.u32 $0x1C04, s23;
	s10 =	sadd.s32 s9, s18  }
0xf: {  	s18 =	sadd.s32 s21, s9;
	[dreg:$0x3] =	wrdreg s7;
	s7 =	sadd.s32 $0x111200, s1  }
0x10: {  	s24 =	sshrl.u32 s20, $0x3;
	s1 =	sadd.s32 s14, s26;
	s11 =	sadd.s32 s11, s15  }
0x11: {  	s6 =	sadd.s32 s14, s6;
	s17 =	smax.u32 s17, $0x1;
	s22 =	sadd.s32 $0x180, s20  }
0x12: {  	s23 =	sadd.s32 $0x4A100, s20;
	s25 =	sadd.s32 s5, s24;
	s12 =	sadd.s32 s24, s0  }
0x13: {  	s1 =	sshrl.u32 s1, $0x3;
	s19 =	sshrl.u32 s11, $0x3;
	[dreg:$0x4] =	wrdreg s25  }
0x14: {  	s6 =	sshrl.u32 s6, $0x3;
	s24 =	sadd.s32 $0x4A180, s20;
	[dreg:$0x5] =	wrdreg s12  }
0x15: {  	s12 =	sadd.s32 $0x10, s10;
	s1 =	sadd.s32 s13, s1;
	s11 =	sadd.s32 s5, s19  }
0x16: {  	s0 =	sadd.s32 s19, s0;
	s16 =	sadd.s32 s13, s6;
	s19 =	sadd.s32 $0x100, s20  }
0x17: {  	s25 =	sshrl.u32 s23, $0x3;
	s26 =	sshrl.u32 s24, $0x3;
	[dreg:$0x6] =	wrdreg s1  }
0x18: {  	s23 =	simm.s32 $0x4;
	s24 =	simm.s32 $0x100;
	[dreg:$0x7] =	wrdreg s11  }
0x19: {  	[dreg:$0x8] =	wrdreg s0;
	s0 =	sshrl.u32 s22, $0x3;
	s21 =	sadd.s32 s25, s5  }
0x1a: {  	s22 =	sadd.s32 s26, s5;
	s25 =	simm.s32 $0x80;
	s26 =	simm.s32 $0x200  }
0x1b: {  	s1 =	simm.s32 $0x0;
	s20 =	sadd.s32 s0, s5;
	s0 =	simm.s32 $0x2  }
.LBB2_1:
0x1c: {  	s6 =	rddreg [dreg:$0x3]  }
0x1d: {  	s6 =	sshrl.u32 s6, $0x3  }
0x1e: {  	[spmem:s6], [sflag:s8] =	dma.local [hbm:s7], $0x2780  }
0x1f: {  	_ =	swait.ge [sflag:s23], $0x2780  }
0x20: {  	[sflag:s23] =	ssyncset.done $0x0  }
0x21: {  	[sflag:s23] =	ssyncadd.s32 $0xFFFFD880  }
0x22: {  	[bflag:$0x0] =	sbarrier.arrive $0xFFFF  }
0x23: {  	s9 =	rddreg [dreg:$0x4]  }
0x24: {  	[tilespmem:s3], [sflag:$0x4] =	stream.linear.gather [hbm4b:s9+s3], $0x80, $0x38;
	[tilespmem:$0x1BE00] =	vst v63  }
0x25: {  	_ =	swait.ge [sflag:s23], $0x80  }
0x26: {  	[sflag:s23] =	ssyncset.done $0x0  }
0x27: {  	[sflag:s23] =	ssyncadd.s32 $0xFFFFFF80  }
0x28: {  	[tilespmem:s24], [sflag:$0x4] =	stream.linear.gather [hbm4b:s10+s3], $0x80, $0x38;
	[tilespmem:$0x1BE00] =	vst v63  }
0x29: {  	_ =	swait.ge [sflag:s23], $0x80  }
0x2a: {  	[sflag:s23] =	ssyncset.done $0x0  }
0x2b: {  	[sflag:s23] =	ssyncadd.s32 $0xFFFFFF80  }
0x2c: {  	[tilespmem:s26], [sflag:$0x1] =	stream.indirect.gather [hbm4b:s4+s25], $0x80, s3, s25, $0xb8;
	[tilespmem:$0x1BE00] =	vst v63  }
0x2d: {  	s11 =	rddreg [dreg:$0x5]  }
0x2e: {  	[tilespmem:s25], [sflag:$0x3] =	stream.linear.gather [hbm4b:s11+s3], $0x80, $0x38;
	[tilespmem:$0x1BE00] =	vst v63  }
0x2f: {  	_ = 	snop  }
0x30: {  	[tilespmem:s28], [sflag:$0x3] =	stream.linear.gather [hbm4b:s12+s3], $0x80, $0x38;
	[tilespmem:$0x1BE00] =	vst v63  }
0x31: {  	_ =	swait.ge [sflag:s29], $0x80  }
0x32: {  	[sflag:s29] =	ssyncset.done $0x0  }
0x33: {  	[sflag:s29] =	ssyncadd.s32 $0xFFFFFF80  }
0x34: {  	_ =	swait.ge [sflag:s29], $0x80  }
0x35: {  	[sflag:s29] =	ssyncset.done $0x0  }
0x36: {  	[sflag:s29] =	ssyncadd.s32 $0xFFFFFF80  }
0x37: {  	[tilespmem:s30], [sflag:$0x2] =	stream.indirect.gather [hbm4b:s4+s25], $0x80, s25, s25, $0xb8;
	[tilespmem:$0x1BE00] =	vst v63  }
0x38: {  	_ =	swait.ge [sflag:s31], $0x4000  }
0x39: {  	[sflag:s31] =	ssyncset.done $0x0  }
0x3a: {  	[sflag:s31] =	ssyncadd.s32 $0xFFFFC000  }
0x3b: {  	[spmem:s2] =	stream.indirect.scatter.add.f32 [tilespmem:s26], [sflag:$0x4], $0x80, s24, s25, $0xb8;
	[tilespmem:$0x1BE00] =	vst v63  }
0x3c: {  	_ =	swait.ge [sflag:s23], $0x4000  }
0x3d: {  	s13 =	sshrl.u32 s19, $0x3;
	[sflag:s23] =	ssyncset.done $0x0  }
0x3e: {  	s9 =	sadd.s32 s5, s13;
	s11 =	sadd.s32 $0x0, s18;
	[sflag:s23] =	ssyncadd.s32 $0xFFFFC000  }
0x3f: {  	[tilespmem:s3], [sflag:$0x3] =	stream.linear.gather [hbm4b:s9+s3], $0x80, $0x38;
	[tilespmem:$0x1BE00] =	vst v63  }
0x40: {  	s14 =	sadd.s32 $0x20, s11  }
0x41: {  	[tilespmem:s24], [sflag:$0x3] =	stream.linear.gather [hbm4b:s14+s3], $0x80, $0x38;
	[tilespmem:$0x1BE00] =	vst v63  }
0x42: {  	_ =	swait.ge [sflag:s29], $0x80  }
0x43: {  	[sflag:s29] =	ssyncset.done $0x0  }
0x44: {  	[sflag:s29] =	ssyncadd.s32 $0xFFFFFF80  }
0x45: {  	_ =	swait.ge [sflag:s29], $0x80  }
0x46: {  	[sflag:s29] =	ssyncset.done $0x0  }
0x47: {  	[sflag:s29] =	ssyncadd.s32 $0xFFFFFF80  }
0x48: {  	[tilespmem:s26], [sflag:$0x1] =	stream.indirect.gather [hbm4b:s4+s25], $0x80, s3, s25, $0xb8;
	[tilespmem:$0x1BE00] =	vst v63  }
0x49: {  	_ =	swait.ge [sflag:s0], $0x4000  }
0x4a: {  	[sflag:s0] =	ssyncset.done $0x0  }
0x4b: {  	[sflag:s0] =	ssyncadd.s32 $0xFFFFC000  }
0x4c: {  	[spmem:s2] =	stream.indirect.scatter.add.f32 [tilespmem:s30], [sflag:$0x4], $0x80, s28, s25, $0xb8;
	[tilespmem:$0x1BE00] =	vst v63  }
0x4d: {  	_ =	swait.ge [sflag:s23], $0x4000  }
0x4e: {  	s15 =	sadd.s32 $0x0, s20;
	s13 =	sadd.s32 $0x30, s11;
	[sflag:s23] =	ssyncset.done $0x0  }
0x4f: {  	s11 =	sadd.s32 $0x100, s19;
	s9 =	simm.s32 $0x20;
	[sflag:s23] =	ssyncadd.s32 $0xFFFFC000  }
0x50: {  	[tilespmem:s25], [sflag:$0x3] =	stream.linear.gather [hbm4b:s15+s3], $0x80, $0x38;
	[tilespmem:$0x1BE00] =	vst v63  }
.LBB2_2:
0x51: {  	[tilespmem:s28], [sflag:$0x3] =	stream.linear.gather [hbm4b:s13+s3], $0x80, $0x38;
	[tilespmem:$0x1BE00] =	vst v63  }
0x52: {  	s13 =	smov.u32 s9  }
0x53: {  	p0 =	sne.s32 s9, $0x480;
	s9 =	sadd.s32 $0x20, s9;
	_ =	swait.ge [sflag:s29], $0x80  }
0x54: {  	[sflag:s29] =	ssyncset.done $0x0  }
0x55: {  	[sflag:s29] =	ssyncadd.s32 $0xFFFFFF80  }
0x56: {  	_ =	swait.ge [sflag:s29], $0x80  }
0x57: {  	[sflag:s29] =	ssyncset.done $0x0  }
0x58: {  	[sflag:s29] =	ssyncadd.s32 $0xFFFFFF80  }
0x59: {  	[tilespmem:s30], [sflag:$0x2] =	stream.indirect.gather [hbm4b:s4+s25], $0x80, s25, s25, $0xb8;
	[tilespmem:$0x1BE00] =	vst v63  }
0x5a: {  	_ =	swait.ge [sflag:s31], $0x4000  }
0x5b: {  	[sflag:s31] =	ssyncset.done $0x0  }
0x5c: {  	[sflag:s31] =	ssyncadd.s32 $0xFFFFC000  }
0x5d: {  	[spmem:s2] =	stream.indirect.scatter.add.f32 [tilespmem:s26], [sflag:$0x4], $0x80, s24, s25, $0xb8;
	[tilespmem:$0x1BE00] =	vst v63  }
0x5e: {  	_ =	swait.ge [sflag:s23], $0x4000  }
0x5f: {  	s14 =	sshrl.u32 s11, $0x3;
	[sflag:s23] =	ssyncset.done $0x0  }
0x60: {  	s14 =	sadd.s32 s5, s14;
	s15 =	sadd.s32 s13, s18;
	[sflag:s23] =	ssyncadd.s32 $0xFFFFC000  }
0x61: {  	[tilespmem:s3], [sflag:$0x3] =	stream.linear.gather [hbm4b:s14+s3], $0x80, $0x38;
	[tilespmem:$0x1BE00] =	vst v63  }
0x62: {  	s14 =	sadd.s32 $0x20, s15  }
0x63: {  	[tilespmem:s24], [sflag:$0x3] =	stream.linear.gather [hbm4b:s14+s3], $0x80, $0x38;
	[tilespmem:$0x1BE00] =	vst v63  }
0x64: {  	_ =	swait.ge [sflag:s29], $0x80  }
0x65: {  	[sflag:s29] =	ssyncset.done $0x0  }
0x66: {  	[sflag:s29] =	ssyncadd.s32 $0xFFFFFF80  }
0x67: {  	_ =	swait.ge [sflag:s29], $0x80  }
0x68: {  	[sflag:s29] =	ssyncset.done $0x0  }
0x69: {  	[sflag:s29] =	ssyncadd.s32 $0xFFFFFF80  }
0x6a: {  	[tilespmem:s26], [sflag:$0x1] =	stream.indirect.gather [hbm4b:s4+s25], $0x80, s3, s25, $0xb8;
	[tilespmem:$0x1BE00] =	vst v63  }
0x6b: {  	_ =	swait.ge [sflag:s0], $0x4000  }
0x6c: {  	[sflag:s0] =	ssyncset.done $0x0  }
0x6d: {  	[sflag:s0] =	ssyncadd.s32 $0xFFFFC000  }
0x6e: {  	[spmem:s2] =	stream.indirect.scatter.add.f32 [tilespmem:s30], [sflag:$0x4], $0x80, s28, s25, $0xb8;
	[tilespmem:$0x1BE00] =	vst v63  }
.Ltmp0:
0x6f: {  	_ =	swait.ge [sflag:s23], $0x4000;
	(pc) =	sbr.rel @p0 .LBB2_2-.Ltmp0, $4  }
0x70: {  	[sflag:s23] =	ssyncset.done $0x0  }
0x71: {  	s13 =	sadd.s32 s13, s20;
	[sflag:s23] =	ssyncadd.s32 $0xFFFFC000  }
0x72: {  	[tilespmem:s25], [sflag:$0x3] =	stream.linear.gather [hbm4b:s13+s3], $0x80, $0x38;
	[tilespmem:$0x1BE00] =	vst v63  }
0x73: {  	s11 =	sadd.s32 $0x100, s11;
	s13 =	sadd.s32 $0x30, s15  }
0x74: {  	[tilespmem:s28], [sflag:$0x3] =	stream.linear.gather [hbm4b:s13+s3], $0x80, $0x38;
	[tilespmem:$0x1BE00] =	vst v63  }
0x75: {  	_ =	swait.ge [sflag:s29], $0x80  }
0x76: {  	[sflag:s29] =	ssyncset.done $0x0  }
0x77: {  	[sflag:s29] =	ssyncadd.s32 $0xFFFFFF80  }
0x78: {  	_ =	swait.ge [sflag:s29], $0x80  }
0x79: {  	[sflag:s29] =	ssyncset.done $0x0  }
0x7a: {  	[sflag:s29] =	ssyncadd.s32 $0xFFFFFF80  }
0x7b: {  	_ =	swait.ge [sflag:s31], $0x4000  }
0x7c: {  	[sflag:s31] =	ssyncset.done $0x0  }
0x7d: {  	[sflag:s31] =	ssyncadd.s32 $0xFFFFC000  }
0x7e: {  	[bflag:$0x0] =	sbarrier.arrive $0xFFFF  }
0x7f: {  	s9 =	rddreg [dreg:$0x6]  }
0x80: {  	[hbm:s9], [sflag:s8] =	dma.local [spmem:s6], $0x2780  }
0x81: {  	_ =	swait.ge [sflag:s23], $0x2780  }
0x82: {  	[sflag:s23] =	ssyncset.done $0x0  }
0x83: {  	[sflag:s23] =	ssyncadd.s32 $0xFFFFD880  }
0x84: {  	[spmem:s6], [sflag:s8] =	dma.local [hbm:s7], $0x2780  }
0x85: {  	_ =	swait.ge [sflag:s23], $0x2780  }
0x86: {  	[sflag:s23] =	ssyncset.done $0x0  }
0x87: {  	[sflag:s23] =	ssyncadd.s32 $0xFFFFD880  }
0x88: {  	[bflag:$0x0] =	sbarrier.arrive $0xFFFF  }
0x89: {  	s14 =	simm.s32 $0x0;
	s11 =	rddreg [dreg:$0x7]  }
0x8a: {  	[tilespmem:s14], [sflag:$0x4] =	stream.linear.gather [hbm4b:s11+s14], $0x80, $0x38;
	[tilespmem:$0x1BE00] =	vst v63  }
0x8b: {  	_ =	swait.ge [sflag:s23], $0x80  }
0x8c: {  	[sflag:s23] =	ssyncset.done $0x0  }
0x8d: {  	[sflag:s23] =	ssyncadd.s32 $0xFFFFFF80  }
0x8e: {  	[tilespmem:s24], [sflag:$0x4] =	stream.linear.gather [hbm4b:s10+s14], $0x80, $0x38;
	[tilespmem:$0x1BE00] =	vst v63  }
0x8f: {  	_ =	swait.ge [sflag:s23], $0x80  }
0x90: {  	[sflag:s23] =	ssyncset.done $0x0  }
0x91: {  	[sflag:s23] =	ssyncadd.s32 $0xFFFFFF80  }
0x92: {  	[tilespmem:s26], [sflag:$0x1] =	stream.indirect.gather [hbm4b:s4+s25], $0x80, s14, s25, $0xb8;
	[tilespmem:$0x1BE00] =	vst v63  }
0x93: {  	s15 =	rddreg [dreg:$0x8]  }
0x94: {  	[tilespmem:s25], [sflag:$0x3] =	stream.linear.gather [hbm4b:s15+s14], $0x80, $0x38;
	[tilespmem:$0x1BE00] =	vst v63  }
0x95: {  	_ = 	snop  }
0x96: {  	[tilespmem:s28], [sflag:$0x3] =	stream.linear.gather [hbm4b:s12+s14], $0x80, $0x38;
	[tilespmem:$0x1BE00] =	vst v63  }
0x97: {  	_ =	swait.ge [sflag:s29], $0x80  }
0x98: {  	[sflag:s29] =	ssyncset.done $0x0  }
0x99: {  	[sflag:s29] =	ssyncadd.s32 $0xFFFFFF80  }
0x9a: {  	_ =	swait.ge [sflag:s29], $0x80  }
0x9b: {  	[sflag:s29] =	ssyncset.done $0x0  }
0x9c: {  	[sflag:s29] =	ssyncadd.s32 $0xFFFFFF80  }
0x9d: {  	[tilespmem:s30], [sflag:$0x2] =	stream.indirect.gather [hbm4b:s4+s25], $0x80, s25, s25, $0xb8;
	[tilespmem:$0x1BE00] =	vst v63  }
0x9e: {  	_ =	swait.ge [sflag:s31], $0x4000  }
0x9f: {  	[sflag:s31] =	ssyncset.done $0x0  }
0xa0: {  	[sflag:s31] =	ssyncadd.s32 $0xFFFFC000  }
0xa1: {  	[spmem:s2] =	stream.indirect.scatter.add.f32 [tilespmem:s26], [sflag:$0x4], $0x80, s24, s25, $0xb8;
	[tilespmem:$0x1BE00] =	vst v63  }
0xa2: {  	_ =	swait.ge [sflag:s23], $0x4000  }
0xa3: {  	[sflag:s23] =	ssyncset.done $0x0  }
0xa4: {  	s13 =	sadd.s32 $0x0, s18;
	s11 =	sadd.s32 $0x0, s21;
	[sflag:s23] =	ssyncadd.s32 $0xFFFFC000  }
0xa5: {  	[tilespmem:s3], [sflag:$0x3] =	stream.linear.gather [hbm4b:s11+s3], $0x80, $0x38;
	[tilespmem:$0x1BE00] =	vst v63  }
0xa6: {  	s14 =	sadd.s32 $0x20, s13  }
0xa7: {  	[tilespmem:s24], [sflag:$0x3] =	stream.linear.gather [hbm4b:s14+s3], $0x80, $0x38;
	[tilespmem:$0x1BE00] =	vst v63  }
0xa8: {  	_ =	swait.ge [sflag:s29], $0x80  }
0xa9: {  	[sflag:s29] =	ssyncset.done $0x0  }
0xaa: {  	[sflag:s29] =	ssyncadd.s32 $0xFFFFFF80  }
0xab: {  	_ =	swait.ge [sflag:s29], $0x80  }
0xac: {  	[sflag:s29] =	ssyncset.done $0x0  }
0xad: {  	[sflag:s29] =	ssyncadd.s32 $0xFFFFFF80  }
0xae: {  	[tilespmem:s26], [sflag:$0x1] =	stream.indirect.gather [hbm4b:s4+s25], $0x80, s3, s25, $0xb8;
	[tilespmem:$0x1BE00] =	vst v63  }
0xaf: {  	_ =	swait.ge [sflag:s0], $0x4000  }
0xb0: {  	[sflag:s0] =	ssyncset.done $0x0  }
0xb1: {  	[sflag:s0] =	ssyncadd.s32 $0xFFFFC000  }
0xb2: {  	[spmem:s2] =	stream.indirect.scatter.add.f32 [tilespmem:s30], [sflag:$0x4], $0x80, s28, s25, $0xb8;
	[tilespmem:$0x1BE00] =	vst v63  }
0xb3: {  	_ =	swait.ge [sflag:s23], $0x4000  }
0xb4: {  	s9 =	simm.s32 $0x20;
	[sflag:s23] =	ssyncset.done $0x0  }
0xb5: {  	s15 =	sadd.s32 $0x0, s22;
	s11 =	sadd.s32 $0x30, s13;
	[sflag:s23] =	ssyncadd.s32 $0xFFFFC000  }
0xb6: {  	[tilespmem:s25], [sflag:$0x3] =	stream.linear.gather [hbm4b:s15+s3], $0x80, $0x38;
	[tilespmem:$0x1BE00] =	vst v63  }
.LBB2_4:
0xb7: {  	[tilespmem:s28], [sflag:$0x3] =	stream.linear.gather [hbm4b:s11+s3], $0x80, $0x38;
	[tilespmem:$0x1BE00] =	vst v63  }
0xb8: {  	s11 =	smov.u32 s9  }
0xb9: {  	p0 =	sne.s32 s9, $0x480;
	s9 =	sadd.s32 $0x20, s9;
	_ =	swait.ge [sflag:s29], $0x80  }
0xba: {  	[sflag:s29] =	ssyncset.done $0x0  }
0xbb: {  	[sflag:s29] =	ssyncadd.s32 $0xFFFFFF80  }
0xbc: {  	_ =	swait.ge [sflag:s29], $0x80  }
0xbd: {  	[sflag:s29] =	ssyncset.done $0x0  }
0xbe: {  	[sflag:s29] =	ssyncadd.s32 $0xFFFFFF80  }
0xbf: {  	[tilespmem:s30], [sflag:$0x2] =	stream.indirect.gather [hbm4b:s4+s25], $0x80, s25, s25, $0xb8;
	[tilespmem:$0x1BE00] =	vst v63  }
0xc0: {  	_ =	swait.ge [sflag:s31], $0x4000  }
0xc1: {  	[sflag:s31] =	ssyncset.done $0x0  }
0xc2: {  	[sflag:s31] =	ssyncadd.s32 $0xFFFFC000  }
0xc3: {  	[spmem:s2] =	stream.indirect.scatter.add.f32 [tilespmem:s26], [sflag:$0x4], $0x80, s24, s25, $0xb8;
	[tilespmem:$0x1BE00] =	vst v63  }
0xc4: {  	_ =	swait.ge [sflag:s23], $0x4000  }
0xc5: {  	[sflag:s23] =	ssyncset.done $0x0  }
0xc6: {  	s13 =	sadd.s32 s11, s21;
	s14 =	sadd.s32 s11, s18;
	[sflag:s23] =	ssyncadd.s32 $0xFFFFC000  }
0xc7: {  	[tilespmem:s3], [sflag:$0x3] =	stream.linear.gather [hbm4b:s13+s3], $0x80, $0x38;
	[tilespmem:$0x1BE00] =	vst v63  }
0xc8: {  	s13 =	sadd.s32 $0x20, s14  }
0xc9: {  	[tilespmem:s24], [sflag:$0x3] =	stream.linear.gather [hbm4b:s13+s3], $0x80, $0x38;
	[tilespmem:$0x1BE00] =	vst v63  }
0xca: {  	_ =	swait.ge [sflag:s29], $0x80  }
0xcb: {  	[sflag:s29] =	ssyncset.done $0x0  }
0xcc: {  	[sflag:s29] =	ssyncadd.s32 $0xFFFFFF80  }
0xcd: {  	_ =	swait.ge [sflag:s29], $0x80  }
0xce: {  	[sflag:s29] =	ssyncset.done $0x0  }
0xcf: {  	[sflag:s29] =	ssyncadd.s32 $0xFFFFFF80  }
0xd0: {  	[tilespmem:s26], [sflag:$0x1] =	stream.indirect.gather [hbm4b:s4+s25], $0x80, s3, s25, $0xb8;
	[tilespmem:$0x1BE00] =	vst v63  }
0xd1: {  	_ =	swait.ge [sflag:s0], $0x4000  }
0xd2: {  	[sflag:s0] =	ssyncset.done $0x0  }
0xd3: {  	[sflag:s0] =	ssyncadd.s32 $0xFFFFC000  }
0xd4: {  	[spmem:s2] =	stream.indirect.scatter.add.f32 [tilespmem:s30], [sflag:$0x4], $0x80, s28, s25, $0xb8;
	[tilespmem:$0x1BE00] =	vst v63  }
.Ltmp1:
0xd5: {  	_ =	swait.ge [sflag:s23], $0x4000;
	(pc) =	sbr.rel @p0 .LBB2_4-.Ltmp1, $4  }
0xd6: {  	[sflag:s23] =	ssyncset.done $0x0  }
0xd7: {  	s11 =	sadd.s32 s11, s22;
	[sflag:s23] =	ssyncadd.s32 $0xFFFFC000  }
0xd8: {  	[tilespmem:s25], [sflag:$0x3] =	stream.linear.gather [hbm4b:s11+s3], $0x80, $0x38;
	[tilespmem:$0x1BE00] =	vst v63  }
0xd9: {  	s11 =	sadd.s32 $0x30, s14  }
0xda: {  	[tilespmem:s28], [sflag:$0x3] =	stream.linear.gather [hbm4b:s11+s3], $0x80, $0x38;
	[tilespmem:$0x1BE00] =	vst v63  }
0xdb: {  	_ =	swait.ge [sflag:s29], $0x80  }
0xdc: {  	[sflag:s29] =	ssyncset.done $0x0  }
0xdd: {  	[sflag:s29] =	ssyncadd.s32 $0xFFFFFF80  }
0xde: {  	_ =	swait.ge [sflag:s29], $0x80  }
0xdf: {  	[sflag:s29] =	ssyncset.done $0x0  }
0xe0: {  	[sflag:s29] =	ssyncadd.s32 $0xFFFFFF80  }
0xe1: {  	_ =	swait.ge [sflag:s31], $0x4000  }
0xe2: {  	s1 =	sadd.s32 $0x1, s1;
	[sflag:s31] =	ssyncset.done $0x0  }
0xe3: {  	p0 =	sne.s32 s1, s17;
	[sflag:s31] =	ssyncadd.s32 $0xFFFFC000  }
.Ltmp2:
0xe4: {  	[bflag:$0x0] =	sbarrier.arrive $0xFFFF;
	(pc) =	sbr.rel @p0 .LBB2_1-.Ltmp2, $4  }
0xe5: {  	[hbm:s16], [sflag:s8] =	dma.local [spmem:s6], $0x2780  }
0xe6: {  	_ =	swait.ge [sflag:s23], $0x2780  }
0xe7: {  	[sflag:s23] =	ssyncset.done $0x0  }
0xe8: {  	[sflag:s23] =	ssyncadd.s32 $0xFFFFD880  }
0xe9: {  	_ =	sfence.sel $0x180000  }
0xea: {  	[bflag:$0x0] =	sbarrier.arrive $0xFFFF  }
0xeb: {  	_ =	strace $0x90000050  }
0xec: {  	s0 =	stileid.u32;
	[bflag:$0x2] =	sbarrier.arrive $0xFFFF  }
0xed: {  	p0 =	sne.s32 s0, $0x0;
	s0 =	rddreg [dreg:$0x2]  }
0xee: {  	s0 =	sadd.s32 @!p0 $0x100000, s0  }
0xef: {  	[sflag:s0] =	ssyncadd.tile.s32 @!p0 $0x1;
	_ =	shalt  }
.Lfunc_end2:
_tile_overlayer_lowered:
.L_overlay_start_2:
0xf0: {  	(tag) =	ssettag $0x2  }
0xf1: {  	s0 =	rddreg [dreg:$0x0];
	s2 =	stileid.u32  }
0xf2: {  	s1 =	rddreg [dreg:$0x1];
	p0 =	sne.s32 s2, $0x0  }
0xf3: {  	s3 =	rddreg [dreg:$0x2];
	[bflag:$0x3] =	sbarrier.arrive $0xFFFF;
	s2 =	simm.s32 @!p0 $0x1C04  }
0xf4: {  	[timem:s3], [sflag:s2] =	dma.local @!p0 [hbm:s0], s1  }
0xf5: {  	s0 =	simm.s32 @!p0 $0x4  }
0xf6: {  	_ =	swait.ge @!p0 [sflag:s0], s1  }
0xf7: {  	s1 =	ssub.s32 @!p0 $0x0, s1;
	[sflag:s0] =	ssyncset.done @!p0 $0x0  }
0xf8: {  	[sflag:s0] =	ssyncadd.s32 @!p0 s1  }
0xf9: {  	[bflag:$0x3] =	sbarrier.arrive $0xFFFF  }
0xfa: {  	_ =	shalt  }

// kernel: kernel.9.cloned.1.call-start
scs
__scs_entry_jumppad:
0x0: {  	(pc) =	sbr.rel $0x88, $3  }
0x1: {  	(tag) =	ssettag $0x0;
	lr =	simm.s32 $0x1  }
0x2: {  	[smem:$0x3F8B] =	sst lr;
	_ =	strace $0xD0000000  }
0x3: {  	_ = 	snop  }
0x4: {  	_ = 	snop  }
0x5: {  	_ = 	snop  }
0x6: {  	_ = 	snop  }
0x7: {  	_ = 	snop  }
__scs_overlays_trampoline_lowered:
0x8: {  	[smem:$0x3F9A] =	sst s0  }
0x9: {  	[smem:$0x3F9B] =	sst s1  }
0xa: {  	[smem:$0x3F9C] =	sst s2  }
0xb: {  	[smem:$0x3F9D] =	sst s3  }
0xc: {  	[smem:$0x3F9E] =	sst s4  }
0xd: {  	[smem:$0x3F9F] =	sst s5  }
0xe: {  	[smem:$0x3FA0] =	sst s6  }
0xf: {  	[smem:$0x3FA1] =	sst s7  }
0x10: {  	[smem:$0x3FA2] =	sst s8  }
0x11: {  	[smem:$0x3FA3] =	sst s9;
	s0 =	simm.s32 @!p0 $0x0  }
0x12: {  	s1 =	sld [smem:$0x3F89];
	s0 =	simm.s32 @p0 $0x1  }
0x13: {  	[smem:$0x3FA4] =	sst s0;
	s0 =	simm.s32 @!p1 $0x0  }
0x14: {  	s2 =	sld [smem:$0x3F88];
	s0 =	simm.s32 @p1 $0x1  }
0x15: {  	[smem:$0x3FA5] =	sst s0;
	s0 =	simm.s32 @!p2 $0x0  }
0x16: {  	s3 =	sld [smem:$0x3FDB];
	s0 =	simm.s32 @p2 $0x1  }
0x17: {  	s4 =	simm.s32 $0x1BF5;
	[smem:$0x3FA7] =	sst s0  }
0x18: {  	s0 =	sld [smem:$0x3F8A];
	_ =	swait.ge [sflag:s4], $0x0  }
0x19: {  	s7 =	sld [smem:$0x3F8B]  }
0x1a: {  	s8 =	sadd.s32 $0xFFFFE003, lr  }
0x1b: {  	s9 =	sadd.s32 $0xFFFFFEF7, lr;
	s5 =	simm.s32 $0xFFFFFFFF;
	p2 =	slt.u32 s8, $0xFFFFF086  }
0x1c: {  	p1 =	slt.u32 s9, $0xF7A;
	s5 =	simm.s32 @!p2 $0x0  }
0x1d: {  	s5 =	simm.s32 @p1 $0x1;
	p0 =	seq.s32 s7, s2  }
0x1e: {  	s7 =	smul.u32 @!p0 $0xF7A, s2;
	p2 =	seq.s32 @!p0 s5, $0x0  }
0x1f: {  	s9 =	smul.u32 $0xF7A, s1;
	s8 =	simm.s32 @!p0 $0x1BF5;
	p2 =	por !p2, p0  }
0x20: {  	[sflag:s8] =	ssyncset.s32 @!p0 $0xFFFFF086;
	s6 =	sadd.s32 @!p0 s3, s7;
	s7 =	simm.s32 @!p0 $0x108  }
0x21: {  	s3 =	sadd.s32 s3, s9;
	s6 =	sadd.s32 @!p0 $0x88, s6;
	s7 =	simm.s32 @p2 $0x1082  }
0x22: {  	[simem:s7], [sflag:s8] =	dma.local @!p0 [hbm:s6], $0xF7A  }
0x23: {  	s9 =	sor.u32 $0xD0000000, s2;
	s6 =	simm.s32 $0x108;
	_ =	swait.ge @!p0 [sflag:s8], $0x0  }
0x24: {  	s3 =	sadd.s32 $0x88, s3;
	s6 =	simm.s32 @!p1 $0x1082;
	[sflag:s4] =	ssyncset.s32 $0xFFFFF086  }
0x25: {  	[simem:s6], [sflag:s4] =	dma.local [hbm:s3], $0xF7A  }
0x26: {  	[smem:$0x3F8B] =	sst s1;
	(tag) =	ssettag s2;
	_ =	strace s9  }
0x27: {  	s1 =	sld [smem:$0x3F9B]  }
0x28: {  	s2 =	sld [smem:$0x3F9C]  }
0x29: {  	s4 =	sld [smem:$0x3F9E]  }
0x2a: {  	p0 =	seq.s32 s5, $0x0;
	s5 =	sld [smem:$0x3F9F]  }
0x2b: {  	s6 =	sld [smem:$0x3FA0]  }
0x2c: {  	s7 =	sld [smem:$0x3FA1]  }
0x2d: {  	s3 =	simm.s32 $0x108;
	s8 =	sld [smem:$0x3FA2]  }
0x2e: {  	s3 =	simm.s32 @!p0 $0x1082;
	s9 =	sld [smem:$0x3FA3]  }
0x2f: {  	lr =	sadd.s32 s0, s3;
	s0 =	sld [smem:$0x3F9A]  }
0x30: {  	s3 =	sld [smem:$0x3F9D]  }
0x31: {  	[smem:$0x3FA6] =	sst s10  }
0x32: {  	s10 =	sld [smem:$0x3FA4];
	_ =	sdelay $0x3  }
0x33: {  	p0 =	seq.s32 s10, $0x1;
	s10 =	sld [smem:$0x3FA6];
	_ =	sdelay $0x3  }
0x34: {  	[smem:$0x3FA6] =	sst s10  }
0x35: {  	s10 =	sld [smem:$0x3FA5];
	_ =	sdelay $0x3  }
0x36: {  	p1 =	seq.s32 s10, $0x1;
	s10 =	sld [smem:$0x3FA6];
	_ =	sdelay $0x3  }
0x37: {  	[smem:$0x3FA6] =	sst s10  }
0x38: {  	s10 =	sld [smem:$0x3FA7]  }
0x39: {  	_ = 	snop;
	(pc) =	sbr.ind lr, $3  }
0x3a: {  	_ = 	snop  }
0x3b: {  	_ = 	snop  }
0x3c: {  	p2 =	seq.s32 s10, $0x1;
	s10 =	sld [smem:$0x3FA6]  }
0x3d: {  	_ =	shalt  }
0x3e: {  	_ =	shalt  }
0x3f: {  	_ =	shalt  }
0x40: {  	_ =	shalt  }
0x41: {  	_ =	shalt  }
0x42: {  	_ =	shalt  }
0x43: {  	_ =	shalt  }
0x44: {  	_ =	shalt  }
0x45: {  	_ =	shalt  }
0x46: {  	_ =	shalt  }
0x47: {  	_ =	shalt  }
0x48: {  	_ =	shalt  }
0x49: {  	_ =	shalt  }
0x4a: {  	_ =	shalt  }
0x4b: {  	_ =	shalt  }
0x4c: {  	_ =	shalt  }
0x4d: {  	_ =	shalt  }
0x4e: {  	_ =	shalt  }
0x4f: {  	_ =	shalt  }
0x50: {  	_ =	shalt  }
0x51: {  	_ =	shalt  }
0x52: {  	_ =	shalt  }
0x53: {  	_ =	shalt  }
0x54: {  	_ =	shalt  }
0x55: {  	_ =	shalt  }
0x56: {  	_ =	shalt  }
0x57: {  	_ =	shalt  }
0x58: {  	_ =	shalt  }
0x59: {  	_ =	shalt  }
0x5a: {  	_ =	shalt  }
0x5b: {  	_ =	shalt  }
0x5c: {  	_ =	shalt  }
0x5d: {  	_ =	shalt  }
0x5e: {  	_ =	shalt  }
0x5f: {  	_ =	shalt  }
0x60: {  	_ =	shalt  }
0x61: {  	_ =	shalt  }
0x62: {  	_ =	shalt  }
0x63: {  	_ =	shalt  }
0x64: {  	_ =	shalt  }
0x65: {  	_ =	shalt  }
0x66: {  	_ =	shalt  }
0x67: {  	_ =	shalt  }
0x68: {  	_ =	shalt  }
0x69: {  	_ =	shalt  }
0x6a: {  	_ =	shalt  }
0x6b: {  	_ =	shalt  }
0x6c: {  	_ =	shalt  }
0x6d: {  	_ =	shalt  }
0x6e: {  	_ =	shalt  }
0x6f: {  	_ =	shalt  }
0x70: {  	_ =	shalt  }
0x71: {  	_ =	shalt  }
0x72: {  	_ =	shalt  }
0x73: {  	_ =	shalt  }
0x74: {  	_ =	shalt  }
0x75: {  	_ =	shalt  }
0x76: {  	_ =	shalt  }
0x77: {  	_ =	shalt  }
0x78: {  	_ =	shalt  }
0x79: {  	_ =	shalt  }
0x7a: {  	_ =	shalt  }
0x7b: {  	_ =	shalt  }
0x7c: {  	_ =	shalt  }
0x7d: {  	_ =	shalt  }
0x7e: {  	_ =	shalt  }
0x7f: {  	_ =	shalt  }
0x80: {  	_ =	shalt  }
0x81: {  	_ =	shalt  }
0x82: {  	_ =	shalt  }
0x83: {  	_ =	shalt  }
0x84: {  	_ =	shalt  }
0x85: {  	_ =	shalt  }
0x86: {  	_ =	shalt  }
0x87: {  	_ =	shalt  }
.Lfunc_end0:
.L_simem_size_0:
called_computation_lowered:
.L_overlay_start_0:
0x88: {  	s2 =	sld [smem:$0x3FD9]  }
0x89: {  	s3 =	sld [smem:$0x3FFE];
	_ =	sdelay $0x1  }
0x8a: {  	s1 =	srdreg.scid  }
0x8b: {  	s0 =	sand.u32 $0x1, s1  }
0x8c: {  	s17 =	sshll.u32 s0, $0xA;
	s2 =	sadd.s32 s3, s2  }
0x8d: {  	s2 =	sadd.s32 s2, s17  }
0x8e: {  	[smem:$0x3FB2] =	sst s2  }
0x8f: {  	_ = 	snop  }
0x90: {  	(tm) =	ssettm $0x1  }
0x91: {  	s18 =	sld [smem:$0x3FFB];
	_ =	sdelay $0x3  }
0x92: {  	_ =	strace s18  }
0x93: {  	s2 =	sld [smem:$0x3FFC];
	_ =	sdelay $0x3  }
0x94: {  	_ =	strace s2  }
0x95: {  	s2 =	sld [smem:$0x3FFD];
	_ =	sdelay $0x3  }
0x96: {  	_ =	strace s2  }
0x97: {  	_ =	strace $0x8FFFFFFF  }
0x98: {  	s19 =	sld [smem:$0x3FDB];
	_ =	sdelay $0x1  }
0x99: {  	s20 =	simm.s32 $_scs_section_size  }
0x9a: {  	s4 =	simm.s32 $_size__tile_overlayer_lowered;
	s5 =	simm.s32 $_tile_overlayer_lowered  }
0x9b: {  	s6 =	simm.s32 $0x1BFF;
	s21 =	sshll.u32 s5, $0x1;
	s3 =	sadd.s32 s20, s19  }
0x9c: {  	s22 =	simm.s32 $0x0;
	s4 =	sshll.u32 s4, $0x1;
	s5 =	sadd.s32 s21, s3  }
0x9d: {  	[timem:s22], [sflag:s6] =	dma.local [hbm:s5], s4  }
0x9e: {  	_ =	swait.ge [sflag:s6], s4  }
0x9f: {  	s4 =	ssub.s32 $0x0, s4;
	[sflag:s6] =	ssyncset.done $0x0  }
0xa0: {  	[sflag:s6] =	ssyncadd.s32 s4;
	_ =	sdelay $0x1  }
0xa1: {  	s23 =	simm.s32 $0x1B8B  }
0xa2: {  	_ =	swait.ge [sflag:s23], $0x1  }
0xa3: {  	[sflag:s23] =	ssyncset.done $0x0  }
0xa4: {  	[sflag:s23] =	ssyncadd.s32 $0xFFFFFFFF  }
0xa5: {  	s4 =	sld [smem:$0x0]  }
0xa6: {  	s5 =	sand.u32 $0xFFFFFFFE, s1  }
0xa7: {  	p0 =	sne.s32 s1, s5  }
0xa8: {  	s5 =	sshll.u32 @p0 s5, $0xE  }
0xa9: {  	s5 =	sadd.s32 @p0 $0x11B8D, s5;
	s6 =	sshll.u32 @p0 s4, $0x11  }
0xaa: {  	s5 =	sor.u32 @p0 s6, s5  }
0xab: {  	[sflag:s5] =	ssyncadd.remote.s32 @p0 $0x1;
	_ =	sdelay $0x1  }
0xac: {  	s5 =	simm.s32 @p0 $0x1B8D  }
0xad: {  	_ =	swait.eq @p0 [sflag:s5], $0x1  }
0xae: {  	[sflag:s5] =	ssyncadd.s32 @p0 $0xFFFFFFFF  }
0xaf: {  	s6 =	sshll.u32 @!p0 s1, $0xE  }
0xb0: {  	s6 =	sor.u32 @!p0 $0x4000, s6;
	s5 =	simm.s32 @!p0 $0x1B8D  }
0xb1: {  	s4 =	sshll.u32 @!p0 s4, $0x11;
	s6 =	sadd.s32 @!p0 $0x11B8D, s6;
	_ =	swait.eq @!p0 [sflag:s5], $0x1  }
0xb2: {  	s4 =	sor.u32 @!p0 s4, s6;
	[sflag:s5] =	ssyncadd.s32 @!p0 $0xFFFFFFFF  }
0xb3: {  	s25 =	simm.s32 $0x1B8E;
	s24 =	sld [smem:$0x3FFE];
	[sflag:s4] =	ssyncadd.remote.s32 @!p0 $0x1  }
0xb4: {  	s26 =	simm.s32 $execute0_lowered;
	[smem:$0x3FD2] =	sst s25  }
0xb5: {  	s5 =	sshll.u32 s26, $0x1;
	_ =	strace $0x8000004C;
	[dreg:$0x1] =	wrdreg $0xFFFFFFFF  }
0xb6: {  	s28 =	simm.s32 $_size_execute0_lowered;
	s3 =	sadd.s32 s3, s5;
	[dreg:$0x0] =	wrdreg $0x0  }
0xb7: {  	s5 =	sshll.u32 s28, $0x1;
	[dreg:$0x2] =	wrdreg s3  }
0xb8: {  	[dreg:$0x3] =	wrdreg s5  }
0xb9: {  	[dreg:$0x4] =	wrdreg $0xC0  }
0xba: {  	_ =	task [dreg:s22], $0x5FFFF  }
0xbb: {  	[dreg:$0x1] =	wrdreg $0xFFFFFFFF  }
0xbc: {  	[dreg:$0x0] =	wrdreg $0x60  }
0xbd: {  	[dreg:$0x2] =	wrdreg s24  }
0xbe: {  	[dreg:$0x3] =	wrdreg $0x82000  }
0xbf: {  	[dreg:$0x4] =	wrdreg $0x9  }
0xc0: {  	_ =	task.clear_ibuf [dreg:s22], $0x5FFFF;
	_ =	strace $0x9000004C  }
0xc1: {  	s29 =	simm.s32 $0x9;
	_ =	strace $0x8000004E  }
0xc2: {  	_ =	swait.ge [sflag:s29], $0x1  }
0xc3: {  	[sflag:s29] =	ssyncadd.s32 $0xFFFFFFFF  }
0xc4: {  	_ =	strace $0x9000004E  }
0xc5: {  	_ =	sfence  }
0xc6: {  	s30 =	sld [smem:$0x0];
	_ =	sdelay $0x2  }
0xc7: {  	s31 =	sshll.u32 s1, $0xD;
	s1 =	sshrl.u32 s1, $0x2  }
0xc8: {  	s4 =	sand.u32 $0x4000, s31;
	s1 =	sadd.s32 s1, s30  }
0xc9: {  	s0 =	sor.u32 s4, s0;
	s1 =	sshll.u32 s1, $0x11  }
0xca: {  	s0 =	sor.u32 s1, s0  }
0xcb: {  	s0 =	sadd.s32 $0x8F2B, s0  }
0xcc: {  	[sflag:s0] =	ssyncadd.remote.s32 $0x1  }
0xcd: {  	_ =	sfence.sel $0xFFFF  }
0xce: {  	[dreg:$0x0] =	wrdreg $0xFFFFFFFF;
	(pc) =	sbr.abs _section_cstart, $3  }
0xcf: {  	[dreg:$0x1] =	wrdreg $0xFFFFFFFF  }
0xd0: {  	_ =	task.clear_ibuf [dreg:s22], $0x2FFFF;
	_ =	strace $0x9FFFFFFF  }
0xd1: {  	(tm) =	ssettm $0x7FFFFFFF  }
tec
execute0_lowered:
.L_overlay_start_1:
0x0: {  	(tag) =	ssettag $0x1  }
0x1: {  	s0 =	rddreg [dreg:$0x0]  }
0x2: {  	s2 =	rddreg [dreg:$0x1];
	s3 =	simm.s32 $0x0  }
0x3: {  	s6 =	stileid.u32;
	s7 =	srdreg.scid;
	s28 =	simm.s32 $0x1  }
0x4: {  	s29 =	simm.s32 $0x2;
	s30 =	simm.s32 $0x0;
	s1 =	smul.u32 $0x2780, s6  }
0x5: {  	[smem:$0x7FF] =	sst s3;
	s4 =	sadd.s32 $0x101800, s0;
	s18 =	smul.u32 $0x4F000, s6  }
0x6: {  	s5 =	sadd.s32 $0xF3600, s0;
	s16 =	sadd.s32 $0xFCC00, s0;
	s10 =	smul.u32 $0x2500, s6  }
0x7: {  	s8 =	sadd.s32 $0xB0A00, s0;
	s25 =	sand.u32 $0x1, s7;
	s14 =	smul.u32 $0x13C00, s6  }
0x8: {  	s20 =	sshll.u32 s6, $0x6;
	s26 =	smul.u32 $0x4A0, s6;
	_ =	strace $0x8000004D  }
0x9: {  	[dreg:$0x3] =	wrdreg s8;
	s19 =	ssub.s32 $0x2, s25;
	s11 =	smul.u32 $0x25000, s25  }
0xa: {  	s12 =	smul.u32 $0x13C000, s25;
	s8 =	sor.u32 $0x1C04, s20;
	s20 =	simm.s32 $0x4  }
0xb: {  	p0 =	seq.s32 s25, $0x0;
	s25 =	simm.s32 $0x3;
	s1 =	sadd.s32 s1, s0  }
0xc: {  	s0 =	sadd.s32 $0x138A00, s0;
	s9 =	sshrl.u32 s19, $0x1;
	s7 =	sshrl.u32 s18, $0x2  }
0xd: {  	s22 =	sshrl.u32 s10, $0x3;
	s24 =	sshrl.u32 s14, $0x3;
	s15 =	ssub.s32 s19, s9  }
0xe: {  	s19 =	sadd.s32 s7, s2;
	s17 =	sadd.s32 s10, s11;
	s7 =	sadd.s32 $0x111200, s1  }
0xf: {  	s12 =	sadd.s32 s14, s12;
	s10 =	sadd.s32 s16, s22;
	s16 =	sadd.s32 s26, s16  }
0x10: {  	s22 =	simm.s32 $0x80;
	s26 =	simm.s32 $0x4200;
	s21 =	sshrl.u32 s17, $0x3  }
0x11: {  	s23 =	sshrl.u32 s12, $0x3;
	s12 =	sadd.s32 $0x10, s10;
	s18 =	sadd.s32 $0x180, s17  }
.Ltmp0:
0x12: {  	s15 =	smax.u32 s15, $0x1;
	s17 =	sadd.s32 $0x100, s17;
	(pc) =	sbr.rel .LBB2_1-.Ltmp0, $4  }
0x13: {  	s19 =	sshrl.u32 s19, $0x3;
	s9 =	sadd.s32 s5, s21;
	s13 =	sadd.s32 s0, s23  }
0x14: {  	s0 =	sadd.s32 s0, s24;
	s31 =	sshrl.u32 s18, $0x3;
	s21 =	simm.s32 $0x100  }
0x15: {  	s23 =	simm.s32 $0x200;
	s24 =	simm.s32 $0x180;
	s0 =	sadd.s32 $0x4F000, s0  }
0x16: {  	s11 =	sadd.s32 $0x10, s9;
	s18 =	sadd.s32 s31, s5;
	[dreg:$0x4] =	wrdreg s0  }
.LBB2_4:
0x17: {  	[bflag:$0x0] =	sbarrier.arrive $0xFFFF  }
0x18: {  	[bflag:$0x0] =	sbarrier.arrive $0xFFFF  }
.LBB2_8:
0x19: {  	s30 =	sadd.s32 $0x1, s30  }
0x1a: {  	p1 =	sne.s32 s30, s15  }
.Ltmp1:
0x1b: {  	_ = 	snop;
	(pc) =	sbr.rel @!p1 .LBB2_9-.Ltmp1, $1  }
0x1c: {  	_ =	sdelay $0x3  }
.LBB2_1:
0x1d: {  	[spmem:s19], [sflag:s8] =	dma.local [hbm:s7], $0x2780  }
0x1e: {  	_ =	swait.ge [sflag:s20], $0x2780  }
0x1f: {  	[sflag:s20] =	ssyncset.done $0x0  }
0x20: {  	[sflag:s20] =	ssyncadd.s32 $0xFFFFD880  }
0x21: {  	[bflag:$0x0] =	sbarrier.arrive $0xFFFF  }
0x22: {  	[tilespmem:s3], [sflag:$0x4] =	stream.linear.gather [hbm4b:s9+s3], $0x80, $0x38;
	[tilespmem:$0x1BE00] =	vst v63  }
0x23: {  	_ =	swait.ge [sflag:s20], $0x80  }
0x24: {  	[sflag:s20] =	ssyncset.done $0x0  }
0x25: {  	[sflag:s20] =	ssyncadd.s32 $0xFFFFFF80  }
0x26: {  	[tilespmem:s21], [sflag:$0x4] =	stream.linear.gather [hbm4b:s10+s3], $0x80, $0x38;
	[tilespmem:$0x1BE00] =	vst v63  }
0x27: {  	_ =	swait.ge [sflag:s20], $0x80  }
0x28: {  	[sflag:s20] =	ssyncset.done $0x0  }
0x29: {  	[sflag:s20] =	ssyncadd.s32 $0xFFFFFF80  }
0x2a: {  	[tilespmem:s23], [sflag:$0x1] =	stream.indirect.gather [hbm4b:s4+s22], $0x80, s3, s22, $0xb8;
	[tilespmem:$0x1BE00] =	vst v63  }
0x2b: {  	_ = 	snop  }
0x2c: {  	[tilespmem:s22], [sflag:$0x3] =	stream.linear.gather [hbm4b:s11+s3], $0x80, $0x38;
	[tilespmem:$0x1BE00] =	vst v63  }
0x2d: {  	_ = 	snop  }
0x2e: {  	[tilespmem:s24], [sflag:$0x3] =	stream.linear.gather [hbm4b:s12+s3], $0x80, $0x38;
	[tilespmem:$0x1BE00] =	vst v63  }
0x2f: {  	_ =	swait.ge [sflag:s25], $0x80  }
0x30: {  	[sflag:s25] =	ssyncset.done $0x0  }
0x31: {  	[sflag:s25] =	ssyncadd.s32 $0xFFFFFF80  }
0x32: {  	_ =	swait.ge [sflag:s25], $0x80  }
0x33: {  	[sflag:s25] =	ssyncset.done $0x0  }
0x34: {  	[sflag:s25] =	ssyncadd.s32 $0xFFFFFF80  }
0x35: {  	[tilespmem:s26], [sflag:$0x2] =	stream.indirect.gather [hbm4b:s4+s22], $0x80, s22, s22, $0xb8;
	[tilespmem:$0x1BE00] =	vst v63  }
0x36: {  	_ =	swait.ge [sflag:s28], $0x4000  }
0x37: {  	[sflag:s28] =	ssyncset.done $0x0  }
0x38: {  	[sflag:s28] =	ssyncadd.s32 $0xFFFFC000  }
0x39: {  	[spmem:s2] =	stream.indirect.scatter.add.f32 [tilespmem:s23], [sflag:$0x4], $0x80, s21, s22, $0xb8;
	[tilespmem:$0x1BE00] =	vst v63  }
0x3a: {  	_ =	swait.ge [sflag:s20], $0x4000  }
0x3b: {  	s0 =	sshrl.u32 s17, $0x3;
	[sflag:s20] =	ssyncset.done $0x0  }
0x3c: {  	s1 =	sadd.s32 $0x0, s16;
	s0 =	sadd.s32 s5, s0;
	[sflag:s20] =	ssyncadd.s32 $0xFFFFC000  }
0x3d: {  	[tilespmem:s3], [sflag:$0x3] =	stream.linear.gather [hbm4b:s0+s3], $0x80, $0x38;
	[tilespmem:$0x1BE00] =	vst v63  }
0x3e: {  	s6 =	sadd.s32 $0x20, s1  }
0x3f: {  	[tilespmem:s21], [sflag:$0x3] =	stream.linear.gather [hbm4b:s6+s3], $0x80, $0x38;
	[tilespmem:$0x1BE00] =	vst v63  }
0x40: {  	_ =	swait.ge [sflag:s25], $0x80  }
0x41: {  	[sflag:s25] =	ssyncset.done $0x0  }
0x42: {  	[sflag:s25] =	ssyncadd.s32 $0xFFFFFF80  }
0x43: {  	_ =	swait.ge [sflag:s25], $0x80  }
0x44: {  	[sflag:s25] =	ssyncset.done $0x0  }
0x45: {  	[sflag:s25] =	ssyncadd.s32 $0xFFFFFF80  }
0x46: {  	[tilespmem:s23], [sflag:$0x1] =	stream.indirect.gather [hbm4b:s4+s22], $0x80, s3, s22, $0xb8;
	[tilespmem:$0x1BE00] =	vst v63  }
0x47: {  	_ =	swait.ge [sflag:s29], $0x4000  }
0x48: {  	[sflag:s29] =	ssyncset.done $0x0  }
0x49: {  	[sflag:s29] =	ssyncadd.s32 $0xFFFFC000  }
0x4a: {  	[spmem:s2] =	stream.indirect.scatter.add.f32 [tilespmem:s26], [sflag:$0x4], $0x80, s24, s22, $0xb8;
	[tilespmem:$0x1BE00] =	vst v63  }
0x4b: {  	_ =	swait.ge [sflag:s20], $0x4000  }
0x4c: {  	s14 =	sadd.s32 $0x0, s18;
	s31 =	simm.s32 $0x20;
	[sflag:s20] =	ssyncset.done $0x0  }
0x4d: {  	s1 =	sadd.s32 $0x30, s1;
	s0 =	sadd.s32 $0x100, s17;
	[sflag:s20] =	ssyncadd.s32 $0xFFFFC000  }
0x4e: {  	[tilespmem:s22], [sflag:$0x3] =	stream.linear.gather [hbm4b:s14+s3], $0x80, $0x38;
	[tilespmem:$0x1BE00] =	vst v63  }
.LBB2_2:
0x4f: {  	[tilespmem:s24], [sflag:$0x3] =	stream.linear.gather [hbm4b:s1+s3], $0x80, $0x38;
	[tilespmem:$0x1BE00] =	vst v63  }
0x50: {  	s1 =	smov.u32 s31  }
0x51: {  	p1 =	sne.s32 s31, $0x480;
	s31 =	sadd.s32 $0x20, s31;
	_ =	swait.ge [sflag:s25], $0x80  }
0x52: {  	[sflag:s25] =	ssyncset.done $0x0  }
0x53: {  	[sflag:s25] =	ssyncadd.s32 $0xFFFFFF80  }
0x54: {  	_ =	swait.ge [sflag:s25], $0x80  }
0x55: {  	[sflag:s25] =	ssyncset.done $0x0  }
0x56: {  	[sflag:s25] =	ssyncadd.s32 $0xFFFFFF80  }
0x57: {  	[tilespmem:s26], [sflag:$0x2] =	stream.indirect.gather [hbm4b:s4+s22], $0x80, s22, s22, $0xb8;
	[tilespmem:$0x1BE00] =	vst v63  }
0x58: {  	_ =	swait.ge [sflag:s28], $0x4000  }
0x59: {  	[sflag:s28] =	ssyncset.done $0x0  }
0x5a: {  	[sflag:s28] =	ssyncadd.s32 $0xFFFFC000  }
0x5b: {  	[spmem:s2] =	stream.indirect.scatter.add.f32 [tilespmem:s23], [sflag:$0x4], $0x80, s21, s22, $0xb8;
	[tilespmem:$0x1BE00] =	vst v63  }
0x5c: {  	_ =	swait.ge [sflag:s20], $0x4000  }
0x5d: {  	s6 =	sshrl.u32 s0, $0x3;
	[sflag:s20] =	ssyncset.done $0x0  }
0x5e: {  	s6 =	sadd.s32 s5, s6;
	s14 =	sadd.s32 s1, s16;
	[sflag:s20] =	ssyncadd.s32 $0xFFFFC000  }
0x5f: {  	[tilespmem:s3], [sflag:$0x3] =	stream.linear.gather [hbm4b:s6+s3], $0x80, $0x38;
	[tilespmem:$0x1BE00] =	vst v63  }
0x60: {  	s6 =	sadd.s32 $0x20, s14  }
0x61: {  	[tilespmem:s21], [sflag:$0x3] =	stream.linear.gather [hbm4b:s6+s3], $0x80, $0x38;
	[tilespmem:$0x1BE00] =	vst v63  }
0x62: {  	_ =	swait.ge [sflag:s25], $0x80  }
0x63: {  	[sflag:s25] =	ssyncset.done $0x0  }
0x64: {  	[sflag:s25] =	ssyncadd.s32 $0xFFFFFF80  }
0x65: {  	_ =	swait.ge [sflag:s25], $0x80  }
0x66: {  	[sflag:s25] =	ssyncset.done $0x0  }
0x67: {  	[sflag:s25] =	ssyncadd.s32 $0xFFFFFF80  }
0x68: {  	[tilespmem:s23], [sflag:$0x1] =	stream.indirect.gather [hbm4b:s4+s22], $0x80, s3, s22, $0xb8;
	[tilespmem:$0x1BE00] =	vst v63  }
0x69: {  	_ =	swait.ge [sflag:s29], $0x4000  }
0x6a: {  	[sflag:s29] =	ssyncset.done $0x0  }
0x6b: {  	[sflag:s29] =	ssyncadd.s32 $0xFFFFC000  }
0x6c: {  	[spmem:s2] =	stream.indirect.scatter.add.f32 [tilespmem:s26], [sflag:$0x4], $0x80, s24, s22, $0xb8;
	[tilespmem:$0x1BE00] =	vst v63  }
.Ltmp2:
0x6d: {  	_ =	swait.ge [sflag:s20], $0x4000;
	(pc) =	sbr.rel @p1 .LBB2_2-.Ltmp2, $4  }
0x6e: {  	[sflag:s20] =	ssyncset.done $0x0  }
0x6f: {  	s1 =	sadd.s32 s1, s18;
	[sflag:s20] =	ssyncadd.s32 $0xFFFFC000  }
0x70: {  	[tilespmem:s22], [sflag:$0x3] =	stream.linear.gather [hbm4b:s1+s3], $0x80, $0x38;
	[tilespmem:$0x1BE00] =	vst v63  }
0x71: {  	s0 =	sadd.s32 $0x100, s0;
	s1 =	sadd.s32 $0x30, s14  }
0x72: {  	[tilespmem:s24], [sflag:$0x3] =	stream.linear.gather [hbm4b:s1+s3], $0x80, $0x38;
	[tilespmem:$0x1BE00] =	vst v63  }
0x73: {  	_ =	swait.ge [sflag:s25], $0x80  }
0x74: {  	[sflag:s25] =	ssyncset.done $0x0  }
0x75: {  	[sflag:s25] =	ssyncadd.s32 $0xFFFFFF80  }
0x76: {  	_ =	swait.ge [sflag:s25], $0x80  }
0x77: {  	[sflag:s25] =	ssyncset.done $0x0  }
0x78: {  	[sflag:s25] =	ssyncadd.s32 $0xFFFFFF80  }
0x79: {  	_ =	swait.ge [sflag:s28], $0x4000  }
0x7a: {  	[sflag:s28] =	ssyncset.done $0x0  }
0x7b: {  	[sflag:s28] =	ssyncadd.s32 $0xFFFFC000  }
.Ltmp3:
0x7c: {  	[bflag:$0x0] =	sbarrier.arrive $0xFFFF;
	(pc) =	sbr.rel @!p0 .LBB2_4-.Ltmp3, $4  }
0x7d: {  	[hbm:s13], [sflag:s8] =	dma.local [spmem:s19], $0x2780  }
0x7e: {  	_ =	swait.ge [sflag:s20], $0x2780  }
0x7f: {  	[sflag:s20] =	ssyncset.done $0x0  }
0x80: {  	[sflag:s20] =	ssyncadd.s32 $0xFFFFD880  }
0x81: {  	[spmem:s19], [sflag:s8] =	dma.local [hbm:s7], $0x2780  }
0x82: {  	_ =	swait.ge [sflag:s20], $0x2780  }
0x83: {  	[sflag:s20] =	ssyncset.done $0x0  }
0x84: {  	[sflag:s20] =	ssyncadd.s32 $0xFFFFD880  }
0x85: {  	[bflag:$0x0] =	sbarrier.arrive $0xFFFF  }
0x86: {  	s0 =	rddreg [dreg:$0x3]  }
0x87: {  	[tilespmem:s23], [sflag:$0x4] =	stream.linear.gather [hbm4b:s0+s3], $0x4000, $0x38;
	[tilespmem:$0x1BE00] =	vst v63  }
0x88: {  	_ =	swait.ge [sflag:s20], $0x4000  }
0x89: {  	[sflag:s20] =	ssyncset.done $0x0  }
0x8a: {  	[sflag:s20] =	ssyncadd.s32 $0xFFFFC000  }
0x8b: {  	[tilespmem:s21], [sflag:$0x4] =	stream.linear.gather [hbm4b:s10+s3], $0x80, $0x38;
	[tilespmem:$0x1BE00] =	vst v63  }
0x8c: {  	_ =	swait.ge [sflag:s20], $0x80  }
0x8d: {  	s31 =	sadd.s32 $0xFFFFFB60, s16;
	[sflag:s20] =	ssyncset.done $0x0  }
0x8e: {  	s1 =	sadd.s32 $0x4B0, s31;
	[sflag:s20] =	ssyncadd.s32 $0xFFFFFF80  }
0x8f: {  	[tilespmem:s24], [sflag:$0x3] =	stream.linear.gather [hbm4b:s1+s3], $0x80, $0x38;
	[tilespmem:$0x1BE00] =	vst v63  }
0x90: {  	_ = 	snop  }
0x91: {  	[spmem:s2] =	stream.indirect.scatter.add.f32 [tilespmem:s23], [sflag:$0x4], $0x80, s21, s22, $0xb8;
	[tilespmem:$0x1BE00] =	vst v63  }
0x92: {  	_ =	swait.ge [sflag:s20], $0x4000  }
0x93: {  	[sflag:s20] =	ssyncset.done $0x0  }
0x94: {  	[sflag:s20] =	ssyncadd.s32 $0xFFFFC000  }
0x95: {  	_ =	swait.ge [sflag:s25], $0x80  }
0x96: {  	[sflag:s25] =	ssyncset.done $0x0  }
0x97: {  	s0 =	sadd.s32 $0x4C0, s31;
	[sflag:s25] =	ssyncadd.s32 $0xFFFFFF80  }
0x98: {  	[tilespmem:s21], [sflag:$0x3] =	stream.linear.gather [hbm4b:s0+s3], $0x80, $0x38;
	[tilespmem:$0x1BE00] =	vst v63  }
0x99: {  	_ = 	snop  }
0x9a: {  	[spmem:s2] =	stream.indirect.scatter.add.f32 [tilespmem:s23], [sflag:$0x4], $0x80, s24, s22, $0xb8;
	[tilespmem:$0x1BE00] =	vst v63  }
0x9b: {  	_ =	swait.ge [sflag:s20], $0x4000  }
0x9c: {  	[sflag:s20] =	ssyncset.done $0x0  }
0x9d: {  	[sflag:s20] =	ssyncadd.s32 $0xFFFFC000  }
0x9e: {  	_ =	swait.ge [sflag:s25], $0x80  }
0x9f: {  	s1 =	simm.s32 $0xFFFFFBA0;
	s0 =	sadd.s32 $0xFFFFFB80, s16;
	[sflag:s25] =	ssyncset.done $0x0  }
.LBB2_6:
0xa0: {  	s6 =	sadd.s32 $0x4B0, s0  }
0xa1: {  	[sflag:s25] =	ssyncadd.s32 $0xFFFFFF80;
	s14 =	smov.u32 s1;
	s31 =	sadd.s32 $0x20, s1  }
0xa2: {  	[tilespmem:s24], [sflag:$0x3] =	stream.linear.gather [hbm4b:s6+s3], $0x80, $0x38;
	[tilespmem:$0x1BE00] =	vst v63  }
0xa3: {  	p1 =	sne.s32 s1, $0xFFFFFFE0  }
0xa4: {  	[spmem:s2] =	stream.indirect.scatter.add.f32 [tilespmem:s23], [sflag:$0x4], $0x80, s21, s22, $0xb8;
	[tilespmem:$0x1BE00] =	vst v63  }
0xa5: {  	_ =	swait.ge [sflag:s20], $0x4000  }
0xa6: {  	[sflag:s20] =	ssyncset.done $0x0  }
0xa7: {  	[sflag:s20] =	ssyncadd.s32 $0xFFFFC000  }
0xa8: {  	_ =	swait.ge [sflag:s25], $0x80  }
0xa9: {  	[sflag:s25] =	ssyncset.done $0x0  }
0xaa: {  	s0 =	sadd.s32 $0x4C0, s0;
	[sflag:s25] =	ssyncadd.s32 $0xFFFFFF80  }
0xab: {  	[tilespmem:s21], [sflag:$0x3] =	stream.linear.gather [hbm4b:s0+s3], $0x80, $0x38;
	[tilespmem:$0x1BE00] =	vst v63  }
0xac: {  	_ = 	snop  }
0xad: {  	[spmem:s2] =	stream.indirect.scatter.add.f32 [tilespmem:s23], [sflag:$0x4], $0x80, s24, s22, $0xb8;
	[tilespmem:$0x1BE00] =	vst v63  }
.Ltmp4:
0xae: {  	_ =	swait.ge [sflag:s20], $0x4000;
	(pc) =	sbr.rel @p1 .LBB2_6-.Ltmp4, $4  }
0xaf: {  	[sflag:s20] =	ssyncset.done $0x0  }
0xb0: {  	[sflag:s20] =	ssyncadd.s32 $0xFFFFC000  }
0xb1: {  	_ =	swait.ge [sflag:s25], $0x80  }
0xb2: {  	s1 =	smov.u32 s31;
	s0 =	sadd.s32 s14, s16;
	[sflag:s25] =	ssyncset.done $0x0  }
0xb3: {  	s1 =	sadd.s32 $0x4B0, s0;
	[sflag:s25] =	ssyncadd.s32 $0xFFFFFF80  }
0xb4: {  	[tilespmem:s24], [sflag:$0x3] =	stream.linear.gather [hbm4b:s1+s3], $0x80, $0x38;
	[tilespmem:$0x1BE00] =	vst v63  }
0xb5: {  	_ = 	snop  }
0xb6: {  	[spmem:s2] =	stream.indirect.scatter.add.f32 [tilespmem:s23], [sflag:$0x4], $0x80, s21, s22, $0xb8;
	[tilespmem:$0x1BE00] =	vst v63  }
0xb7: {  	_ =	swait.ge [sflag:s20], $0x4000  }
0xb8: {  	[sflag:s20] =	ssyncset.done $0x0  }
0xb9: {  	[sflag:s20] =	ssyncadd.s32 $0xFFFFC000  }
0xba: {  	_ =	swait.ge [sflag:s25], $0x80  }
0xbb: {  	[sflag:s25] =	ssyncset.done $0x0  }
0xbc: {  	s14 =	sadd.s32 $0x4C0, s0;
	[sflag:s25] =	ssyncadd.s32 $0xFFFFFF80  }
0xbd: {  	[tilespmem:s21], [sflag:$0x3] =	stream.linear.gather [hbm4b:s14+s3], $0x80, $0x38;
	[tilespmem:$0x1BE00] =	vst v63  }
0xbe: {  	_ = 	snop  }
0xbf: {  	[spmem:s2] =	stream.indirect.scatter.add.f32 [tilespmem:s23], [sflag:$0x4], $0x80, s24, s22, $0xb8;
	[tilespmem:$0x1BE00] =	vst v63  }
0xc0: {  	_ =	swait.ge [sflag:s20], $0x4000  }
0xc1: {  	[sflag:s20] =	ssyncset.done $0x0  }
0xc2: {  	[sflag:s20] =	ssyncadd.s32 $0xFFFFC000  }
0xc3: {  	_ =	swait.ge [sflag:s25], $0x80  }
0xc4: {  	[sflag:s25] =	ssyncset.done $0x0  }
0xc5: {  	[sflag:s25] =	ssyncadd.s32 $0xFFFFFF80  }
0xc6: {  	[bflag:$0x0] =	sbarrier.arrive $0xFFFF  }
.Ltmp5:
0xc7: {  	s31 =	rddreg [dreg:$0x4];
	(pc) =	sbr.rel .LBB2_8-.Ltmp5, $4  }
0xc8: {  	[hbm:s31], [sflag:s8] =	dma.local [spmem:s19], $0x2780  }
0xc9: {  	_ =	swait.ge [sflag:s20], $0x2780  }
0xca: {  	[sflag:s20] =	ssyncset.done $0x0  }
0xcb: {  	[sflag:s20] =	ssyncadd.s32 $0xFFFFD880  }
.LBB2_9:
0xcc: {  	_ =	sfence.sel $0x180000  }
0xcd: {  	[bflag:$0x0] =	sbarrier.arrive $0xFFFF  }
0xce: {  	_ =	strace $0x9000004D  }
0xcf: {  	s0 =	stileid.u32;
	[bflag:$0x2] =	sbarrier.arrive $0xFFFF  }
0xd0: {  	p0 =	sne.s32 s0, $0x0;
	s0 =	rddreg [dreg:$0x2]  }
0xd1: {  	s0 =	sadd.s32 @!p0 $0x100000, s0  }
0xd2: {  	[sflag:s0] =	ssyncadd.tile.s32 @!p0 $0x1;
	_ =	shalt  }
.Lfunc_end2:
_tile_overlayer_lowered:
.L_overlay_start_2:
0xd3: {  	(tag) =	ssettag $0x2  }
0xd4: {  	s0 =	rddreg [dreg:$0x0];
	s2 =	stileid.u32  }
0xd5: {  	s1 =	rddreg [dreg:$0x1];
	p0 =	sne.s32 s2, $0x0  }
0xd6: {  	s3 =	rddreg [dreg:$0x2];
	[bflag:$0x3] =	sbarrier.arrive $0xFFFF;
	s2 =	simm.s32 @!p0 $0x1C04  }
0xd7: {  	[timem:s3], [sflag:s2] =	dma.local @!p0 [hbm:s0], s1  }
0xd8: {  	s0 =	simm.s32 @!p0 $0x4  }
0xd9: {  	_ =	swait.ge @!p0 [sflag:s0], s1  }
0xda: {  	s1 =	ssub.s32 @!p0 $0x0, s1;
	[sflag:s0] =	ssyncset.done @!p0 $0x0  }
0xdb: {  	[sflag:s0] =	ssyncadd.s32 @!p0 s1  }
0xdc: {  	[bflag:$0x3] =	sbarrier.arrive $0xFFFF  }
0xdd: {  	_ =	shalt  }

</sc_bundles>
